<compile_context>
chip_gen: v7x
topology: tpu7x:2x2x1
jax: 0.10.2.dev20260603
libtpu: 0.0.44.dev20260713+nightly
codegen_flags: <defaults>
</compile_context>

<pallas_src>
import functools

import jax
import jax.numpy as jnp
from jax import lax
from jax.experimental import pallas as pl
from jax.experimental.pallas import tpu as pltpu
from jax.experimental.pallas import tpu_sc as plsc

N = 10000
NP = 10240
D = 128
E = 640000
C = 2
K = 128
NC, NS = 2, 16
NW = NC * NS
CB = 16
NB = 10
CHUNKS = CB * NB
EP = CHUNKS * NW * K
EPW = CHUNKS * K
RPT = NP // NS

_mesh = plsc.VectorSubcoreMesh(core_axis_name="c", subcore_axis_name="s",
                               num_cores=NC, num_subcores=NS)
_f32 = jnp.float32


def _fill2d(ref, rows, cols, val):
    def row(i, _):
        def col(j, _):
            ref[i, pl.ds(j * 16, 16)] = jnp.full((16,), val, _f32)
            return 0
        return lax.fori_loop(0, cols // 16, col, 0)
    lax.fori_loop(0, rows, row, 0)



def _deg_body(dst_hbm, out_hbm, didx_v, loc_v, red_v, part_sh, semi):
    c = lax.axis_index("c")
    s = lax.axis_index("s")
    w = s * NC + c
    cp = pltpu.async_copy(dst_hbm.at[w], didx_v, semi)

    def z(i, _):
        loc_v[pl.ds(i * 16, 16)] = jnp.zeros((16,), _f32)
        return 0
    lax.fori_loop(0, NP // 16, z, 0)
    cp.wait()
    ones = jnp.ones((16,), _f32)

    def ch(j, _):
        for g in range(K // 16):
            idx = didx_v[j, pl.ds(g * 16, 16)]
            plsc.addupdate_scatter(loc_v, [idx], ones)
        return 0
    lax.fori_loop(0, CHUNKS, ch, 0)
    pltpu.sync_copy(loc_v, part_sh.at[s])
    plsc.subcore_barrier()
    for t in range(NS):
        pltpu.sync_copy(part_sh.at[t, pl.ds(s * RPT, RPT)], red_v.at[t])

    def r(jj, _):
        sl = pl.ds(jj * 16, 16)
        acc = jnp.zeros((16,), _f32)
        for t in range(NS):
            acc = acc + red_v[t, sl]
        loc_v[sl] = acc
        return 0
    lax.fori_loop(0, RPT // 16, r, 0)
    pltpu.sync_copy(loc_v.at[pl.ds(0, RPT)], out_hbm.at[c, pl.ds(s * RPT, RPT)])


_deg_call = functools.partial(
    pl.kernel,
    out_type=jax.ShapeDtypeStruct((NC, NP), _f32),
    mesh=_mesh,
    compiler_params=pltpu.CompilerParams(needs_layout_passes=False),
    scratch_types=[
        pltpu.VMEM((CHUNKS, K), jnp.int32),
        pltpu.VMEM((NP,), _f32),
        pltpu.VMEM((NS, RPT), _f32),
        pltpu.VMEM_SHARED((NS, NP), _f32),
        pltpu.SemaphoreType.DMA,
    ],
)(_deg_body)



def _agg_body(g_hbm, src_hbm, dst_hbm, out_hbm,
              sidx_v, didx_v, rows0_v, rows1_v, zb_v, acc_sh,
              sem0, sem1):
    c = lax.axis_index("c")
    s = lax.axis_index("s")
    w = s * NC + c
    _fill2d(zb_v, 32, D, 0.0)

    def z(i, _):
        pltpu.sync_copy(zb_v, acc_sh.at[pl.ds(s * RPT + i * 32, 32)])
        return 0
    lax.fori_loop(0, RPT // 32, z, 0)
    plsc.subcore_barrier()

    def gstart(j, rv, sem):
        pltpu.async_copy(g_hbm.at[sidx_v.at[j]], rv, sem)

    def gwait(j, rv, sem):
        pltpu.make_async_copy(g_hbm.at[sidx_v.at[j]], rv, sem).wait()

    def scat(j, rv):
        pltpu.sync_copy(rv, acc_sh.at[didx_v.at[j]], add=True)

    def block(b, _):
        pltpu.sync_copy(src_hbm.at[w, pl.ds(b * CB, CB)], sidx_v)
        pltpu.sync_copy(dst_hbm.at[w, pl.ds(b * CB, CB)], didx_v)
        gstart(0, rows0_v, sem0)

        def pair(t, _):
            j0 = 2 * t
            gstart(j0 + 1, rows1_v, sem1)
            gwait(j0, rows0_v, sem0)
            scat(j0, rows0_v)
            gstart(j0 + 2, rows0_v, sem0)
            gwait(j0 + 1, rows1_v, sem1)
            scat(j0 + 1, rows1_v)
            return 0
        lax.fori_loop(0, CB // 2 - 1, pair, 0)
        gstart(CB - 1, rows1_v, sem1)
        gwait(CB - 2, rows0_v, sem0)
        scat(CB - 2, rows0_v)
        gwait(CB - 1, rows1_v, sem1)
        scat(CB - 1, rows1_v)
        return 0
    lax.fori_loop(0, NB, block, 0)
    plsc.subcore_barrier()
    pltpu.sync_copy(acc_sh.at[pl.ds(s * RPT, RPT)],
                    out_hbm.at[c, pl.ds(s * RPT, RPT)])


_agg_call = functools.partial(
    pl.kernel,
    out_type=jax.ShapeDtypeStruct((NC, NP, D), _f32),
    mesh=_mesh,
    scratch_types=[
        pltpu.VMEM((CB, K), jnp.int32),
        pltpu.VMEM((CB, K), jnp.int32),
        pltpu.VMEM((K, D), _f32),
        pltpu.VMEM((K, D), _f32),
        pltpu.VMEM((32, D), _f32),
        pltpu.VMEM_SHARED((NP, D), _f32),
        pltpu.SemaphoreType.DMA,
        pltpu.SemaphoreType.DMA,
    ],
)(_agg_body)



def _head_body(a_hbm, b_hbm, src_hbm, dst_hbm, out_hbm,
               sidx_v, didx_v, ra0_v, ra1_v, rb0_v, rb1_v, t0_v, t1_v,
               semg0, semg1, semo0, semo1):
    c = lax.axis_index("c")
    s = lax.axis_index("s")
    w = s * NC + c
    semg = (semg0, semg1)
    semo = (semo0, semo1)
    ras = (ra0_v, ra1_v)
    rbs = (rb0_v, rb1_v)
    ts = (t0_v, t1_v)

    def gstart(j, p):
        pltpu.async_copy(a_hbm.at[sidx_v.at[j]], ras[p], semg[p])
        pltpu.async_copy(b_hbm.at[didx_v.at[j]], rbs[p], semg[p])

    def gwait(j, p):
        pltpu.make_async_copy(a_hbm.at[sidx_v.at[j]], ras[p], semg[p]).wait()
        pltpu.make_async_copy(b_hbm.at[didx_v.at[j]], rbs[p], semg[p]).wait()

    def combine(p):
        def row(i, _):
            for g in range(D // 16):
                sl = pl.ds(g * 16, 16)
                ts[p][i, sl] = jnp.maximum(ras[p][i, sl] + rbs[p][i, sl], 0.0)
            return 0
        lax.fori_loop(0, K, row, 0)

    def ostart(p, base):
        pltpu.async_copy(ts[p], out_hbm.at[pl.ds(base, K)], semo[p])

    def owait(p):
        pltpu.make_async_copy(ts[p], out_hbm.at[pl.ds(w * EPW, K)],
                              semo[p]).wait()

    def block(b, _):
        pltpu.sync_copy(src_hbm.at[w, pl.ds(b * CB, CB)], sidx_v)
        pltpu.sync_copy(dst_hbm.at[w, pl.ds(b * CB, CB)], didx_v)
        gstart(0, 0)
        gstart(1, 1)

        def pair(t, _):
            for dp in (0, 1):
                j = 2 * t + dp
                gwait(j, dp)

                @pl.when((t > 0) | (b > 0))
                def _(dp=dp):
                    owait(dp)
                combine(dp)
                ostart(dp, w * EPW + (b * CB + j) * K)

                @pl.when(j + 2 < CB)
                def _(j=j, dp=dp):
                    gstart(j + 2, dp)
            return 0
        lax.fori_loop(0, CB // 2, pair, 0)
        return 0
    lax.fori_loop(0, NB, block, 0)
    owait(0)
    owait(1)


_head_call = functools.partial(
    pl.kernel,
    out_type=jax.ShapeDtypeStruct((EP, D), _f32),
    mesh=_mesh,
    scratch_types=[
        pltpu.VMEM((CB, K), jnp.int32),
        pltpu.VMEM((CB, K), jnp.int32),
        pltpu.VMEM((K, D), _f32),
        pltpu.VMEM((K, D), _f32),
        pltpu.VMEM((K, D), _f32),
        pltpu.VMEM((K, D), _f32),
        pltpu.VMEM((K, D), _f32),
        pltpu.VMEM((K, D), _f32),
        pltpu.SemaphoreType.DMA,
        pltpu.SemaphoreType.DMA,
        pltpu.SemaphoreType.DMA,
        pltpu.SemaphoreType.DMA,
    ],
)(_head_body)



def _dis(degp_ref):
    deg = degp_ref[0, :] + degp_ref[1, :] + 1.0
    return lax.rsqrt(deg)[:, None]


def _s1_body(x_ref, w1_ref, degp_ref, g1_ref):
    dis = _dis(degp_ref)
    hw = jnp.dot(x_ref[...], w1_ref[...], preferred_element_type=_f32)
    g1_ref[...] = hw * dis


def _s2_body(agg_ref, x_ref, w1_ref, b1_ref, w2_ref, degp_ref, g2_ref, hw2_ref):
    dis = _dis(degp_ref)
    hw1 = jnp.dot(x_ref[...], w1_ref[...], preferred_element_type=_f32)
    h1 = jnp.maximum(dis * (agg_ref[0] + agg_ref[1]) + dis * dis * hw1
                     + b1_ref[...], 0.0)
    hw2 = jnp.dot(h1, w2_ref[...], preferred_element_type=_f32)
    hw2_ref[...] = hw2
    g2_ref[...] = hw2 * dis


def _s3_body(agg_ref, hw2_ref, b2_ref, w1a_ref, w1b_ref, l1b_ref, degp_ref,
             a_ref, b_ref):
    dis = _dis(degp_ref)
    h2 = jnp.maximum(dis * (agg_ref[0] + agg_ref[1]) + dis * dis * hw2_ref[...]
                     + b2_ref[...], 0.0)
    a_ref[...] = jnp.dot(h2, w1a_ref[...], preferred_element_type=_f32) + l1b_ref[...]
    b_ref[...] = jnp.dot(h2, w1b_ref[...], preferred_element_type=_f32)


BE = 4096


def _s4_body(s_ref, wf_ref, bf_ref, o_ref):
    t = s_ref[...]
    z = jnp.dot(t, wf_ref[...], preferred_element_type=_f32) + bf_ref[...]
    m = jnp.max(z, axis=1, keepdims=True)
    o_ref[...] = z - m - jnp.log(jnp.sum(jnp.exp(z - m), axis=1, keepdims=True))


def kernel(x, edge_index, W1, b1, W2, b2, lin1_W, lin1_b, linf_W, linf_b):
    src = edge_index[0]
    dst = edge_index[1]
    pad = (N + jnp.arange(EP - E, dtype=jnp.int32) % (NP - N)).astype(jnp.int32)
    src_p = jnp.concatenate([src, pad])
    dst_p = jnp.concatenate([dst, pad])
    src_w = src_p.reshape(NW, CHUNKS, K)
    dst_w = dst_p.reshape(NW, CHUNKS, K)
    x_p = jnp.concatenate([x, jnp.zeros((NP - N, x.shape[1]), _f32)])

    degp = _deg_call(dst_w)

    g1 = pl.pallas_call(
        _s1_body,
        out_shape=jax.ShapeDtypeStruct((NP, D), _f32),
    )(x_p, W1, degp)

    agg1 = _agg_call(g1, src_w, dst_w)

    g2, hw2 = pl.pallas_call(
        _s2_body,
        out_shape=[jax.ShapeDtypeStruct((NP, D), _f32),
                   jax.ShapeDtypeStruct((NP, D), _f32)],
    )(agg1, x_p, W1, b1.reshape(1, D), W2, degp)

    agg2 = _agg_call(g2, src_w, dst_w)

    A, B = pl.pallas_call(
        _s3_body,
        out_shape=[jax.ShapeDtypeStruct((NP, D), _f32),
                   jax.ShapeDtypeStruct((NP, D), _f32)],
    )(agg2, hw2, b2.reshape(1, D), lin1_W[:D], lin1_W[D:], lin1_b.reshape(1, D),
      degp)

    s = _head_call(A, B, src_w, dst_w)

    outp = pl.pallas_call(
        _s4_body,
        grid=(EP // BE,),
        in_specs=[
            pl.BlockSpec((BE, D), lambda i: (i, 0)),
            pl.BlockSpec((D, C), lambda i: (0, 0)),
            pl.BlockSpec((1, C), lambda i: (0, 0)),
        ],
        out_specs=pl.BlockSpec((BE, C), lambda i: (i, 0)),
        out_shape=jax.ShapeDtypeStruct((EP, C), _f32),
    )(s, linf_W, linf_b.reshape(1, C))

    return lax.slice(outp, (0, 0), (E, C))

# --- scband reference (transcript-rebuilt; emitter-appended) ---
"""Pipeline reference for scband-graph-network-20985210209012 (READ-ONLY COPY).

The authoritative reference and input builder live on the scoring server;
editing this copy changes nothing except your own understanding.
"""

import jax, jax.numpy as jnp
import numpy as np

N = 10000
E = 640000
D = 128
C = 2
F_IN = 8

def setup_inputs(seed: int = 0) -> dict:
    key = jax.random.key(seed)
    ks = jax.random.split(key, 12)
    x = jax.random.normal(ks[0], (N, F_IN), dtype=jnp.float32)
    edge_index = jax.random.randint(ks[1], (2, E), 0, N, dtype=jnp.int32)
    W1 = jax.random.normal(ks[2], (F_IN, D), dtype=jnp.float32) * (1.0 / np.sqrt(F_IN))
    b1 = jnp.zeros((D,), dtype=jnp.float32)
    W2 = jax.random.normal(ks[3], (D, D), dtype=jnp.float32) * (1.0 / np.sqrt(D))
    b2 = jnp.zeros((D,), dtype=jnp.float32)
    lin1_W = jax.random.normal(ks[4], (2 * D, D), dtype=jnp.float32) * (1.0 / np.sqrt(2 * D))
    lin1_b = jnp.zeros((D,), dtype=jnp.float32)
    linf_W = jax.random.normal(ks[5], (D, C), dtype=jnp.float32) * (1.0 / np.sqrt(D))
    linf_b = jnp.zeros((C,), dtype=jnp.float32)
    return {"x": x, "edge_index": edge_index, "W1": W1, "b1": b1, "W2": W2, "b2": b2,
            "lin1_W": lin1_W, "lin1_b": lin1_b, "linf_W": linf_W, "linf_b": linf_b}


def reference(x, edge_index, W1, b1, W2, b2, lin1_W, lin1_b, linf_W, linf_b):
    n = x.shape[0]
    loop = jnp.arange(n, dtype=edge_index.dtype)
    src = jnp.concatenate([edge_index[0], loop])
    dst = jnp.concatenate([edge_index[1], loop])

    def gcn(h, W, b):
        # PyG GCNConv: add self-loops, symmetric normalization, linear, scatter-add aggregate
        deg = jnp.zeros((n,), jnp.float32).at[dst].add(1.0)
        dis = jnp.where(deg > 0, 1.0 / jnp.sqrt(deg), 0.0)
        norm = dis[src] * dis[dst]
        hw = h @ W
        msg = hw[src] * norm[:, None]
        out = jnp.zeros((n, W.shape[1]), jnp.float32).at[dst].add(msg)
        return out + b

    h = jax.nn.relu(gcn(x, W1, b1))
    h = jax.nn.relu(gcn(h, W2, b2))
    x1 = h[edge_index[0]]
    x2 = h[edge_index[1]]
    xpair = jnp.concatenate([x1, x2], axis=1)
    xpair = jax.nn.relu(xpair @ lin1_W + lin1_b)
    xfin = xpair @ linf_W + linf_b
    return jax.nn.log_softmax(xfin, axis=1)

if __name__ == "__main__":
    import jax
    _d = setup_inputs()
    print(jax.jit(kernel)(*tuple(_d.values())))

</pallas_src>

<mosaic_0001>
#map = affine_map<(d0, d1) -> (0, 0)>
#map1 = affine_map<(d0, d1) -> (0, 0, 0)>
module attributes {stable_mosaic.version = 14 : i64} {
  func.func @_agg_body(%arg0: i32, %arg1: i32, %arg2: memref<10240x128xf32, #tpu.memory_space<hbm>>, %arg3: memref<32x160x128xi32, #tpu.memory_space<hbm>>, %arg4: memref<32x160x128xi32, #tpu.memory_space<hbm>>, %arg5: memref<2x10240x128xf32, #tpu.memory_space<hbm>>, %arg6: memref<16x128xi32, #tpu.memory_space<vmem>>, %arg7: memref<16x128xi32, #tpu.memory_space<vmem>>, %arg8: memref<128x128xf32, #tpu.memory_space<vmem>>, %arg9: memref<128x128xf32, #tpu.memory_space<vmem>>, %arg10: memref<32x128xf32, #tpu.memory_space<vmem>>, %arg11: memref<10240x128xf32, #tpu.memory_space<vmem_shared>>, %arg12: memref<!tpu.dma_semaphore, #tpu.memory_space<semaphore_mem>>, %arg13: memref<!tpu.dma_semaphore, #tpu.memory_space<semaphore_mem>>) attributes {dimension_semantics = [#tpu.dimension_semantics<core_parallel>, #tpu.dimension_semantics<subcore_parallel>], iteration_bounds = array<i64: 2, 16>, scalar_prefetch = 0 : i64, scratch_operands = 8 : i64, tpu.core_type = #tpu.core_type<sc_vector_subcore>, window_params = [{transform_indices = #map}, {transform_indices = #map1}, {transform_indices = #map1}, {transform_indices = #map1}]} {
    %mul3A = arith.constant 2 : i32
    %mul3A_0 = arith.muli %arg1, %mul3A : i32
    %add3A = arith.addi %mul3A_0, %arg0 : i32
    %scan3A = arith.constant 0 : i32
    %scan3A_1 = arith.constant 0 : i32
    %scan3A_2 = arith.constant 32 : i32
    %scan3A_3 = arith.addi %scan3A_1, %scan3A_2 : i32
    %scan3A_4 = arith.constant 1 : i32
    %scan3A_5 = scf.for %scan3A_26 = %scan3A_1 to %scan3A_3 step %scan3A_4 iter_args(%scan3A_27 = %scan3A) -> (i32)  : i32 {
      %scan3A_28 = arith.constant 0 : i32
      %scan3A_29 = arith.constant 0 : i32
      %scan3A_30 = arith.constant 8 : i32
      %scan3A_31 = arith.addi %scan3A_29, %scan3A_30 : i32
      %scan3A_32 = arith.constant 1 : i32
      %scan3A_33 = scf.for %scan3A_35 = %scan3A_29 to %scan3A_31 step %scan3A_32 iter_args(%scan3A_36 = %scan3A_28) -> (i32)  : i32 {
        %broadcast_in_dim3A = arith.constant 0.000000e+00 : f32
        %broadcast_in_dim3A_37 = vector.broadcast %broadcast_in_dim3A : f32 to vector<16xf32>
        %mul3A_38 = arith.constant 16 : i32
        %mul3A_39 = arith.muli %scan3A_35, %mul3A_38 : i32
        %swap3A = arith.index_cast %scan3A_26 : i32 to index
        %swap3A_40 = arith.index_cast %mul3A_39 : i32 to index
        %swap3A_41 = tpu.vector_load %arg10[%swap3A, %swap3A_40] {strides = array<i32>} : memref<32x128xf32, #tpu.memory_space<vmem>>, vector<1x16xf32>,
        %swap3A_42 = vector.shape_cast %swap3A_41 : vector<1x16xf32> to vector<16xf32>
        %swap3A_43 = vector.shape_cast %broadcast_in_dim3A_37 : vector<16xf32> to vector<1x16xf32>
        tpu.vector_store %arg10[%swap3A, %swap3A_40], %swap3A_43 {strides = array<i32>} : memref<32x128xf32, #tpu.memory_space<vmem>>, vector<1x16xf32>,
        %scan3A_44 = arith.constant 0 : i32
        scf.yield %scan3A_44 : i32
      }
      %scan3A_34 = arith.constant 8 : i32
      scf.yield %scan3A_33 : i32
    }
    %scan3A_6 = arith.constant 32 : i32
    %scan3A_7 = arith.constant 0 : i32
    %scan3A_8 = arith.constant 0 : i32
    %scan3A_9 = arith.constant 20 : i32
    %scan3A_10 = arith.addi %scan3A_8, %scan3A_9 : i32
    %scan3A_11 = arith.constant 1 : i32
    %scan3A_12 = scf.for %scan3A_26 = %scan3A_8 to %scan3A_10 step %scan3A_11 iter_args(%scan3A_27 = %scan3A_7) -> (i32)  : i32 {
      %mul3A_28 = arith.constant 640 : i32
      %mul3A_29 = arith.muli %arg1, %mul3A_28 : i32
      %mul3A_30 = arith.constant 32 : i32
      %mul3A_31 = arith.muli %scan3A_26, %mul3A_30 : i32
      %add3A_32 = arith.addi %mul3A_29, %mul3A_31 : i32
      "tpu.region"() ({
        %run_scoped3A = tpu.sem_alloc : memref<!tpu.dma_semaphore, #tpu.memory_space<semaphore_mem>>
        %dma_start3A = arith.constant 0 : i32
        %dma_start3A_34 = tpu.memref_slice %arg11[%add3A_32, %dma_start3A] : memref<10240x128xf32, #tpu.memory_space<vmem_shared>> -> memref<32x128xf32, #tpu.memory_space<vmem_shared>>
        %dma_start3A_35 = arith.constant 0 : i32
        %dma_start3A_36 = tpu.memref_slice %arg11[%add3A_32, %dma_start3A_35] : memref<10240x128xf32, #tpu.memory_space<vmem_shared>> -> memref<32x128xf32, #tpu.memory_space<vmem_shared>>
        tpu.enqueue_dma source(%arg10 : memref<32x128xf32, #tpu.memory_space<vmem>>) target(%dma_start3A_36 : memref<32x128xf32, #tpu.memory_space<vmem_shared>>) target_semaphore(%run_scoped3A : memref<!tpu.dma_semaphore, #tpu.memory_space<semaphore_mem>>)
        %dma_wait3A = arith.constant 0 : i32
        %dma_wait3A_37 = tpu.memref_slice %arg11[%add3A_32, %dma_wait3A] : memref<10240x128xf32, #tpu.memory_space<vmem_shared>> -> memref<32x128xf32, #tpu.memory_space<vmem_shared>>
        %dma_wait3A_38 = arith.constant 0 : i32
        %dma_wait3A_39 = tpu.memref_slice %arg11[%add3A_32, %dma_wait3A_38] : memref<10240x128xf32, #tpu.memory_space<vmem_shared>> -> memref<32x128xf32, #tpu.memory_space<vmem_shared>>
        tpu.wait_dma2 semaphore(%run_scoped3A : memref<!tpu.dma_semaphore, #tpu.memory_space<semaphore_mem>>) src(%arg10 : memref<32x128xf32, #tpu.memory_space<vmem>>) dst(%dma_wait3A_39 : memref<32x128xf32, #tpu.memory_space<vmem_shared>>)
        tpu.yield
      }) : () -> ()
      %scan3A_33 = arith.constant 0 : i32
      scf.yield %scan3A_33 : i32
    }
    %scan3A_13 = arith.constant 20 : i32
    %barrier3A = arith.constant 0 : index
    tpu.barrier barrier_id(%barrier3A)
    %scan3A_14 = arith.constant 0 : i32
    %scan3A_15 = arith.constant 0 : i32
    %scan3A_16 = arith.constant 10 : i32
    %scan3A_17 = arith.addi %scan3A_15, %scan3A_16 : i32
    %scan3A_18 = arith.constant 1 : i32
    %scan3A_19 = scf.for %scan3A_26 = %scan3A_15 to %scan3A_17 step %scan3A_18 iter_args(%scan3A_27 = %scan3A_14) -> (i32)  : i32 {
      %mul3A_28 = arith.constant 16 : i32
      %mul3A_29 = arith.muli %scan3A_26, %mul3A_28 : i32
      "tpu.region"() ({
        %run_scoped3A_67 = tpu.sem_alloc : memref<!tpu.dma_semaphore, #tpu.memory_space<semaphore_mem>>
        %dma_start3A_68 = arith.constant 0 : i32
        %dma_start3A_69 = tpu.memref_slice %arg3[%add3A, %mul3A_29, %dma_start3A_68] : memref<32x160x128xi32, #tpu.memory_space<hbm>> -> memref<1x16x128xi32, #tpu.memory_space<hbm>>
        %dma_start3A_70 = tpu.memref_squeeze %dma_start3A_69 : memref<1x16x128xi32, #tpu.memory_space<hbm>> -> memref<16x128xi32, #tpu.memory_space<hbm>>
        %dma_start3A_71 = arith.constant 0 : i32
        %dma_start3A_72 = tpu.memref_slice %arg3[%add3A, %mul3A_29, %dma_start3A_71] : memref<32x160x128xi32, #tpu.memory_space<hbm>> -> memref<1x16x128xi32, #tpu.memory_space<hbm>>
        %dma_start3A_73 = tpu.memref_squeeze %dma_start3A_72 : memref<1x16x128xi32, #tpu.memory_space<hbm>> -> memref<16x128xi32, #tpu.memory_space<hbm>>
        tpu.enqueue_dma source(%dma_start3A_73 : memref<16x128xi32, #tpu.memory_space<hbm>>) target(%arg6 : memref<16x128xi32, #tpu.memory_space<vmem>>) target_semaphore(%run_scoped3A_67 : memref<!tpu.dma_semaphore, #tpu.memory_space<semaphore_mem>>)
        %dma_wait3A_74 = arith.constant 0 : i32
        %dma_wait3A_75 = tpu.memref_slice %arg3[%add3A, %mul3A_29, %dma_wait3A_74] : memref<32x160x128xi32, #tpu.memory_space<hbm>> -> memref<1x16x128xi32, #tpu.memory_space<hbm>>
        %dma_wait3A_76 = tpu.memref_squeeze %dma_wait3A_75 : memref<1x16x128xi32, #tpu.memory_space<hbm>> -> memref<16x128xi32, #tpu.memory_space<hbm>>
        %dma_wait3A_77 = arith.constant 0 : i32
        %dma_wait3A_78 = tpu.memref_slice %arg3[%add3A, %mul3A_29, %dma_wait3A_77] : memref<32x160x128xi32, #tpu.memory_space<hbm>> -> memref<1x16x128xi32, #tpu.memory_space<hbm>>
        %dma_wait3A_79 = tpu.memref_squeeze %dma_wait3A_78 : memref<1x16x128xi32, #tpu.memory_space<hbm>> -> memref<16x128xi32, #tpu.memory_space<hbm>>
        tpu.wait_dma2 semaphore(%run_scoped3A_67 : memref<!tpu.dma_semaphore, #tpu.memory_space<semaphore_mem>>) src(%dma_wait3A_79 : memref<16x128xi32, #tpu.memory_space<hbm>>) dst(%arg6 : memref<16x128xi32, #tpu.memory_space<vmem>>)
        tpu.yield
      }) : () -> ()
      %mul3A_30 = arith.constant 16 : i32
      %mul3A_31 = arith.muli %scan3A_26, %mul3A_30 : i32
      "tpu.region"() ({
        %run_scoped3A_67 = tpu.sem_alloc : memref<!tpu.dma_semaphore, #tpu.memory_space<semaphore_mem>>
        %dma_start3A_68 = arith.constant 0 : i32
        %dma_start3A_69 = tpu.memref_slice %arg4[%add3A, %mul3A_31, %dma_start3A_68] : memref<32x160x128xi32, #tpu.memory_space<hbm>> -> memref<1x16x128xi32, #tpu.memory_space<hbm>>
        %dma_start3A_70 = tpu.memref_squeeze %dma_start3A_69 : memref<1x16x128xi32, #tpu.memory_space<hbm>> -> memref<16x128xi32, #tpu.memory_space<hbm>>
        %dma_start3A_71 = arith.constant 0 : i32
        %dma_start3A_72 = tpu.memref_slice %arg4[%add3A, %mul3A_31, %dma_start3A_71] : memref<32x160x128xi32, #tpu.memory_space<hbm>> -> memref<1x16x128xi32, #tpu.memory_space<hbm>>
        %dma_start3A_73 = tpu.memref_squeeze %dma_start3A_72 : memref<1x16x128xi32, #tpu.memory_space<hbm>> -> memref<16x128xi32, #tpu.memory_space<hbm>>
        tpu.enqueue_dma source(%dma_start3A_73 : memref<16x128xi32, #tpu.memory_space<hbm>>) target(%arg7 : memref<16x128xi32, #tpu.memory_space<vmem>>) target_semaphore(%run_scoped3A_67 : memref<!tpu.dma_semaphore, #tpu.memory_space<semaphore_mem>>)
        %dma_wait3A_74 = arith.constant 0 : i32
        %dma_wait3A_75 = tpu.memref_slice %arg4[%add3A, %mul3A_31, %dma_wait3A_74] : memref<32x160x128xi32, #tpu.memory_space<hbm>> -> memref<1x16x128xi32, #tpu.memory_space<hbm>>
        %dma_wait3A_76 = tpu.memref_squeeze %dma_wait3A_75 : memref<1x16x128xi32, #tpu.memory_space<hbm>> -> memref<16x128xi32, #tpu.memory_space<hbm>>
        %dma_wait3A_77 = arith.constant 0 : i32
        %dma_wait3A_78 = tpu.memref_slice %arg4[%add3A, %mul3A_31, %dma_wait3A_77] : memref<32x160x128xi32, #tpu.memory_space<hbm>> -> memref<1x16x128xi32, #tpu.memory_space<hbm>>
        %dma_wait3A_79 = tpu.memref_squeeze %dma_wait3A_78 : memref<1x16x128xi32, #tpu.memory_space<hbm>> -> memref<16x128xi32, #tpu.memory_space<hbm>>
        tpu.wait_dma2 semaphore(%run_scoped3A_67 : memref<!tpu.dma_semaphore, #tpu.memory_space<semaphore_mem>>) src(%dma_wait3A_79 : memref<16x128xi32, #tpu.memory_space<hbm>>) dst(%arg7 : memref<16x128xi32, #tpu.memory_space<vmem>>)
        tpu.yield
      }) : () -> ()
      %dma_start3A = arith.constant 0 : i32
      %dma_start3A_32 = arith.constant 0 : i32
      %dma_start3A_33 = tpu.memref_slice %arg6[%dma_start3A, %dma_start3A_32] : memref<16x128xi32, #tpu.memory_space<vmem>> -> memref<1x128xi32, #tpu.memory_space<vmem>>
      %dma_start3A_34 = tpu.memref_squeeze %dma_start3A_33 : memref<1x128xi32, #tpu.memory_space<vmem>> -> memref<128xi32, #tpu.memory_space<vmem>>
      %dma_start3A_35 = arith.constant 0 : i32
      %dma_start3A_36 = arith.constant 0 : i32
      %dma_start3A_37 = tpu.memref_slice %arg2[%dma_start3A_35, %dma_start3A_36] : memref<10240x128xf32, #tpu.memory_space<hbm>> -> memref<10240x128xf32, #tpu.memory_space<hbm>>
      tpu.enqueue_indirect_dma source(%dma_start3A_37 : memref<10240x128xf32, #tpu.memory_space<hbm>>) target(%arg8 : memref<128x128xf32, #tpu.memory_space<vmem>>) offsets(%dma_start3A_34 : memref<128xi32, #tpu.memory_space<vmem>>) semaphore(%arg12 : memref<!tpu.dma_semaphore, #tpu.memory_space<semaphore_mem>>)
      %scan3A_38 = arith.constant 0 : i32
      %scan3A_39 = arith.constant 0 : i32
      %scan3A_40 = arith.constant 7 : i32
      %scan3A_41 = arith.addi %scan3A_39, %scan3A_40 : i32
      %scan3A_42 = arith.constant 1 : i32
      %scan3A_43 = scf.for %scan3A_67 = %scan3A_39 to %scan3A_41 step %scan3A_42 iter_args(%scan3A_68 = %scan3A_38) -> (i32)  : i32 {
        %mul3A_69 = arith.constant 2 : i32
        %mul3A_70 = arith.muli %mul3A_69, %scan3A_67 : i32
        %add3A_71 = arith.constant 1 : i32
        %add3A_72 = arith.addi %mul3A_70, %add3A_71 : i32
        %dma_start3A_73 = arith.constant 0 : i32
        %dma_start3A_74 = tpu.memref_slice %arg6[%add3A_72, %dma_start3A_73] : memref<16x128xi32, #tpu.memory_space<vmem>> -> memref<1x128xi32, #tpu.memory_space<vmem>>
        %dma_start3A_75 = tpu.memref_squeeze %dma_start3A_74 : memref<1x128xi32, #tpu.memory_space<vmem>> -> memref<128xi32, #tpu.memory_space<vmem>>
        %dma_start3A_76 = arith.constant 0 : i32
        %dma_start3A_77 = arith.constant 0 : i32
        %dma_start3A_78 = tpu.memref_slice %arg2[%dma_start3A_76, %dma_start3A_77] : memref<10240x128xf32, #tpu.memory_space<hbm>> -> memref<10240x128xf32, #tpu.memory_space<hbm>>
        tpu.enqueue_indirect_dma source(%dma_start3A_78 : memref<10240x128xf32, #tpu.memory_space<hbm>>) target(%arg9 : memref<128x128xf32, #tpu.memory_space<vmem>>) offsets(%dma_start3A_75 : memref<128xi32, #tpu.memory_space<vmem>>) semaphore(%arg13 : memref<!tpu.dma_semaphore, #tpu.memory_space<semaphore_mem>>)
        %dma_wait3A_79 = arith.constant 0 : i32
        %dma_wait3A_80 = tpu.memref_slice %arg6[%mul3A_70, %dma_wait3A_79] : memref<16x128xi32, #tpu.memory_space<vmem>> -> memref<1x128xi32, #tpu.memory_space<vmem>>
        %dma_wait3A_81 = tpu.memref_squeeze %dma_wait3A_80 : memref<1x128xi32, #tpu.memory_space<vmem>> -> memref<128xi32, #tpu.memory_space<vmem>>
        %dma_wait3A_82 = arith.constant 0 : i32
        %dma_wait3A_83 = arith.constant 0 : i32
        %dma_wait3A_84 = tpu.memref_slice %arg2[%dma_wait3A_82, %dma_wait3A_83] : memref<10240x128xf32, #tpu.memory_space<hbm>> -> memref<10240x128xf32, #tpu.memory_space<hbm>>
        tpu.wait_indirect_dma semaphore(%arg12 : memref<!tpu.dma_semaphore, #tpu.memory_space<semaphore_mem>>) src(%dma_wait3A_84 : memref<10240x128xf32, #tpu.memory_space<hbm>>) dst(%arg8 : memref<128x128xf32, #tpu.memory_space<vmem>>)
        "tpu.region"() ({
          %run_scoped3A_104 = tpu.sem_alloc : memref<!tpu.dma_semaphore, #tpu.memory_space<semaphore_mem>>
          %dma_start3A_105 = arith.constant 0 : i32
          %dma_start3A_106 = tpu.memref_slice %arg7[%mul3A_70, %dma_start3A_105] : memref<16x128xi32, #tpu.memory_space<vmem>> -> memref<1x128xi32, #tpu.memory_space<vmem>>
          %dma_start3A_107 = tpu.memref_squeeze %dma_start3A_106 : memref<1x128xi32, #tpu.memory_space<vmem>> -> memref<128xi32, #tpu.memory_space<vmem>>
          %dma_start3A_108 = arith.constant 0 : i32
          %dma_start3A_109 = arith.constant 0 : i32
          %dma_start3A_110 = tpu.memref_slice %arg11[%dma_start3A_108, %dma_start3A_109] : memref<10240x128xf32, #tpu.memory_space<vmem_shared>> -> memref<10240x128xf32, #tpu.memory_space<vmem_shared>>
          tpu.enqueue_indirect_dma source(%arg8 : memref<128x128xf32, #tpu.memory_space<vmem>>) target(%dma_start3A_110 : memref<10240x128xf32, #tpu.memory_space<vmem_shared>>) offsets(%dma_start3A_107 : memref<128xi32, #tpu.memory_space<vmem>>) semaphore(%run_scoped3A_104 : memref<!tpu.dma_semaphore, #tpu.memory_space<semaphore_mem>>) {add = true}
          %dma_wait3A_111 = arith.constant 0 : i32
          %dma_wait3A_112 = tpu.memref_slice %arg7[%mul3A_70, %dma_wait3A_111] : memref<16x128xi32, #tpu.memory_space<vmem>> -> memref<1x128xi32, #tpu.memory_space<vmem>>
          %dma_wait3A_113 = tpu.memref_squeeze %dma_wait3A_112 : memref<1x128xi32, #tpu.memory_space<vmem>> -> memref<128xi32, #tpu.memory_space<vmem>>
          %dma_wait3A_114 = arith.constant 0 : i32
          %dma_wait3A_115 = arith.constant 0 : i32
          %dma_wait3A_116 = tpu.memref_slice %arg11[%dma_wait3A_114, %dma_wait3A_115] : memref<10240x128xf32, #tpu.memory_space<vmem_shared>> -> memref<10240x128xf32, #tpu.memory_space<vmem_shared>>
          tpu.wait_indirect_dma semaphore(%run_scoped3A_104 : memref<!tpu.dma_semaphore, #tpu.memory_space<semaphore_mem>>) src(%arg8 : memref<128x128xf32, #tpu.memory_space<vmem>>) dst(%dma_wait3A_116 : memref<10240x128xf32, #tpu.memory_space<vmem_shared>>)
          tpu.yield
        }) : () -> ()
        %add3A_85 = arith.constant 2 : i32
        %add3A_86 = arith.addi %mul3A_70, %add3A_85 : i32
        %dma_start3A_87 = arith.constant 0 : i32
        %dma_start3A_88 = tpu.memref_slice %arg6[%add3A_86, %dma_start3A_87] : memref<16x128xi32, #tpu.memory_space<vmem>> -> memref<1x128xi32, #tpu.memory_space<vmem>>
        %dma_start3A_89 = tpu.memref_squeeze %dma_start3A_88 : memref<1x128xi32, #tpu.memory_space<vmem>> -> memref<128xi32, #tpu.memory_space<vmem>>
        %dma_start3A_90 = arith.constant 0 : i32
        %dma_start3A_91 = arith.constant 0 : i32
        %dma_start3A_92 = tpu.memref_slice %arg2[%dma_start3A_90, %dma_start3A_91] : memref<10240x128xf32, #tpu.memory_space<hbm>> -> memref<10240x128xf32, #tpu.memory_space<hbm>>
        tpu.enqueue_indirect_dma source(%dma_start3A_92 : memref<10240x128xf32, #tpu.memory_space<hbm>>) target(%arg8 : memref<128x128xf32, #tpu.memory_space<vmem>>) offsets(%dma_start3A_89 : memref<128xi32, #tpu.memory_space<vmem>>) semaphore(%arg12 : memref<!tpu.dma_semaphore, #tpu.memory_space<semaphore_mem>>)
        %add3A_93 = arith.constant 1 : i32
        %add3A_94 = arith.addi %mul3A_70, %add3A_93 : i32
        %dma_wait3A_95 = arith.constant 0 : i32
        %dma_wait3A_96 = tpu.memref_slice %arg6[%add3A_94, %dma_wait3A_95] : memref<16x128xi32, #tpu.memory_space<vmem>> -> memref<1x128xi32, #tpu.memory_space<vmem>>
        %dma_wait3A_97 = tpu.memref_squeeze %dma_wait3A_96 : memref<1x128xi32, #tpu.memory_space<vmem>> -> memref<128xi32, #tpu.memory_space<vmem>>
        %dma_wait3A_98 = arith.constant 0 : i32
        %dma_wait3A_99 = arith.constant 0 : i32
        %dma_wait3A_100 = tpu.memref_slice %arg2[%dma_wait3A_98, %dma_wait3A_99] : memref<10240x128xf32, #tpu.memory_space<hbm>> -> memref<10240x128xf32, #tpu.memory_space<hbm>>
        tpu.wait_indirect_dma semaphore(%arg13 : memref<!tpu.dma_semaphore, #tpu.memory_space<semaphore_mem>>) src(%dma_wait3A_100 : memref<10240x128xf32, #tpu.memory_space<hbm>>) dst(%arg9 : memref<128x128xf32, #tpu.memory_space<vmem>>)
        %add3A_101 = arith.constant 1 : i32
        %add3A_102 = arith.addi %mul3A_70, %add3A_101 : i32
        "tpu.region"() ({
          %run_scoped3A_104 = tpu.sem_alloc : memref<!tpu.dma_semaphore, #tpu.memory_space<semaphore_mem>>
          %dma_start3A_105 = arith.constant 0 : i32
          %dma_start3A_106 = tpu.memref_slice %arg7[%add3A_102, %dma_start3A_105] : memref<16x128xi32, #tpu.memory_space<vmem>> -> memref<1x128xi32, #tpu.memory_space<vmem>>
          %dma_start3A_107 = tpu.memref_squeeze %dma_start3A_106 : memref<1x128xi32, #tpu.memory_space<vmem>> -> memref<128xi32, #tpu.memory_space<vmem>>
          %dma_start3A_108 = arith.constant 0 : i32
          %dma_start3A_109 = arith.constant 0 : i32
          %dma_start3A_110 = tpu.memref_slice %arg11[%dma_start3A_108, %dma_start3A_109] : memref<10240x128xf32, #tpu.memory_space<vmem_shared>> -> memref<10240x128xf32, #tpu.memory_space<vmem_shared>>
          tpu.enqueue_indirect_dma source(%arg9 : memref<128x128xf32, #tpu.memory_space<vmem>>) target(%dma_start3A_110 : memref<10240x128xf32, #tpu.memory_space<vmem_shared>>) offsets(%dma_start3A_107 : memref<128xi32, #tpu.memory_space<vmem>>) semaphore(%run_scoped3A_104 : memref<!tpu.dma_semaphore, #tpu.memory_space<semaphore_mem>>) {add = true}
          %dma_wait3A_111 = arith.constant 0 : i32
          %dma_wait3A_112 = tpu.memref_slice %arg7[%add3A_102, %dma_wait3A_111] : memref<16x128xi32, #tpu.memory_space<vmem>> -> memref<1x128xi32, #tpu.memory_space<vmem>>
          %dma_wait3A_113 = tpu.memref_squeeze %dma_wait3A_112 : memref<1x128xi32, #tpu.memory_space<vmem>> -> memref<128xi32, #tpu.memory_space<vmem>>
          %dma_wait3A_114 = arith.constant 0 : i32
          %dma_wait3A_115 = arith.constant 0 : i32
          %dma_wait3A_116 = tpu.memref_slice %arg11[%dma_wait3A_114, %dma_wait3A_115] : memref<10240x128xf32, #tpu.memory_space<vmem_shared>> -> memref<10240x128xf32, #tpu.memory_space<vmem_shared>>
          tpu.wait_indirect_dma semaphore(%run_scoped3A_104 : memref<!tpu.dma_semaphore, #tpu.memory_space<semaphore_mem>>) src(%arg9 : memref<128x128xf32, #tpu.memory_space<vmem>>) dst(%dma_wait3A_116 : memref<10240x128xf32, #tpu.memory_space<vmem_shared>>)
          tpu.yield
        }) : () -> ()
        %scan3A_103 = arith.constant 0 : i32
        scf.yield %scan3A_103 : i32
      }
      %scan3A_44 = arith.constant 7 : i32
      %dma_start3A_45 = arith.constant 15 : i32
      %dma_start3A_46 = arith.constant 0 : i32
      %dma_start3A_47 = tpu.memref_slice %arg6[%dma_start3A_45, %dma_start3A_46] : memref<16x128xi32, #tpu.memory_space<vmem>> -> memref<1x128xi32, #tpu.memory_space<vmem>>
      %dma_start3A_48 = tpu.memref_squeeze %dma_start3A_47 : memref<1x128xi32, #tpu.memory_space<vmem>> -> memref<128xi32, #tpu.memory_space<vmem>>
      %dma_start3A_49 = arith.constant 0 : i32
      %dma_start3A_50 = arith.constant 0 : i32
      %dma_start3A_51 = tpu.memref_slice %arg2[%dma_start3A_49, %dma_start3A_50] : memref<10240x128xf32, #tpu.memory_space<hbm>> -> memref<10240x128xf32, #tpu.memory_space<hbm>>
      tpu.enqueue_indirect_dma source(%dma_start3A_51 : memref<10240x128xf32, #tpu.memory_space<hbm>>) target(%arg9 : memref<128x128xf32, #tpu.memory_space<vmem>>) offsets(%dma_start3A_48 : memref<128xi32, #tpu.memory_space<vmem>>) semaphore(%arg13 : memref<!tpu.dma_semaphore, #tpu.memory_space<semaphore_mem>>)
      %dma_wait3A = arith.constant 14 : i32
      %dma_wait3A_52 = arith.constant 0 : i32
      %dma_wait3A_53 = tpu.memref_slice %arg6[%dma_wait3A, %dma_wait3A_52] : memref<16x128xi32, #tpu.memory_space<vmem>> -> memref<1x128xi32, #tpu.memory_space<vmem>>
      %dma_wait3A_54 = tpu.memref_squeeze %dma_wait3A_53 : memref<1x128xi32, #tpu.memory_space<vmem>> -> memref<128xi32, #tpu.memory_space<vmem>>
      %dma_wait3A_55 = arith.constant 0 : i32
      %dma_wait3A_56 = arith.constant 0 : i32
      %dma_wait3A_57 = tpu.memref_slice %arg2[%dma_wait3A_55, %dma_wait3A_56] : memref<10240x128xf32, #tpu.memory_space<hbm>> -> memref<10240x128xf32, #tpu.memory_space<hbm>>
      tpu.wait_indirect_dma semaphore(%arg12 : memref<!tpu.dma_semaphore, #tpu.memory_space<semaphore_mem>>) src(%dma_wait3A_57 : memref<10240x128xf32, #tpu.memory_space<hbm>>) dst(%arg8 : memref<128x128xf32, #tpu.memory_space<vmem>>)
      %run_scoped3A = arith.constant 14 : i32
      "tpu.region"() ({
        %run_scoped3A_67 = tpu.sem_alloc : memref<!tpu.dma_semaphore, #tpu.memory_space<semaphore_mem>>
        %dma_start3A_68 = arith.constant 0 : i32
        %dma_start3A_69 = tpu.memref_slice %arg7[%run_scoped3A, %dma_start3A_68] : memref<16x128xi32, #tpu.memory_space<vmem>> -> memref<1x128xi32, #tpu.memory_space<vmem>>
        %dma_start3A_70 = tpu.memref_squeeze %dma_start3A_69 : memref<1x128xi32, #tpu.memory_space<vmem>> -> memref<128xi32, #tpu.memory_space<vmem>>
        %dma_start3A_71 = arith.constant 0 : i32
        %dma_start3A_72 = arith.constant 0 : i32
        %dma_start3A_73 = tpu.memref_slice %arg11[%dma_start3A_71, %dma_start3A_72] : memref<10240x128xf32, #tpu.memory_space<vmem_shared>> -> memref<10240x128xf32, #tpu.memory_space<vmem_shared>>
        tpu.enqueue_indirect_dma source(%arg8 : memref<128x128xf32, #tpu.memory_space<vmem>>) target(%dma_start3A_73 : memref<10240x128xf32, #tpu.memory_space<vmem_shared>>) offsets(%dma_start3A_70 : memref<128xi32, #tpu.memory_space<vmem>>) semaphore(%run_scoped3A_67 : memref<!tpu.dma_semaphore, #tpu.memory_space<semaphore_mem>>) {add = true}
        %dma_wait3A_74 = arith.constant 0 : i32
        %dma_wait3A_75 = tpu.memref_slice %arg7[%run_scoped3A, %dma_wait3A_74] : memref<16x128xi32, #tpu.memory_space<vmem>> -> memref<1x128xi32, #tpu.memory_space<vmem>>
        %dma_wait3A_76 = tpu.memref_squeeze %dma_wait3A_75 : memref<1x128xi32, #tpu.memory_space<vmem>> -> memref<128xi32, #tpu.memory_space<vmem>>
        %dma_wait3A_77 = arith.constant 0 : i32
        %dma_wait3A_78 = arith.constant 0 : i32
        %dma_wait3A_79 = tpu.memref_slice %arg11[%dma_wait3A_77, %dma_wait3A_78] : memref<10240x128xf32, #tpu.memory_space<vmem_shared>> -> memref<10240x128xf32, #tpu.memory_space<vmem_shared>>
        tpu.wait_indirect_dma semaphore(%run_scoped3A_67 : memref<!tpu.dma_semaphore, #tpu.memory_space<semaphore_mem>>) src(%arg8 : memref<128x128xf32, #tpu.memory_space<vmem>>) dst(%dma_wait3A_79 : memref<10240x128xf32, #tpu.memory_space<vmem_shared>>)
        tpu.yield
      }) : () -> ()
      %dma_wait3A_58 = arith.constant 15 : i32
      %dma_wait3A_59 = arith.constant 0 : i32
      %dma_wait3A_60 = tpu.memref_slice %arg6[%dma_wait3A_58, %dma_wait3A_59] : memref<16x128xi32, #tpu.memory_space<vmem>> -> memref<1x128xi32, #tpu.memory_space<vmem>>
      %dma_wait3A_61 = tpu.memref_squeeze %dma_wait3A_60 : memref<1x128xi32, #tpu.memory_space<vmem>> -> memref<128xi32, #tpu.memory_space<vmem>>
      %dma_wait3A_62 = arith.constant 0 : i32
      %dma_wait3A_63 = arith.constant 0 : i32
      %dma_wait3A_64 = tpu.memref_slice %arg2[%dma_wait3A_62, %dma_wait3A_63] : memref<10240x128xf32, #tpu.memory_space<hbm>> -> memref<10240x128xf32, #tpu.memory_space<hbm>>
      tpu.wait_indirect_dma semaphore(%arg13 : memref<!tpu.dma_semaphore, #tpu.memory_space<semaphore_mem>>) src(%dma_wait3A_64 : memref<10240x128xf32, #tpu.memory_space<hbm>>) dst(%arg9 : memref<128x128xf32, #tpu.memory_space<vmem>>)
      %run_scoped3A_65 = arith.constant 15 : i32
      "tpu.region"() ({
        %run_scoped3A_67 = tpu.sem_alloc : memref<!tpu.dma_semaphore, #tpu.memory_space<semaphore_mem>>
        %dma_start3A_68 = arith.constant 0 : i32
        %dma_start3A_69 = tpu.memref_slice %arg7[%run_scoped3A_65, %dma_start3A_68] : memref<16x128xi32, #tpu.memory_space<vmem>> -> memref<1x128xi32, #tpu.memory_space<vmem>>
        %dma_start3A_70 = tpu.memref_squeeze %dma_start3A_69 : memref<1x128xi32, #tpu.memory_space<vmem>> -> memref<128xi32, #tpu.memory_space<vmem>>
        %dma_start3A_71 = arith.constant 0 : i32
        %dma_start3A_72 = arith.constant 0 : i32
        %dma_start3A_73 = tpu.memref_slice %arg11[%dma_start3A_71, %dma_start3A_72] : memref<10240x128xf32, #tpu.memory_space<vmem_shared>> -> memref<10240x128xf32, #tpu.memory_space<vmem_shared>>
        tpu.enqueue_indirect_dma source(%arg9 : memref<128x128xf32, #tpu.memory_space<vmem>>) target(%dma_start3A_73 : memref<10240x128xf32, #tpu.memory_space<vmem_shared>>) offsets(%dma_start3A_70 : memref<128xi32, #tpu.memory_space<vmem>>) semaphore(%run_scoped3A_67 : memref<!tpu.dma_semaphore, #tpu.memory_space<semaphore_mem>>) {add = true}
        %dma_wait3A_74 = arith.constant 0 : i32
        %dma_wait3A_75 = tpu.memref_slice %arg7[%run_scoped3A_65, %dma_wait3A_74] : memref<16x128xi32, #tpu.memory_space<vmem>> -> memref<1x128xi32, #tpu.memory_space<vmem>>
        %dma_wait3A_76 = tpu.memref_squeeze %dma_wait3A_75 : memref<1x128xi32, #tpu.memory_space<vmem>> -> memref<128xi32, #tpu.memory_space<vmem>>
        %dma_wait3A_77 = arith.constant 0 : i32
        %dma_wait3A_78 = arith.constant 0 : i32
        %dma_wait3A_79 = tpu.memref_slice %arg11[%dma_wait3A_77, %dma_wait3A_78] : memref<10240x128xf32, #tpu.memory_space<vmem_shared>> -> memref<10240x128xf32, #tpu.memory_space<vmem_shared>>
        tpu.wait_indirect_dma semaphore(%run_scoped3A_67 : memref<!tpu.dma_semaphore, #tpu.memory_space<semaphore_mem>>) src(%arg9 : memref<128x128xf32, #tpu.memory_space<vmem>>) dst(%dma_wait3A_79 : memref<10240x128xf32, #tpu.memory_space<vmem_shared>>)
        tpu.yield
      }) : () -> ()
      %scan3A_66 = arith.constant 0 : i32
      scf.yield %scan3A_66 : i32
    }
    %scan3A_20 = arith.constant 10 : i32
    %barrier3A_21 = arith.constant 0 : index
    tpu.barrier barrier_id(%barrier3A_21)
    %mul3A_22 = arith.constant 640 : i32
    %mul3A_23 = arith.muli %arg1, %mul3A_22 : i32
    %mul3A_24 = arith.constant 640 : i32
    %mul3A_25 = arith.muli %arg1, %mul3A_24 : i32
    "tpu.region"() ({
      %run_scoped3A = tpu.sem_alloc : memref<!tpu.dma_semaphore, #tpu.memory_space<semaphore_mem>>
      %dma_start3A = arith.constant 0 : i32
      %dma_start3A_26 = tpu.memref_slice %arg5[%arg0, %mul3A_25, %dma_start3A] : memref<2x10240x128xf32, #tpu.memory_space<hbm>> -> memref<1x640x128xf32, #tpu.memory_space<hbm>>
      %dma_start3A_27 = tpu.memref_squeeze %dma_start3A_26 : memref<1x640x128xf32, #tpu.memory_space<hbm>> -> memref<640x128xf32, #tpu.memory_space<hbm>>
      %dma_start3A_28 = arith.constant 0 : i32
      %dma_start3A_29 = tpu.memref_slice %arg11[%mul3A_23, %dma_start3A_28] : memref<10240x128xf32, #tpu.memory_space<vmem_shared>> -> memref<640x128xf32, #tpu.memory_space<vmem_shared>>
      tpu.enqueue_dma source(%dma_start3A_29 : memref<640x128xf32, #tpu.memory_space<vmem_shared>>) target(%dma_start3A_27 : memref<640x128xf32, #tpu.memory_space<hbm>>) target_semaphore(%run_scoped3A : memref<!tpu.dma_semaphore, #tpu.memory_space<semaphore_mem>>)
      %dma_wait3A = arith.constant 0 : i32
      %dma_wait3A_30 = tpu.memref_slice %arg5[%arg0, %mul3A_25, %dma_wait3A] : memref<2x10240x128xf32, #tpu.memory_space<hbm>> -> memref<1x640x128xf32, #tpu.memory_space<hbm>>
      %dma_wait3A_31 = tpu.memref_squeeze %dma_wait3A_30 : memref<1x640x128xf32, #tpu.memory_space<hbm>> -> memref<640x128xf32, #tpu.memory_space<hbm>>
      %dma_wait3A_32 = arith.constant 0 : i32
      %dma_wait3A_33 = tpu.memref_slice %arg11[%mul3A_23, %dma_wait3A_32] : memref<10240x128xf32, #tpu.memory_space<vmem_shared>> -> memref<640x128xf32, #tpu.memory_space<vmem_shared>>
      tpu.wait_dma2 semaphore(%run_scoped3A : memref<!tpu.dma_semaphore, #tpu.memory_space<semaphore_mem>>) src(%dma_wait3A_33 : memref<640x128xf32, #tpu.memory_space<vmem_shared>>) dst(%dma_wait3A_31 : memref<640x128xf32, #tpu.memory_space<hbm>>)
      tpu.yield
    }) : () -> ()
    return
  }
}

#map = affine_map<(d0, d1) -> (0, 0, 0)>
#map1 = affine_map<(d0, d1) -> (0, 0)>
module attributes {stable_mosaic.version = 14 : i64} {
  func.func @_deg_body(%arg0: i32, %arg1: i32, %arg2: memref<32x160x128xi32, #tpu.memory_space<hbm>>, %arg3: memref<2x10240xf32, #tpu.memory_space<hbm>>, %arg4: memref<160x128xi32, #tpu.memory_space<vmem>>, %arg5: memref<10240xf32, #tpu.memory_space<vmem>>, %arg6: memref<16x640xf32, #tpu.memory_space<vmem>>, %arg7: memref<16x10240xf32, #tpu.memory_space<vmem_shared>>, %arg8: memref<!tpu.dma_semaphore, #tpu.memory_space<semaphore_mem>>) attributes {dimension_semantics = [#tpu.dimension_semantics<core_parallel>, #tpu.dimension_semantics<subcore_parallel>], iteration_bounds = array<i64: 2, 16>, scalar_prefetch = 0 : i64, scratch_operands = 5 : i64, tpu.core_type = #tpu.core_type<sc_vector_subcore>, window_params = [{transform_indices = #map}, {transform_indices = #map1}]} {
    %mul3A = arith.constant 2 : i32
    %mul3A_0 = arith.muli %arg1, %mul3A : i32
    %add3A = arith.addi %mul3A_0, %arg0 : i32
    %dma_start3A = arith.constant 0 : i32
    %dma_start3A_1 = arith.constant 0 : i32
    %dma_start3A_2 = tpu.memref_slice %arg2[%add3A, %dma_start3A, %dma_start3A_1] : memref<32x160x128xi32, #tpu.memory_space<hbm>> -> memref<1x160x128xi32, #tpu.memory_space<hbm>>
    %dma_start3A_3 = tpu.memref_squeeze %dma_start3A_2 : memref<1x160x128xi32, #tpu.memory_space<hbm>> -> memref<160x128xi32, #tpu.memory_space<hbm>>
    %dma_start3A_4 = arith.constant 0 : i32
    %dma_start3A_5 = arith.constant 0 : i32
    %dma_start3A_6 = tpu.memref_slice %arg2[%add3A, %dma_start3A_4, %dma_start3A_5] : memref<32x160x128xi32, #tpu.memory_space<hbm>> -> memref<1x160x128xi32, #tpu.memory_space<hbm>>
    %dma_start3A_7 = tpu.memref_squeeze %dma_start3A_6 : memref<1x160x128xi32, #tpu.memory_space<hbm>> -> memref<160x128xi32, #tpu.memory_space<hbm>>
    tpu.enqueue_dma source(%dma_start3A_7 : memref<160x128xi32, #tpu.memory_space<hbm>>) target(%arg4 : memref<160x128xi32, #tpu.memory_space<vmem>>) target_semaphore(%arg8 : memref<!tpu.dma_semaphore, #tpu.memory_space<semaphore_mem>>)
    %scan3A = arith.constant 0 : i32
    %scan3A_8 = arith.constant 0 : i32
    %scan3A_9 = arith.constant 640 : i32
    %scan3A_10 = arith.addi %scan3A_8, %scan3A_9 : i32
    %scan3A_11 = arith.constant 1 : i32
    %scan3A_12 = scf.for %scan3A_101 = %scan3A_8 to %scan3A_10 step %scan3A_11 iter_args(%scan3A_102 = %scan3A) -> (i32)  : i32 {
      %broadcast_in_dim3A_103 = arith.constant 0.000000e+00 : f32
      %broadcast_in_dim3A_104 = vector.broadcast %broadcast_in_dim3A_103 : f32 to vector<16xf32>
      %mul3A_105 = arith.constant 16 : i32
      %mul3A_106 = arith.muli %scan3A_101, %mul3A_105 : i32
      %swap3A = arith.index_cast %mul3A_106 : i32 to index
      %swap3A_107 = tpu.vector_load %arg5[%swap3A] {strides = array<i32>} : memref<10240xf32, #tpu.memory_space<vmem>>, vector<16xf32>,
      tpu.vector_store %arg5[%swap3A], %broadcast_in_dim3A_104 {strides = array<i32>} : memref<10240xf32, #tpu.memory_space<vmem>>, vector<16xf32>,
      %scan3A_108 = arith.constant 0 : i32
      scf.yield %scan3A_108 : i32
    }
    %scan3A_13 = arith.constant 640 : i32
    %dma_wait3A = arith.constant 0 : i32
    %dma_wait3A_14 = arith.constant 0 : i32
    %dma_wait3A_15 = tpu.memref_slice %arg2[%add3A, %dma_wait3A, %dma_wait3A_14] : memref<32x160x128xi32, #tpu.memory_space<hbm>> -> memref<1x160x128xi32, #tpu.memory_space<hbm>>
    %dma_wait3A_16 = tpu.memref_squeeze %dma_wait3A_15 : memref<1x160x128xi32, #tpu.memory_space<hbm>> -> memref<160x128xi32, #tpu.memory_space<hbm>>
    %dma_wait3A_17 = arith.constant 0 : i32
    %dma_wait3A_18 = arith.constant 0 : i32
    %dma_wait3A_19 = tpu.memref_slice %arg2[%add3A, %dma_wait3A_17, %dma_wait3A_18] : memref<32x160x128xi32, #tpu.memory_space<hbm>> -> memref<1x160x128xi32, #tpu.memory_space<hbm>>
    %dma_wait3A_20 = tpu.memref_squeeze %dma_wait3A_19 : memref<1x160x128xi32, #tpu.memory_space<hbm>> -> memref<160x128xi32, #tpu.memory_space<hbm>>
    tpu.wait_dma2 semaphore(%arg8 : memref<!tpu.dma_semaphore, #tpu.memory_space<semaphore_mem>>) src(%dma_wait3A_20 : memref<160x128xi32, #tpu.memory_space<hbm>>) dst(%arg4 : memref<160x128xi32, #tpu.memory_space<vmem>>)
    %broadcast_in_dim3A = arith.constant 1.000000e+00 : f32
    %broadcast_in_dim3A_21 = vector.broadcast %broadcast_in_dim3A : f32 to vector<16xf32>
    %scan3A_22 = arith.constant 0 : i32
    %scan3A_23 = arith.constant 0 : i32
    %scan3A_24 = arith.constant 160 : i32
    %scan3A_25 = arith.addi %scan3A_23, %scan3A_24 : i32
    %scan3A_26 = arith.constant 1 : i32
    %scan3A_27 = scf.for %scan3A_101 = %scan3A_23 to %scan3A_25 step %scan3A_26 iter_args(%scan3A_102 = %scan3A_22) -> (i32)  : i32 {
      %get3A = arith.index_cast %scan3A_101 : i32 to index
      %get3A_103 = arith.constant 0 : index
      %get3A_104 = tpu.vector_load %arg4[%get3A, %get3A_103] {strides = array<i32>} : memref<160x128xi32, #tpu.memory_space<vmem>>, vector<16xi32>,
      tpu.vector_store_idx %arg5[%get3A_104], %broadcast_in_dim3A_21 {add = true} : memref<10240xf32, #tpu.memory_space<vmem>>[vector<16xi32>], vector<16xf32>,
      %get3A_105 = arith.index_cast %scan3A_101 : i32 to index
      %get3A_106 = arith.constant 16 : index
      %get3A_107 = tpu.vector_load %arg4[%get3A_105, %get3A_106] {strides = array<i32>} : memref<160x128xi32, #tpu.memory_space<vmem>>, vector<16xi32>,
      tpu.vector_store_idx %arg5[%get3A_107], %broadcast_in_dim3A_21 {add = true} : memref<10240xf32, #tpu.memory_space<vmem>>[vector<16xi32>], vector<16xf32>,
      %get3A_108 = arith.index_cast %scan3A_101 : i32 to index
      %get3A_109 = arith.constant 32 : index
      %get3A_110 = tpu.vector_load %arg4[%get3A_108, %get3A_109] {strides = array<i32>} : memref<160x128xi32, #tpu.memory_space<vmem>>, vector<16xi32>,
      tpu.vector_store_idx %arg5[%get3A_110], %broadcast_in_dim3A_21 {add = true} : memref<10240xf32, #tpu.memory_space<vmem>>[vector<16xi32>], vector<16xf32>,
      %get3A_111 = arith.index_cast %scan3A_101 : i32 to index
      %get3A_112 = arith.constant 48 : index
      %get3A_113 = tpu.vector_load %arg4[%get3A_111, %get3A_112] {strides = array<i32>} : memref<160x128xi32, #tpu.memory_space<vmem>>, vector<16xi32>,
      tpu.vector_store_idx %arg5[%get3A_113], %broadcast_in_dim3A_21 {add = true} : memref<10240xf32, #tpu.memory_space<vmem>>[vector<16xi32>], vector<16xf32>,
      %get3A_114 = arith.index_cast %scan3A_101 : i32 to index
      %get3A_115 = arith.constant 64 : index
      %get3A_116 = tpu.vector_load %arg4[%get3A_114, %get3A_115] {strides = array<i32>} : memref<160x128xi32, #tpu.memory_space<vmem>>, vector<16xi32>,
      tpu.vector_store_idx %arg5[%get3A_116], %broadcast_in_dim3A_21 {add = true} : memref<10240xf32, #tpu.memory_space<vmem>>[vector<16xi32>], vector<16xf32>,
      %get3A_117 = arith.index_cast %scan3A_101 : i32 to index
      %get3A_118 = arith.constant 80 : index
      %get3A_119 = tpu.vector_load %arg4[%get3A_117, %get3A_118] {strides = array<i32>} : memref<160x128xi32, #tpu.memory_space<vmem>>, vector<16xi32>,
      tpu.vector_store_idx %arg5[%get3A_119], %broadcast_in_dim3A_21 {add = true} : memref<10240xf32, #tpu.memory_space<vmem>>[vector<16xi32>], vector<16xf32>,
      %get3A_120 = arith.index_cast %scan3A_101 : i32 to index
      %get3A_121 = arith.constant 96 : index
      %get3A_122 = tpu.vector_load %arg4[%get3A_120, %get3A_121] {strides = array<i32>} : memref<160x128xi32, #tpu.memory_space<vmem>>, vector<16xi32>,
      tpu.vector_store_idx %arg5[%get3A_122], %broadcast_in_dim3A_21 {add = true} : memref<10240xf32, #tpu.memory_space<vmem>>[vector<16xi32>], vector<16xf32>,
      %get3A_123 = arith.index_cast %scan3A_101 : i32 to index
      %get3A_124 = arith.constant 112 : index
      %get3A_125 = tpu.vector_load %arg4[%get3A_123, %get3A_124] {strides = array<i32>} : memref<160x128xi32, #tpu.memory_space<vmem>>, vector<16xi32>,
      tpu.vector_store_idx %arg5[%get3A_125], %broadcast_in_dim3A_21 {add = true} : memref<10240xf32, #tpu.memory_space<vmem>>[vector<16xi32>], vector<16xf32>,
      %scan3A_126 = arith.constant 0 : i32
      scf.yield %scan3A_126 : i32
    }
    %scan3A_28 = arith.constant 160 : i32
    "tpu.region"() ({
      %run_scoped3A_101 = tpu.sem_alloc : memref<!tpu.dma_semaphore, #tpu.memory_space<semaphore_mem>>
      %dma_start3A_102 = arith.constant 0 : i32
      %dma_start3A_103 = tpu.memref_slice %arg7[%arg1, %dma_start3A_102] : memref<16x10240xf32, #tpu.memory_space<vmem_shared>> -> memref<1x10240xf32, #tpu.memory_space<vmem_shared>>
      %dma_start3A_104 = tpu.memref_squeeze %dma_start3A_103 : memref<1x10240xf32, #tpu.memory_space<vmem_shared>> -> memref<10240xf32, #tpu.memory_space<vmem_shared>>
      %dma_start3A_105 = arith.constant 0 : i32
      %dma_start3A_106 = tpu.memref_slice %arg7[%arg1, %dma_start3A_105] : memref<16x10240xf32, #tpu.memory_space<vmem_shared>> -> memref<1x10240xf32, #tpu.memory_space<vmem_shared>>
      %dma_start3A_107 = tpu.memref_squeeze %dma_start3A_106 : memref<1x10240xf32, #tpu.memory_space<vmem_shared>> -> memref<10240xf32, #tpu.memory_space<vmem_shared>>
      tpu.enqueue_dma source(%arg5 : memref<10240xf32, #tpu.memory_space<vmem>>) target(%dma_start3A_107 : memref<10240xf32, #tpu.memory_space<vmem_shared>>) target_semaphore(%run_scoped3A_101 : memref<!tpu.dma_semaphore, #tpu.memory_space<semaphore_mem>>)
      %dma_wait3A_108 = arith.constant 0 : i32
      %dma_wait3A_109 = tpu.memref_slice %arg7[%arg1, %dma_wait3A_108] : memref<16x10240xf32, #tpu.memory_space<vmem_shared>> -> memref<1x10240xf32, #tpu.memory_space<vmem_shared>>
      %dma_wait3A_110 = tpu.memref_squeeze %dma_wait3A_109 : memref<1x10240xf32, #tpu.memory_space<vmem_shared>> -> memref<10240xf32, #tpu.memory_space<vmem_shared>>
      %dma_wait3A_111 = arith.constant 0 : i32
      %dma_wait3A_112 = tpu.memref_slice %arg7[%arg1, %dma_wait3A_111] : memref<16x10240xf32, #tpu.memory_space<vmem_shared>> -> memref<1x10240xf32, #tpu.memory_space<vmem_shared>>
      %dma_wait3A_113 = tpu.memref_squeeze %dma_wait3A_112 : memref<1x10240xf32, #tpu.memory_space<vmem_shared>> -> memref<10240xf32, #tpu.memory_space<vmem_shared>>
      tpu.wait_dma2 semaphore(%run_scoped3A_101 : memref<!tpu.dma_semaphore, #tpu.memory_space<semaphore_mem>>) src(%arg5 : memref<10240xf32, #tpu.memory_space<vmem>>) dst(%dma_wait3A_113 : memref<10240xf32, #tpu.memory_space<vmem_shared>>)
      tpu.yield
    }) : () -> ()
    %barrier3A = arith.constant 0 : index
    tpu.barrier barrier_id(%barrier3A)
    %mul3A_29 = arith.constant 640 : i32
    %mul3A_30 = arith.muli %arg1, %mul3A_29 : i32
    %run_scoped3A = arith.constant 0 : i32
    %run_scoped3A_31 = arith.constant 0 : i32
    "tpu.region"() ({
      %run_scoped3A_101 = tpu.sem_alloc : memref<!tpu.dma_semaphore, #tpu.memory_space<semaphore_mem>>
      %dma_start3A_102 = arith.constant 0 : i32
      %dma_start3A_103 = tpu.memref_slice %arg6[%run_scoped3A_31, %dma_start3A_102] : memref<16x640xf32, #tpu.memory_space<vmem>> -> memref<1x640xf32, #tpu.memory_space<vmem>>
      %dma_start3A_104 = tpu.memref_squeeze %dma_start3A_103 : memref<1x640xf32, #tpu.memory_space<vmem>> -> memref<640xf32, #tpu.memory_space<vmem>>
      %dma_start3A_105 = tpu.memref_slice %arg7[%run_scoped3A, %mul3A_30] : memref<16x10240xf32, #tpu.memory_space<vmem_shared>> -> memref<1x640xf32, #tpu.memory_space<vmem_shared>>
      %dma_start3A_106 = tpu.memref_squeeze %dma_start3A_105 : memref<1x640xf32, #tpu.memory_space<vmem_shared>> -> memref<640xf32, #tpu.memory_space<vmem_shared>>
      %dma_start3A_107 = arith.constant 0 : i32
      %dma_start3A_108 = tpu.memref_slice %arg6[%run_scoped3A_31, %dma_start3A_107] : memref<16x640xf32, #tpu.memory_space<vmem>> -> memref<1x640xf32, #tpu.memory_space<vmem>>
      %dma_start3A_109 = tpu.memref_squeeze %dma_start3A_108 : memref<1x640xf32, #tpu.memory_space<vmem>> -> memref<640xf32, #tpu.memory_space<vmem>>
      %dma_start3A_110 = tpu.memref_slice %arg7[%run_scoped3A, %mul3A_30] : memref<16x10240xf32, #tpu.memory_space<vmem_shared>> -> memref<1x640xf32, #tpu.memory_space<vmem_shared>>
      %dma_start3A_111 = tpu.memref_squeeze %dma_start3A_110 : memref<1x640xf32, #tpu.memory_space<vmem_shared>> -> memref<640xf32, #tpu.memory_space<vmem_shared>>
      tpu.enqueue_dma source(%dma_start3A_111 : memref<640xf32, #tpu.memory_space<vmem_shared>>) target(%dma_start3A_109 : memref<640xf32, #tpu.memory_space<vmem>>) target_semaphore(%run_scoped3A_101 : memref<!tpu.dma_semaphore, #tpu.memory_space<semaphore_mem>>)
      %dma_wait3A_112 = arith.constant 0 : i32
      %dma_wait3A_113 = tpu.memref_slice %arg6[%run_scoped3A_31, %dma_wait3A_112] : memref<16x640xf32, #tpu.memory_space<vmem>> -> memref<1x640xf32, #tpu.memory_space<vmem>>
      %dma_wait3A_114 = tpu.memref_squeeze %dma_wait3A_113 : memref<1x640xf32, #tpu.memory_space<vmem>> -> memref<640xf32, #tpu.memory_space<vmem>>
      %dma_wait3A_115 = tpu.memref_slice %arg7[%run_scoped3A, %mul3A_30] : memref<16x10240xf32, #tpu.memory_space<vmem_shared>> -> memref<1x640xf32, #tpu.memory_space<vmem_shared>>
      %dma_wait3A_116 = tpu.memref_squeeze %dma_wait3A_115 : memref<1x640xf32, #tpu.memory_space<vmem_shared>> -> memref<640xf32, #tpu.memory_space<vmem_shared>>
      %dma_wait3A_117 = arith.constant 0 : i32
      %dma_wait3A_118 = tpu.memref_slice %arg6[%run_scoped3A_31, %dma_wait3A_117] : memref<16x640xf32, #tpu.memory_space<vmem>> -> memref<1x640xf32, #tpu.memory_space<vmem>>
      %dma_wait3A_119 = tpu.memref_squeeze %dma_wait3A_118 : memref<1x640xf32, #tpu.memory_space<vmem>> -> memref<640xf32, #tpu.memory_space<vmem>>
      %dma_wait3A_120 = tpu.memref_slice %arg7[%run_scoped3A, %mul3A_30] : memref<16x10240xf32, #tpu.memory_space<vmem_shared>> -> memref<1x640xf32, #tpu.memory_space<vmem_shared>>
      %dma_wait3A_121 = tpu.memref_squeeze %dma_wait3A_120 : memref<1x640xf32, #tpu.memory_space<vmem_shared>> -> memref<640xf32, #tpu.memory_space<vmem_shared>>
      tpu.wait_dma2 semaphore(%run_scoped3A_101 : memref<!tpu.dma_semaphore, #tpu.memory_space<semaphore_mem>>) src(%dma_wait3A_121 : memref<640xf32, #tpu.memory_space<vmem_shared>>) dst(%dma_wait3A_119 : memref<640xf32, #tpu.memory_space<vmem>>)
      tpu.yield
    }) : () -> ()
    %mul3A_32 = arith.constant 640 : i32
    %mul3A_33 = arith.muli %arg1, %mul3A_32 : i32
    %run_scoped3A_34 = arith.constant 1 : i32
    %run_scoped3A_35 = arith.constant 1 : i32
    "tpu.region"() ({
      %run_scoped3A_101 = tpu.sem_alloc : memref<!tpu.dma_semaphore, #tpu.memory_space<semaphore_mem>>
      %dma_start3A_102 = arith.constant 0 : i32
      %dma_start3A_103 = tpu.memref_slice %arg6[%run_scoped3A_35, %dma_start3A_102] : memref<16x640xf32, #tpu.memory_space<vmem>> -> memref<1x640xf32, #tpu.memory_space<vmem>>
      %dma_start3A_104 = tpu.memref_squeeze %dma_start3A_103 : memref<1x640xf32, #tpu.memory_space<vmem>> -> memref<640xf32, #tpu.memory_space<vmem>>
      %dma_start3A_105 = tpu.memref_slice %arg7[%run_scoped3A_34, %mul3A_33] : memref<16x10240xf32, #tpu.memory_space<vmem_shared>> -> memref<1x640xf32, #tpu.memory_space<vmem_shared>>
      %dma_start3A_106 = tpu.memref_squeeze %dma_start3A_105 : memref<1x640xf32, #tpu.memory_space<vmem_shared>> -> memref<640xf32, #tpu.memory_space<vmem_shared>>
      %dma_start3A_107 = arith.constant 0 : i32
      %dma_start3A_108 = tpu.memref_slice %arg6[%run_scoped3A_35, %dma_start3A_107] : memref<16x640xf32, #tpu.memory_space<vmem>> -> memref<1x640xf32, #tpu.memory_space<vmem>>
      %dma_start3A_109 = tpu.memref_squeeze %dma_start3A_108 : memref<1x640xf32, #tpu.memory_space<vmem>> -> memref<640xf32, #tpu.memory_space<vmem>>
      %dma_start3A_110 = tpu.memref_slice %arg7[%run_scoped3A_34, %mul3A_33] : memref<16x10240xf32, #tpu.memory_space<vmem_shared>> -> memref<1x640xf32, #tpu.memory_space<vmem_shared>>
      %dma_start3A_111 = tpu.memref_squeeze %dma_start3A_110 : memref<1x640xf32, #tpu.memory_space<vmem_shared>> -> memref<640xf32, #tpu.memory_space<vmem_shared>>
      tpu.enqueue_dma source(%dma_start3A_111 : memref<640xf32, #tpu.memory_space<vmem_shared>>) target(%dma_start3A_109 : memref<640xf32, #tpu.memory_space<vmem>>) target_semaphore(%run_scoped3A_101 : memref<!tpu.dma_semaphore, #tpu.memory_space<semaphore_mem>>)
      %dma_wait3A_112 = arith.constant 0 : i32
      %dma_wait3A_113 = tpu.memref_slice %arg6[%run_scoped3A_35, %dma_wait3A_112] : memref<16x640xf32, #tpu.memory_space<vmem>> -> memref<1x640xf32, #tpu.memory_space<vmem>>
      %dma_wait3A_114 = tpu.memref_squeeze %dma_wait3A_113 : memref<1x640xf32, #tpu.memory_space<vmem>> -> memref<640xf32, #tpu.memory_space<vmem>>
      %dma_wait3A_115 = tpu.memref_slice %arg7[%run_scoped3A_34, %mul3A_33] : memref<16x10240xf32, #tpu.memory_space<vmem_shared>> -> memref<1x640xf32, #tpu.memory_space<vmem_shared>>
      %dma_wait3A_116 = tpu.memref_squeeze %dma_wait3A_115 : memref<1x640xf32, #tpu.memory_space<vmem_shared>> -> memref<640xf32, #tpu.memory_space<vmem_shared>>
      %dma_wait3A_117 = arith.constant 0 : i32
      %dma_wait3A_118 = tpu.memref_slice %arg6[%run_scoped3A_35, %dma_wait3A_117] : memref<16x640xf32, #tpu.memory_space<vmem>> -> memref<1x640xf32, #tpu.memory_space<vmem>>
      %dma_wait3A_119 = tpu.memref_squeeze %dma_wait3A_118 : memref<1x640xf32, #tpu.memory_space<vmem>> -> memref<640xf32, #tpu.memory_space<vmem>>
      %dma_wait3A_120 = tpu.memref_slice %arg7[%run_scoped3A_34, %mul3A_33] : memref<16x10240xf32, #tpu.memory_space<vmem_shared>> -> memref<1x640xf32, #tpu.memory_space<vmem_shared>>
      %dma_wait3A_121 = tpu.memref_squeeze %dma_wait3A_120 : memref<1x640xf32, #tpu.memory_space<vmem_shared>> -> memref<640xf32, #tpu.memory_space<vmem_shared>>
      tpu.wait_dma2 semaphore(%run_scoped3A_101 : memref<!tpu.dma_semaphore, #tpu.memory_space<semaphore_mem>>) src(%dma_wait3A_121 : memref<640xf32, #tpu.memory_space<vmem_shared>>) dst(%dma_wait3A_119 : memref<640xf32, #tpu.memory_space<vmem>>)
      tpu.yield
    }) : () -> ()
    %mul3A_36 = arith.constant 640 : i32
    %mul3A_37 = arith.muli %arg1, %mul3A_36 : i32
    %run_scoped3A_38 = arith.constant 2 : i32
    %run_scoped3A_39 = arith.constant 2 : i32
    "tpu.region"() ({
      %run_scoped3A_101 = tpu.sem_alloc : memref<!tpu.dma_semaphore, #tpu.memory_space<semaphore_mem>>
      %dma_start3A_102 = arith.constant 0 : i32
      %dma_start3A_103 = tpu.memref_slice %arg6[%run_scoped3A_39, %dma_start3A_102] : memref<16x640xf32, #tpu.memory_space<vmem>> -> memref<1x640xf32, #tpu.memory_space<vmem>>
      %dma_start3A_104 = tpu.memref_squeeze %dma_start3A_103 : memref<1x640xf32, #tpu.memory_space<vmem>> -> memref<640xf32, #tpu.memory_space<vmem>>
      %dma_start3A_105 = tpu.memref_slice %arg7[%run_scoped3A_38, %mul3A_37] : memref<16x10240xf32, #tpu.memory_space<vmem_shared>> -> memref<1x640xf32, #tpu.memory_space<vmem_shared>>
      %dma_start3A_106 = tpu.memref_squeeze %dma_start3A_105 : memref<1x640xf32, #tpu.memory_space<vmem_shared>> -> memref<640xf32, #tpu.memory_space<vmem_shared>>
      %dma_start3A_107 = arith.constant 0 : i32
      %dma_start3A_108 = tpu.memref_slice %arg6[%run_scoped3A_39, %dma_start3A_107] : memref<16x640xf32, #tpu.memory_space<vmem>> -> memref<1x640xf32, #tpu.memory_space<vmem>>
      %dma_start3A_109 = tpu.memref_squeeze %dma_start3A_108 : memref<1x640xf32, #tpu.memory_space<vmem>> -> memref<640xf32, #tpu.memory_space<vmem>>
      %dma_start3A_110 = tpu.memref_slice %arg7[%run_scoped3A_38, %mul3A_37] : memref<16x10240xf32, #tpu.memory_space<vmem_shared>> -> memref<1x640xf32, #tpu.memory_space<vmem_shared>>
      %dma_start3A_111 = tpu.memref_squeeze %dma_start3A_110 : memref<1x640xf32, #tpu.memory_space<vmem_shared>> -> memref<640xf32, #tpu.memory_space<vmem_shared>>
      tpu.enqueue_dma source(%dma_start3A_111 : memref<640xf32, #tpu.memory_space<vmem_shared>>) target(%dma_start3A_109 : memref<640xf32, #tpu.memory_space<vmem>>) target_semaphore(%run_scoped3A_101 : memref<!tpu.dma_semaphore, #tpu.memory_space<semaphore_mem>>)
      %dma_wait3A_112 = arith.constant 0 : i32
      %dma_wait3A_113 = tpu.memref_slice %arg6[%run_scoped3A_39, %dma_wait3A_112] : memref<16x640xf32, #tpu.memory_space<vmem>> -> memref<1x640xf32, #tpu.memory_space<vmem>>
      %dma_wait3A_114 = tpu.memref_squeeze %dma_wait3A_113 : memref<1x640xf32, #tpu.memory_space<vmem>> -> memref<640xf32, #tpu.memory_space<vmem>>
      %dma_wait3A_115 = tpu.memref_slice %arg7[%run_scoped3A_38, %mul3A_37] : memref<16x10240xf32, #tpu.memory_space<vmem_shared>> -> memref<1x640xf32, #tpu.memory_space<vmem_shared>>
      %dma_wait3A_116 = tpu.memref_squeeze %dma_wait3A_115 : memref<1x640xf32, #tpu.memory_space<vmem_shared>> -> memref<640xf32, #tpu.memory_space<vmem_shared>>
      %dma_wait3A_117 = arith.constant 0 : i32
      %dma_wait3A_118 = tpu.memref_slice %arg6[%run_scoped3A_39, %dma_wait3A_117] : memref<16x640xf32, #tpu.memory_space<vmem>> -> memref<1x640xf32, #tpu.memory_space<vmem>>
      %dma_wait3A_119 = tpu.memref_squeeze %dma_wait3A_118 : memref<1x640xf32, #tpu.memory_space<vmem>> -> memref<640xf32, #tpu.memory_space<vmem>>
      %dma_wait3A_120 = tpu.memref_slice %arg7[%run_scoped3A_38, %mul3A_37] : memref<16x10240xf32, #tpu.memory_space<vmem_shared>> -> memref<1x640xf32, #tpu.memory_space<vmem_shared>>
      %dma_wait3A_121 = tpu.memref_squeeze %dma_wait3A_120 : memref<1x640xf32, #tpu.memory_space<vmem_shared>> -> memref<640xf32, #tpu.memory_space<vmem_shared>>
      tpu.wait_dma2 semaphore(%run_scoped3A_101 : memref<!tpu.dma_semaphore, #tpu.memory_space<semaphore_mem>>) src(%dma_wait3A_121 : memref<640xf32, #tpu.memory_space<vmem_shared>>) dst(%dma_wait3A_119 : memref<640xf32, #tpu.memory_space<vmem>>)
      tpu.yield
    }) : () -> ()
    %mul3A_40 = arith.constant 640 : i32
    %mul3A_41 = arith.muli %arg1, %mul3A_40 : i32
    %run_scoped3A_42 = arith.constant 3 : i32
    %run_scoped3A_43 = arith.constant 3 : i32
    "tpu.region"() ({
      %run_scoped3A_101 = tpu.sem_alloc : memref<!tpu.dma_semaphore, #tpu.memory_space<semaphore_mem>>
      %dma_start3A_102 = arith.constant 0 : i32
      %dma_start3A_103 = tpu.memref_slice %arg6[%run_scoped3A_43, %dma_start3A_102] : memref<16x640xf32, #tpu.memory_space<vmem>> -> memref<1x640xf32, #tpu.memory_space<vmem>>
      %dma_start3A_104 = tpu.memref_squeeze %dma_start3A_103 : memref<1x640xf32, #tpu.memory_space<vmem>> -> memref<640xf32, #tpu.memory_space<vmem>>
      %dma_start3A_105 = tpu.memref_slice %arg7[%run_scoped3A_42, %mul3A_41] : memref<16x10240xf32, #tpu.memory_space<vmem_shared>> -> memref<1x640xf32, #tpu.memory_space<vmem_shared>>
      %dma_start3A_106 = tpu.memref_squeeze %dma_start3A_105 : memref<1x640xf32, #tpu.memory_space<vmem_shared>> -> memref<640xf32, #tpu.memory_space<vmem_shared>>
      %dma_start3A_107 = arith.constant 0 : i32
      %dma_start3A_108 = tpu.memref_slice %arg6[%run_scoped3A_43, %dma_start3A_107] : memref<16x640xf32, #tpu.memory_space<vmem>> -> memref<1x640xf32, #tpu.memory_space<vmem>>
      %dma_start3A_109 = tpu.memref_squeeze %dma_start3A_108 : memref<1x640xf32, #tpu.memory_space<vmem>> -> memref<640xf32, #tpu.memory_space<vmem>>
      %dma_start3A_110 = tpu.memref_slice %arg7[%run_scoped3A_42, %mul3A_41] : memref<16x10240xf32, #tpu.memory_space<vmem_shared>> -> memref<1x640xf32, #tpu.memory_space<vmem_shared>>
      %dma_start3A_111 = tpu.memref_squeeze %dma_start3A_110 : memref<1x640xf32, #tpu.memory_space<vmem_shared>> -> memref<640xf32, #tpu.memory_space<vmem_shared>>
      tpu.enqueue_dma source(%dma_start3A_111 : memref<640xf32, #tpu.memory_space<vmem_shared>>) target(%dma_start3A_109 : memref<640xf32, #tpu.memory_space<vmem>>) target_semaphore(%run_scoped3A_101 : memref<!tpu.dma_semaphore, #tpu.memory_space<semaphore_mem>>)
      %dma_wait3A_112 = arith.constant 0 : i32
      %dma_wait3A_113 = tpu.memref_slice %arg6[%run_scoped3A_43, %dma_wait3A_112] : memref<16x640xf32, #tpu.memory_space<vmem>> -> memref<1x640xf32, #tpu.memory_space<vmem>>
      %dma_wait3A_114 = tpu.memref_squeeze %dma_wait3A_113 : memref<1x640xf32, #tpu.memory_space<vmem>> -> memref<640xf32, #tpu.memory_space<vmem>>
      %dma_wait3A_115 = tpu.memref_slice %arg7[%run_scoped3A_42, %mul3A_41] : memref<16x10240xf32, #tpu.memory_space<vmem_shared>> -> memref<1x640xf32, #tpu.memory_space<vmem_shared>>
      %dma_wait3A_116 = tpu.memref_squeeze %dma_wait3A_115 : memref<1x640xf32, #tpu.memory_space<vmem_shared>> -> memref<640xf32, #tpu.memory_space<vmem_shared>>
      %dma_wait3A_117 = arith.constant 0 : i32
      %dma_wait3A_118 = tpu.memref_slice %arg6[%run_scoped3A_43, %dma_wait3A_117] : memref<16x640xf32, #tpu.memory_space<vmem>> -> memref<1x640xf32, #tpu.memory_space<vmem>>
      %dma_wait3A_119 = tpu.memref_squeeze %dma_wait3A_118 : memref<1x640xf32, #tpu.memory_space<vmem>> -> memref<640xf32, #tpu.memory_space<vmem>>
      %dma_wait3A_120 = tpu.memref_slice %arg7[%run_scoped3A_42, %mul3A_41] : memref<16x10240xf32, #tpu.memory_space<vmem_shared>> -> memref<1x640xf32, #tpu.memory_space<vmem_shared>>
      %dma_wait3A_121 = tpu.memref_squeeze %dma_wait3A_120 : memref<1x640xf32, #tpu.memory_space<vmem_shared>> -> memref<640xf32, #tpu.memory_space<vmem_shared>>
      tpu.wait_dma2 semaphore(%run_scoped3A_101 : memref<!tpu.dma_semaphore, #tpu.memory_space<semaphore_mem>>) src(%dma_wait3A_121 : memref<640xf32, #tpu.memory_space<vmem_shared>>) dst(%dma_wait3A_119 : memref<640xf32, #tpu.memory_space<vmem>>)
      tpu.yield
    }) : () -> ()
    %mul3A_44 = arith.constant 640 : i32
    %mul3A_45 = arith.muli %arg1, %mul3A_44 : i32
    %run_scoped3A_46 = arith.constant 4 : i32
    %run_scoped3A_47 = arith.constant 4 : i32
    "tpu.region"() ({
      %run_scoped3A_101 = tpu.sem_alloc : memref<!tpu.dma_semaphore, #tpu.memory_space<semaphore_mem>>
      %dma_start3A_102 = arith.constant 0 : i32
      %dma_start3A_103 = tpu.memref_slice %arg6[%run_scoped3A_47, %dma_start3A_102] : memref<16x640xf32, #tpu.memory_space<vmem>> -> memref<1x640xf32, #tpu.memory_space<vmem>>
      %dma_start3A_104 = tpu.memref_squeeze %dma_start3A_103 : memref<1x640xf32, #tpu.memory_space<vmem>> -> memref<640xf32, #tpu.memory_space<vmem>>
      %dma_start3A_105 = tpu.memref_slice %arg7[%run_scoped3A_46, %mul3A_45] : memref<16x10240xf32, #tpu.memory_space<vmem_shared>> -> memref<1x640xf32, #tpu.memory_space<vmem_shared>>
      %dma_start3A_106 = tpu.memref_squeeze %dma_start3A_105 : memref<1x640xf32, #tpu.memory_space<vmem_shared>> -> memref<640xf32, #tpu.memory_space<vmem_shared>>
      %dma_start3A_107 = arith.constant 0 : i32
      %dma_start3A_108 = tpu.memref_slice %arg6[%run_scoped3A_47, %dma_start3A_107] : memref<16x640xf32, #tpu.memory_space<vmem>> -> memref<1x640xf32, #tpu.memory_space<vmem>>
      %dma_start3A_109 = tpu.memref_squeeze %dma_start3A_108 : memref<1x640xf32, #tpu.memory_space<vmem>> -> memref<640xf32, #tpu.memory_space<vmem>>
      %dma_start3A_110 = tpu.memref_slice %arg7[%run_scoped3A_46, %mul3A_45] : memref<16x10240xf32, #tpu.memory_space<vmem_shared>> -> memref<1x640xf32, #tpu.memory_space<vmem_shared>>
      %dma_start3A_111 = tpu.memref_squeeze %dma_start3A_110 : memref<1x640xf32, #tpu.memory_space<vmem_shared>> -> memref<640xf32, #tpu.memory_space<vmem_shared>>
      tpu.enqueue_dma source(%dma_start3A_111 : memref<640xf32, #tpu.memory_space<vmem_shared>>) target(%dma_start3A_109 : memref<640xf32, #tpu.memory_space<vmem>>) target_semaphore(%run_scoped3A_101 : memref<!tpu.dma_semaphore, #tpu.memory_space<semaphore_mem>>)
      %dma_wait3A_112 = arith.constant 0 : i32
      %dma_wait3A_113 = tpu.memref_slice %arg6[%run_scoped3A_47, %dma_wait3A_112] : memref<16x640xf32, #tpu.memory_space<vmem>> -> memref<1x640xf32, #tpu.memory_space<vmem>>
      %dma_wait3A_114 = tpu.memref_squeeze %dma_wait3A_113 : memref<1x640xf32, #tpu.memory_space<vmem>> -> memref<640xf32, #tpu.memory_space<vmem>>
      %dma_wait3A_115 = tpu.memref_slice %arg7[%run_scoped3A_46, %mul3A_45] : memref<16x10240xf32, #tpu.memory_space<vmem_shared>> -> memref<1x640xf32, #tpu.memory_space<vmem_shared>>
      %dma_wait3A_116 = tpu.memref_squeeze %dma_wait3A_115 : memref<1x640xf32, #tpu.memory_space<vmem_shared>> -> memref<640xf32, #tpu.memory_space<vmem_shared>>
      %dma_wait3A_117 = arith.constant 0 : i32
      %dma_wait3A_118 = tpu.memref_slice %arg6[%run_scoped3A_47, %dma_wait3A_117] : memref<16x640xf32, #tpu.memory_space<vmem>> -> memref<1x640xf32, #tpu.memory_space<vmem>>
      %dma_wait3A_119 = tpu.memref_squeeze %dma_wait3A_118 : memref<1x640xf32, #tpu.memory_space<vmem>> -> memref<640xf32, #tpu.memory_space<vmem>>
      %dma_wait3A_120 = tpu.memref_slice %arg7[%run_scoped3A_46, %mul3A_45] : memref<16x10240xf32, #tpu.memory_space<vmem_shared>> -> memref<1x640xf32, #tpu.memory_space<vmem_shared>>
      %dma_wait3A_121 = tpu.memref_squeeze %dma_wait3A_120 : memref<1x640xf32, #tpu.memory_space<vmem_shared>> -> memref<640xf32, #tpu.memory_space<vmem_shared>>
      tpu.wait_dma2 semaphore(%run_scoped3A_101 : memref<!tpu.dma_semaphore, #tpu.memory_space<semaphore_mem>>) src(%dma_wait3A_121 : memref<640xf32, #tpu.memory_space<vmem_shared>>) dst(%dma_wait3A_119 : memref<640xf32, #tpu.memory_space<vmem>>)
      tpu.yield
    }) : () -> ()
    %mul3A_48 = arith.constant 640 : i32
    %mul3A_49 = arith.muli %arg1, %mul3A_48 : i32
    %run_scoped3A_50 = arith.constant 5 : i32
    %run_scoped3A_51 = arith.constant 5 : i32
    "tpu.region"() ({
      %run_scoped3A_101 = tpu.sem_alloc : memref<!tpu.dma_semaphore, #tpu.memory_space<semaphore_mem>>
      %dma_start3A_102 = arith.constant 0 : i32
      %dma_start3A_103 = tpu.memref_slice %arg6[%run_scoped3A_51, %dma_start3A_102] : memref<16x640xf32, #tpu.memory_space<vmem>> -> memref<1x640xf32, #tpu.memory_space<vmem>>
      %dma_start3A_104 = tpu.memref_squeeze %dma_start3A_103 : memref<1x640xf32, #tpu.memory_space<vmem>> -> memref<640xf32, #tpu.memory_space<vmem>>
      %dma_start3A_105 = tpu.memref_slice %arg7[%run_scoped3A_50, %mul3A_49] : memref<16x10240xf32, #tpu.memory_space<vmem_shared>> -> memref<1x640xf32, #tpu.memory_space<vmem_shared>>
      %dma_start3A_106 = tpu.memref_squeeze %dma_start3A_105 : memref<1x640xf32, #tpu.memory_space<vmem_shared>> -> memref<640xf32, #tpu.memory_space<vmem_shared>>
      %dma_start3A_107 = arith.constant 0 : i32
      %dma_start3A_108 = tpu.memref_slice %arg6[%run_scoped3A_51, %dma_start3A_107] : memref<16x640xf32, #tpu.memory_space<vmem>> -> memref<1x640xf32, #tpu.memory_space<vmem>>
      %dma_start3A_109 = tpu.memref_squeeze %dma_start3A_108 : memref<1x640xf32, #tpu.memory_space<vmem>> -> memref<640xf32, #tpu.memory_space<vmem>>
      %dma_start3A_110 = tpu.memref_slice %arg7[%run_scoped3A_50, %mul3A_49] : memref<16x10240xf32, #tpu.memory_space<vmem_shared>> -> memref<1x640xf32, #tpu.memory_space<vmem_shared>>
      %dma_start3A_111 = tpu.memref_squeeze %dma_start3A_110 : memref<1x640xf32, #tpu.memory_space<vmem_shared>> -> memref<640xf32, #tpu.memory_space<vmem_shared>>
      tpu.enqueue_dma source(%dma_start3A_111 : memref<640xf32, #tpu.memory_space<vmem_shared>>) target(%dma_start3A_109 : memref<640xf32, #tpu.memory_space<vmem>>) target_semaphore(%run_scoped3A_101 : memref<!tpu.dma_semaphore, #tpu.memory_space<semaphore_mem>>)
      %dma_wait3A_112 = arith.constant 0 : i32
      %dma_wait3A_113 = tpu.memref_slice %arg6[%run_scoped3A_51, %dma_wait3A_112] : memref<16x640xf32, #tpu.memory_space<vmem>> -> memref<1x640xf32, #tpu.memory_space<vmem>>
      %dma_wait3A_114 = tpu.memref_squeeze %dma_wait3A_113 : memref<1x640xf32, #tpu.memory_space<vmem>> -> memref<640xf32, #tpu.memory_space<vmem>>
      %dma_wait3A_115 = tpu.memref_slice %arg7[%run_scoped3A_50, %mul3A_49] : memref<16x10240xf32, #tpu.memory_space<vmem_shared>> -> memref<1x640xf32, #tpu.memory_space<vmem_shared>>
      %dma_wait3A_116 = tpu.memref_squeeze %dma_wait3A_115 : memref<1x640xf32, #tpu.memory_space<vmem_shared>> -> memref<640xf32, #tpu.memory_space<vmem_shared>>
      %dma_wait3A_117 = arith.constant 0 : i32
      %dma_wait3A_118 = tpu.memref_slice %arg6[%run_scoped3A_51, %dma_wait3A_117] : memref<16x640xf32, #tpu.memory_space<vmem>> -> memref<1x640xf32, #tpu.memory_space<vmem>>
      %dma_wait3A_119 = tpu.memref_squeeze %dma_wait3A_118 : memref<1x640xf32, #tpu.memory_space<vmem>> -> memref<640xf32, #tpu.memory_space<vmem>>
      %dma_wait3A_120 = tpu.memref_slice %arg7[%run_scoped3A_50, %mul3A_49] : memref<16x10240xf32, #tpu.memory_space<vmem_shared>> -> memref<1x640xf32, #tpu.memory_space<vmem_shared>>
      %dma_wait3A_121 = tpu.memref_squeeze %dma_wait3A_120 : memref<1x640xf32, #tpu.memory_space<vmem_shared>> -> memref<640xf32, #tpu.memory_space<vmem_shared>>
      tpu.wait_dma2 semaphore(%run_scoped3A_101 : memref<!tpu.dma_semaphore, #tpu.memory_space<semaphore_mem>>) src(%dma_wait3A_121 : memref<640xf32, #tpu.memory_space<vmem_shared>>) dst(%dma_wait3A_119 : memref<640xf32, #tpu.memory_space<vmem>>)
      tpu.yield
    }) : () -> ()
    %mul3A_52 = arith.constant 640 : i32
    %mul3A_53 = arith.muli %arg1, %mul3A_52 : i32
    %run_scoped3A_54 = arith.constant 6 : i32
    %run_scoped3A_55 = arith.constant 6 : i32
    "tpu.region"() ({
      %run_scoped3A_101 = tpu.sem_alloc : memref<!tpu.dma_semaphore, #tpu.memory_space<semaphore_mem>>
      %dma_start3A_102 = arith.constant 0 : i32
      %dma_start3A_103 = tpu.memref_slice %arg6[%run_scoped3A_55, %dma_start3A_102] : memref<16x640xf32, #tpu.memory_space<vmem>> -> memref<1x640xf32, #tpu.memory_space<vmem>>
      %dma_start3A_104 = tpu.memref_squeeze %dma_start3A_103 : memref<1x640xf32, #tpu.memory_space<vmem>> -> memref<640xf32, #tpu.memory_space<vmem>>
      %dma_start3A_105 = tpu.memref_slice %arg7[%run_scoped3A_54, %mul3A_53] : memref<16x10240xf32, #tpu.memory_space<vmem_shared>> -> memref<1x640xf32, #tpu.memory_space<vmem_shared>>
      %dma_start3A_106 = tpu.memref_squeeze %dma_start3A_105 : memref<1x640xf32, #tpu.memory_space<vmem_shared>> -> memref<640xf32, #tpu.memory_space<vmem_shared>>
      %dma_start3A_107 = arith.constant 0 : i32
      %dma_start3A_108 = tpu.memref_slice %arg6[%run_scoped3A_55, %dma_start3A_107] : memref<16x640xf32, #tpu.memory_space<vmem>> -> memref<1x640xf32, #tpu.memory_space<vmem>>
      %dma_start3A_109 = tpu.memref_squeeze %dma_start3A_108 : memref<1x640xf32, #tpu.memory_space<vmem>> -> memref<640xf32, #tpu.memory_space<vmem>>
      %dma_start3A_110 = tpu.memref_slice %arg7[%run_scoped3A_54, %mul3A_53] : memref<16x10240xf32, #tpu.memory_space<vmem_shared>> -> memref<1x640xf32, #tpu.memory_space<vmem_shared>>
      %dma_start3A_111 = tpu.memref_squeeze %dma_start3A_110 : memref<1x640xf32, #tpu.memory_space<vmem_shared>> -> memref<640xf32, #tpu.memory_space<vmem_shared>>
      tpu.enqueue_dma source(%dma_start3A_111 : memref<640xf32, #tpu.memory_space<vmem_shared>>) target(%dma_start3A_109 : memref<640xf32, #tpu.memory_space<vmem>>) target_semaphore(%run_scoped3A_101 : memref<!tpu.dma_semaphore, #tpu.memory_space<semaphore_mem>>)
      %dma_wait3A_112 = arith.constant 0 : i32
      %dma_wait3A_113 = tpu.memref_slice %arg6[%run_scoped3A_55, %dma_wait3A_112] : memref<16x640xf32, #tpu.memory_space<vmem>> -> memref<1x640xf32, #tpu.memory_space<vmem>>
      %dma_wait3A_114 = tpu.memref_squeeze %dma_wait3A_113 : memref<1x640xf32, #tpu.memory_space<vmem>> -> memref<640xf32, #tpu.memory_space<vmem>>
      %dma_wait3A_115 = tpu.memref_slice %arg7[%run_scoped3A_54, %mul3A_53] : memref<16x10240xf32, #tpu.memory_space<vmem_shared>> -> memref<1x640xf32, #tpu.memory_space<vmem_shared>>
      %dma_wait3A_116 = tpu.memref_squeeze %dma_wait3A_115 : memref<1x640xf32, #tpu.memory_space<vmem_shared>> -> memref<640xf32, #tpu.memory_space<vmem_shared>>
      %dma_wait3A_117 = arith.constant 0 : i32
      %dma_wait3A_118 = tpu.memref_slice %arg6[%run_scoped3A_55, %dma_wait3A_117] : memref<16x640xf32, #tpu.memory_space<vmem>> -> memref<1x640xf32, #tpu.memory_space<vmem>>
      %dma_wait3A_119 = tpu.memref_squeeze %dma_wait3A_118 : memref<1x640xf32, #tpu.memory_space<vmem>> -> memref<640xf32, #tpu.memory_space<vmem>>
      %dma_wait3A_120 = tpu.memref_slice %arg7[%run_scoped3A_54, %mul3A_53] : memref<16x10240xf32, #tpu.memory_space<vmem_shared>> -> memref<1x640xf32, #tpu.memory_space<vmem_shared>>
      %dma_wait3A_121 = tpu.memref_squeeze %dma_wait3A_120 : memref<1x640xf32, #tpu.memory_space<vmem_shared>> -> memref<640xf32, #tpu.memory_space<vmem_shared>>
      tpu.wait_dma2 semaphore(%run_scoped3A_101 : memref<!tpu.dma_semaphore, #tpu.memory_space<semaphore_mem>>) src(%dma_wait3A_121 : memref<640xf32, #tpu.memory_space<vmem_shared>>) dst(%dma_wait3A_119 : memref<640xf32, #tpu.memory_space<vmem>>)
      tpu.yield
    }) : () -> ()
    %mul3A_56 = arith.constant 640 : i32
    %mul3A_57 = arith.muli %arg1, %mul3A_56 : i32
    %run_scoped3A_58 = arith.constant 7 : i32
    %run_scoped3A_59 = arith.constant 7 : i32
    "tpu.region"() ({
      %run_scoped3A_101 = tpu.sem_alloc : memref<!tpu.dma_semaphore, #tpu.memory_space<semaphore_mem>>
      %dma_start3A_102 = arith.constant 0 : i32
      %dma_start3A_103 = tpu.memref_slice %arg6[%run_scoped3A_59, %dma_start3A_102] : memref<16x640xf32, #tpu.memory_space<vmem>> -> memref<1x640xf32, #tpu.memory_space<vmem>>
      %dma_start3A_104 = tpu.memref_squeeze %dma_start3A_103 : memref<1x640xf32, #tpu.memory_space<vmem>> -> memref<640xf32, #tpu.memory_space<vmem>>
      %dma_start3A_105 = tpu.memref_slice %arg7[%run_scoped3A_58, %mul3A_57] : memref<16x10240xf32, #tpu.memory_space<vmem_shared>> -> memref<1x640xf32, #tpu.memory_space<vmem_shared>>
      %dma_start3A_106 = tpu.memref_squeeze %dma_start3A_105 : memref<1x640xf32, #tpu.memory_space<vmem_shared>> -> memref<640xf32, #tpu.memory_space<vmem_shared>>
      %dma_start3A_107 = arith.constant 0 : i32
      %dma_start3A_108 = tpu.memref_slice %arg6[%run_scoped3A_59, %dma_start3A_107] : memref<16x640xf32, #tpu.memory_space<vmem>> -> memref<1x640xf32, #tpu.memory_space<vmem>>
      %dma_start3A_109 = tpu.memref_squeeze %dma_start3A_108 : memref<1x640xf32, #tpu.memory_space<vmem>> -> memref<640xf32, #tpu.memory_space<vmem>>
      %dma_start3A_110 = tpu.memref_slice %arg7[%run_scoped3A_58, %mul3A_57] : memref<16x10240xf32, #tpu.memory_space<vmem_shared>> -> memref<1x640xf32, #tpu.memory_space<vmem_shared>>
      %dma_start3A_111 = tpu.memref_squeeze %dma_start3A_110 : memref<1x640xf32, #tpu.memory_space<vmem_shared>> -> memref<640xf32, #tpu.memory_space<vmem_shared>>
      tpu.enqueue_dma source(%dma_start3A_111 : memref<640xf32, #tpu.memory_space<vmem_shared>>) target(%dma_start3A_109 : memref<640xf32, #tpu.memory_space<vmem>>) target_semaphore(%run_scoped3A_101 : memref<!tpu.dma_semaphore, #tpu.memory_space<semaphore_mem>>)
      %dma_wait3A_112 = arith.constant 0 : i32
      %dma_wait3A_113 = tpu.memref_slice %arg6[%run_scoped3A_59, %dma_wait3A_112] : memref<16x640xf32, #tpu.memory_space<vmem>> -> memref<1x640xf32, #tpu.memory_space<vmem>>
      %dma_wait3A_114 = tpu.memref_squeeze %dma_wait3A_113 : memref<1x640xf32, #tpu.memory_space<vmem>> -> memref<640xf32, #tpu.memory_space<vmem>>
      %dma_wait3A_115 = tpu.memref_slice %arg7[%run_scoped3A_58, %mul3A_57] : memref<16x10240xf32, #tpu.memory_space<vmem_shared>> -> memref<1x640xf32, #tpu.memory_space<vmem_shared>>
      %dma_wait3A_116 = tpu.memref_squeeze %dma_wait3A_115 : memref<1x640xf32, #tpu.memory_space<vmem_shared>> -> memref<640xf32, #tpu.memory_space<vmem_shared>>
      %dma_wait3A_117 = arith.constant 0 : i32
      %dma_wait3A_118 = tpu.memref_slice %arg6[%run_scoped3A_59, %dma_wait3A_117] : memref<16x640xf32, #tpu.memory_space<vmem>> -> memref<1x640xf32, #tpu.memory_space<vmem>>
      %dma_wait3A_119 = tpu.memref_squeeze %dma_wait3A_118 : memref<1x640xf32, #tpu.memory_space<vmem>> -> memref<640xf32, #tpu.memory_space<vmem>>
      %dma_wait3A_120 = tpu.memref_slice %arg7[%run_scoped3A_58, %mul3A_57] : memref<16x10240xf32, #tpu.memory_space<vmem_shared>> -> memref<1x640xf32, #tpu.memory_space<vmem_shared>>
      %dma_wait3A_121 = tpu.memref_squeeze %dma_wait3A_120 : memref<1x640xf32, #tpu.memory_space<vmem_shared>> -> memref<640xf32, #tpu.memory_space<vmem_shared>>
      tpu.wait_dma2 semaphore(%run_scoped3A_101 : memref<!tpu.dma_semaphore, #tpu.memory_space<semaphore_mem>>) src(%dma_wait3A_121 : memref<640xf32, #tpu.memory_space<vmem_shared>>) dst(%dma_wait3A_119 : memref<640xf32, #tpu.memory_space<vmem>>)
      tpu.yield
    }) : () -> ()
    %mul3A_60 = arith.constant 640 : i32
    %mul3A_61 = arith.muli %arg1, %mul3A_60 : i32
    %run_scoped3A_62 = arith.constant 8 : i32
    %run_scoped3A_63 = arith.constant 8 : i32
    "tpu.region"() ({
      %run_scoped3A_101 = tpu.sem_alloc : memref<!tpu.dma_semaphore, #tpu.memory_space<semaphore_mem>>
      %dma_start3A_102 = arith.constant 0 : i32
      %dma_start3A_103 = tpu.memref_slice %arg6[%run_scoped3A_63, %dma_start3A_102] : memref<16x640xf32, #tpu.memory_space<vmem>> -> memref<1x640xf32, #tpu.memory_space<vmem>>
      %dma_start3A_104 = tpu.memref_squeeze %dma_start3A_103 : memref<1x640xf32, #tpu.memory_space<vmem>> -> memref<640xf32, #tpu.memory_space<vmem>>
      %dma_start3A_105 = tpu.memref_slice %arg7[%run_scoped3A_62, %mul3A_61] : memref<16x10240xf32, #tpu.memory_space<vmem_shared>> -> memref<1x640xf32, #tpu.memory_space<vmem_shared>>
      %dma_start3A_106 = tpu.memref_squeeze %dma_start3A_105 : memref<1x640xf32, #tpu.memory_space<vmem_shared>> -> memref<640xf32, #tpu.memory_space<vmem_shared>>
      %dma_start3A_107 = arith.constant 0 : i32
      %dma_start3A_108 = tpu.memref_slice %arg6[%run_scoped3A_63, %dma_start3A_107] : memref<16x640xf32, #tpu.memory_space<vmem>> -> memref<1x640xf32, #tpu.memory_space<vmem>>
      %dma_start3A_109 = tpu.memref_squeeze %dma_start3A_108 : memref<1x640xf32, #tpu.memory_space<vmem>> -> memref<640xf32, #tpu.memory_space<vmem>>
      %dma_start3A_110 = tpu.memref_slice %arg7[%run_scoped3A_62, %mul3A_61] : memref<16x10240xf32, #tpu.memory_space<vmem_shared>> -> memref<1x640xf32, #tpu.memory_space<vmem_shared>>
      %dma_start3A_111 = tpu.memref_squeeze %dma_start3A_110 : memref<1x640xf32, #tpu.memory_space<vmem_shared>> -> memref<640xf32, #tpu.memory_space<vmem_shared>>
      tpu.enqueue_dma source(%dma_start3A_111 : memref<640xf32, #tpu.memory_space<vmem_shared>>) target(%dma_start3A_109 : memref<640xf32, #tpu.memory_space<vmem>>) target_semaphore(%run_scoped3A_101 : memref<!tpu.dma_semaphore, #tpu.memory_space<semaphore_mem>>)
      %dma_wait3A_112 = arith.constant 0 : i32
      %dma_wait3A_113 = tpu.memref_slice %arg6[%run_scoped3A_63, %dma_wait3A_112] : memref<16x640xf32, #tpu.memory_space<vmem>> -> memref<1x640xf32, #tpu.memory_space<vmem>>
      %dma_wait3A_114 = tpu.memref_squeeze %dma_wait3A_113 : memref<1x640xf32, #tpu.memory_space<vmem>> -> memref<640xf32, #tpu.memory_space<vmem>>
      %dma_wait3A_115 = tpu.memref_slice %arg7[%run_scoped3A_62, %mul3A_61] : memref<16x10240xf32, #tpu.memory_space<vmem_shared>> -> memref<1x640xf32, #tpu.memory_space<vmem_shared>>
      %dma_wait3A_116 = tpu.memref_squeeze %dma_wait3A_115 : memref<1x640xf32, #tpu.memory_space<vmem_shared>> -> memref<640xf32, #tpu.memory_space<vmem_shared>>
      %dma_wait3A_117 = arith.constant 0 : i32
      %dma_wait3A_118 = tpu.memref_slice %arg6[%run_scoped3A_63, %dma_wait3A_117] : memref<16x640xf32, #tpu.memory_space<vmem>> -> memref<1x640xf32, #tpu.memory_space<vmem>>
      %dma_wait3A_119 = tpu.memref_squeeze %dma_wait3A_118 : memref<1x640xf32, #tpu.memory_space<vmem>> -> memref<640xf32, #tpu.memory_space<vmem>>
      %dma_wait3A_120 = tpu.memref_slice %arg7[%run_scoped3A_62, %mul3A_61] : memref<16x10240xf32, #tpu.memory_space<vmem_shared>> -> memref<1x640xf32, #tpu.memory_space<vmem_shared>>
      %dma_wait3A_121 = tpu.memref_squeeze %dma_wait3A_120 : memref<1x640xf32, #tpu.memory_space<vmem_shared>> -> memref<640xf32, #tpu.memory_space<vmem_shared>>
      tpu.wait_dma2 semaphore(%run_scoped3A_101 : memref<!tpu.dma_semaphore, #tpu.memory_space<semaphore_mem>>) src(%dma_wait3A_121 : memref<640xf32, #tpu.memory_space<vmem_shared>>) dst(%dma_wait3A_119 : memref<640xf32, #tpu.memory_space<vmem>>)
      tpu.yield
    }) : () -> ()
    %mul3A_64 = arith.constant 640 : i32
    %mul3A_65 = arith.muli %arg1, %mul3A_64 : i32
    %run_scoped3A_66 = arith.constant 9 : i32
    %run_scoped3A_67 = arith.constant 9 : i32
    "tpu.region"() ({
      %run_scoped3A_101 = tpu.sem_alloc : memref<!tpu.dma_semaphore, #tpu.memory_space<semaphore_mem>>
      %dma_start3A_102 = arith.constant 0 : i32
      %dma_start3A_103 = tpu.memref_slice %arg6[%run_scoped3A_67, %dma_start3A_102] : memref<16x640xf32, #tpu.memory_space<vmem>> -> memref<1x640xf32, #tpu.memory_space<vmem>>
      %dma_start3A_104 = tpu.memref_squeeze %dma_start3A_103 : memref<1x640xf32, #tpu.memory_space<vmem>> -> memref<640xf32, #tpu.memory_space<vmem>>
      %dma_start3A_105 = tpu.memref_slice %arg7[%run_scoped3A_66, %mul3A_65] : memref<16x10240xf32, #tpu.memory_space<vmem_shared>> -> memref<1x640xf32, #tpu.memory_space<vmem_shared>>
      %dma_start3A_106 = tpu.memref_squeeze %dma_start3A_105 : memref<1x640xf32, #tpu.memory_space<vmem_shared>> -> memref<640xf32, #tpu.memory_space<vmem_shared>>
      %dma_start3A_107 = arith.constant 0 : i32
      %dma_start3A_108 = tpu.memref_slice %arg6[%run_scoped3A_67, %dma_start3A_107] : memref<16x640xf32, #tpu.memory_space<vmem>> -> memref<1x640xf32, #tpu.memory_space<vmem>>
      %dma_start3A_109 = tpu.memref_squeeze %dma_start3A_108 : memref<1x640xf32, #tpu.memory_space<vmem>> -> memref<640xf32, #tpu.memory_space<vmem>>
      %dma_start3A_110 = tpu.memref_slice %arg7[%run_scoped3A_66, %mul3A_65] : memref<16x10240xf32, #tpu.memory_space<vmem_shared>> -> memref<1x640xf32, #tpu.memory_space<vmem_shared>>
      %dma_start3A_111 = tpu.memref_squeeze %dma_start3A_110 : memref<1x640xf32, #tpu.memory_space<vmem_shared>> -> memref<640xf32, #tpu.memory_space<vmem_shared>>
      tpu.enqueue_dma source(%dma_start3A_111 : memref<640xf32, #tpu.memory_space<vmem_shared>>) target(%dma_start3A_109 : memref<640xf32, #tpu.memory_space<vmem>>) target_semaphore(%run_scoped3A_101 : memref<!tpu.dma_semaphore, #tpu.memory_space<semaphore_mem>>)
      %dma_wait3A_112 = arith.constant 0 : i32
      %dma_wait3A_113 = tpu.memref_slice %arg6[%run_scoped3A_67, %dma_wait3A_112] : memref<16x640xf32, #tpu.memory_space<vmem>> -> memref<1x640xf32, #tpu.memory_space<vmem>>
      %dma_wait3A_114 = tpu.memref_squeeze %dma_wait3A_113 : memref<1x640xf32, #tpu.memory_space<vmem>> -> memref<640xf32, #tpu.memory_space<vmem>>
      %dma_wait3A_115 = tpu.memref_slice %arg7[%run_scoped3A_66, %mul3A_65] : memref<16x10240xf32, #tpu.memory_space<vmem_shared>> -> memref<1x640xf32, #tpu.memory_space<vmem_shared>>
      %dma_wait3A_116 = tpu.memref_squeeze %dma_wait3A_115 : memref<1x640xf32, #tpu.memory_space<vmem_shared>> -> memref<640xf32, #tpu.memory_space<vmem_shared>>
      %dma_wait3A_117 = arith.constant 0 : i32
      %dma_wait3A_118 = tpu.memref_slice %arg6[%run_scoped3A_67, %dma_wait3A_117] : memref<16x640xf32, #tpu.memory_space<vmem>> -> memref<1x640xf32, #tpu.memory_space<vmem>>
      %dma_wait3A_119 = tpu.memref_squeeze %dma_wait3A_118 : memref<1x640xf32, #tpu.memory_space<vmem>> -> memref<640xf32, #tpu.memory_space<vmem>>
      %dma_wait3A_120 = tpu.memref_slice %arg7[%run_scoped3A_66, %mul3A_65] : memref<16x10240xf32, #tpu.memory_space<vmem_shared>> -> memref<1x640xf32, #tpu.memory_space<vmem_shared>>
      %dma_wait3A_121 = tpu.memref_squeeze %dma_wait3A_120 : memref<1x640xf32, #tpu.memory_space<vmem_shared>> -> memref<640xf32, #tpu.memory_space<vmem_shared>>
      tpu.wait_dma2 semaphore(%run_scoped3A_101 : memref<!tpu.dma_semaphore, #tpu.memory_space<semaphore_mem>>) src(%dma_wait3A_121 : memref<640xf32, #tpu.memory_space<vmem_shared>>) dst(%dma_wait3A_119 : memref<640xf32, #tpu.memory_space<vmem>>)
      tpu.yield
    }) : () -> ()
    %mul3A_68 = arith.constant 640 : i32
    %mul3A_69 = arith.muli %arg1, %mul3A_68 : i32
    %run_scoped3A_70 = arith.constant 10 : i32
    %run_scoped3A_71 = arith.constant 10 : i32
    "tpu.region"() ({
      %run_scoped3A_101 = tpu.sem_alloc : memref<!tpu.dma_semaphore, #tpu.memory_space<semaphore_mem>>
      %dma_start3A_102 = arith.constant 0 : i32
      %dma_start3A_103 = tpu.memref_slice %arg6[%run_scoped3A_71, %dma_start3A_102] : memref<16x640xf32, #tpu.memory_space<vmem>> -> memref<1x640xf32, #tpu.memory_space<vmem>>
      %dma_start3A_104 = tpu.memref_squeeze %dma_start3A_103 : memref<1x640xf32, #tpu.memory_space<vmem>> -> memref<640xf32, #tpu.memory_space<vmem>>
      %dma_start3A_105 = tpu.memref_slice %arg7[%run_scoped3A_70, %mul3A_69] : memref<16x10240xf32, #tpu.memory_space<vmem_shared>> -> memref<1x640xf32, #tpu.memory_space<vmem_shared>>
      %dma_start3A_106 = tpu.memref_squeeze %dma_start3A_105 : memref<1x640xf32, #tpu.memory_space<vmem_shared>> -> memref<640xf32, #tpu.memory_space<vmem_shared>>
      %dma_start3A_107 = arith.constant 0 : i32
      %dma_start3A_108 = tpu.memref_slice %arg6[%run_scoped3A_71, %dma_start3A_107] : memref<16x640xf32, #tpu.memory_space<vmem>> -> memref<1x640xf32, #tpu.memory_space<vmem>>
      %dma_start3A_109 = tpu.memref_squeeze %dma_start3A_108 : memref<1x640xf32, #tpu.memory_space<vmem>> -> memref<640xf32, #tpu.memory_space<vmem>>
      %dma_start3A_110 = tpu.memref_slice %arg7[%run_scoped3A_70, %mul3A_69] : memref<16x10240xf32, #tpu.memory_space<vmem_shared>> -> memref<1x640xf32, #tpu.memory_space<vmem_shared>>
      %dma_start3A_111 = tpu.memref_squeeze %dma_start3A_110 : memref<1x640xf32, #tpu.memory_space<vmem_shared>> -> memref<640xf32, #tpu.memory_space<vmem_shared>>
      tpu.enqueue_dma source(%dma_start3A_111 : memref<640xf32, #tpu.memory_space<vmem_shared>>) target(%dma_start3A_109 : memref<640xf32, #tpu.memory_space<vmem>>) target_semaphore(%run_scoped3A_101 : memref<!tpu.dma_semaphore, #tpu.memory_space<semaphore_mem>>)
      %dma_wait3A_112 = arith.constant 0 : i32
      %dma_wait3A_113 = tpu.memref_slice %arg6[%run_scoped3A_71, %dma_wait3A_112] : memref<16x640xf32, #tpu.memory_space<vmem>> -> memref<1x640xf32, #tpu.memory_space<vmem>>
      %dma_wait3A_114 = tpu.memref_squeeze %dma_wait3A_113 : memref<1x640xf32, #tpu.memory_space<vmem>> -> memref<640xf32, #tpu.memory_space<vmem>>
      %dma_wait3A_115 = tpu.memref_slice %arg7[%run_scoped3A_70, %mul3A_69] : memref<16x10240xf32, #tpu.memory_space<vmem_shared>> -> memref<1x640xf32, #tpu.memory_space<vmem_shared>>
      %dma_wait3A_116 = tpu.memref_squeeze %dma_wait3A_115 : memref<1x640xf32, #tpu.memory_space<vmem_shared>> -> memref<640xf32, #tpu.memory_space<vmem_shared>>
      %dma_wait3A_117 = arith.constant 0 : i32
      %dma_wait3A_118 = tpu.memref_slice %arg6[%run_scoped3A_71, %dma_wait3A_117] : memref<16x640xf32, #tpu.memory_space<vmem>> -> memref<1x640xf32, #tpu.memory_space<vmem>>
      %dma_wait3A_119 = tpu.memref_squeeze %dma_wait3A_118 : memref<1x640xf32, #tpu.memory_space<vmem>> -> memref<640xf32, #tpu.memory_space<vmem>>
      %dma_wait3A_120 = tpu.memref_slice %arg7[%run_scoped3A_70, %mul3A_69] : memref<16x10240xf32, #tpu.memory_space<vmem_shared>> -> memref<1x640xf32, #tpu.memory_space<vmem_shared>>
      %dma_wait3A_121 = tpu.memref_squeeze %dma_wait3A_120 : memref<1x640xf32, #tpu.memory_space<vmem_shared>> -> memref<640xf32, #tpu.memory_space<vmem_shared>>
      tpu.wait_dma2 semaphore(%run_scoped3A_101 : memref<!tpu.dma_semaphore, #tpu.memory_space<semaphore_mem>>) src(%dma_wait3A_121 : memref<640xf32, #tpu.memory_space<vmem_shared>>) dst(%dma_wait3A_119 : memref<640xf32, #tpu.memory_space<vmem>>)
      tpu.yield
    }) : () -> ()
    %mul3A_72 = arith.constant 640 : i32
    %mul3A_73 = arith.muli %arg1, %mul3A_72 : i32
    %run_scoped3A_74 = arith.constant 11 : i32
    %run_scoped3A_75 = arith.constant 11 : i32
    "tpu.region"() ({
      %run_scoped3A_101 = tpu.sem_alloc : memref<!tpu.dma_semaphore, #tpu.memory_space<semaphore_mem>>
      %dma_start3A_102 = arith.constant 0 : i32
      %dma_start3A_103 = tpu.memref_slice %arg6[%run_scoped3A_75, %dma_start3A_102] : memref<16x640xf32, #tpu.memory_space<vmem>> -> memref<1x640xf32, #tpu.memory_space<vmem>>
      %dma_start3A_104 = tpu.memref_squeeze %dma_start3A_103 : memref<1x640xf32, #tpu.memory_space<vmem>> -> memref<640xf32, #tpu.memory_space<vmem>>
      %dma_start3A_105 = tpu.memref_slice %arg7[%run_scoped3A_74, %mul3A_73] : memref<16x10240xf32, #tpu.memory_space<vmem_shared>> -> memref<1x640xf32, #tpu.memory_space<vmem_shared>>
      %dma_start3A_106 = tpu.memref_squeeze %dma_start3A_105 : memref<1x640xf32, #tpu.memory_space<vmem_shared>> -> memref<640xf32, #tpu.memory_space<vmem_shared>>
      %dma_start3A_107 = arith.constant 0 : i32
      %dma_start3A_108 = tpu.memref_slice %arg6[%run_scoped3A_75, %dma_start3A_107] : memref<16x640xf32, #tpu.memory_space<vmem>> -> memref<1x640xf32, #tpu.memory_space<vmem>>
      %dma_start3A_109 = tpu.memref_squeeze %dma_start3A_108 : memref<1x640xf32, #tpu.memory_space<vmem>> -> memref<640xf32, #tpu.memory_space<vmem>>
      %dma_start3A_110 = tpu.memref_slice %arg7[%run_scoped3A_74, %mul3A_73] : memref<16x10240xf32, #tpu.memory_space<vmem_shared>> -> memref<1x640xf32, #tpu.memory_space<vmem_shared>>
      %dma_start3A_111 = tpu.memref_squeeze %dma_start3A_110 : memref<1x640xf32, #tpu.memory_space<vmem_shared>> -> memref<640xf32, #tpu.memory_space<vmem_shared>>
      tpu.enqueue_dma source(%dma_start3A_111 : memref<640xf32, #tpu.memory_space<vmem_shared>>) target(%dma_start3A_109 : memref<640xf32, #tpu.memory_space<vmem>>) target_semaphore(%run_scoped3A_101 : memref<!tpu.dma_semaphore, #tpu.memory_space<semaphore_mem>>)
      %dma_wait3A_112 = arith.constant 0 : i32
      %dma_wait3A_113 = tpu.memref_slice %arg6[%run_scoped3A_75, %dma_wait3A_112] : memref<16x640xf32, #tpu.memory_space<vmem>> -> memref<1x640xf32, #tpu.memory_space<vmem>>
      %dma_wait3A_114 = tpu.memref_squeeze %dma_wait3A_113 : memref<1x640xf32, #tpu.memory_space<vmem>> -> memref<640xf32, #tpu.memory_space<vmem>>
      %dma_wait3A_115 = tpu.memref_slice %arg7[%run_scoped3A_74, %mul3A_73] : memref<16x10240xf32, #tpu.memory_space<vmem_shared>> -> memref<1x640xf32, #tpu.memory_space<vmem_shared>>
      %dma_wait3A_116 = tpu.memref_squeeze %dma_wait3A_115 : memref<1x640xf32, #tpu.memory_space<vmem_shared>> -> memref<640xf32, #tpu.memory_space<vmem_shared>>
      %dma_wait3A_117 = arith.constant 0 : i32
      %dma_wait3A_118 = tpu.memref_slice %arg6[%run_scoped3A_75, %dma_wait3A_117] : memref<16x640xf32, #tpu.memory_space<vmem>> -> memref<1x640xf32, #tpu.memory_space<vmem>>
      %dma_wait3A_119 = tpu.memref_squeeze %dma_wait3A_118 : memref<1x640xf32, #tpu.memory_space<vmem>> -> memref<640xf32, #tpu.memory_space<vmem>>
      %dma_wait3A_120 = tpu.memref_slice %arg7[%run_scoped3A_74, %mul3A_73] : memref<16x10240xf32, #tpu.memory_space<vmem_shared>> -> memref<1x640xf32, #tpu.memory_space<vmem_shared>>
      %dma_wait3A_121 = tpu.memref_squeeze %dma_wait3A_120 : memref<1x640xf32, #tpu.memory_space<vmem_shared>> -> memref<640xf32, #tpu.memory_space<vmem_shared>>
      tpu.wait_dma2 semaphore(%run_scoped3A_101 : memref<!tpu.dma_semaphore, #tpu.memory_space<semaphore_mem>>) src(%dma_wait3A_121 : memref<640xf32, #tpu.memory_space<vmem_shared>>) dst(%dma_wait3A_119 : memref<640xf32, #tpu.memory_space<vmem>>)
      tpu.yield
    }) : () -> ()
    %mul3A_76 = arith.constant 640 : i32
    %mul3A_77 = arith.muli %arg1, %mul3A_76 : i32
    %run_scoped3A_78 = arith.constant 12 : i32
    %run_scoped3A_79 = arith.constant 12 : i32
    "tpu.region"() ({
      %run_scoped3A_101 = tpu.sem_alloc : memref<!tpu.dma_semaphore, #tpu.memory_space<semaphore_mem>>
      %dma_start3A_102 = arith.constant 0 : i32
      %dma_start3A_103 = tpu.memref_slice %arg6[%run_scoped3A_79, %dma_start3A_102] : memref<16x640xf32, #tpu.memory_space<vmem>> -> memref<1x640xf32, #tpu.memory_space<vmem>>
      %dma_start3A_104 = tpu.memref_squeeze %dma_start3A_103 : memref<1x640xf32, #tpu.memory_space<vmem>> -> memref<640xf32, #tpu.memory_space<vmem>>
      %dma_start3A_105 = tpu.memref_slice %arg7[%run_scoped3A_78, %mul3A_77] : memref<16x10240xf32, #tpu.memory_space<vmem_shared>> -> memref<1x640xf32, #tpu.memory_space<vmem_shared>>
      %dma_start3A_106 = tpu.memref_squeeze %dma_start3A_105 : memref<1x640xf32, #tpu.memory_space<vmem_shared>> -> memref<640xf32, #tpu.memory_space<vmem_shared>>
      %dma_start3A_107 = arith.constant 0 : i32
      %dma_start3A_108 = tpu.memref_slice %arg6[%run_scoped3A_79, %dma_start3A_107] : memref<16x640xf32, #tpu.memory_space<vmem>> -> memref<1x640xf32, #tpu.memory_space<vmem>>
      %dma_start3A_109 = tpu.memref_squeeze %dma_start3A_108 : memref<1x640xf32, #tpu.memory_space<vmem>> -> memref<640xf32, #tpu.memory_space<vmem>>
      %dma_start3A_110 = tpu.memref_slice %arg7[%run_scoped3A_78, %mul3A_77] : memref<16x10240xf32, #tpu.memory_space<vmem_shared>> -> memref<1x640xf32, #tpu.memory_space<vmem_shared>>
      %dma_start3A_111 = tpu.memref_squeeze %dma_start3A_110 : memref<1x640xf32, #tpu.memory_space<vmem_shared>> -> memref<640xf32, #tpu.memory_space<vmem_shared>>
      tpu.enqueue_dma source(%dma_start3A_111 : memref<640xf32, #tpu.memory_space<vmem_shared>>) target(%dma_start3A_109 : memref<640xf32, #tpu.memory_space<vmem>>) target_semaphore(%run_scoped3A_101 : memref<!tpu.dma_semaphore, #tpu.memory_space<semaphore_mem>>)
      %dma_wait3A_112 = arith.constant 0 : i32
      %dma_wait3A_113 = tpu.memref_slice %arg6[%run_scoped3A_79, %dma_wait3A_112] : memref<16x640xf32, #tpu.memory_space<vmem>> -> memref<1x640xf32, #tpu.memory_space<vmem>>
      %dma_wait3A_114 = tpu.memref_squeeze %dma_wait3A_113 : memref<1x640xf32, #tpu.memory_space<vmem>> -> memref<640xf32, #tpu.memory_space<vmem>>
      %dma_wait3A_115 = tpu.memref_slice %arg7[%run_scoped3A_78, %mul3A_77] : memref<16x10240xf32, #tpu.memory_space<vmem_shared>> -> memref<1x640xf32, #tpu.memory_space<vmem_shared>>
      %dma_wait3A_116 = tpu.memref_squeeze %dma_wait3A_115 : memref<1x640xf32, #tpu.memory_space<vmem_shared>> -> memref<640xf32, #tpu.memory_space<vmem_shared>>
      %dma_wait3A_117 = arith.constant 0 : i32
      %dma_wait3A_118 = tpu.memref_slice %arg6[%run_scoped3A_79, %dma_wait3A_117] : memref<16x640xf32, #tpu.memory_space<vmem>> -> memref<1x640xf32, #tpu.memory_space<vmem>>
      %dma_wait3A_119 = tpu.memref_squeeze %dma_wait3A_118 : memref<1x640xf32, #tpu.memory_space<vmem>> -> memref<640xf32, #tpu.memory_space<vmem>>
      %dma_wait3A_120 = tpu.memref_slice %arg7[%run_scoped3A_78, %mul3A_77] : memref<16x10240xf32, #tpu.memory_space<vmem_shared>> -> memref<1x640xf32, #tpu.memory_space<vmem_shared>>
      %dma_wait3A_121 = tpu.memref_squeeze %dma_wait3A_120 : memref<1x640xf32, #tpu.memory_space<vmem_shared>> -> memref<640xf32, #tpu.memory_space<vmem_shared>>
      tpu.wait_dma2 semaphore(%run_scoped3A_101 : memref<!tpu.dma_semaphore, #tpu.memory_space<semaphore_mem>>) src(%dma_wait3A_121 : memref<640xf32, #tpu.memory_space<vmem_shared>>) dst(%dma_wait3A_119 : memref<640xf32, #tpu.memory_space<vmem>>)
      tpu.yield
    }) : () -> ()
    %mul3A_80 = arith.constant 640 : i32
    %mul3A_81 = arith.muli %arg1, %mul3A_80 : i32
    %run_scoped3A_82 = arith.constant 13 : i32
    %run_scoped3A_83 = arith.constant 13 : i32
    "tpu.region"() ({
      %run_scoped3A_101 = tpu.sem_alloc : memref<!tpu.dma_semaphore, #tpu.memory_space<semaphore_mem>>
      %dma_start3A_102 = arith.constant 0 : i32
      %dma_start3A_103 = tpu.memref_slice %arg6[%run_scoped3A_83, %dma_start3A_102] : memref<16x640xf32, #tpu.memory_space<vmem>> -> memref<1x640xf32, #tpu.memory_space<vmem>>
      %dma_start3A_104 = tpu.memref_squeeze %dma_start3A_103 : memref<1x640xf32, #tpu.memory_space<vmem>> -> memref<640xf32, #tpu.memory_space<vmem>>
      %dma_start3A_105 = tpu.memref_slice %arg7[%run_scoped3A_82, %mul3A_81] : memref<16x10240xf32, #tpu.memory_space<vmem_shared>> -> memref<1x640xf32, #tpu.memory_space<vmem_shared>>
      %dma_start3A_106 = tpu.memref_squeeze %dma_start3A_105 : memref<1x640xf32, #tpu.memory_space<vmem_shared>> -> memref<640xf32, #tpu.memory_space<vmem_shared>>
      %dma_start3A_107 = arith.constant 0 : i32
      %dma_start3A_108 = tpu.memref_slice %arg6[%run_scoped3A_83, %dma_start3A_107] : memref<16x640xf32, #tpu.memory_space<vmem>> -> memref<1x640xf32, #tpu.memory_space<vmem>>
      %dma_start3A_109 = tpu.memref_squeeze %dma_start3A_108 : memref<1x640xf32, #tpu.memory_space<vmem>> -> memref<640xf32, #tpu.memory_space<vmem>>
      %dma_start3A_110 = tpu.memref_slice %arg7[%run_scoped3A_82, %mul3A_81] : memref<16x10240xf32, #tpu.memory_space<vmem_shared>> -> memref<1x640xf32, #tpu.memory_space<vmem_shared>>
      %dma_start3A_111 = tpu.memref_squeeze %dma_start3A_110 : memref<1x640xf32, #tpu.memory_space<vmem_shared>> -> memref<640xf32, #tpu.memory_space<vmem_shared>>
      tpu.enqueue_dma source(%dma_start3A_111 : memref<640xf32, #tpu.memory_space<vmem_shared>>) target(%dma_start3A_109 : memref<640xf32, #tpu.memory_space<vmem>>) target_semaphore(%run_scoped3A_101 : memref<!tpu.dma_semaphore, #tpu.memory_space<semaphore_mem>>)
      %dma_wait3A_112 = arith.constant 0 : i32
      %dma_wait3A_113 = tpu.memref_slice %arg6[%run_scoped3A_83, %dma_wait3A_112] : memref<16x640xf32, #tpu.memory_space<vmem>> -> memref<1x640xf32, #tpu.memory_space<vmem>>
      %dma_wait3A_114 = tpu.memref_squeeze %dma_wait3A_113 : memref<1x640xf32, #tpu.memory_space<vmem>> -> memref<640xf32, #tpu.memory_space<vmem>>
      %dma_wait3A_115 = tpu.memref_slice %arg7[%run_scoped3A_82, %mul3A_81] : memref<16x10240xf32, #tpu.memory_space<vmem_shared>> -> memref<1x640xf32, #tpu.memory_space<vmem_shared>>
      %dma_wait3A_116 = tpu.memref_squeeze %dma_wait3A_115 : memref<1x640xf32, #tpu.memory_space<vmem_shared>> -> memref<640xf32, #tpu.memory_space<vmem_shared>>
      %dma_wait3A_117 = arith.constant 0 : i32
      %dma_wait3A_118 = tpu.memref_slice %arg6[%run_scoped3A_83, %dma_wait3A_117] : memref<16x640xf32, #tpu.memory_space<vmem>> -> memref<1x640xf32, #tpu.memory_space<vmem>>
      %dma_wait3A_119 = tpu.memref_squeeze %dma_wait3A_118 : memref<1x640xf32, #tpu.memory_space<vmem>> -> memref<640xf32, #tpu.memory_space<vmem>>
      %dma_wait3A_120 = tpu.memref_slice %arg7[%run_scoped3A_82, %mul3A_81] : memref<16x10240xf32, #tpu.memory_space<vmem_shared>> -> memref<1x640xf32, #tpu.memory_space<vmem_shared>>
      %dma_wait3A_121 = tpu.memref_squeeze %dma_wait3A_120 : memref<1x640xf32, #tpu.memory_space<vmem_shared>> -> memref<640xf32, #tpu.memory_space<vmem_shared>>
      tpu.wait_dma2 semaphore(%run_scoped3A_101 : memref<!tpu.dma_semaphore, #tpu.memory_space<semaphore_mem>>) src(%dma_wait3A_121 : memref<640xf32, #tpu.memory_space<vmem_shared>>) dst(%dma_wait3A_119 : memref<640xf32, #tpu.memory_space<vmem>>)
      tpu.yield
    }) : () -> ()
    %mul3A_84 = arith.constant 640 : i32
    %mul3A_85 = arith.muli %arg1, %mul3A_84 : i32
    %run_scoped3A_86 = arith.constant 14 : i32
    %run_scoped3A_87 = arith.constant 14 : i32
    "tpu.region"() ({
      %run_scoped3A_101 = tpu.sem_alloc : memref<!tpu.dma_semaphore, #tpu.memory_space<semaphore_mem>>
      %dma_start3A_102 = arith.constant 0 : i32
      %dma_start3A_103 = tpu.memref_slice %arg6[%run_scoped3A_87, %dma_start3A_102] : memref<16x640xf32, #tpu.memory_space<vmem>> -> memref<1x640xf32, #tpu.memory_space<vmem>>
      %dma_start3A_104 = tpu.memref_squeeze %dma_start3A_103 : memref<1x640xf32, #tpu.memory_space<vmem>> -> memref<640xf32, #tpu.memory_space<vmem>>
      %dma_start3A_105 = tpu.memref_slice %arg7[%run_scoped3A_86, %mul3A_85] : memref<16x10240xf32, #tpu.memory_space<vmem_shared>> -> memref<1x640xf32, #tpu.memory_space<vmem_shared>>
      %dma_start3A_106 = tpu.memref_squeeze %dma_start3A_105 : memref<1x640xf32, #tpu.memory_space<vmem_shared>> -> memref<640xf32, #tpu.memory_space<vmem_shared>>
      %dma_start3A_107 = arith.constant 0 : i32
      %dma_start3A_108 = tpu.memref_slice %arg6[%run_scoped3A_87, %dma_start3A_107] : memref<16x640xf32, #tpu.memory_space<vmem>> -> memref<1x640xf32, #tpu.memory_space<vmem>>
      %dma_start3A_109 = tpu.memref_squeeze %dma_start3A_108 : memref<1x640xf32, #tpu.memory_space<vmem>> -> memref<640xf32, #tpu.memory_space<vmem>>
      %dma_start3A_110 = tpu.memref_slice %arg7[%run_scoped3A_86, %mul3A_85] : memref<16x10240xf32, #tpu.memory_space<vmem_shared>> -> memref<1x640xf32, #tpu.memory_space<vmem_shared>>
      %dma_start3A_111 = tpu.memref_squeeze %dma_start3A_110 : memref<1x640xf32, #tpu.memory_space<vmem_shared>> -> memref<640xf32, #tpu.memory_space<vmem_shared>>
      tpu.enqueue_dma source(%dma_start3A_111 : memref<640xf32, #tpu.memory_space<vmem_shared>>) target(%dma_start3A_109 : memref<640xf32, #tpu.memory_space<vmem>>) target_semaphore(%run_scoped3A_101 : memref<!tpu.dma_semaphore, #tpu.memory_space<semaphore_mem>>)
      %dma_wait3A_112 = arith.constant 0 : i32
      %dma_wait3A_113 = tpu.memref_slice %arg6[%run_scoped3A_87, %dma_wait3A_112] : memref<16x640xf32, #tpu.memory_space<vmem>> -> memref<1x640xf32, #tpu.memory_space<vmem>>
      %dma_wait3A_114 = tpu.memref_squeeze %dma_wait3A_113 : memref<1x640xf32, #tpu.memory_space<vmem>> -> memref<640xf32, #tpu.memory_space<vmem>>
      %dma_wait3A_115 = tpu.memref_slice %arg7[%run_scoped3A_86, %mul3A_85] : memref<16x10240xf32, #tpu.memory_space<vmem_shared>> -> memref<1x640xf32, #tpu.memory_space<vmem_shared>>
      %dma_wait3A_116 = tpu.memref_squeeze %dma_wait3A_115 : memref<1x640xf32, #tpu.memory_space<vmem_shared>> -> memref<640xf32, #tpu.memory_space<vmem_shared>>
      %dma_wait3A_117 = arith.constant 0 : i32
      %dma_wait3A_118 = tpu.memref_slice %arg6[%run_scoped3A_87, %dma_wait3A_117] : memref<16x640xf32, #tpu.memory_space<vmem>> -> memref<1x640xf32, #tpu.memory_space<vmem>>
      %dma_wait3A_119 = tpu.memref_squeeze %dma_wait3A_118 : memref<1x640xf32, #tpu.memory_space<vmem>> -> memref<640xf32, #tpu.memory_space<vmem>>
      %dma_wait3A_120 = tpu.memref_slice %arg7[%run_scoped3A_86, %mul3A_85] : memref<16x10240xf32, #tpu.memory_space<vmem_shared>> -> memref<1x640xf32, #tpu.memory_space<vmem_shared>>
      %dma_wait3A_121 = tpu.memref_squeeze %dma_wait3A_120 : memref<1x640xf32, #tpu.memory_space<vmem_shared>> -> memref<640xf32, #tpu.memory_space<vmem_shared>>
      tpu.wait_dma2 semaphore(%run_scoped3A_101 : memref<!tpu.dma_semaphore, #tpu.memory_space<semaphore_mem>>) src(%dma_wait3A_121 : memref<640xf32, #tpu.memory_space<vmem_shared>>) dst(%dma_wait3A_119 : memref<640xf32, #tpu.memory_space<vmem>>)
      tpu.yield
    }) : () -> ()
    %mul3A_88 = arith.constant 640 : i32
    %mul3A_89 = arith.muli %arg1, %mul3A_88 : i32
    %run_scoped3A_90 = arith.constant 15 : i32
    %run_scoped3A_91 = arith.constant 15 : i32
    "tpu.region"() ({
      %run_scoped3A_101 = tpu.sem_alloc : memref<!tpu.dma_semaphore, #tpu.memory_space<semaphore_mem>>
      %dma_start3A_102 = arith.constant 0 : i32
      %dma_start3A_103 = tpu.memref_slice %arg6[%run_scoped3A_91, %dma_start3A_102] : memref<16x640xf32, #tpu.memory_space<vmem>> -> memref<1x640xf32, #tpu.memory_space<vmem>>
      %dma_start3A_104 = tpu.memref_squeeze %dma_start3A_103 : memref<1x640xf32, #tpu.memory_space<vmem>> -> memref<640xf32, #tpu.memory_space<vmem>>
      %dma_start3A_105 = tpu.memref_slice %arg7[%run_scoped3A_90, %mul3A_89] : memref<16x10240xf32, #tpu.memory_space<vmem_shared>> -> memref<1x640xf32, #tpu.memory_space<vmem_shared>>
      %dma_start3A_106 = tpu.memref_squeeze %dma_start3A_105 : memref<1x640xf32, #tpu.memory_space<vmem_shared>> -> memref<640xf32, #tpu.memory_space<vmem_shared>>
      %dma_start3A_107 = arith.constant 0 : i32
      %dma_start3A_108 = tpu.memref_slice %arg6[%run_scoped3A_91, %dma_start3A_107] : memref<16x640xf32, #tpu.memory_space<vmem>> -> memref<1x640xf32, #tpu.memory_space<vmem>>
      %dma_start3A_109 = tpu.memref_squeeze %dma_start3A_108 : memref<1x640xf32, #tpu.memory_space<vmem>> -> memref<640xf32, #tpu.memory_space<vmem>>
      %dma_start3A_110 = tpu.memref_slice %arg7[%run_scoped3A_90, %mul3A_89] : memref<16x10240xf32, #tpu.memory_space<vmem_shared>> -> memref<1x640xf32, #tpu.memory_space<vmem_shared>>
      %dma_start3A_111 = tpu.memref_squeeze %dma_start3A_110 : memref<1x640xf32, #tpu.memory_space<vmem_shared>> -> memref<640xf32, #tpu.memory_space<vmem_shared>>
      tpu.enqueue_dma source(%dma_start3A_111 : memref<640xf32, #tpu.memory_space<vmem_shared>>) target(%dma_start3A_109 : memref<640xf32, #tpu.memory_space<vmem>>) target_semaphore(%run_scoped3A_101 : memref<!tpu.dma_semaphore, #tpu.memory_space<semaphore_mem>>)
      %dma_wait3A_112 = arith.constant 0 : i32
      %dma_wait3A_113 = tpu.memref_slice %arg6[%run_scoped3A_91, %dma_wait3A_112] : memref<16x640xf32, #tpu.memory_space<vmem>> -> memref<1x640xf32, #tpu.memory_space<vmem>>
      %dma_wait3A_114 = tpu.memref_squeeze %dma_wait3A_113 : memref<1x640xf32, #tpu.memory_space<vmem>> -> memref<640xf32, #tpu.memory_space<vmem>>
      %dma_wait3A_115 = tpu.memref_slice %arg7[%run_scoped3A_90, %mul3A_89] : memref<16x10240xf32, #tpu.memory_space<vmem_shared>> -> memref<1x640xf32, #tpu.memory_space<vmem_shared>>
      %dma_wait3A_116 = tpu.memref_squeeze %dma_wait3A_115 : memref<1x640xf32, #tpu.memory_space<vmem_shared>> -> memref<640xf32, #tpu.memory_space<vmem_shared>>
      %dma_wait3A_117 = arith.constant 0 : i32
      %dma_wait3A_118 = tpu.memref_slice %arg6[%run_scoped3A_91, %dma_wait3A_117] : memref<16x640xf32, #tpu.memory_space<vmem>> -> memref<1x640xf32, #tpu.memory_space<vmem>>
      %dma_wait3A_119 = tpu.memref_squeeze %dma_wait3A_118 : memref<1x640xf32, #tpu.memory_space<vmem>> -> memref<640xf32, #tpu.memory_space<vmem>>
      %dma_wait3A_120 = tpu.memref_slice %arg7[%run_scoped3A_90, %mul3A_89] : memref<16x10240xf32, #tpu.memory_space<vmem_shared>> -> memref<1x640xf32, #tpu.memory_space<vmem_shared>>
      %dma_wait3A_121 = tpu.memref_squeeze %dma_wait3A_120 : memref<1x640xf32, #tpu.memory_space<vmem_shared>> -> memref<640xf32, #tpu.memory_space<vmem_shared>>
      tpu.wait_dma2 semaphore(%run_scoped3A_101 : memref<!tpu.dma_semaphore, #tpu.memory_space<semaphore_mem>>) src(%dma_wait3A_121 : memref<640xf32, #tpu.memory_space<vmem_shared>>) dst(%dma_wait3A_119 : memref<640xf32, #tpu.memory_space<vmem>>)
      tpu.yield
    }) : () -> ()
    %scan3A_92 = arith.constant 0 : i32
    %scan3A_93 = arith.constant 0 : i32
    %scan3A_94 = arith.constant 40 : i32
    %scan3A_95 = arith.addi %scan3A_93, %scan3A_94 : i32
    %scan3A_96 = arith.constant 1 : i32
    %scan3A_97 = scf.for %scan3A_101 = %scan3A_93 to %scan3A_95 step %scan3A_96 iter_args(%scan3A_102 = %scan3A_92) -> (i32)  : i32 {
      %mul3A_103 = arith.constant 16 : i32
      %mul3A_104 = arith.muli %scan3A_101, %mul3A_103 : i32
      %broadcast_in_dim3A_105 = arith.constant 0.000000e+00 : f32
      %broadcast_in_dim3A_106 = vector.broadcast %broadcast_in_dim3A_105 : f32 to vector<16xf32>
      %get3A = arith.constant 0 : i32
      %get3A_107 = arith.index_cast %get3A : i32 to index
      %get3A_108 = arith.index_cast %mul3A_104 : i32 to index
      %get3A_109 = tpu.vector_load %arg6[%get3A_107, %get3A_108] {strides = array<i32>} : memref<16x640xf32, #tpu.memory_space<vmem>>, vector<16xf32>,
      %add3A_110 = arith.addf %broadcast_in_dim3A_106, %get3A_109 : vector<16xf32>
      %get3A_111 = arith.constant 1 : i32
      %get3A_112 = arith.index_cast %get3A_111 : i32 to index
      %get3A_113 = arith.index_cast %mul3A_104 : i32 to index
      %get3A_114 = tpu.vector_load %arg6[%get3A_112, %get3A_113] {strides = array<i32>} : memref<16x640xf32, #tpu.memory_space<vmem>>, vector<16xf32>,
      %add3A_115 = arith.addf %add3A_110, %get3A_114 : vector<16xf32>
      %get3A_116 = arith.constant 2 : i32
      %get3A_117 = arith.index_cast %get3A_116 : i32 to index
      %get3A_118 = arith.index_cast %mul3A_104 : i32 to index
      %get3A_119 = tpu.vector_load %arg6[%get3A_117, %get3A_118] {strides = array<i32>} : memref<16x640xf32, #tpu.memory_space<vmem>>, vector<16xf32>,
      %add3A_120 = arith.addf %add3A_115, %get3A_119 : vector<16xf32>
      %get3A_121 = arith.constant 3 : i32
      %get3A_122 = arith.index_cast %get3A_121 : i32 to index
      %get3A_123 = arith.index_cast %mul3A_104 : i32 to index
      %get3A_124 = tpu.vector_load %arg6[%get3A_122, %get3A_123] {strides = array<i32>} : memref<16x640xf32, #tpu.memory_space<vmem>>, vector<16xf32>,
      %add3A_125 = arith.addf %add3A_120, %get3A_124 : vector<16xf32>
      %get3A_126 = arith.constant 4 : i32
      %get3A_127 = arith.index_cast %get3A_126 : i32 to index
      %get3A_128 = arith.index_cast %mul3A_104 : i32 to index
      %get3A_129 = tpu.vector_load %arg6[%get3A_127, %get3A_128] {strides = array<i32>} : memref<16x640xf32, #tpu.memory_space<vmem>>, vector<16xf32>,
      %add3A_130 = arith.addf %add3A_125, %get3A_129 : vector<16xf32>
      %get3A_131 = arith.constant 5 : i32
      %get3A_132 = arith.index_cast %get3A_131 : i32 to index
      %get3A_133 = arith.index_cast %mul3A_104 : i32 to index
      %get3A_134 = tpu.vector_load %arg6[%get3A_132, %get3A_133] {strides = array<i32>} : memref<16x640xf32, #tpu.memory_space<vmem>>, vector<16xf32>,
      %add3A_135 = arith.addf %add3A_130, %get3A_134 : vector<16xf32>
      %get3A_136 = arith.constant 6 : i32
      %get3A_137 = arith.index_cast %get3A_136 : i32 to index
      %get3A_138 = arith.index_cast %mul3A_104 : i32 to index
      %get3A_139 = tpu.vector_load %arg6[%get3A_137, %get3A_138] {strides = array<i32>} : memref<16x640xf32, #tpu.memory_space<vmem>>, vector<16xf32>,
      %add3A_140 = arith.addf %add3A_135, %get3A_139 : vector<16xf32>
      %get3A_141 = arith.constant 7 : i32
      %get3A_142 = arith.index_cast %get3A_141 : i32 to index
      %get3A_143 = arith.index_cast %mul3A_104 : i32 to index
      %get3A_144 = tpu.vector_load %arg6[%get3A_142, %get3A_143] {strides = array<i32>} : memref<16x640xf32, #tpu.memory_space<vmem>>, vector<16xf32>,
      %add3A_145 = arith.addf %add3A_140, %get3A_144 : vector<16xf32>
      %get3A_146 = arith.constant 8 : i32
      %get3A_147 = arith.index_cast %get3A_146 : i32 to index
      %get3A_148 = arith.index_cast %mul3A_104 : i32 to index
      %get3A_149 = tpu.vector_load %arg6[%get3A_147, %get3A_148] {strides = array<i32>} : memref<16x640xf32, #tpu.memory_space<vmem>>, vector<16xf32>,
      %add3A_150 = arith.addf %add3A_145, %get3A_149 : vector<16xf32>
      %get3A_151 = arith.constant 9 : i32
      %get3A_152 = arith.index_cast %get3A_151 : i32 to index
      %get3A_153 = arith.index_cast %mul3A_104 : i32 to index
      %get3A_154 = tpu.vector_load %arg6[%get3A_152, %get3A_153] {strides = array<i32>} : memref<16x640xf32, #tpu.memory_space<vmem>>, vector<16xf32>,
      %add3A_155 = arith.addf %add3A_150, %get3A_154 : vector<16xf32>
      %get3A_156 = arith.constant 10 : i32
      %get3A_157 = arith.index_cast %get3A_156 : i32 to index
      %get3A_158 = arith.index_cast %mul3A_104 : i32 to index
      %get3A_159 = tpu.vector_load %arg6[%get3A_157, %get3A_158] {strides = array<i32>} : memref<16x640xf32, #tpu.memory_space<vmem>>, vector<16xf32>,
      %add3A_160 = arith.addf %add3A_155, %get3A_159 : vector<16xf32>
      %get3A_161 = arith.constant 11 : i32
      %get3A_162 = arith.index_cast %get3A_161 : i32 to index
      %get3A_163 = arith.index_cast %mul3A_104 : i32 to index
      %get3A_164 = tpu.vector_load %arg6[%get3A_162, %get3A_163] {strides = array<i32>} : memref<16x640xf32, #tpu.memory_space<vmem>>, vector<16xf32>,
      %add3A_165 = arith.addf %add3A_160, %get3A_164 : vector<16xf32>
      %get3A_166 = arith.constant 12 : i32
      %get3A_167 = arith.index_cast %get3A_166 : i32 to index
      %get3A_168 = arith.index_cast %mul3A_104 : i32 to index
      %get3A_169 = tpu.vector_load %arg6[%get3A_167, %get3A_168] {strides = array<i32>} : memref<16x640xf32, #tpu.memory_space<vmem>>, vector<16xf32>,
      %add3A_170 = arith.addf %add3A_165, %get3A_169 : vector<16xf32>
      %get3A_171 = arith.constant 13 : i32
      %get3A_172 = arith.index_cast %get3A_171 : i32 to index
      %get3A_173 = arith.index_cast %mul3A_104 : i32 to index
      %get3A_174 = tpu.vector_load %arg6[%get3A_172, %get3A_173] {strides = array<i32>} : memref<16x640xf32, #tpu.memory_space<vmem>>, vector<16xf32>,
      %add3A_175 = arith.addf %add3A_170, %get3A_174 : vector<16xf32>
      %get3A_176 = arith.constant 14 : i32
      %get3A_177 = arith.index_cast %get3A_176 : i32 to index
      %get3A_178 = arith.index_cast %mul3A_104 : i32 to index
      %get3A_179 = tpu.vector_load %arg6[%get3A_177, %get3A_178] {strides = array<i32>} : memref<16x640xf32, #tpu.memory_space<vmem>>, vector<16xf32>,
      %add3A_180 = arith.addf %add3A_175, %get3A_179 : vector<16xf32>
      %get3A_181 = arith.constant 15 : i32
      %get3A_182 = arith.index_cast %get3A_181 : i32 to index
      %get3A_183 = arith.index_cast %mul3A_104 : i32 to index
      %get3A_184 = tpu.vector_load %arg6[%get3A_182, %get3A_183] {strides = array<i32>} : memref<16x640xf32, #tpu.memory_space<vmem>>, vector<16xf32>,
      %add3A_185 = arith.addf %add3A_180, %get3A_184 : vector<16xf32>
      %swap3A = arith.index_cast %mul3A_104 : i32 to index
      %swap3A_186 = tpu.vector_load %arg5[%swap3A] {strides = array<i32>} : memref<10240xf32, #tpu.memory_space<vmem>>, vector<16xf32>,
      tpu.vector_store %arg5[%swap3A], %add3A_185 {strides = array<i32>} : memref<10240xf32, #tpu.memory_space<vmem>>, vector<16xf32>,
      %scan3A_187 = arith.constant 0 : i32
      scf.yield %scan3A_187 : i32
    }
    %scan3A_98 = arith.constant 40 : i32
    %mul3A_99 = arith.constant 640 : i32
    %mul3A_100 = arith.muli %arg1, %mul3A_99 : i32
    "tpu.region"() ({
      %run_scoped3A_101 = tpu.sem_alloc : memref<!tpu.dma_semaphore, #tpu.memory_space<semaphore_mem>>
      %dma_start3A_102 = arith.constant 0 : i32
      %dma_start3A_103 = tpu.memref_slice %arg5[%dma_start3A_102] : memref<10240xf32, #tpu.memory_space<vmem>> -> memref<640xf32, #tpu.memory_space<vmem>>
      %dma_start3A_104 = tpu.memref_slice %arg3[%arg0, %mul3A_100] : memref<2x10240xf32, #tpu.memory_space<hbm>> -> memref<1x640xf32, #tpu.memory_space<hbm>>
      %dma_start3A_105 = tpu.memref_squeeze %dma_start3A_104 : memref<1x640xf32, #tpu.memory_space<hbm>> -> memref<640xf32, #tpu.memory_space<hbm>>
      %dma_start3A_106 = tpu.memref_slice %arg3[%arg0, %mul3A_100] : memref<2x10240xf32, #tpu.memory_space<hbm>> -> memref<1x640xf32, #tpu.memory_space<hbm>>
      %dma_start3A_107 = tpu.memref_squeeze %dma_start3A_106 : memref<1x640xf32, #tpu.memory_space<hbm>> -> memref<640xf32, #tpu.memory_space<hbm>>
      %dma_start3A_108 = arith.constant 0 : i32
      %dma_start3A_109 = tpu.memref_slice %arg5[%dma_start3A_108] : memref<10240xf32, #tpu.memory_space<vmem>> -> memref<640xf32, #tpu.memory_space<vmem>>
      tpu.enqueue_dma source(%dma_start3A_109 : memref<640xf32, #tpu.memory_space<vmem>>) target(%dma_start3A_107 : memref<640xf32, #tpu.memory_space<hbm>>) target_semaphore(%run_scoped3A_101 : memref<!tpu.dma_semaphore, #tpu.memory_space<semaphore_mem>>)
      %dma_wait3A_110 = arith.constant 0 : i32
      %dma_wait3A_111 = tpu.memref_slice %arg5[%dma_wait3A_110] : memref<10240xf32, #tpu.memory_space<vmem>> -> memref<640xf32, #tpu.memory_space<vmem>>
      %dma_wait3A_112 = tpu.memref_slice %arg3[%arg0, %mul3A_100] : memref<2x10240xf32, #tpu.memory_space<hbm>> -> memref<1x640xf32, #tpu.memory_space<hbm>>
      %dma_wait3A_113 = tpu.memref_squeeze %dma_wait3A_112 : memref<1x640xf32, #tpu.memory_space<hbm>> -> memref<640xf32, #tpu.memory_space<hbm>>
      %dma_wait3A_114 = tpu.memref_slice %arg3[%arg0, %mul3A_100] : memref<2x10240xf32, #tpu.memory_space<hbm>> -> memref<1x640xf32, #tpu.memory_space<hbm>>
      %dma_wait3A_115 = tpu.memref_squeeze %dma_wait3A_114 : memref<1x640xf32, #tpu.memory_space<hbm>> -> memref<640xf32, #tpu.memory_space<hbm>>
      %dma_wait3A_116 = arith.constant 0 : i32
      %dma_wait3A_117 = tpu.memref_slice %arg5[%dma_wait3A_116] : memref<10240xf32, #tpu.memory_space<vmem>> -> memref<640xf32, #tpu.memory_space<vmem>>
      tpu.wait_dma2 semaphore(%run_scoped3A_101 : memref<!tpu.dma_semaphore, #tpu.memory_space<semaphore_mem>>) src(%dma_wait3A_117 : memref<640xf32, #tpu.memory_space<vmem>>) dst(%dma_wait3A_115 : memref<640xf32, #tpu.memory_space<hbm>>)
      tpu.yield
    }) : () -> ()
    return
  }
}

#map = affine_map<(d0, d1) -> (0, 0)>
#map1 = affine_map<(d0, d1) -> (0, 0, 0)>
module attributes {stable_mosaic.version = 14 : i64} {
  func.func @_head_body(%arg0: i32, %arg1: i32, %arg2: memref<10240x128xf32, #tpu.memory_space<hbm>>, %arg3: memref<10240x128xf32, #tpu.memory_space<hbm>>, %arg4: memref<32x160x128xi32, #tpu.memory_space<hbm>>, %arg5: memref<32x160x128xi32, #tpu.memory_space<hbm>>, %arg6: memref<655360x128xf32, #tpu.memory_space<hbm>>, %arg7: memref<16x128xi32, #tpu.memory_space<vmem>>, %arg8: memref<16x128xi32, #tpu.memory_space<vmem>>, %arg9: memref<128x128xf32, #tpu.memory_space<vmem>>, %arg10: memref<128x128xf32, #tpu.memory_space<vmem>>, %arg11: memref<128x128xf32, #tpu.memory_space<vmem>>, %arg12: memref<128x128xf32, #tpu.memory_space<vmem>>, %arg13: memref<128x128xf32, #tpu.memory_space<vmem>>, %arg14: memref<128x128xf32, #tpu.memory_space<vmem>>, %arg15: memref<!tpu.dma_semaphore, #tpu.memory_space<semaphore_mem>>, %arg16: memref<!tpu.dma_semaphore, #tpu.memory_space<semaphore_mem>>, %arg17: memref<!tpu.dma_semaphore, #tpu.memory_space<semaphore_mem>>, %arg18: memref<!tpu.dma_semaphore, #tpu.memory_space<semaphore_mem>>) attributes {dimension_semantics = [#tpu.dimension_semantics<core_parallel>, #tpu.dimension_semantics<subcore_parallel>], iteration_bounds = array<i64: 2, 16>, scalar_prefetch = 0 : i64, scratch_operands = 12 : i64, tpu.core_type = #tpu.core_type<sc_vector_subcore>, window_params = [{transform_indices = #map}, {transform_indices = #map}, {transform_indices = #map1}, {transform_indices = #map1}, {transform_indices = #map}]} {
    %mul3A = arith.constant 2 : i32
    %mul3A_0 = arith.muli %arg1, %mul3A : i32
    %add3A = arith.addi %mul3A_0, %arg0 : i32
    %scan3A = arith.constant 0 : i32
    %scan3A_1 = arith.constant 0 : i32
    %scan3A_2 = arith.constant 10 : i32
    %scan3A_3 = arith.addi %scan3A_1, %scan3A_2 : i32
    %scan3A_4 = arith.constant 1 : i32
    %scan3A_5 = scf.for %scan3A_18 = %scan3A_1 to %scan3A_3 step %scan3A_4 iter_args(%scan3A_19 = %scan3A) -> (i32)  : i32 {
      %mul3A_20 = arith.constant 16 : i32
      %mul3A_21 = arith.muli %scan3A_18, %mul3A_20 : i32
      "tpu.region"() ({
        %run_scoped3A = tpu.sem_alloc : memref<!tpu.dma_semaphore, #tpu.memory_space<semaphore_mem>>
        %dma_start3A_59 = arith.constant 0 : i32
        %dma_start3A_60 = tpu.memref_slice %arg4[%add3A, %mul3A_21, %dma_start3A_59] : memref<32x160x128xi32, #tpu.memory_space<hbm>> -> memref<1x16x128xi32, #tpu.memory_space<hbm>>
        %dma_start3A_61 = tpu.memref_squeeze %dma_start3A_60 : memref<1x16x128xi32, #tpu.memory_space<hbm>> -> memref<16x128xi32, #tpu.memory_space<hbm>>
        %dma_start3A_62 = arith.constant 0 : i32
        %dma_start3A_63 = tpu.memref_slice %arg4[%add3A, %mul3A_21, %dma_start3A_62] : memref<32x160x128xi32, #tpu.memory_space<hbm>> -> memref<1x16x128xi32, #tpu.memory_space<hbm>>
        %dma_start3A_64 = tpu.memref_squeeze %dma_start3A_63 : memref<1x16x128xi32, #tpu.memory_space<hbm>> -> memref<16x128xi32, #tpu.memory_space<hbm>>
        tpu.enqueue_dma source(%dma_start3A_64 : memref<16x128xi32, #tpu.memory_space<hbm>>) target(%arg7 : memref<16x128xi32, #tpu.memory_space<vmem>>) target_semaphore(%run_scoped3A : memref<!tpu.dma_semaphore, #tpu.memory_space<semaphore_mem>>)
        %dma_wait3A_65 = arith.constant 0 : i32
        %dma_wait3A_66 = tpu.memref_slice %arg4[%add3A, %mul3A_21, %dma_wait3A_65] : memref<32x160x128xi32, #tpu.memory_space<hbm>> -> memref<1x16x128xi32, #tpu.memory_space<hbm>>
        %dma_wait3A_67 = tpu.memref_squeeze %dma_wait3A_66 : memref<1x16x128xi32, #tpu.memory_space<hbm>> -> memref<16x128xi32, #tpu.memory_space<hbm>>
        %dma_wait3A_68 = arith.constant 0 : i32
        %dma_wait3A_69 = tpu.memref_slice %arg4[%add3A, %mul3A_21, %dma_wait3A_68] : memref<32x160x128xi32, #tpu.memory_space<hbm>> -> memref<1x16x128xi32, #tpu.memory_space<hbm>>
        %dma_wait3A_70 = tpu.memref_squeeze %dma_wait3A_69 : memref<1x16x128xi32, #tpu.memory_space<hbm>> -> memref<16x128xi32, #tpu.memory_space<hbm>>
        tpu.wait_dma2 semaphore(%run_scoped3A : memref<!tpu.dma_semaphore, #tpu.memory_space<semaphore_mem>>) src(%dma_wait3A_70 : memref<16x128xi32, #tpu.memory_space<hbm>>) dst(%arg7 : memref<16x128xi32, #tpu.memory_space<vmem>>)
        tpu.yield
      }) : () -> ()
      %mul3A_22 = arith.constant 16 : i32
      %mul3A_23 = arith.muli %scan3A_18, %mul3A_22 : i32
      "tpu.region"() ({
        %run_scoped3A = tpu.sem_alloc : memref<!tpu.dma_semaphore, #tpu.memory_space<semaphore_mem>>
        %dma_start3A_59 = arith.constant 0 : i32
        %dma_start3A_60 = tpu.memref_slice %arg5[%add3A, %mul3A_23, %dma_start3A_59] : memref<32x160x128xi32, #tpu.memory_space<hbm>> -> memref<1x16x128xi32, #tpu.memory_space<hbm>>
        %dma_start3A_61 = tpu.memref_squeeze %dma_start3A_60 : memref<1x16x128xi32, #tpu.memory_space<hbm>> -> memref<16x128xi32, #tpu.memory_space<hbm>>
        %dma_start3A_62 = arith.constant 0 : i32
        %dma_start3A_63 = tpu.memref_slice %arg5[%add3A, %mul3A_23, %dma_start3A_62] : memref<32x160x128xi32, #tpu.memory_space<hbm>> -> memref<1x16x128xi32, #tpu.memory_space<hbm>>
        %dma_start3A_64 = tpu.memref_squeeze %dma_start3A_63 : memref<1x16x128xi32, #tpu.memory_space<hbm>> -> memref<16x128xi32, #tpu.memory_space<hbm>>
        tpu.enqueue_dma source(%dma_start3A_64 : memref<16x128xi32, #tpu.memory_space<hbm>>) target(%arg8 : memref<16x128xi32, #tpu.memory_space<vmem>>) target_semaphore(%run_scoped3A : memref<!tpu.dma_semaphore, #tpu.memory_space<semaphore_mem>>)
        %dma_wait3A_65 = arith.constant 0 : i32
        %dma_wait3A_66 = tpu.memref_slice %arg5[%add3A, %mul3A_23, %dma_wait3A_65] : memref<32x160x128xi32, #tpu.memory_space<hbm>> -> memref<1x16x128xi32, #tpu.memory_space<hbm>>
        %dma_wait3A_67 = tpu.memref_squeeze %dma_wait3A_66 : memref<1x16x128xi32, #tpu.memory_space<hbm>> -> memref<16x128xi32, #tpu.memory_space<hbm>>
        %dma_wait3A_68 = arith.constant 0 : i32
        %dma_wait3A_69 = tpu.memref_slice %arg5[%add3A, %mul3A_23, %dma_wait3A_68] : memref<32x160x128xi32, #tpu.memory_space<hbm>> -> memref<1x16x128xi32, #tpu.memory_space<hbm>>
        %dma_wait3A_70 = tpu.memref_squeeze %dma_wait3A_69 : memref<1x16x128xi32, #tpu.memory_space<hbm>> -> memref<16x128xi32, #tpu.memory_space<hbm>>
        tpu.wait_dma2 semaphore(%run_scoped3A : memref<!tpu.dma_semaphore, #tpu.memory_space<semaphore_mem>>) src(%dma_wait3A_70 : memref<16x128xi32, #tpu.memory_space<hbm>>) dst(%arg8 : memref<16x128xi32, #tpu.memory_space<vmem>>)
        tpu.yield
      }) : () -> ()
      %dma_start3A = arith.constant 0 : i32
      %dma_start3A_24 = arith.constant 0 : i32
      %dma_start3A_25 = tpu.memref_slice %arg7[%dma_start3A, %dma_start3A_24] : memref<16x128xi32, #tpu.memory_space<vmem>> -> memref<1x128xi32, #tpu.memory_space<vmem>>
      %dma_start3A_26 = tpu.memref_squeeze %dma_start3A_25 : memref<1x128xi32, #tpu.memory_space<vmem>> -> memref<128xi32, #tpu.memory_space<vmem>>
      %dma_start3A_27 = arith.constant 0 : i32
      %dma_start3A_28 = arith.constant 0 : i32
      %dma_start3A_29 = tpu.memref_slice %arg2[%dma_start3A_27, %dma_start3A_28] : memref<10240x128xf32, #tpu.memory_space<hbm>> -> memref<10240x128xf32, #tpu.memory_space<hbm>>
      tpu.enqueue_indirect_dma source(%dma_start3A_29 : memref<10240x128xf32, #tpu.memory_space<hbm>>) target(%arg9 : memref<128x128xf32, #tpu.memory_space<vmem>>) offsets(%dma_start3A_26 : memref<128xi32, #tpu.memory_space<vmem>>) semaphore(%arg15 : memref<!tpu.dma_semaphore, #tpu.memory_space<semaphore_mem>>)
      %dma_start3A_30 = arith.constant 0 : i32
      %dma_start3A_31 = arith.constant 0 : i32
      %dma_start3A_32 = tpu.memref_slice %arg8[%dma_start3A_30, %dma_start3A_31] : memref<16x128xi32, #tpu.memory_space<vmem>> -> memref<1x128xi32, #tpu.memory_space<vmem>>
      %dma_start3A_33 = tpu.memref_squeeze %dma_start3A_32 : memref<1x128xi32, #tpu.memory_space<vmem>> -> memref<128xi32, #tpu.memory_space<vmem>>
      %dma_start3A_34 = arith.constant 0 : i32
      %dma_start3A_35 = arith.constant 0 : i32
      %dma_start3A_36 = tpu.memref_slice %arg3[%dma_start3A_34, %dma_start3A_35] : memref<10240x128xf32, #tpu.memory_space<hbm>> -> memref<10240x128xf32, #tpu.memory_space<hbm>>
      tpu.enqueue_indirect_dma source(%dma_start3A_36 : memref<10240x128xf32, #tpu.memory_space<hbm>>) target(%arg11 : memref<128x128xf32, #tpu.memory_space<vmem>>) offsets(%dma_start3A_33 : memref<128xi32, #tpu.memory_space<vmem>>) semaphore(%arg15 : memref<!tpu.dma_semaphore, #tpu.memory_space<semaphore_mem>>)
      %dma_start3A_37 = arith.constant 1 : i32
      %dma_start3A_38 = arith.constant 0 : i32
      %dma_start3A_39 = tpu.memref_slice %arg7[%dma_start3A_37, %dma_start3A_38] : memref<16x128xi32, #tpu.memory_space<vmem>> -> memref<1x128xi32, #tpu.memory_space<vmem>>
      %dma_start3A_40 = tpu.memref_squeeze %dma_start3A_39 : memref<1x128xi32, #tpu.memory_space<vmem>> -> memref<128xi32, #tpu.memory_space<vmem>>
      %dma_start3A_41 = arith.constant 0 : i32
      %dma_start3A_42 = arith.constant 0 : i32
      %dma_start3A_43 = tpu.memref_slice %arg2[%dma_start3A_41, %dma_start3A_42] : memref<10240x128xf32, #tpu.memory_space<hbm>> -> memref<10240x128xf32, #tpu.memory_space<hbm>>
      tpu.enqueue_indirect_dma source(%dma_start3A_43 : memref<10240x128xf32, #tpu.memory_space<hbm>>) target(%arg10 : memref<128x128xf32, #tpu.memory_space<vmem>>) offsets(%dma_start3A_40 : memref<128xi32, #tpu.memory_space<vmem>>) semaphore(%arg16 : memref<!tpu.dma_semaphore, #tpu.memory_space<semaphore_mem>>)
      %dma_start3A_44 = arith.constant 1 : i32
      %dma_start3A_45 = arith.constant 0 : i32
      %dma_start3A_46 = tpu.memref_slice %arg8[%dma_start3A_44, %dma_start3A_45] : memref<16x128xi32, #tpu.memory_space<vmem>> -> memref<1x128xi32, #tpu.memory_space<vmem>>
      %dma_start3A_47 = tpu.memref_squeeze %dma_start3A_46 : memref<1x128xi32, #tpu.memory_space<vmem>> -> memref<128xi32, #tpu.memory_space<vmem>>
      %dma_start3A_48 = arith.constant 0 : i32
      %dma_start3A_49 = arith.constant 0 : i32
      %dma_start3A_50 = tpu.memref_slice %arg3[%dma_start3A_48, %dma_start3A_49] : memref<10240x128xf32, #tpu.memory_space<hbm>> -> memref<10240x128xf32, #tpu.memory_space<hbm>>
      tpu.enqueue_indirect_dma source(%dma_start3A_50 : memref<10240x128xf32, #tpu.memory_space<hbm>>) target(%arg12 : memref<128x128xf32, #tpu.memory_space<vmem>>) offsets(%dma_start3A_47 : memref<128xi32, #tpu.memory_space<vmem>>) semaphore(%arg16 : memref<!tpu.dma_semaphore, #tpu.memory_space<semaphore_mem>>)
      %scan3A_51 = arith.constant 0 : i32
      %scan3A_52 = arith.constant 0 : i32
      %scan3A_53 = arith.constant 8 : i32
      %scan3A_54 = arith.addi %scan3A_52, %scan3A_53 : i32
      %scan3A_55 = arith.constant 1 : i32
      %scan3A_56 = scf.for %scan3A_59 = %scan3A_52 to %scan3A_54 step %scan3A_55 iter_args(%scan3A_60 = %scan3A_51) -> (i32)  : i32 {
        %mul3A_61 = arith.constant 2 : i32
        %mul3A_62 = arith.muli %mul3A_61, %scan3A_59 : i32
        %add3A_63 = arith.constant 0 : i32
        %add3A_64 = arith.addi %mul3A_62, %add3A_63 : i32
        %dma_wait3A_65 = arith.constant 0 : i32
        %dma_wait3A_66 = tpu.memref_slice %arg7[%add3A_64, %dma_wait3A_65] : memref<16x128xi32, #tpu.memory_space<vmem>> -> memref<1x128xi32, #tpu.memory_space<vmem>>
        %dma_wait3A_67 = tpu.memref_squeeze %dma_wait3A_66 : memref<1x128xi32, #tpu.memory_space<vmem>> -> memref<128xi32, #tpu.memory_space<vmem>>
        %dma_wait3A_68 = arith.constant 0 : i32
        %dma_wait3A_69 = arith.constant 0 : i32
        %dma_wait3A_70 = tpu.memref_slice %arg2[%dma_wait3A_68, %dma_wait3A_69] : memref<10240x128xf32, #tpu.memory_space<hbm>> -> memref<10240x128xf32, #tpu.memory_space<hbm>>
        tpu.wait_indirect_dma semaphore(%arg15 : memref<!tpu.dma_semaphore, #tpu.memory_space<semaphore_mem>>) src(%dma_wait3A_70 : memref<10240x128xf32, #tpu.memory_space<hbm>>) dst(%arg9 : memref<128x128xf32, #tpu.memory_space<vmem>>)
        %dma_wait3A_71 = arith.constant 0 : i32
        %dma_wait3A_72 = tpu.memref_slice %arg8[%add3A_64, %dma_wait3A_71] : memref<16x128xi32, #tpu.memory_space<vmem>> -> memref<1x128xi32, #tpu.memory_space<vmem>>
        %dma_wait3A_73 = tpu.memref_squeeze %dma_wait3A_72 : memref<1x128xi32, #tpu.memory_space<vmem>> -> memref<128xi32, #tpu.memory_space<vmem>>
        %dma_wait3A_74 = arith.constant 0 : i32
        %dma_wait3A_75 = arith.constant 0 : i32
        %dma_wait3A_76 = tpu.memref_slice %arg3[%dma_wait3A_74, %dma_wait3A_75] : memref<10240x128xf32, #tpu.memory_space<hbm>> -> memref<10240x128xf32, #tpu.memory_space<hbm>>
        tpu.wait_indirect_dma semaphore(%arg15 : memref<!tpu.dma_semaphore, #tpu.memory_space<semaphore_mem>>) src(%dma_wait3A_76 : memref<10240x128xf32, #tpu.memory_space<hbm>>) dst(%arg11 : memref<128x128xf32, #tpu.memory_space<vmem>>)
        %gt3A = arith.constant 0 : i32
        %gt3A_77 = arith.cmpi sgt, %scan3A_59, %gt3A : i32
        %gt3A_78 = arith.constant 0 : i32
        %gt3A_79 = arith.cmpi sgt, %scan3A_18, %gt3A_78 : i32
        %or3A = arith.ori %gt3A_77, %gt3A_79 : i1
        %convert_element_type3A = arith.extui %or3A : i1 to i32
        %cond3A = arith.constant 0 : i32
        %cond3A_80 = arith.cmpi ne, %convert_element_type3A, %cond3A : i32
        scf.if %cond3A_80 {
          %mul3A_157 = arith.constant 20480 : i32
          %mul3A_158 = arith.muli %add3A, %mul3A_157 : i32
          %dma_wait3A_159 = arith.constant 0 : i32
          %dma_wait3A_160 = tpu.memref_slice %arg6[%mul3A_158, %dma_wait3A_159] : memref<655360x128xf32, #tpu.memory_space<hbm>> -> memref<128x128xf32, #tpu.memory_space<hbm>>
          %dma_wait3A_161 = arith.constant 0 : i32
          %dma_wait3A_162 = tpu.memref_slice %arg6[%mul3A_158, %dma_wait3A_161] : memref<655360x128xf32, #tpu.memory_space<hbm>> -> memref<128x128xf32, #tpu.memory_space<hbm>>
          tpu.wait_dma2 semaphore(%arg17 : memref<!tpu.dma_semaphore, #tpu.memory_space<semaphore_mem>>) src(%arg13 : memref<128x128xf32, #tpu.memory_space<vmem>>) dst(%dma_wait3A_162 : memref<128x128xf32, #tpu.memory_space<hbm>>)
        } else {
        }
        %scan3A_81 = arith.constant 0 : i32
        %scan3A_82 = arith.constant 0 : i32
        %scan3A_83 = arith.constant 128 : i32
        %scan3A_84 = arith.addi %scan3A_82, %scan3A_83 : i32
        %scan3A_85 = arith.constant 1 : i32
        %scan3A_86 = scf.for %scan3A_157 = %scan3A_82 to %scan3A_84 step %scan3A_85 iter_args(%scan3A_158 = %scan3A_81) -> (i32)  : i32 {
          %get3A = arith.index_cast %scan3A_157 : i32 to index
          %get3A_159 = arith.constant 0 : index
          %get3A_160 = tpu.vector_load %arg9[%get3A, %get3A_159] {strides = array<i32>} : memref<128x128xf32, #tpu.memory_space<vmem>>, vector<1x16xf32>,
          %get3A_161 = vector.shape_cast %get3A_160 : vector<1x16xf32> to vector<16xf32>
          %get3A_162 = arith.index_cast %scan3A_157 : i32 to index
          %get3A_163 = arith.constant 0 : index
          %get3A_164 = tpu.vector_load %arg11[%get3A_162, %get3A_163] {strides = array<i32>} : memref<128x128xf32, #tpu.memory_space<vmem>>, vector<1x16xf32>,
          %get3A_165 = vector.shape_cast %get3A_164 : vector<1x16xf32> to vector<16xf32>
          %add3A_166 = arith.addf %get3A_161, %get3A_165 : vector<16xf32>
          %max3A = arith.constant 0.000000e+00 : f32
          %max3A_167 = vector.broadcast %max3A : f32 to vector<16xf32>
          %max3A_168 = arith.maximumf %add3A_166, %max3A_167 : vector<16xf32>
          %swap3A = arith.index_cast %scan3A_157 : i32 to index
          %swap3A_169 = arith.constant 0 : index
          %swap3A_170 = tpu.vector_load %arg13[%swap3A, %swap3A_169] {strides = array<i32>} : memref<128x128xf32, #tpu.memory_space<vmem>>, vector<1x16xf32>,
          %swap3A_171 = vector.shape_cast %swap3A_170 : vector<1x16xf32> to vector<16xf32>
          %swap3A_172 = vector.shape_cast %max3A_168 : vector<16xf32> to vector<1x16xf32>
          tpu.vector_store %arg13[%swap3A, %swap3A_169], %swap3A_172 {strides = array<i32>} : memref<128x128xf32, #tpu.memory_space<vmem>>, vector<1x16xf32>,
          %get3A_173 = arith.index_cast %scan3A_157 : i32 to index
          %get3A_174 = arith.constant 16 : index
          %get3A_175 = tpu.vector_load %arg9[%get3A_173, %get3A_174] {strides = array<i32>} : memref<128x128xf32, #tpu.memory_space<vmem>>, vector<1x16xf32>,
          %get3A_176 = vector.shape_cast %get3A_175 : vector<1x16xf32> to vector<16xf32>
          %get3A_177 = arith.index_cast %scan3A_157 : i32 to index
          %get3A_178 = arith.constant 16 : index
          %get3A_179 = tpu.vector_load %arg11[%get3A_177, %get3A_178] {strides = array<i32>} : memref<128x128xf32, #tpu.memory_space<vmem>>, vector<1x16xf32>,
          %get3A_180 = vector.shape_cast %get3A_179 : vector<1x16xf32> to vector<16xf32>
          %add3A_181 = arith.addf %get3A_176, %get3A_180 : vector<16xf32>
          %max3A_182 = arith.constant 0.000000e+00 : f32
          %max3A_183 = vector.broadcast %max3A_182 : f32 to vector<16xf32>
          %max3A_184 = arith.maximumf %add3A_181, %max3A_183 : vector<16xf32>
          %swap3A_185 = arith.index_cast %scan3A_157 : i32 to index
          %swap3A_186 = arith.constant 16 : index
          %swap3A_187 = tpu.vector_load %arg13[%swap3A_185, %swap3A_186] {strides = array<i32>} : memref<128x128xf32, #tpu.memory_space<vmem>>, vector<1x16xf32>,
          %swap3A_188 = vector.shape_cast %swap3A_187 : vector<1x16xf32> to vector<16xf32>
          %swap3A_189 = vector.shape_cast %max3A_184 : vector<16xf32> to vector<1x16xf32>
          tpu.vector_store %arg13[%swap3A_185, %swap3A_186], %swap3A_189 {strides = array<i32>} : memref<128x128xf32, #tpu.memory_space<vmem>>, vector<1x16xf32>,
          %get3A_190 = arith.index_cast %scan3A_157 : i32 to index
          %get3A_191 = arith.constant 32 : index
          %get3A_192 = tpu.vector_load %arg9[%get3A_190, %get3A_191] {strides = array<i32>} : memref<128x128xf32, #tpu.memory_space<vmem>>, vector<1x16xf32>,
          %get3A_193 = vector.shape_cast %get3A_192 : vector<1x16xf32> to vector<16xf32>
          %get3A_194 = arith.index_cast %scan3A_157 : i32 to index
          %get3A_195 = arith.constant 32 : index
          %get3A_196 = tpu.vector_load %arg11[%get3A_194, %get3A_195] {strides = array<i32>} : memref<128x128xf32, #tpu.memory_space<vmem>>, vector<1x16xf32>,
          %get3A_197 = vector.shape_cast %get3A_196 : vector<1x16xf32> to vector<16xf32>
          %add3A_198 = arith.addf %get3A_193, %get3A_197 : vector<16xf32>
          %max3A_199 = arith.constant 0.000000e+00 : f32
          %max3A_200 = vector.broadcast %max3A_199 : f32 to vector<16xf32>
          %max3A_201 = arith.maximumf %add3A_198, %max3A_200 : vector<16xf32>
          %swap3A_202 = arith.index_cast %scan3A_157 : i32 to index
          %swap3A_203 = arith.constant 32 : index
          %swap3A_204 = tpu.vector_load %arg13[%swap3A_202, %swap3A_203] {strides = array<i32>} : memref<128x128xf32, #tpu.memory_space<vmem>>, vector<1x16xf32>,
          %swap3A_205 = vector.shape_cast %swap3A_204 : vector<1x16xf32> to vector<16xf32>
          %swap3A_206 = vector.shape_cast %max3A_201 : vector<16xf32> to vector<1x16xf32>
          tpu.vector_store %arg13[%swap3A_202, %swap3A_203], %swap3A_206 {strides = array<i32>} : memref<128x128xf32, #tpu.memory_space<vmem>>, vector<1x16xf32>,
          %get3A_207 = arith.index_cast %scan3A_157 : i32 to index
          %get3A_208 = arith.constant 48 : index
          %get3A_209 = tpu.vector_load %arg9[%get3A_207, %get3A_208] {strides = array<i32>} : memref<128x128xf32, #tpu.memory_space<vmem>>, vector<1x16xf32>,
          %get3A_210 = vector.shape_cast %get3A_209 : vector<1x16xf32> to vector<16xf32>
          %get3A_211 = arith.index_cast %scan3A_157 : i32 to index
          %get3A_212 = arith.constant 48 : index
          %get3A_213 = tpu.vector_load %arg11[%get3A_211, %get3A_212] {strides = array<i32>} : memref<128x128xf32, #tpu.memory_space<vmem>>, vector<1x16xf32>,
          %get3A_214 = vector.shape_cast %get3A_213 : vector<1x16xf32> to vector<16xf32>
          %add3A_215 = arith.addf %get3A_210, %get3A_214 : vector<16xf32>
          %max3A_216 = arith.constant 0.000000e+00 : f32
          %max3A_217 = vector.broadcast %max3A_216 : f32 to vector<16xf32>
          %max3A_218 = arith.maximumf %add3A_215, %max3A_217 : vector<16xf32>
          %swap3A_219 = arith.index_cast %scan3A_157 : i32 to index
          %swap3A_220 = arith.constant 48 : index
          %swap3A_221 = tpu.vector_load %arg13[%swap3A_219, %swap3A_220] {strides = array<i32>} : memref<128x128xf32, #tpu.memory_space<vmem>>, vector<1x16xf32>,
          %swap3A_222 = vector.shape_cast %swap3A_221 : vector<1x16xf32> to vector<16xf32>
          %swap3A_223 = vector.shape_cast %max3A_218 : vector<16xf32> to vector<1x16xf32>
          tpu.vector_store %arg13[%swap3A_219, %swap3A_220], %swap3A_223 {strides = array<i32>} : memref<128x128xf32, #tpu.memory_space<vmem>>, vector<1x16xf32>,
          %get3A_224 = arith.index_cast %scan3A_157 : i32 to index
          %get3A_225 = arith.constant 64 : index
          %get3A_226 = tpu.vector_load %arg9[%get3A_224, %get3A_225] {strides = array<i32>} : memref<128x128xf32, #tpu.memory_space<vmem>>, vector<1x16xf32>,
          %get3A_227 = vector.shape_cast %get3A_226 : vector<1x16xf32> to vector<16xf32>
          %get3A_228 = arith.index_cast %scan3A_157 : i32 to index
          %get3A_229 = arith.constant 64 : index
          %get3A_230 = tpu.vector_load %arg11[%get3A_228, %get3A_229] {strides = array<i32>} : memref<128x128xf32, #tpu.memory_space<vmem>>, vector<1x16xf32>,
          %get3A_231 = vector.shape_cast %get3A_230 : vector<1x16xf32> to vector<16xf32>
          %add3A_232 = arith.addf %get3A_227, %get3A_231 : vector<16xf32>
          %max3A_233 = arith.constant 0.000000e+00 : f32
          %max3A_234 = vector.broadcast %max3A_233 : f32 to vector<16xf32>
          %max3A_235 = arith.maximumf %add3A_232, %max3A_234 : vector<16xf32>
          %swap3A_236 = arith.index_cast %scan3A_157 : i32 to index
          %swap3A_237 = arith.constant 64 : index
          %swap3A_238 = tpu.vector_load %arg13[%swap3A_236, %swap3A_237] {strides = array<i32>} : memref<128x128xf32, #tpu.memory_space<vmem>>, vector<1x16xf32>,
          %swap3A_239 = vector.shape_cast %swap3A_238 : vector<1x16xf32> to vector<16xf32>
          %swap3A_240 = vector.shape_cast %max3A_235 : vector<16xf32> to vector<1x16xf32>
          tpu.vector_store %arg13[%swap3A_236, %swap3A_237], %swap3A_240 {strides = array<i32>} : memref<128x128xf32, #tpu.memory_space<vmem>>, vector<1x16xf32>,
          %get3A_241 = arith.index_cast %scan3A_157 : i32 to index
          %get3A_242 = arith.constant 80 : index
          %get3A_243 = tpu.vector_load %arg9[%get3A_241, %get3A_242] {strides = array<i32>} : memref<128x128xf32, #tpu.memory_space<vmem>>, vector<1x16xf32>,
          %get3A_244 = vector.shape_cast %get3A_243 : vector<1x16xf32> to vector<16xf32>
          %get3A_245 = arith.index_cast %scan3A_157 : i32 to index
          %get3A_246 = arith.constant 80 : index
          %get3A_247 = tpu.vector_load %arg11[%get3A_245, %get3A_246] {strides = array<i32>} : memref<128x128xf32, #tpu.memory_space<vmem>>, vector<1x16xf32>,
          %get3A_248 = vector.shape_cast %get3A_247 : vector<1x16xf32> to vector<16xf32>
          %add3A_249 = arith.addf %get3A_244, %get3A_248 : vector<16xf32>
          %max3A_250 = arith.constant 0.000000e+00 : f32
          %max3A_251 = vector.broadcast %max3A_250 : f32 to vector<16xf32>
          %max3A_252 = arith.maximumf %add3A_249, %max3A_251 : vector<16xf32>
          %swap3A_253 = arith.index_cast %scan3A_157 : i32 to index
          %swap3A_254 = arith.constant 80 : index
          %swap3A_255 = tpu.vector_load %arg13[%swap3A_253, %swap3A_254] {strides = array<i32>} : memref<128x128xf32, #tpu.memory_space<vmem>>, vector<1x16xf32>,
          %swap3A_256 = vector.shape_cast %swap3A_255 : vector<1x16xf32> to vector<16xf32>
          %swap3A_257 = vector.shape_cast %max3A_252 : vector<16xf32> to vector<1x16xf32>
          tpu.vector_store %arg13[%swap3A_253, %swap3A_254], %swap3A_257 {strides = array<i32>} : memref<128x128xf32, #tpu.memory_space<vmem>>, vector<1x16xf32>,
          %get3A_258 = arith.index_cast %scan3A_157 : i32 to index
          %get3A_259 = arith.constant 96 : index
          %get3A_260 = tpu.vector_load %arg9[%get3A_258, %get3A_259] {strides = array<i32>} : memref<128x128xf32, #tpu.memory_space<vmem>>, vector<1x16xf32>,
          %get3A_261 = vector.shape_cast %get3A_260 : vector<1x16xf32> to vector<16xf32>
          %get3A_262 = arith.index_cast %scan3A_157 : i32 to index
          %get3A_263 = arith.constant 96 : index
          %get3A_264 = tpu.vector_load %arg11[%get3A_262, %get3A_263] {strides = array<i32>} : memref<128x128xf32, #tpu.memory_space<vmem>>, vector<1x16xf32>,
          %get3A_265 = vector.shape_cast %get3A_264 : vector<1x16xf32> to vector<16xf32>
          %add3A_266 = arith.addf %get3A_261, %get3A_265 : vector<16xf32>
          %max3A_267 = arith.constant 0.000000e+00 : f32
          %max3A_268 = vector.broadcast %max3A_267 : f32 to vector<16xf32>
          %max3A_269 = arith.maximumf %add3A_266, %max3A_268 : vector<16xf32>
          %swap3A_270 = arith.index_cast %scan3A_157 : i32 to index
          %swap3A_271 = arith.constant 96 : index
          %swap3A_272 = tpu.vector_load %arg13[%swap3A_270, %swap3A_271] {strides = array<i32>} : memref<128x128xf32, #tpu.memory_space<vmem>>, vector<1x16xf32>,
          %swap3A_273 = vector.shape_cast %swap3A_272 : vector<1x16xf32> to vector<16xf32>
          %swap3A_274 = vector.shape_cast %max3A_269 : vector<16xf32> to vector<1x16xf32>
          tpu.vector_store %arg13[%swap3A_270, %swap3A_271], %swap3A_274 {strides = array<i32>} : memref<128x128xf32, #tpu.memory_space<vmem>>, vector<1x16xf32>,
          %get3A_275 = arith.index_cast %scan3A_157 : i32 to index
          %get3A_276 = arith.constant 112 : index
          %get3A_277 = tpu.vector_load %arg9[%get3A_275, %get3A_276] {strides = array<i32>} : memref<128x128xf32, #tpu.memory_space<vmem>>, vector<1x16xf32>,
          %get3A_278 = vector.shape_cast %get3A_277 : vector<1x16xf32> to vector<16xf32>
          %get3A_279 = arith.index_cast %scan3A_157 : i32 to index
          %get3A_280 = arith.constant 112 : index
          %get3A_281 = tpu.vector_load %arg11[%get3A_279, %get3A_280] {strides = array<i32>} : memref<128x128xf32, #tpu.memory_space<vmem>>, vector<1x16xf32>,
          %get3A_282 = vector.shape_cast %get3A_281 : vector<1x16xf32> to vector<16xf32>
          %add3A_283 = arith.addf %get3A_278, %get3A_282 : vector<16xf32>
          %max3A_284 = arith.constant 0.000000e+00 : f32
          %max3A_285 = vector.broadcast %max3A_284 : f32 to vector<16xf32>
          %max3A_286 = arith.maximumf %add3A_283, %max3A_285 : vector<16xf32>
          %swap3A_287 = arith.index_cast %scan3A_157 : i32 to index
          %swap3A_288 = arith.constant 112 : index
          %swap3A_289 = tpu.vector_load %arg13[%swap3A_287, %swap3A_288] {strides = array<i32>} : memref<128x128xf32, #tpu.memory_space<vmem>>, vector<1x16xf32>,
          %swap3A_290 = vector.shape_cast %swap3A_289 : vector<1x16xf32> to vector<16xf32>
          %swap3A_291 = vector.shape_cast %max3A_286 : vector<16xf32> to vector<1x16xf32>
          tpu.vector_store %arg13[%swap3A_287, %swap3A_288], %swap3A_291 {strides = array<i32>} : memref<128x128xf32, #tpu.memory_space<vmem>>, vector<1x16xf32>,
          %scan3A_292 = arith.constant 0 : i32
          scf.yield %scan3A_292 : i32
        }
        %scan3A_87 = arith.constant 128 : i32
        %mul3A_88 = arith.constant 20480 : i32
        %mul3A_89 = arith.muli %add3A, %mul3A_88 : i32
        %mul3A_90 = arith.constant 16 : i32
        %mul3A_91 = arith.muli %scan3A_18, %mul3A_90 : i32
        %add3A_92 = arith.addi %mul3A_91, %add3A_64 : i32
        %mul3A_93 = arith.constant 128 : i32
        %mul3A_94 = arith.muli %add3A_92, %mul3A_93 : i32
        %add3A_95 = arith.addi %mul3A_89, %mul3A_94 : i32
        %dma_start3A_96 = arith.constant 0 : i32
        %dma_start3A_97 = tpu.memref_slice %arg6[%add3A_95, %dma_start3A_96] : memref<655360x128xf32, #tpu.memory_space<hbm>> -> memref<128x128xf32, #tpu.memory_space<hbm>>
        %dma_start3A_98 = arith.constant 0 : i32
        %dma_start3A_99 = tpu.memref_slice %arg6[%add3A_95, %dma_start3A_98] : memref<655360x128xf32, #tpu.memory_space<hbm>> -> memref<128x128xf32, #tpu.memory_space<hbm>>
        tpu.enqueue_dma source(%arg13 : memref<128x128xf32, #tpu.memory_space<vmem>>) target(%dma_start3A_99 : memref<128x128xf32, #tpu.memory_space<hbm>>) target_semaphore(%arg17 : memref<!tpu.dma_semaphore, #tpu.memory_space<semaphore_mem>>)
        %add3A_100 = arith.constant 2 : i32
        %add3A_101 = arith.addi %add3A_64, %add3A_100 : i32
        %lt3A = arith.constant 16 : i32
        %lt3A_102 = arith.cmpi slt, %add3A_101, %lt3A : i32
        %convert_element_type3A_103 = arith.extui %lt3A_102 : i1 to i32
        %cond3A_104 = arith.constant 0 : i32
        %cond3A_105 = arith.cmpi ne, %convert_element_type3A_103, %cond3A_104 : i32
        scf.if %cond3A_105 {
          %add3A_157 = arith.constant 2 : i32
          %add3A_158 = arith.addi %add3A_64, %add3A_157 : i32
          %dma_start3A_159 = arith.constant 0 : i32
          %dma_start3A_160 = tpu.memref_slice %arg7[%add3A_158, %dma_start3A_159] : memref<16x128xi32, #tpu.memory_space<vmem>> -> memref<1x128xi32, #tpu.memory_space<vmem>>
          %dma_start3A_161 = tpu.memref_squeeze %dma_start3A_160 : memref<1x128xi32, #tpu.memory_space<vmem>> -> memref<128xi32, #tpu.memory_space<vmem>>
          %dma_start3A_162 = arith.constant 0 : i32
          %dma_start3A_163 = arith.constant 0 : i32
          %dma_start3A_164 = tpu.memref_slice %arg2[%dma_start3A_162, %dma_start3A_163] : memref<10240x128xf32, #tpu.memory_space<hbm>> -> memref<10240x128xf32, #tpu.memory_space<hbm>>
          tpu.enqueue_indirect_dma source(%dma_start3A_164 : memref<10240x128xf32, #tpu.memory_space<hbm>>) target(%arg9 : memref<128x128xf32, #tpu.memory_space<vmem>>) offsets(%dma_start3A_161 : memref<128xi32, #tpu.memory_space<vmem>>) semaphore(%arg15 : memref<!tpu.dma_semaphore, #tpu.memory_space<semaphore_mem>>)
          %dma_start3A_165 = arith.constant 0 : i32
          %dma_start3A_166 = tpu.memref_slice %arg8[%add3A_158, %dma_start3A_165] : memref<16x128xi32, #tpu.memory_space<vmem>> -> memref<1x128xi32, #tpu.memory_space<vmem>>
          %dma_start3A_167 = tpu.memref_squeeze %dma_start3A_166 : memref<1x128xi32, #tpu.memory_space<vmem>> -> memref<128xi32, #tpu.memory_space<vmem>>
          %dma_start3A_168 = arith.constant 0 : i32
          %dma_start3A_169 = arith.constant 0 : i32
          %dma_start3A_170 = tpu.memref_slice %arg3[%dma_start3A_168, %dma_start3A_169] : memref<10240x128xf32, #tpu.memory_space<hbm>> -> memref<10240x128xf32, #tpu.memory_space<hbm>>
          tpu.enqueue_indirect_dma source(%dma_start3A_170 : memref<10240x128xf32, #tpu.memory_space<hbm>>) target(%arg11 : memref<128x128xf32, #tpu.memory_space<vmem>>) offsets(%dma_start3A_167 : memref<128xi32, #tpu.memory_space<vmem>>) semaphore(%arg15 : memref<!tpu.dma_semaphore, #tpu.memory_space<semaphore_mem>>)
        } else {
        }
        %mul3A_106 = arith.constant 2 : i32
        %mul3A_107 = arith.muli %mul3A_106, %scan3A_59 : i32
        %add3A_108 = arith.constant 1 : i32
        %add3A_109 = arith.addi %mul3A_107, %add3A_108 : i32
        %dma_wait3A_110 = arith.constant 0 : i32
        %dma_wait3A_111 = tpu.memref_slice %arg7[%add3A_109, %dma_wait3A_110] : memref<16x128xi32, #tpu.memory_space<vmem>> -> memref<1x128xi32, #tpu.memory_space<vmem>>
        %dma_wait3A_112 = tpu.memref_squeeze %dma_wait3A_111 : memref<1x128xi32, #tpu.memory_space<vmem>> -> memref<128xi32, #tpu.memory_space<vmem>>
        %dma_wait3A_113 = arith.constant 0 : i32
        %dma_wait3A_114 = arith.constant 0 : i32
        %dma_wait3A_115 = tpu.memref_slice %arg2[%dma_wait3A_113, %dma_wait3A_114] : memref<10240x128xf32, #tpu.memory_space<hbm>> -> memref<10240x128xf32, #tpu.memory_space<hbm>>
        tpu.wait_indirect_dma semaphore(%arg16 : memref<!tpu.dma_semaphore, #tpu.memory_space<semaphore_mem>>) src(%dma_wait3A_115 : memref<10240x128xf32, #tpu.memory_space<hbm>>) dst(%arg10 : memref<128x128xf32, #tpu.memory_space<vmem>>)
        %dma_wait3A_116 = arith.constant 0 : i32
        %dma_wait3A_117 = tpu.memref_slice %arg8[%add3A_109, %dma_wait3A_116] : memref<16x128xi32, #tpu.memory_space<vmem>> -> memref<1x128xi32, #tpu.memory_space<vmem>>
        %dma_wait3A_118 = tpu.memref_squeeze %dma_wait3A_117 : memref<1x128xi32, #tpu.memory_space<vmem>> -> memref<128xi32, #tpu.memory_space<vmem>>
        %dma_wait3A_119 = arith.constant 0 : i32
        %dma_wait3A_120 = arith.constant 0 : i32
        %dma_wait3A_121 = tpu.memref_slice %arg3[%dma_wait3A_119, %dma_wait3A_120] : memref<10240x128xf32, #tpu.memory_space<hbm>> -> memref<10240x128xf32, #tpu.memory_space<hbm>>
        tpu.wait_indirect_dma semaphore(%arg16 : memref<!tpu.dma_semaphore, #tpu.memory_space<semaphore_mem>>) src(%dma_wait3A_121 : memref<10240x128xf32, #tpu.memory_space<hbm>>) dst(%arg12 : memref<128x128xf32, #tpu.memory_space<vmem>>)
        %gt3A_122 = arith.constant 0 : i32
        %gt3A_123 = arith.cmpi sgt, %scan3A_59, %gt3A_122 : i32
        %gt3A_124 = arith.constant 0 : i32
        %gt3A_125 = arith.cmpi sgt, %scan3A_18, %gt3A_124 : i32
        %or3A_126 = arith.ori %gt3A_123, %gt3A_125 : i1
        %convert_element_type3A_127 = arith.extui %or3A_126 : i1 to i32
        %cond3A_128 = arith.constant 0 : i32
        %cond3A_129 = arith.cmpi ne, %convert_element_type3A_127, %cond3A_128 : i32
        scf.if %cond3A_129 {
          %mul3A_157 = arith.constant 20480 : i32
          %mul3A_158 = arith.muli %add3A, %mul3A_157 : i32
          %dma_wait3A_159 = arith.constant 0 : i32
          %dma_wait3A_160 = tpu.memref_slice %arg6[%mul3A_158, %dma_wait3A_159] : memref<655360x128xf32, #tpu.memory_space<hbm>> -> memref<128x128xf32, #tpu.memory_space<hbm>>
          %dma_wait3A_161 = arith.constant 0 : i32
          %dma_wait3A_162 = tpu.memref_slice %arg6[%mul3A_158, %dma_wait3A_161] : memref<655360x128xf32, #tpu.memory_space<hbm>> -> memref<128x128xf32, #tpu.memory_space<hbm>>
          tpu.wait_dma2 semaphore(%arg18 : memref<!tpu.dma_semaphore, #tpu.memory_space<semaphore_mem>>) src(%arg14 : memref<128x128xf32, #tpu.memory_space<vmem>>) dst(%dma_wait3A_162 : memref<128x128xf32, #tpu.memory_space<hbm>>)
        } else {
        }
        %scan3A_130 = arith.constant 0 : i32
        %scan3A_131 = arith.constant 0 : i32
        %scan3A_132 = arith.constant 128 : i32
        %scan3A_133 = arith.addi %scan3A_131, %scan3A_132 : i32
        %scan3A_134 = arith.constant 1 : i32
        %scan3A_135 = scf.for %scan3A_157 = %scan3A_131 to %scan3A_133 step %scan3A_134 iter_args(%scan3A_158 = %scan3A_130) -> (i32)  : i32 {
          %get3A = arith.index_cast %scan3A_157 : i32 to index
          %get3A_159 = arith.constant 0 : index
          %get3A_160 = tpu.vector_load %arg10[%get3A, %get3A_159] {strides = array<i32>} : memref<128x128xf32, #tpu.memory_space<vmem>>, vector<1x16xf32>,
          %get3A_161 = vector.shape_cast %get3A_160 : vector<1x16xf32> to vector<16xf32>
          %get3A_162 = arith.index_cast %scan3A_157 : i32 to index
          %get3A_163 = arith.constant 0 : index
          %get3A_164 = tpu.vector_load %arg12[%get3A_162, %get3A_163] {strides = array<i32>} : memref<128x128xf32, #tpu.memory_space<vmem>>, vector<1x16xf32>,
          %get3A_165 = vector.shape_cast %get3A_164 : vector<1x16xf32> to vector<16xf32>
          %add3A_166 = arith.addf %get3A_161, %get3A_165 : vector<16xf32>
          %max3A = arith.constant 0.000000e+00 : f32
          %max3A_167 = vector.broadcast %max3A : f32 to vector<16xf32>
          %max3A_168 = arith.maximumf %add3A_166, %max3A_167 : vector<16xf32>
          %swap3A = arith.index_cast %scan3A_157 : i32 to index
          %swap3A_169 = arith.constant 0 : index
          %swap3A_170 = tpu.vector_load %arg14[%swap3A, %swap3A_169] {strides = array<i32>} : memref<128x128xf32, #tpu.memory_space<vmem>>, vector<1x16xf32>,
          %swap3A_171 = vector.shape_cast %swap3A_170 : vector<1x16xf32> to vector<16xf32>
          %swap3A_172 = vector.shape_cast %max3A_168 : vector<16xf32> to vector<1x16xf32>
          tpu.vector_store %arg14[%swap3A, %swap3A_169], %swap3A_172 {strides = array<i32>} : memref<128x128xf32, #tpu.memory_space<vmem>>, vector<1x16xf32>,
          %get3A_173 = arith.index_cast %scan3A_157 : i32 to index
          %get3A_174 = arith.constant 16 : index
          %get3A_175 = tpu.vector_load %arg10[%get3A_173, %get3A_174] {strides = array<i32>} : memref<128x128xf32, #tpu.memory_space<vmem>>, vector<1x16xf32>,
          %get3A_176 = vector.shape_cast %get3A_175 : vector<1x16xf32> to vector<16xf32>
          %get3A_177 = arith.index_cast %scan3A_157 : i32 to index
          %get3A_178 = arith.constant 16 : index
          %get3A_179 = tpu.vector_load %arg12[%get3A_177, %get3A_178] {strides = array<i32>} : memref<128x128xf32, #tpu.memory_space<vmem>>, vector<1x16xf32>,
          %get3A_180 = vector.shape_cast %get3A_179 : vector<1x16xf32> to vector<16xf32>
          %add3A_181 = arith.addf %get3A_176, %get3A_180 : vector<16xf32>
          %max3A_182 = arith.constant 0.000000e+00 : f32
          %max3A_183 = vector.broadcast %max3A_182 : f32 to vector<16xf32>
          %max3A_184 = arith.maximumf %add3A_181, %max3A_183 : vector<16xf32>
          %swap3A_185 = arith.index_cast %scan3A_157 : i32 to index
          %swap3A_186 = arith.constant 16 : index
          %swap3A_187 = tpu.vector_load %arg14[%swap3A_185, %swap3A_186] {strides = array<i32>} : memref<128x128xf32, #tpu.memory_space<vmem>>, vector<1x16xf32>,
          %swap3A_188 = vector.shape_cast %swap3A_187 : vector<1x16xf32> to vector<16xf32>
          %swap3A_189 = vector.shape_cast %max3A_184 : vector<16xf32> to vector<1x16xf32>
          tpu.vector_store %arg14[%swap3A_185, %swap3A_186], %swap3A_189 {strides = array<i32>} : memref<128x128xf32, #tpu.memory_space<vmem>>, vector<1x16xf32>,
          %get3A_190 = arith.index_cast %scan3A_157 : i32 to index
          %get3A_191 = arith.constant 32 : index
          %get3A_192 = tpu.vector_load %arg10[%get3A_190, %get3A_191] {strides = array<i32>} : memref<128x128xf32, #tpu.memory_space<vmem>>, vector<1x16xf32>,
          %get3A_193 = vector.shape_cast %get3A_192 : vector<1x16xf32> to vector<16xf32>
          %get3A_194 = arith.index_cast %scan3A_157 : i32 to index
          %get3A_195 = arith.constant 32 : index
          %get3A_196 = tpu.vector_load %arg12[%get3A_194, %get3A_195] {strides = array<i32>} : memref<128x128xf32, #tpu.memory_space<vmem>>, vector<1x16xf32>,
          %get3A_197 = vector.shape_cast %get3A_196 : vector<1x16xf32> to vector<16xf32>
          %add3A_198 = arith.addf %get3A_193, %get3A_197 : vector<16xf32>
          %max3A_199 = arith.constant 0.000000e+00 : f32
          %max3A_200 = vector.broadcast %max3A_199 : f32 to vector<16xf32>
          %max3A_201 = arith.maximumf %add3A_198, %max3A_200 : vector<16xf32>
          %swap3A_202 = arith.index_cast %scan3A_157 : i32 to index
          %swap3A_203 = arith.constant 32 : index
          %swap3A_204 = tpu.vector_load %arg14[%swap3A_202, %swap3A_203] {strides = array<i32>} : memref<128x128xf32, #tpu.memory_space<vmem>>, vector<1x16xf32>,
          %swap3A_205 = vector.shape_cast %swap3A_204 : vector<1x16xf32> to vector<16xf32>
          %swap3A_206 = vector.shape_cast %max3A_201 : vector<16xf32> to vector<1x16xf32>
          tpu.vector_store %arg14[%swap3A_202, %swap3A_203], %swap3A_206 {strides = array<i32>} : memref<128x128xf32, #tpu.memory_space<vmem>>, vector<1x16xf32>,
          %get3A_207 = arith.index_cast %scan3A_157 : i32 to index
          %get3A_208 = arith.constant 48 : index
          %get3A_209 = tpu.vector_load %arg10[%get3A_207, %get3A_208] {strides = array<i32>} : memref<128x128xf32, #tpu.memory_space<vmem>>, vector<1x16xf32>,
          %get3A_210 = vector.shape_cast %get3A_209 : vector<1x16xf32> to vector<16xf32>
          %get3A_211 = arith.index_cast %scan3A_157 : i32 to index
          %get3A_212 = arith.constant 48 : index
          %get3A_213 = tpu.vector_load %arg12[%get3A_211, %get3A_212] {strides = array<i32>} : memref<128x128xf32, #tpu.memory_space<vmem>>, vector<1x16xf32>,
          %get3A_214 = vector.shape_cast %get3A_213 : vector<1x16xf32> to vector<16xf32>
          %add3A_215 = arith.addf %get3A_210, %get3A_214 : vector<16xf32>
          %max3A_216 = arith.constant 0.000000e+00 : f32
          %max3A_217 = vector.broadcast %max3A_216 : f32 to vector<16xf32>
          %max3A_218 = arith.maximumf %add3A_215, %max3A_217 : vector<16xf32>
          %swap3A_219 = arith.index_cast %scan3A_157 : i32 to index
          %swap3A_220 = arith.constant 48 : index
          %swap3A_221 = tpu.vector_load %arg14[%swap3A_219, %swap3A_220] {strides = array<i32>} : memref<128x128xf32, #tpu.memory_space<vmem>>, vector<1x16xf32>,
          %swap3A_222 = vector.shape_cast %swap3A_221 : vector<1x16xf32> to vector<16xf32>
          %swap3A_223 = vector.shape_cast %max3A_218 : vector<16xf32> to vector<1x16xf32>
          tpu.vector_store %arg14[%swap3A_219, %swap3A_220], %swap3A_223 {strides = array<i32>} : memref<128x128xf32, #tpu.memory_space<vmem>>, vector<1x16xf32>,
          %get3A_224 = arith.index_cast %scan3A_157 : i32 to index
          %get3A_225 = arith.constant 64 : index
          %get3A_226 = tpu.vector_load %arg10[%get3A_224, %get3A_225] {strides = array<i32>} : memref<128x128xf32, #tpu.memory_space<vmem>>, vector<1x16xf32>,
          %get3A_227 = vector.shape_cast %get3A_226 : vector<1x16xf32> to vector<16xf32>
          %get3A_228 = arith.index_cast %scan3A_157 : i32 to index
          %get3A_229 = arith.constant 64 : index
          %get3A_230 = tpu.vector_load %arg12[%get3A_228, %get3A_229] {strides = array<i32>} : memref<128x128xf32, #tpu.memory_space<vmem>>, vector<1x16xf32>,
          %get3A_231 = vector.shape_cast %get3A_230 : vector<1x16xf32> to vector<16xf32>
          %add3A_232 = arith.addf %get3A_227, %get3A_231 : vector<16xf32>
          %max3A_233 = arith.constant 0.000000e+00 : f32
          %max3A_234 = vector.broadcast %max3A_233 : f32 to vector<16xf32>
          %max3A_235 = arith.maximumf %add3A_232, %max3A_234 : vector<16xf32>
          %swap3A_236 = arith.index_cast %scan3A_157 : i32 to index
          %swap3A_237 = arith.constant 64 : index
          %swap3A_238 = tpu.vector_load %arg14[%swap3A_236, %swap3A_237] {strides = array<i32>} : memref<128x128xf32, #tpu.memory_space<vmem>>, vector<1x16xf32>,
          %swap3A_239 = vector.shape_cast %swap3A_238 : vector<1x16xf32> to vector<16xf32>
          %swap3A_240 = vector.shape_cast %max3A_235 : vector<16xf32> to vector<1x16xf32>
          tpu.vector_store %arg14[%swap3A_236, %swap3A_237], %swap3A_240 {strides = array<i32>} : memref<128x128xf32, #tpu.memory_space<vmem>>, vector<1x16xf32>,
          %get3A_241 = arith.index_cast %scan3A_157 : i32 to index
          %get3A_242 = arith.constant 80 : index
          %get3A_243 = tpu.vector_load %arg10[%get3A_241, %get3A_242] {strides = array<i32>} : memref<128x128xf32, #tpu.memory_space<vmem>>, vector<1x16xf32>,
          %get3A_244 = vector.shape_cast %get3A_243 : vector<1x16xf32> to vector<16xf32>
          %get3A_245 = arith.index_cast %scan3A_157 : i32 to index
          %get3A_246 = arith.constant 80 : index
          %get3A_247 = tpu.vector_load %arg12[%get3A_245, %get3A_246] {strides = array<i32>} : memref<128x128xf32, #tpu.memory_space<vmem>>, vector<1x16xf32>,
          %get3A_248 = vector.shape_cast %get3A_247 : vector<1x16xf32> to vector<16xf32>
          %add3A_249 = arith.addf %get3A_244, %get3A_248 : vector<16xf32>
          %max3A_250 = arith.constant 0.000000e+00 : f32
          %max3A_251 = vector.broadcast %max3A_250 : f32 to vector<16xf32>
          %max3A_252 = arith.maximumf %add3A_249, %max3A_251 : vector<16xf32>
          %swap3A_253 = arith.index_cast %scan3A_157 : i32 to index
          %swap3A_254 = arith.constant 80 : index
          %swap3A_255 = tpu.vector_load %arg14[%swap3A_253, %swap3A_254] {strides = array<i32>} : memref<128x128xf32, #tpu.memory_space<vmem>>, vector<1x16xf32>,
          %swap3A_256 = vector.shape_cast %swap3A_255 : vector<1x16xf32> to vector<16xf32>
          %swap3A_257 = vector.shape_cast %max3A_252 : vector<16xf32> to vector<1x16xf32>
          tpu.vector_store %arg14[%swap3A_253, %swap3A_254], %swap3A_257 {strides = array<i32>} : memref<128x128xf32, #tpu.memory_space<vmem>>, vector<1x16xf32>,
          %get3A_258 = arith.index_cast %scan3A_157 : i32 to index
          %get3A_259 = arith.constant 96 : index
          %get3A_260 = tpu.vector_load %arg10[%get3A_258, %get3A_259] {strides = array<i32>} : memref<128x128xf32, #tpu.memory_space<vmem>>, vector<1x16xf32>,
          %get3A_261 = vector.shape_cast %get3A_260 : vector<1x16xf32> to vector<16xf32>
          %get3A_262 = arith.index_cast %scan3A_157 : i32 to index
          %get3A_263 = arith.constant 96 : index
          %get3A_264 = tpu.vector_load %arg12[%get3A_262, %get3A_263] {strides = array<i32>} : memref<128x128xf32, #tpu.memory_space<vmem>>, vector<1x16xf32>,
          %get3A_265 = vector.shape_cast %get3A_264 : vector<1x16xf32> to vector<16xf32>
          %add3A_266 = arith.addf %get3A_261, %get3A_265 : vector<16xf32>
          %max3A_267 = arith.constant 0.000000e+00 : f32
          %max3A_268 = vector.broadcast %max3A_267 : f32 to vector<16xf32>
          %max3A_269 = arith.maximumf %add3A_266, %max3A_268 : vector<16xf32>
          %swap3A_270 = arith.index_cast %scan3A_157 : i32 to index
          %swap3A_271 = arith.constant 96 : index
          %swap3A_272 = tpu.vector_load %arg14[%swap3A_270, %swap3A_271] {strides = array<i32>} : memref<128x128xf32, #tpu.memory_space<vmem>>, vector<1x16xf32>,
          %swap3A_273 = vector.shape_cast %swap3A_272 : vector<1x16xf32> to vector<16xf32>
          %swap3A_274 = vector.shape_cast %max3A_269 : vector<16xf32> to vector<1x16xf32>
          tpu.vector_store %arg14[%swap3A_270, %swap3A_271], %swap3A_274 {strides = array<i32>} : memref<128x128xf32, #tpu.memory_space<vmem>>, vector<1x16xf32>,
          %get3A_275 = arith.index_cast %scan3A_157 : i32 to index
          %get3A_276 = arith.constant 112 : index
          %get3A_277 = tpu.vector_load %arg10[%get3A_275, %get3A_276] {strides = array<i32>} : memref<128x128xf32, #tpu.memory_space<vmem>>, vector<1x16xf32>,
          %get3A_278 = vector.shape_cast %get3A_277 : vector<1x16xf32> to vector<16xf32>
          %get3A_279 = arith.index_cast %scan3A_157 : i32 to index
          %get3A_280 = arith.constant 112 : index
          %get3A_281 = tpu.vector_load %arg12[%get3A_279, %get3A_280] {strides = array<i32>} : memref<128x128xf32, #tpu.memory_space<vmem>>, vector<1x16xf32>,
          %get3A_282 = vector.shape_cast %get3A_281 : vector<1x16xf32> to vector<16xf32>
          %add3A_283 = arith.addf %get3A_278, %get3A_282 : vector<16xf32>
          %max3A_284 = arith.constant 0.000000e+00 : f32
          %max3A_285 = vector.broadcast %max3A_284 : f32 to vector<16xf32>
          %max3A_286 = arith.maximumf %add3A_283, %max3A_285 : vector<16xf32>
          %swap3A_287 = arith.index_cast %scan3A_157 : i32 to index
          %swap3A_288 = arith.constant 112 : index
          %swap3A_289 = tpu.vector_load %arg14[%swap3A_287, %swap3A_288] {strides = array<i32>} : memref<128x128xf32, #tpu.memory_space<vmem>>, vector<1x16xf32>,
          %swap3A_290 = vector.shape_cast %swap3A_289 : vector<1x16xf32> to vector<16xf32>
          %swap3A_291 = vector.shape_cast %max3A_286 : vector<16xf32> to vector<1x16xf32>
          tpu.vector_store %arg14[%swap3A_287, %swap3A_288], %swap3A_291 {strides = array<i32>} : memref<128x128xf32, #tpu.memory_space<vmem>>, vector<1x16xf32>,
          %scan3A_292 = arith.constant 0 : i32
          scf.yield %scan3A_292 : i32
        }
        %scan3A_136 = arith.constant 128 : i32
        %mul3A_137 = arith.constant 20480 : i32
        %mul3A_138 = arith.muli %add3A, %mul3A_137 : i32
        %mul3A_139 = arith.constant 16 : i32
        %mul3A_140 = arith.muli %scan3A_18, %mul3A_139 : i32
        %add3A_141 = arith.addi %mul3A_140, %add3A_109 : i32
        %mul3A_142 = arith.constant 128 : i32
        %mul3A_143 = arith.muli %add3A_141, %mul3A_142 : i32
        %add3A_144 = arith.addi %mul3A_138, %mul3A_143 : i32
        %dma_start3A_145 = arith.constant 0 : i32
        %dma_start3A_146 = tpu.memref_slice %arg6[%add3A_144, %dma_start3A_145] : memref<655360x128xf32, #tpu.memory_space<hbm>> -> memref<128x128xf32, #tpu.memory_space<hbm>>
        %dma_start3A_147 = arith.constant 0 : i32
        %dma_start3A_148 = tpu.memref_slice %arg6[%add3A_144, %dma_start3A_147] : memref<655360x128xf32, #tpu.memory_space<hbm>> -> memref<128x128xf32, #tpu.memory_space<hbm>>
        tpu.enqueue_dma source(%arg14 : memref<128x128xf32, #tpu.memory_space<vmem>>) target(%dma_start3A_148 : memref<128x128xf32, #tpu.memory_space<hbm>>) target_semaphore(%arg18 : memref<!tpu.dma_semaphore, #tpu.memory_space<semaphore_mem>>)
        %add3A_149 = arith.constant 2 : i32
        %add3A_150 = arith.addi %add3A_109, %add3A_149 : i32
        %lt3A_151 = arith.constant 16 : i32
        %lt3A_152 = arith.cmpi slt, %add3A_150, %lt3A_151 : i32
        %convert_element_type3A_153 = arith.extui %lt3A_152 : i1 to i32
        %cond3A_154 = arith.constant 0 : i32
        %cond3A_155 = arith.cmpi ne, %convert_element_type3A_153, %cond3A_154 : i32
        scf.if %cond3A_155 {
          %add3A_157 = arith.constant 2 : i32
          %add3A_158 = arith.addi %add3A_109, %add3A_157 : i32
          %dma_start3A_159 = arith.constant 0 : i32
          %dma_start3A_160 = tpu.memref_slice %arg7[%add3A_158, %dma_start3A_159] : memref<16x128xi32, #tpu.memory_space<vmem>> -> memref<1x128xi32, #tpu.memory_space<vmem>>
          %dma_start3A_161 = tpu.memref_squeeze %dma_start3A_160 : memref<1x128xi32, #tpu.memory_space<vmem>> -> memref<128xi32, #tpu.memory_space<vmem>>
          %dma_start3A_162 = arith.constant 0 : i32
          %dma_start3A_163 = arith.constant 0 : i32
          %dma_start3A_164 = tpu.memref_slice %arg2[%dma_start3A_162, %dma_start3A_163] : memref<10240x128xf32, #tpu.memory_space<hbm>> -> memref<10240x128xf32, #tpu.memory_space<hbm>>
          tpu.enqueue_indirect_dma source(%dma_start3A_164 : memref<10240x128xf32, #tpu.memory_space<hbm>>) target(%arg10 : memref<128x128xf32, #tpu.memory_space<vmem>>) offsets(%dma_start3A_161 : memref<128xi32, #tpu.memory_space<vmem>>) semaphore(%arg16 : memref<!tpu.dma_semaphore, #tpu.memory_space<semaphore_mem>>)
          %dma_start3A_165 = arith.constant 0 : i32
          %dma_start3A_166 = tpu.memref_slice %arg8[%add3A_158, %dma_start3A_165] : memref<16x128xi32, #tpu.memory_space<vmem>> -> memref<1x128xi32, #tpu.memory_space<vmem>>
          %dma_start3A_167 = tpu.memref_squeeze %dma_start3A_166 : memref<1x128xi32, #tpu.memory_space<vmem>> -> memref<128xi32, #tpu.memory_space<vmem>>
          %dma_start3A_168 = arith.constant 0 : i32
          %dma_start3A_169 = arith.constant 0 : i32
          %dma_start3A_170 = tpu.memref_slice %arg3[%dma_start3A_168, %dma_start3A_169] : memref<10240x128xf32, #tpu.memory_space<hbm>> -> memref<10240x128xf32, #tpu.memory_space<hbm>>
          tpu.enqueue_indirect_dma source(%dma_start3A_170 : memref<10240x128xf32, #tpu.memory_space<hbm>>) target(%arg12 : memref<128x128xf32, #tpu.memory_space<vmem>>) offsets(%dma_start3A_167 : memref<128xi32, #tpu.memory_space<vmem>>) semaphore(%arg16 : memref<!tpu.dma_semaphore, #tpu.memory_space<semaphore_mem>>)
        } else {
        }
        %scan3A_156 = arith.constant 0 : i32
        scf.yield %scan3A_156 : i32
      }
      %scan3A_57 = arith.constant 8 : i32
      %scan3A_58 = arith.constant 0 : i32
      scf.yield %scan3A_58 : i32
    }
    %scan3A_6 = arith.constant 10 : i32
    %mul3A_7 = arith.constant 20480 : i32
    %mul3A_8 = arith.muli %add3A, %mul3A_7 : i32
    %dma_wait3A = arith.constant 0 : i32
    %dma_wait3A_9 = tpu.memref_slice %arg6[%mul3A_8, %dma_wait3A] : memref<655360x128xf32, #tpu.memory_space<hbm>> -> memref<128x128xf32, #tpu.memory_space<hbm>>
    %dma_wait3A_10 = arith.constant 0 : i32
    %dma_wait3A_11 = tpu.memref_slice %arg6[%mul3A_8, %dma_wait3A_10] : memref<655360x128xf32, #tpu.memory_space<hbm>> -> memref<128x128xf32, #tpu.memory_space<hbm>>
    tpu.wait_dma2 semaphore(%arg17 : memref<!tpu.dma_semaphore, #tpu.memory_space<semaphore_mem>>) src(%arg13 : memref<128x128xf32, #tpu.memory_space<vmem>>) dst(%dma_wait3A_11 : memref<128x128xf32, #tpu.memory_space<hbm>>)
    %mul3A_12 = arith.constant 20480 : i32
    %mul3A_13 = arith.muli %add3A, %mul3A_12 : i32
    %dma_wait3A_14 = arith.constant 0 : i32
    %dma_wait3A_15 = tpu.memref_slice %arg6[%mul3A_13, %dma_wait3A_14] : memref<655360x128xf32, #tpu.memory_space<hbm>> -> memref<128x128xf32, #tpu.memory_space<hbm>>
    %dma_wait3A_16 = arith.constant 0 : i32
    %dma_wait3A_17 = tpu.memref_slice %arg6[%mul3A_13, %dma_wait3A_16] : memref<655360x128xf32, #tpu.memory_space<hbm>> -> memref<128x128xf32, #tpu.memory_space<hbm>>
    tpu.wait_dma2 semaphore(%arg18 : memref<!tpu.dma_semaphore, #tpu.memory_space<semaphore_mem>>) src(%arg14 : memref<128x128xf32, #tpu.memory_space<vmem>>) dst(%dma_wait3A_17 : memref<128x128xf32, #tpu.memory_space<hbm>>)
    return
  }
}

#map = affine_map<(d0, d1) -> (0, 0)>
#map1 = affine_map<(d0, d1) -> (0, 0, 0)>
module attributes {stable_mosaic.version = 14 : i64} {
  func.func @_agg_body(%arg0: i32, %arg1: i32, %arg2: memref<10240x128xf32, #tpu.memory_space<hbm>>, %arg3: memref<32x160x128xi32, #tpu.memory_space<hbm>>, %arg4: memref<32x160x128xi32, #tpu.memory_space<hbm>>, %arg5: memref<2x10240x128xf32, #tpu.memory_space<hbm>>, %arg6: memref<16x128xi32, #tpu.memory_space<vmem>>, %arg7: memref<16x128xi32, #tpu.memory_space<vmem>>, %arg8: memref<128x128xf32, #tpu.memory_space<vmem>>, %arg9: memref<128x128xf32, #tpu.memory_space<vmem>>, %arg10: memref<32x128xf32, #tpu.memory_space<vmem>>, %arg11: memref<10240x128xf32, #tpu.memory_space<vmem_shared>>, %arg12: memref<!tpu.dma_semaphore, #tpu.memory_space<semaphore_mem>>, %arg13: memref<!tpu.dma_semaphore, #tpu.memory_space<semaphore_mem>>) attributes {dimension_semantics = [#tpu.dimension_semantics<core_parallel>, #tpu.dimension_semantics<subcore_parallel>], iteration_bounds = array<i64: 2, 16>, scalar_prefetch = 0 : i64, scratch_operands = 8 : i64, tpu.core_type = #tpu.core_type<sc_vector_subcore>, window_params = [{transform_indices = #map}, {transform_indices = #map1}, {transform_indices = #map1}, {transform_indices = #map1}]} {
    %mul3A = arith.constant 2 : i32
    %mul3A_0 = arith.muli %arg1, %mul3A : i32
    %add3A = arith.addi %mul3A_0, %arg0 : i32
    %scan3A = arith.constant 0 : i32
    %scan3A_1 = arith.constant 0 : i32
    %scan3A_2 = arith.constant 32 : i32
    %scan3A_3 = arith.addi %scan3A_1, %scan3A_2 : i32
    %scan3A_4 = arith.constant 1 : i32
    %scan3A_5 = scf.for %scan3A_26 = %scan3A_1 to %scan3A_3 step %scan3A_4 iter_args(%scan3A_27 = %scan3A) -> (i32)  : i32 {
      %scan3A_28 = arith.constant 0 : i32
      %scan3A_29 = arith.constant 0 : i32
      %scan3A_30 = arith.constant 8 : i32
      %scan3A_31 = arith.addi %scan3A_29, %scan3A_30 : i32
      %scan3A_32 = arith.constant 1 : i32
      %scan3A_33 = scf.for %scan3A_35 = %scan3A_29 to %scan3A_31 step %scan3A_32 iter_args(%scan3A_36 = %scan3A_28) -> (i32)  : i32 {
        %broadcast_in_dim3A = arith.constant 0.000000e+00 : f32
        %broadcast_in_dim3A_37 = vector.broadcast %broadcast_in_dim3A : f32 to vector<16xf32>
        %mul3A_38 = arith.constant 16 : i32
        %mul3A_39 = arith.muli %scan3A_35, %mul3A_38 : i32
        %swap3A = arith.index_cast %scan3A_26 : i32 to index
        %swap3A_40 = arith.index_cast %mul3A_39 : i32 to index
        %swap3A_41 = tpu.vector_load %arg10[%swap3A, %swap3A_40] {strides = array<i32>} : memref<32x128xf32, #tpu.memory_space<vmem>>, vector<1x16xf32>,
        %swap3A_42 = vector.shape_cast %swap3A_41 : vector<1x16xf32> to vector<16xf32>
        %swap3A_43 = vector.shape_cast %broadcast_in_dim3A_37 : vector<16xf32> to vector<1x16xf32>
        tpu.vector_store %arg10[%swap3A, %swap3A_40], %swap3A_43 {strides = array<i32>} : memref<32x128xf32, #tpu.memory_space<vmem>>, vector<1x16xf32>,
        %scan3A_44 = arith.constant 0 : i32
        scf.yield %scan3A_44 : i32
      }
      %scan3A_34 = arith.constant 8 : i32
      scf.yield %scan3A_33 : i32
    }
    %scan3A_6 = arith.constant 32 : i32
    %scan3A_7 = arith.constant 0 : i32
    %scan3A_8 = arith.constant 0 : i32
    %scan3A_9 = arith.constant 20 : i32
    %scan3A_10 = arith.addi %scan3A_8, %scan3A_9 : i32
    %scan3A_11 = arith.constant 1 : i32
    %scan3A_12 = scf.for %scan3A_26 = %scan3A_8 to %scan3A_10 step %scan3A_11 iter_args(%scan3A_27 = %scan3A_7) -> (i32)  : i32 {
      %mul3A_28 = arith.constant 640 : i32
      %mul3A_29 = arith.muli %arg1, %mul3A_28 : i32
      %mul3A_30 = arith.constant 32 : i32
      %mul3A_31 = arith.muli %scan3A_26, %mul3A_30 : i32
      %add3A_32 = arith.addi %mul3A_29, %mul3A_31 : i32
      "tpu.region"() ({
        %run_scoped3A = tpu.sem_alloc : memref<!tpu.dma_semaphore, #tpu.memory_space<semaphore_mem>>
        %dma_start3A = arith.constant 0 : i32
        %dma_start3A_34 = tpu.memref_slice %arg11[%add3A_32, %dma_start3A] : memref<10240x128xf32, #tpu.memory_space<vmem_shared>> -> memref<32x128xf32, #tpu.memory_space<vmem_shared>>
        %dma_start3A_35 = arith.constant 0 : i32
        %dma_start3A_36 = tpu.memref_slice %arg11[%add3A_32, %dma_start3A_35] : memref<10240x128xf32, #tpu.memory_space<vmem_shared>> -> memref<32x128xf32, #tpu.memory_space<vmem_shared>>
        tpu.enqueue_dma source(%arg10 : memref<32x128xf32, #tpu.memory_space<vmem>>) target(%dma_start3A_36 : memref<32x128xf32, #tpu.memory_space<vmem_shared>>) target_semaphore(%run_scoped3A : memref<!tpu.dma_semaphore, #tpu.memory_space<semaphore_mem>>)
        %dma_wait3A = arith.constant 0 : i32
        %dma_wait3A_37 = tpu.memref_slice %arg11[%add3A_32, %dma_wait3A] : memref<10240x128xf32, #tpu.memory_space<vmem_shared>> -> memref<32x128xf32, #tpu.memory_space<vmem_shared>>
        %dma_wait3A_38 = arith.constant 0 : i32
        %dma_wait3A_39 = tpu.memref_slice %arg11[%add3A_32, %dma_wait3A_38] : memref<10240x128xf32, #tpu.memory_space<vmem_shared>> -> memref<32x128xf32, #tpu.memory_space<vmem_shared>>
        tpu.wait_dma2 semaphore(%run_scoped3A : memref<!tpu.dma_semaphore, #tpu.memory_space<semaphore_mem>>) src(%arg10 : memref<32x128xf32, #tpu.memory_space<vmem>>) dst(%dma_wait3A_39 : memref<32x128xf32, #tpu.memory_space<vmem_shared>>)
        tpu.yield
      }) : () -> ()
      %scan3A_33 = arith.constant 0 : i32
      scf.yield %scan3A_33 : i32
    }
    %scan3A_13 = arith.constant 20 : i32
    %barrier3A = arith.constant 0 : index
    tpu.barrier barrier_id(%barrier3A)
    %scan3A_14 = arith.constant 0 : i32
    %scan3A_15 = arith.constant 0 : i32
    %scan3A_16 = arith.constant 10 : i32
    %scan3A_17 = arith.addi %scan3A_15, %scan3A_16 : i32
    %scan3A_18 = arith.constant 1 : i32
    %scan3A_19 = scf.for %scan3A_26 = %scan3A_15 to %scan3A_17 step %scan3A_18 iter_args(%scan3A_27 = %scan3A_14) -> (i32)  : i32 {
      %mul3A_28 = arith.constant 16 : i32
      %mul3A_29 = arith.muli %scan3A_26, %mul3A_28 : i32
      "tpu.region"() ({
        %run_scoped3A_67 = tpu.sem_alloc : memref<!tpu.dma_semaphore, #tpu.memory_space<semaphore_mem>>
        %dma_start3A_68 = arith.constant 0 : i32
        %dma_start3A_69 = tpu.memref_slice %arg3[%add3A, %mul3A_29, %dma_start3A_68] : memref<32x160x128xi32, #tpu.memory_space<hbm>> -> memref<1x16x128xi32, #tpu.memory_space<hbm>>
        %dma_start3A_70 = tpu.memref_squeeze %dma_start3A_69 : memref<1x16x128xi32, #tpu.memory_space<hbm>> -> memref<16x128xi32, #tpu.memory_space<hbm>>
        %dma_start3A_71 = arith.constant 0 : i32
        %dma_start3A_72 = tpu.memref_slice %arg3[%add3A, %mul3A_29, %dma_start3A_71] : memref<32x160x128xi32, #tpu.memory_space<hbm>> -> memref<1x16x128xi32, #tpu.memory_space<hbm>>
        %dma_start3A_73 = tpu.memref_squeeze %dma_start3A_72 : memref<1x16x128xi32, #tpu.memory_space<hbm>> -> memref<16x128xi32, #tpu.memory_space<hbm>>
        tpu.enqueue_dma source(%dma_start3A_73 : memref<16x128xi32, #tpu.memory_space<hbm>>) target(%arg6 : memref<16x128xi32, #tpu.memory_space<vmem>>) target_semaphore(%run_scoped3A_67 : memref<!tpu.dma_semaphore, #tpu.memory_space<semaphore_mem>>)
        %dma_wait3A_74 = arith.constant 0 : i32
        %dma_wait3A_75 = tpu.memref_slice %arg3[%add3A, %mul3A_29, %dma_wait3A_74] : memref<32x160x128xi32, #tpu.memory_space<hbm>> -> memref<1x16x128xi32, #tpu.memory_space<hbm>>
        %dma_wait3A_76 = tpu.memref_squeeze %dma_wait3A_75 : memref<1x16x128xi32, #tpu.memory_space<hbm>> -> memref<16x128xi32, #tpu.memory_space<hbm>>
        %dma_wait3A_77 = arith.constant 0 : i32
        %dma_wait3A_78 = tpu.memref_slice %arg3[%add3A, %mul3A_29, %dma_wait3A_77] : memref<32x160x128xi32, #tpu.memory_space<hbm>> -> memref<1x16x128xi32, #tpu.memory_space<hbm>>
        %dma_wait3A_79 = tpu.memref_squeeze %dma_wait3A_78 : memref<1x16x128xi32, #tpu.memory_space<hbm>> -> memref<16x128xi32, #tpu.memory_space<hbm>>
        tpu.wait_dma2 semaphore(%run_scoped3A_67 : memref<!tpu.dma_semaphore, #tpu.memory_space<semaphore_mem>>) src(%dma_wait3A_79 : memref<16x128xi32, #tpu.memory_space<hbm>>) dst(%arg6 : memref<16x128xi32, #tpu.memory_space<vmem>>)
        tpu.yield
      }) : () -> ()
      %mul3A_30 = arith.constant 16 : i32
      %mul3A_31 = arith.muli %scan3A_26, %mul3A_30 : i32
      "tpu.region"() ({
        %run_scoped3A_67 = tpu.sem_alloc : memref<!tpu.dma_semaphore, #tpu.memory_space<semaphore_mem>>
        %dma_start3A_68 = arith.constant 0 : i32
        %dma_start3A_69 = tpu.memref_slice %arg4[%add3A, %mul3A_31, %dma_start3A_68] : memref<32x160x128xi32, #tpu.memory_space<hbm>> -> memref<1x16x128xi32, #tpu.memory_space<hbm>>
        %dma_start3A_70 = tpu.memref_squeeze %dma_start3A_69 : memref<1x16x128xi32, #tpu.memory_space<hbm>> -> memref<16x128xi32, #tpu.memory_space<hbm>>
        %dma_start3A_71 = arith.constant 0 : i32
        %dma_start3A_72 = tpu.memref_slice %arg4[%add3A, %mul3A_31, %dma_start3A_71] : memref<32x160x128xi32, #tpu.memory_space<hbm>> -> memref<1x16x128xi32, #tpu.memory_space<hbm>>
        %dma_start3A_73 = tpu.memref_squeeze %dma_start3A_72 : memref<1x16x128xi32, #tpu.memory_space<hbm>> -> memref<16x128xi32, #tpu.memory_space<hbm>>
        tpu.enqueue_dma source(%dma_start3A_73 : memref<16x128xi32, #tpu.memory_space<hbm>>) target(%arg7 : memref<16x128xi32, #tpu.memory_space<vmem>>) target_semaphore(%run_scoped3A_67 : memref<!tpu.dma_semaphore, #tpu.memory_space<semaphore_mem>>)
        %dma_wait3A_74 = arith.constant 0 : i32
        %dma_wait3A_75 = tpu.memref_slice %arg4[%add3A, %mul3A_31, %dma_wait3A_74] : memref<32x160x128xi32, #tpu.memory_space<hbm>> -> memref<1x16x128xi32, #tpu.memory_space<hbm>>
        %dma_wait3A_76 = tpu.memref_squeeze %dma_wait3A_75 : memref<1x16x128xi32, #tpu.memory_space<hbm>> -> memref<16x128xi32, #tpu.memory_space<hbm>>
        %dma_wait3A_77 = arith.constant 0 : i32
        %dma_wait3A_78 = tpu.memref_slice %arg4[%add3A, %mul3A_31, %dma_wait3A_77] : memref<32x160x128xi32, #tpu.memory_space<hbm>> -> memref<1x16x128xi32, #tpu.memory_space<hbm>>
        %dma_wait3A_79 = tpu.memref_squeeze %dma_wait3A_78 : memref<1x16x128xi32, #tpu.memory_space<hbm>> -> memref<16x128xi32, #tpu.memory_space<hbm>>
        tpu.wait_dma2 semaphore(%run_scoped3A_67 : memref<!tpu.dma_semaphore, #tpu.memory_space<semaphore_mem>>) src(%dma_wait3A_79 : memref<16x128xi32, #tpu.memory_space<hbm>>) dst(%arg7 : memref<16x128xi32, #tpu.memory_space<vmem>>)
        tpu.yield
      }) : () -> ()
      %dma_start3A = arith.constant 0 : i32
      %dma_start3A_32 = arith.constant 0 : i32
      %dma_start3A_33 = tpu.memref_slice %arg6[%dma_start3A, %dma_start3A_32] : memref<16x128xi32, #tpu.memory_space<vmem>> -> memref<1x128xi32, #tpu.memory_space<vmem>>
      %dma_start3A_34 = tpu.memref_squeeze %dma_start3A_33 : memref<1x128xi32, #tpu.memory_space<vmem>> -> memref<128xi32, #tpu.memory_space<vmem>>
      %dma_start3A_35 = arith.constant 0 : i32
      %dma_start3A_36 = arith.constant 0 : i32
      %dma_start3A_37 = tpu.memref_slice %arg2[%dma_start3A_35, %dma_start3A_36] : memref<10240x128xf32, #tpu.memory_space<hbm>> -> memref<10240x128xf32, #tpu.memory_space<hbm>>
      tpu.enqueue_indirect_dma source(%dma_start3A_37 : memref<10240x128xf32, #tpu.memory_space<hbm>>) target(%arg8 : memref<128x128xf32, #tpu.memory_space<vmem>>) offsets(%dma_start3A_34 : memref<128xi32, #tpu.memory_space<vmem>>) semaphore(%arg12 : memref<!tpu.dma_semaphore, #tpu.memory_space<semaphore_mem>>)
      %scan3A_38 = arith.constant 0 : i32
      %scan3A_39 = arith.constant 0 : i32
      %scan3A_40 = arith.constant 7 : i32
      %scan3A_41 = arith.addi %scan3A_39, %scan3A_40 : i32
      %scan3A_42 = arith.constant 1 : i32
      %scan3A_43 = scf.for %scan3A_67 = %scan3A_39 to %scan3A_41 step %scan3A_42 iter_args(%scan3A_68 = %scan3A_38) -> (i32)  : i32 {
        %mul3A_69 = arith.constant 2 : i32
        %mul3A_70 = arith.muli %mul3A_69, %scan3A_67 : i32
        %add3A_71 = arith.constant 1 : i32
        %add3A_72 = arith.addi %mul3A_70, %add3A_71 : i32
        %dma_start3A_73 = arith.constant 0 : i32
        %dma_start3A_74 = tpu.memref_slice %arg6[%add3A_72, %dma_start3A_73] : memref<16x128xi32, #tpu.memory_space<vmem>> -> memref<1x128xi32, #tpu.memory_space<vmem>>
        %dma_start3A_75 = tpu.memref_squeeze %dma_start3A_74 : memref<1x128xi32, #tpu.memory_space<vmem>> -> memref<128xi32, #tpu.memory_space<vmem>>
        %dma_start3A_76 = arith.constant 0 : i32
        %dma_start3A_77 = arith.constant 0 : i32
        %dma_start3A_78 = tpu.memref_slice %arg2[%dma_start3A_76, %dma_start3A_77] : memref<10240x128xf32, #tpu.memory_space<hbm>> -> memref<10240x128xf32, #tpu.memory_space<hbm>>
        tpu.enqueue_indirect_dma source(%dma_start3A_78 : memref<10240x128xf32, #tpu.memory_space<hbm>>) target(%arg9 : memref<128x128xf32, #tpu.memory_space<vmem>>) offsets(%dma_start3A_75 : memref<128xi32, #tpu.memory_space<vmem>>) semaphore(%arg13 : memref<!tpu.dma_semaphore, #tpu.memory_space<semaphore_mem>>)
        %dma_wait3A_79 = arith.constant 0 : i32
        %dma_wait3A_80 = tpu.memref_slice %arg6[%mul3A_70, %dma_wait3A_79] : memref<16x128xi32, #tpu.memory_space<vmem>> -> memref<1x128xi32, #tpu.memory_space<vmem>>
        %dma_wait3A_81 = tpu.memref_squeeze %dma_wait3A_80 : memref<1x128xi32, #tpu.memory_space<vmem>> -> memref<128xi32, #tpu.memory_space<vmem>>
        %dma_wait3A_82 = arith.constant 0 : i32
        %dma_wait3A_83 = arith.constant 0 : i32
        %dma_wait3A_84 = tpu.memref_slice %arg2[%dma_wait3A_82, %dma_wait3A_83] : memref<10240x128xf32, #tpu.memory_space<hbm>> -> memref<10240x128xf32, #tpu.memory_space<hbm>>
        tpu.wait_indirect_dma semaphore(%arg12 : memref<!tpu.dma_semaphore, #tpu.memory_space<semaphore_mem>>) src(%dma_wait3A_84 : memref<10240x128xf32, #tpu.memory_space<hbm>>) dst(%arg8 : memref<128x128xf32, #tpu.memory_space<vmem>>)
        "tpu.region"() ({
          %run_scoped3A_104 = tpu.sem_alloc : memref<!tpu.dma_semaphore, #tpu.memory_space<semaphore_mem>>
          %dma_start3A_105 = arith.constant 0 : i32
          %dma_start3A_106 = tpu.memref_slice %arg7[%mul3A_70, %dma_start3A_105] : memref<16x128xi32, #tpu.memory_space<vmem>> -> memref<1x128xi32, #tpu.memory_space<vmem>>
          %dma_start3A_107 = tpu.memref_squeeze %dma_start3A_106 : memref<1x128xi32, #tpu.memory_space<vmem>> -> memref<128xi32, #tpu.memory_space<vmem>>
          %dma_start3A_108 = arith.constant 0 : i32
          %dma_start3A_109 = arith.constant 0 : i32
          %dma_start3A_110 = tpu.memref_slice %arg11[%dma_start3A_108, %dma_start3A_109] : memref<10240x128xf32, #tpu.memory_space<vmem_shared>> -> memref<10240x128xf32, #tpu.memory_space<vmem_shared>>
          tpu.enqueue_indirect_dma source(%arg8 : memref<128x128xf32, #tpu.memory_space<vmem>>) target(%dma_start3A_110 : memref<10240x128xf32, #tpu.memory_space<vmem_shared>>) offsets(%dma_start3A_107 : memref<128xi32, #tpu.memory_space<vmem>>) semaphore(%run_scoped3A_104 : memref<!tpu.dma_semaphore, #tpu.memory_space<semaphore_mem>>) {add = true}
          %dma_wait3A_111 = arith.constant 0 : i32
          %dma_wait3A_112 = tpu.memref_slice %arg7[%mul3A_70, %dma_wait3A_111] : memref<16x128xi32, #tpu.memory_space<vmem>> -> memref<1x128xi32, #tpu.memory_space<vmem>>
          %dma_wait3A_113 = tpu.memref_squeeze %dma_wait3A_112 : memref<1x128xi32, #tpu.memory_space<vmem>> -> memref<128xi32, #tpu.memory_space<vmem>>
          %dma_wait3A_114 = arith.constant 0 : i32
          %dma_wait3A_115 = arith.constant 0 : i32
          %dma_wait3A_116 = tpu.memref_slice %arg11[%dma_wait3A_114, %dma_wait3A_115] : memref<10240x128xf32, #tpu.memory_space<vmem_shared>> -> memref<10240x128xf32, #tpu.memory_space<vmem_shared>>
          tpu.wait_indirect_dma semaphore(%run_scoped3A_104 : memref<!tpu.dma_semaphore, #tpu.memory_space<semaphore_mem>>) src(%arg8 : memref<128x128xf32, #tpu.memory_space<vmem>>) dst(%dma_wait3A_116 : memref<10240x128xf32, #tpu.memory_space<vmem_shared>>)
          tpu.yield
        }) : () -> ()
        %add3A_85 = arith.constant 2 : i32
        %add3A_86 = arith.addi %mul3A_70, %add3A_85 : i32
        %dma_start3A_87 = arith.constant 0 : i32
        %dma_start3A_88 = tpu.memref_slice %arg6[%add3A_86, %dma_start3A_87] : memref<16x128xi32, #tpu.memory_space<vmem>> -> memref<1x128xi32, #tpu.memory_space<vmem>>
        %dma_start3A_89 = tpu.memref_squeeze %dma_start3A_88 : memref<1x128xi32, #tpu.memory_space<vmem>> -> memref<128xi32, #tpu.memory_space<vmem>>
        %dma_start3A_90 = arith.constant 0 : i32
        %dma_start3A_91 = arith.constant 0 : i32
        %dma_start3A_92 = tpu.memref_slice %arg2[%dma_start3A_90, %dma_start3A_91] : memref<10240x128xf32, #tpu.memory_space<hbm>> -> memref<10240x128xf32, #tpu.memory_space<hbm>>
        tpu.enqueue_indirect_dma source(%dma_start3A_92 : memref<10240x128xf32, #tpu.memory_space<hbm>>) target(%arg8 : memref<128x128xf32, #tpu.memory_space<vmem>>) offsets(%dma_start3A_89 : memref<128xi32, #tpu.memory_space<vmem>>) semaphore(%arg12 : memref<!tpu.dma_semaphore, #tpu.memory_space<semaphore_mem>>)
        %add3A_93 = arith.constant 1 : i32
        %add3A_94 = arith.addi %mul3A_70, %add3A_93 : i32
        %dma_wait3A_95 = arith.constant 0 : i32
        %dma_wait3A_96 = tpu.memref_slice %arg6[%add3A_94, %dma_wait3A_95] : memref<16x128xi32, #tpu.memory_space<vmem>> -> memref<1x128xi32, #tpu.memory_space<vmem>>
        %dma_wait3A_97 = tpu.memref_squeeze %dma_wait3A_96 : memref<1x128xi32, #tpu.memory_space<vmem>> -> memref<128xi32, #tpu.memory_space<vmem>>
        %dma_wait3A_98 = arith.constant 0 : i32
        %dma_wait3A_99 = arith.constant 0 : i32
        %dma_wait3A_100 = tpu.memref_slice %arg2[%dma_wait3A_98, %dma_wait3A_99] : memref<10240x128xf32, #tpu.memory_space<hbm>> -> memref<10240x128xf32, #tpu.memory_space<hbm>>
        tpu.wait_indirect_dma semaphore(%arg13 : memref<!tpu.dma_semaphore, #tpu.memory_space<semaphore_mem>>) src(%dma_wait3A_100 : memref<10240x128xf32, #tpu.memory_space<hbm>>) dst(%arg9 : memref<128x128xf32, #tpu.memory_space<vmem>>)
        %add3A_101 = arith.constant 1 : i32
        %add3A_102 = arith.addi %mul3A_70, %add3A_101 : i32
        "tpu.region"() ({
          %run_scoped3A_104 = tpu.sem_alloc : memref<!tpu.dma_semaphore, #tpu.memory_space<semaphore_mem>>
          %dma_start3A_105 = arith.constant 0 : i32
          %dma_start3A_106 = tpu.memref_slice %arg7[%add3A_102, %dma_start3A_105] : memref<16x128xi32, #tpu.memory_space<vmem>> -> memref<1x128xi32, #tpu.memory_space<vmem>>
          %dma_start3A_107 = tpu.memref_squeeze %dma_start3A_106 : memref<1x128xi32, #tpu.memory_space<vmem>> -> memref<128xi32, #tpu.memory_space<vmem>>
          %dma_start3A_108 = arith.constant 0 : i32
          %dma_start3A_109 = arith.constant 0 : i32
          %dma_start3A_110 = tpu.memref_slice %arg11[%dma_start3A_108, %dma_start3A_109] : memref<10240x128xf32, #tpu.memory_space<vmem_shared>> -> memref<10240x128xf32, #tpu.memory_space<vmem_shared>>
          tpu.enqueue_indirect_dma source(%arg9 : memref<128x128xf32, #tpu.memory_space<vmem>>) target(%dma_start3A_110 : memref<10240x128xf32, #tpu.memory_space<vmem_shared>>) offsets(%dma_start3A_107 : memref<128xi32, #tpu.memory_space<vmem>>) semaphore(%run_scoped3A_104 : memref<!tpu.dma_semaphore, #tpu.memory_space<semaphore_mem>>) {add = true}
          %dma_wait3A_111 = arith.constant 0 : i32
          %dma_wait3A_112 = tpu.memref_slice %arg7[%add3A_102, %dma_wait3A_111] : memref<16x128xi32, #tpu.memory_space<vmem>> -> memref<1x128xi32, #tpu.memory_space<vmem>>
          %dma_wait3A_113 = tpu.memref_squeeze %dma_wait3A_112 : memref<1x128xi32, #tpu.memory_space<vmem>> -> memref<128xi32, #tpu.memory_space<vmem>>
          %dma_wait3A_114 = arith.constant 0 : i32
          %dma_wait3A_115 = arith.constant 0 : i32
          %dma_wait3A_116 = tpu.memref_slice %arg11[%dma_wait3A_114, %dma_wait3A_115] : memref<10240x128xf32, #tpu.memory_space<vmem_shared>> -> memref<10240x128xf32, #tpu.memory_space<vmem_shared>>
          tpu.wait_indirect_dma semaphore(%run_scoped3A_104 : memref<!tpu.dma_semaphore, #tpu.memory_space<semaphore_mem>>) src(%arg9 : memref<128x128xf32, #tpu.memory_space<vmem>>) dst(%dma_wait3A_116 : memref<10240x128xf32, #tpu.memory_space<vmem_shared>>)
          tpu.yield
        }) : () -> ()
        %scan3A_103 = arith.constant 0 : i32
        scf.yield %scan3A_103 : i32
      }
      %scan3A_44 = arith.constant 7 : i32
      %dma_start3A_45 = arith.constant 15 : i32
      %dma_start3A_46 = arith.constant 0 : i32
      %dma_start3A_47 = tpu.memref_slice %arg6[%dma_start3A_45, %dma_start3A_46] : memref<16x128xi32, #tpu.memory_space<vmem>> -> memref<1x128xi32, #tpu.memory_space<vmem>>
      %dma_start3A_48 = tpu.memref_squeeze %dma_start3A_47 : memref<1x128xi32, #tpu.memory_space<vmem>> -> memref<128xi32, #tpu.memory_space<vmem>>
      %dma_start3A_49 = arith.constant 0 : i32
      %dma_start3A_50 = arith.constant 0 : i32
      %dma_start3A_51 = tpu.memref_slice %arg2[%dma_start3A_49, %dma_start3A_50] : memref<10240x128xf32, #tpu.memory_space<hbm>> -> memref<10240x128xf32, #tpu.memory_space<hbm>>
      tpu.enqueue_indirect_dma source(%dma_start3A_51 : memref<10240x128xf32, #tpu.memory_space<hbm>>) target(%arg9 : memref<128x128xf32, #tpu.memory_space<vmem>>) offsets(%dma_start3A_48 : memref<128xi32, #tpu.memory_space<vmem>>) semaphore(%arg13 : memref<!tpu.dma_semaphore, #tpu.memory_space<semaphore_mem>>)
      %dma_wait3A = arith.constant 14 : i32
      %dma_wait3A_52 = arith.constant 0 : i32
      %dma_wait3A_53 = tpu.memref_slice %arg6[%dma_wait3A, %dma_wait3A_52] : memref<16x128xi32, #tpu.memory_space<vmem>> -> memref<1x128xi32, #tpu.memory_space<vmem>>
      %dma_wait3A_54 = tpu.memref_squeeze %dma_wait3A_53 : memref<1x128xi32, #tpu.memory_space<vmem>> -> memref<128xi32, #tpu.memory_space<vmem>>
      %dma_wait3A_55 = arith.constant 0 : i32
      %dma_wait3A_56 = arith.constant 0 : i32
      %dma_wait3A_57 = tpu.memref_slice %arg2[%dma_wait3A_55, %dma_wait3A_56] : memref<10240x128xf32, #tpu.memory_space<hbm>> -> memref<10240x128xf32, #tpu.memory_space<hbm>>
      tpu.wait_indirect_dma semaphore(%arg12 : memref<!tpu.dma_semaphore, #tpu.memory_space<semaphore_mem>>) src(%dma_wait3A_57 : memref<10240x128xf32, #tpu.memory_space<hbm>>) dst(%arg8 : memref<128x128xf32, #tpu.memory_space<vmem>>)
      %run_scoped3A = arith.constant 14 : i32
      "tpu.region"() ({
        %run_scoped3A_67 = tpu.sem_alloc : memref<!tpu.dma_semaphore, #tpu.memory_space<semaphore_mem>>
        %dma_start3A_68 = arith.constant 0 : i32
        %dma_start3A_69 = tpu.memref_slice %arg7[%run_scoped3A, %dma_start3A_68] : memref<16x128xi32, #tpu.memory_space<vmem>> -> memref<1x128xi32, #tpu.memory_space<vmem>>
        %dma_start3A_70 = tpu.memref_squeeze %dma_start3A_69 : memref<1x128xi32, #tpu.memory_space<vmem>> -> memref<128xi32, #tpu.memory_space<vmem>>
        %dma_start3A_71 = arith.constant 0 : i32
        %dma_start3A_72 = arith.constant 0 : i32
        %dma_start3A_73 = tpu.memref_slice %arg11[%dma_start3A_71, %dma_start3A_72] : memref<10240x128xf32, #tpu.memory_space<vmem_shared>> -> memref<10240x128xf32, #tpu.memory_space<vmem_shared>>
        tpu.enqueue_indirect_dma source(%arg8 : memref<128x128xf32, #tpu.memory_space<vmem>>) target(%dma_start3A_73 : memref<10240x128xf32, #tpu.memory_space<vmem_shared>>) offsets(%dma_start3A_70 : memref<128xi32, #tpu.memory_space<vmem>>) semaphore(%run_scoped3A_67 : memref<!tpu.dma_semaphore, #tpu.memory_space<semaphore_mem>>) {add = true}
        %dma_wait3A_74 = arith.constant 0 : i32
        %dma_wait3A_75 = tpu.memref_slice %arg7[%run_scoped3A, %dma_wait3A_74] : memref<16x128xi32, #tpu.memory_space<vmem>> -> memref<1x128xi32, #tpu.memory_space<vmem>>
        %dma_wait3A_76 = tpu.memref_squeeze %dma_wait3A_75 : memref<1x128xi32, #tpu.memory_space<vmem>> -> memref<128xi32, #tpu.memory_space<vmem>>
        %dma_wait3A_77 = arith.constant 0 : i32
        %dma_wait3A_78 = arith.constant 0 : i32
        %dma_wait3A_79 = tpu.memref_slice %arg11[%dma_wait3A_77, %dma_wait3A_78] : memref<10240x128xf32, #tpu.memory_space<vmem_shared>> -> memref<10240x128xf32, #tpu.memory_space<vmem_shared>>
        tpu.wait_indirect_dma semaphore(%run_scoped3A_67 : memref<!tpu.dma_semaphore, #tpu.memory_space<semaphore_mem>>) src(%arg8 : memref<128x128xf32, #tpu.memory_space<vmem>>) dst(%dma_wait3A_79 : memref<10240x128xf32, #tpu.memory_space<vmem_shared>>)
        tpu.yield
      }) : () -> ()
      %dma_wait3A_58 = arith.constant 15 : i32
      %dma_wait3A_59 = arith.constant 0 : i32
      %dma_wait3A_60 = tpu.memref_slice %arg6[%dma_wait3A_58, %dma_wait3A_59] : memref<16x128xi32, #tpu.memory_space<vmem>> -> memref<1x128xi32, #tpu.memory_space<vmem>>
      %dma_wait3A_61 = tpu.memref_squeeze %dma_wait3A_60 : memref<1x128xi32, #tpu.memory_space<vmem>> -> memref<128xi32, #tpu.memory_space<vmem>>
      %dma_wait3A_62 = arith.constant 0 : i32
      %dma_wait3A_63 = arith.constant 0 : i32
      %dma_wait3A_64 = tpu.memref_slice %arg2[%dma_wait3A_62, %dma_wait3A_63] : memref<10240x128xf32, #tpu.memory_space<hbm>> -> memref<10240x128xf32, #tpu.memory_space<hbm>>
      tpu.wait_indirect_dma semaphore(%arg13 : memref<!tpu.dma_semaphore, #tpu.memory_space<semaphore_mem>>) src(%dma_wait3A_64 : memref<10240x128xf32, #tpu.memory_space<hbm>>) dst(%arg9 : memref<128x128xf32, #tpu.memory_space<vmem>>)
      %run_scoped3A_65 = arith.constant 15 : i32
      "tpu.region"() ({
        %run_scoped3A_67 = tpu.sem_alloc : memref<!tpu.dma_semaphore, #tpu.memory_space<semaphore_mem>>
        %dma_start3A_68 = arith.constant 0 : i32
        %dma_start3A_69 = tpu.memref_slice %arg7[%run_scoped3A_65, %dma_start3A_68] : memref<16x128xi32, #tpu.memory_space<vmem>> -> memref<1x128xi32, #tpu.memory_space<vmem>>
        %dma_start3A_70 = tpu.memref_squeeze %dma_start3A_69 : memref<1x128xi32, #tpu.memory_space<vmem>> -> memref<128xi32, #tpu.memory_space<vmem>>
        %dma_start3A_71 = arith.constant 0 : i32
        %dma_start3A_72 = arith.constant 0 : i32
        %dma_start3A_73 = tpu.memref_slice %arg11[%dma_start3A_71, %dma_start3A_72] : memref<10240x128xf32, #tpu.memory_space<vmem_shared>> -> memref<10240x128xf32, #tpu.memory_space<vmem_shared>>
        tpu.enqueue_indirect_dma source(%arg9 : memref<128x128xf32, #tpu.memory_space<vmem>>) target(%dma_start3A_73 : memref<10240x128xf32, #tpu.memory_space<vmem_shared>>) offsets(%dma_start3A_70 : memref<128xi32, #tpu.memory_space<vmem>>) semaphore(%run_scoped3A_67 : memref<!tpu.dma_semaphore, #tpu.memory_space<semaphore_mem>>) {add = true}
        %dma_wait3A_74 = arith.constant 0 : i32
        %dma_wait3A_75 = tpu.memref_slice %arg7[%run_scoped3A_65, %dma_wait3A_74] : memref<16x128xi32, #tpu.memory_space<vmem>> -> memref<1x128xi32, #tpu.memory_space<vmem>>
        %dma_wait3A_76 = tpu.memref_squeeze %dma_wait3A_75 : memref<1x128xi32, #tpu.memory_space<vmem>> -> memref<128xi32, #tpu.memory_space<vmem>>
        %dma_wait3A_77 = arith.constant 0 : i32
        %dma_wait3A_78 = arith.constant 0 : i32
        %dma_wait3A_79 = tpu.memref_slice %arg11[%dma_wait3A_77, %dma_wait3A_78] : memref<10240x128xf32, #tpu.memory_space<vmem_shared>> -> memref<10240x128xf32, #tpu.memory_space<vmem_shared>>
        tpu.wait_indirect_dma semaphore(%run_scoped3A_67 : memref<!tpu.dma_semaphore, #tpu.memory_space<semaphore_mem>>) src(%arg9 : memref<128x128xf32, #tpu.memory_space<vmem>>) dst(%dma_wait3A_79 : memref<10240x128xf32, #tpu.memory_space<vmem_shared>>)
        tpu.yield
      }) : () -> ()
      %scan3A_66 = arith.constant 0 : i32
      scf.yield %scan3A_66 : i32
    }
    %scan3A_20 = arith.constant 10 : i32
    %barrier3A_21 = arith.constant 0 : index
    tpu.barrier barrier_id(%barrier3A_21)
    %mul3A_22 = arith.constant 640 : i32
    %mul3A_23 = arith.muli %arg1, %mul3A_22 : i32
    %mul3A_24 = arith.constant 640 : i32
    %mul3A_25 = arith.muli %arg1, %mul3A_24 : i32
    "tpu.region"() ({
      %run_scoped3A = tpu.sem_alloc : memref<!tpu.dma_semaphore, #tpu.memory_space<semaphore_mem>>
      %dma_start3A = arith.constant 0 : i32
      %dma_start3A_26 = tpu.memref_slice %arg5[%arg0, %mul3A_25, %dma_start3A] : memref<2x10240x128xf32, #tpu.memory_space<hbm>> -> memref<1x640x128xf32, #tpu.memory_space<hbm>>
      %dma_start3A_27 = tpu.memref_squeeze %dma_start3A_26 : memref<1x640x128xf32, #tpu.memory_space<hbm>> -> memref<640x128xf32, #tpu.memory_space<hbm>>
      %dma_start3A_28 = arith.constant 0 : i32
      %dma_start3A_29 = tpu.memref_slice %arg11[%mul3A_23, %dma_start3A_28] : memref<10240x128xf32, #tpu.memory_space<vmem_shared>> -> memref<640x128xf32, #tpu.memory_space<vmem_shared>>
      tpu.enqueue_dma source(%dma_start3A_29 : memref<640x128xf32, #tpu.memory_space<vmem_shared>>) target(%dma_start3A_27 : memref<640x128xf32, #tpu.memory_space<hbm>>) target_semaphore(%run_scoped3A : memref<!tpu.dma_semaphore, #tpu.memory_space<semaphore_mem>>)
      %dma_wait3A = arith.constant 0 : i32
      %dma_wait3A_30 = tpu.memref_slice %arg5[%arg0, %mul3A_25, %dma_wait3A] : memref<2x10240x128xf32, #tpu.memory_space<hbm>> -> memref<1x640x128xf32, #tpu.memory_space<hbm>>
      %dma_wait3A_31 = tpu.memref_squeeze %dma_wait3A_30 : memref<1x640x128xf32, #tpu.memory_space<hbm>> -> memref<640x128xf32, #tpu.memory_space<hbm>>
      %dma_wait3A_32 = arith.constant 0 : i32
      %dma_wait3A_33 = tpu.memref_slice %arg11[%mul3A_23, %dma_wait3A_32] : memref<10240x128xf32, #tpu.memory_space<vmem_shared>> -> memref<640x128xf32, #tpu.memory_space<vmem_shared>>
      tpu.wait_dma2 semaphore(%run_scoped3A : memref<!tpu.dma_semaphore, #tpu.memory_space<semaphore_mem>>) src(%dma_wait3A_33 : memref<640x128xf32, #tpu.memory_space<vmem_shared>>) dst(%dma_wait3A_31 : memref<640x128xf32, #tpu.memory_space<hbm>>)
      tpu.yield
    }) : () -> ()
    return
  }
}

module attributes {stable_mosaic.version = 14 : i64} {
  func.func @_s1_body(%arg0: memref<10240x8xf32, #tpu.memory_space<vmem>>, %arg1: memref<8x128xf32, #tpu.memory_space<vmem>>, %arg2: memref<2x10240xf32, #tpu.memory_space<vmem>>, %arg3: memref<10240x128xf32, #tpu.memory_space<vmem>>) attributes {dimension_semantics = [], scalar_prefetch = 0 : i64, scratch_operands = 0 : i64, tpu.core_type = #tpu.core_type<tc>} {
    %get3A = arith.constant 0 : index
    %get3A_0 = arith.constant 0 : index
    %get3A_1 = vector.load %arg2[%get3A, %get3A_0] : memref<2x10240xf32, #tpu.memory_space<vmem>>, vector<1x10240xf32>
    %get3A_2 = vector.shape_cast %get3A_1 : vector<1x10240xf32> to vector<10240xf32>
    %get3A_3 = arith.constant 1 : index
    %get3A_4 = arith.constant 0 : index
    %get3A_5 = vector.load %arg2[%get3A_3, %get3A_4] : memref<2x10240xf32, #tpu.memory_space<vmem>>, vector<1x10240xf32>
    %get3A_6 = vector.shape_cast %get3A_5 : vector<1x10240xf32> to vector<10240xf32>
    %add3A = arith.addf %get3A_2, %get3A_6 : vector<10240xf32>
    %add3A_7 = arith.constant 1.000000e+00 : f32
    %add3A_8 = vector.broadcast %add3A_7 : f32 to vector<10240xf32>
    %add3A_9 = arith.addf %add3A, %add3A_8 : vector<10240xf32>
    %rsqrt3A = math.rsqrt %add3A_9 : vector<10240xf32>
    %broadcast_in_dim3A = vector.shape_cast %rsqrt3A : vector<10240xf32> to vector<10240x1xf32>
    %get3A_10 = arith.constant 0 : index
    %get3A_11 = arith.constant 0 : index
    %get3A_12 = vector.load %arg0[%get3A_10, %get3A_11] : memref<10240x8xf32, #tpu.memory_space<vmem>>, vector<10240x8xf32>
    %get3A_13 = arith.constant 0 : index
    %get3A_14 = arith.constant 0 : index
    %get3A_15 = vector.load %arg1[%get3A_13, %get3A_14] : memref<8x128xf32, #tpu.memory_space<vmem>>, vector<8x128xf32>
    %dot_general3A = arith.constant dense<0.000000e+00> : vector<10240x128xf32>
    %dot_general3A_16 = tpu.matmul %get3A_12, %get3A_15, %dot_general3A {dimension_numbers = #tpu.dot_dimension_numbers<[1], [0], [0], [1], [0, 0, 1, 1], [], []>, transpose_lhs_hint = false} : vector<10240x8xf32>, vector<8x128xf32>, vector<10240x128xf32> -> vector<10240x128xf32>
    %mul3A = vector.broadcast %broadcast_in_dim3A : vector<10240x1xf32> to vector<10240x128xf32>
    %mul3A_17 = arith.mulf %dot_general3A_16, %mul3A : vector<10240x128xf32>
    %swap3A = arith.constant 0 : index
    %swap3A_18 = arith.constant 0 : index
    %swap3A_19 = vector.load %arg3[%swap3A, %swap3A_18] : memref<10240x128xf32, #tpu.memory_space<vmem>>, vector<10240x128xf32>
    tpu.vector_store %arg3[%swap3A, %swap3A_18], %mul3A_17 {strides = array<i32>} : memref<10240x128xf32, #tpu.memory_space<vmem>>, vector<10240x128xf32>,
    return
  }
}

module attributes {stable_mosaic.version = 14 : i64} {
  func.func @_s2_body(%arg0: memref<2x10240x128xf32, #tpu.memory_space<vmem>>, %arg1: memref<10240x8xf32, #tpu.memory_space<vmem>>, %arg2: memref<8x128xf32, #tpu.memory_space<vmem>>, %arg3: memref<1x128xf32, #tpu.memory_space<vmem>>, %arg4: memref<128x128xf32, #tpu.memory_space<vmem>>, %arg5: memref<2x10240xf32, #tpu.memory_space<vmem>>, %arg6: memref<10240x128xf32, #tpu.memory_space<vmem>>, %arg7: memref<10240x128xf32, #tpu.memory_space<vmem>>) attributes {dimension_semantics = [], scalar_prefetch = 0 : i64, scratch_operands = 0 : i64, tpu.core_type = #tpu.core_type<tc>} {
    %get3A = arith.constant 0 : index
    %get3A_0 = arith.constant 0 : index
    %get3A_1 = vector.load %arg5[%get3A, %get3A_0] : memref<2x10240xf32, #tpu.memory_space<vmem>>, vector<1x10240xf32>
    %get3A_2 = vector.shape_cast %get3A_1 : vector<1x10240xf32> to vector<10240xf32>
    %get3A_3 = arith.constant 1 : index
    %get3A_4 = arith.constant 0 : index
    %get3A_5 = vector.load %arg5[%get3A_3, %get3A_4] : memref<2x10240xf32, #tpu.memory_space<vmem>>, vector<1x10240xf32>
    %get3A_6 = vector.shape_cast %get3A_5 : vector<1x10240xf32> to vector<10240xf32>
    %add3A = arith.addf %get3A_2, %get3A_6 : vector<10240xf32>
    %add3A_7 = arith.constant 1.000000e+00 : f32
    %add3A_8 = vector.broadcast %add3A_7 : f32 to vector<10240xf32>
    %add3A_9 = arith.addf %add3A, %add3A_8 : vector<10240xf32>
    %rsqrt3A = math.rsqrt %add3A_9 : vector<10240xf32>
    %broadcast_in_dim3A = vector.shape_cast %rsqrt3A : vector<10240xf32> to vector<10240x1xf32>
    %get3A_10 = arith.constant 0 : index
    %get3A_11 = arith.constant 0 : index
    %get3A_12 = vector.load %arg1[%get3A_10, %get3A_11] : memref<10240x8xf32, #tpu.memory_space<vmem>>, vector<10240x8xf32>
    %get3A_13 = arith.constant 0 : index
    %get3A_14 = arith.constant 0 : index
    %get3A_15 = vector.load %arg2[%get3A_13, %get3A_14] : memref<8x128xf32, #tpu.memory_space<vmem>>, vector<8x128xf32>
    %dot_general3A = arith.constant dense<0.000000e+00> : vector<10240x128xf32>
    %dot_general3A_16 = tpu.matmul %get3A_12, %get3A_15, %dot_general3A {dimension_numbers = #tpu.dot_dimension_numbers<[1], [0], [0], [1], [0, 0, 1, 1], [], []>, transpose_lhs_hint = false} : vector<10240x8xf32>, vector<8x128xf32>, vector<10240x128xf32> -> vector<10240x128xf32>
    %get3A_17 = arith.constant 0 : index
    %get3A_18 = arith.constant 0 : index
    %get3A_19 = arith.constant 0 : index
    %get3A_20 = vector.load %arg0[%get3A_17, %get3A_18, %get3A_19] : memref<2x10240x128xf32, #tpu.memory_space<vmem>>, vector<1x10240x128xf32>
    %get3A_21 = vector.shape_cast %get3A_20 : vector<1x10240x128xf32> to vector<10240x128xf32>
    %get3A_22 = arith.constant 1 : index
    %get3A_23 = arith.constant 0 : index
    %get3A_24 = arith.constant 0 : index
    %get3A_25 = vector.load %arg0[%get3A_22, %get3A_23, %get3A_24] : memref<2x10240x128xf32, #tpu.memory_space<vmem>>, vector<1x10240x128xf32>
    %get3A_26 = vector.shape_cast %get3A_25 : vector<1x10240x128xf32> to vector<10240x128xf32>
    %add3A_27 = arith.addf %get3A_21, %get3A_26 : vector<10240x128xf32>
    %mul3A = vector.broadcast %broadcast_in_dim3A : vector<10240x1xf32> to vector<10240x128xf32>
    %mul3A_28 = arith.mulf %mul3A, %add3A_27 : vector<10240x128xf32>
    %mul3A_29 = arith.mulf %broadcast_in_dim3A, %broadcast_in_dim3A : vector<10240x1xf32>
    %mul3A_30 = vector.broadcast %mul3A_29 : vector<10240x1xf32> to vector<10240x128xf32>
    %mul3A_31 = arith.mulf %mul3A_30, %dot_general3A_16 : vector<10240x128xf32>
    %add3A_32 = arith.addf %mul3A_28, %mul3A_31 : vector<10240x128xf32>
    %get3A_33 = arith.constant 0 : index
    %get3A_34 = arith.constant 0 : index
    %get3A_35 = vector.load %arg3[%get3A_33, %get3A_34] : memref<1x128xf32, #tpu.memory_space<vmem>>, vector<1x128xf32>
    %add3A_36 = vector.broadcast %get3A_35 : vector<1x128xf32> to vector<10240x128xf32>
    %add3A_37 = arith.addf %add3A_32, %add3A_36 : vector<10240x128xf32>
    %max3A = arith.constant 0.000000e+00 : f32
    %max3A_38 = vector.broadcast %max3A : f32 to vector<10240x128xf32>
    %max3A_39 = arith.maximumf %add3A_37, %max3A_38 : vector<10240x128xf32>
    %get3A_40 = arith.constant 0 : index
    %get3A_41 = arith.constant 0 : index
    %get3A_42 = vector.load %arg4[%get3A_40, %get3A_41] : memref<128x128xf32, #tpu.memory_space<vmem>>, vector<128x128xf32>
    %dot_general3A_43 = arith.constant dense<0.000000e+00> : vector<10240x128xf32>
    %dot_general3A_44 = tpu.matmul %max3A_39, %get3A_42, %dot_general3A_43 {dimension_numbers = #tpu.dot_dimension_numbers<[1], [0], [0], [1], [0, 0, 1, 1], [], []>, transpose_lhs_hint = false} : vector<10240x128xf32>, vector<128x128xf32>, vector<10240x128xf32> -> vector<10240x128xf32>
    %swap3A = arith.constant 0 : index
    %swap3A_45 = arith.constant 0 : index
    %swap3A_46 = vector.load %arg7[%swap3A, %swap3A_45] : memref<10240x128xf32, #tpu.memory_space<vmem>>, vector<10240x128xf32>
    tpu.vector_store %arg7[%swap3A, %swap3A_45], %dot_general3A_44 {strides = array<i32>} : memref<10240x128xf32, #tpu.memory_space<vmem>>, vector<10240x128xf32>,
    %mul3A_47 = vector.broadcast %broadcast_in_dim3A : vector<10240x1xf32> to vector<10240x128xf32>
    %mul3A_48 = arith.mulf %dot_general3A_44, %mul3A_47 : vector<10240x128xf32>
    %swap3A_49 = arith.constant 0 : index
    %swap3A_50 = arith.constant 0 : index
    %swap3A_51 = vector.load %arg6[%swap3A_49, %swap3A_50] : memref<10240x128xf32, #tpu.memory_space<vmem>>, vector<10240x128xf32>
    tpu.vector_store %arg6[%swap3A_49, %swap3A_50], %mul3A_48 {strides = array<i32>} : memref<10240x128xf32, #tpu.memory_space<vmem>>, vector<10240x128xf32>,
    return
  }
}

module attributes {stable_mosaic.version = 14 : i64} {
  func.func @_s3_body(%arg0: memref<2x10240x128xf32, #tpu.memory_space<vmem>>, %arg1: memref<10240x128xf32, #tpu.memory_space<vmem>>, %arg2: memref<1x128xf32, #tpu.memory_space<vmem>>, %arg3: memref<128x128xf32, #tpu.memory_space<vmem>>, %arg4: memref<128x128xf32, #tpu.memory_space<vmem>>, %arg5: memref<1x128xf32, #tpu.memory_space<vmem>>, %arg6: memref<2x10240xf32, #tpu.memory_space<vmem>>, %arg7: memref<10240x128xf32, #tpu.memory_space<vmem>>, %arg8: memref<10240x128xf32, #tpu.memory_space<vmem>>) attributes {dimension_semantics = [], scalar_prefetch = 0 : i64, scratch_operands = 0 : i64, tpu.core_type = #tpu.core_type<tc>} {
    %get3A = arith.constant 0 : index
    %get3A_0 = arith.constant 0 : index
    %get3A_1 = vector.load %arg6[%get3A, %get3A_0] : memref<2x10240xf32, #tpu.memory_space<vmem>>, vector<1x10240xf32>
    %get3A_2 = vector.shape_cast %get3A_1 : vector<1x10240xf32> to vector<10240xf32>
    %get3A_3 = arith.constant 1 : index
    %get3A_4 = arith.constant 0 : index
    %get3A_5 = vector.load %arg6[%get3A_3, %get3A_4] : memref<2x10240xf32, #tpu.memory_space<vmem>>, vector<1x10240xf32>
    %get3A_6 = vector.shape_cast %get3A_5 : vector<1x10240xf32> to vector<10240xf32>
    %add3A = arith.addf %get3A_2, %get3A_6 : vector<10240xf32>
    %add3A_7 = arith.constant 1.000000e+00 : f32
    %add3A_8 = vector.broadcast %add3A_7 : f32 to vector<10240xf32>
    %add3A_9 = arith.addf %add3A, %add3A_8 : vector<10240xf32>
    %rsqrt3A = math.rsqrt %add3A_9 : vector<10240xf32>
    %broadcast_in_dim3A = vector.shape_cast %rsqrt3A : vector<10240xf32> to vector<10240x1xf32>
    %get3A_10 = arith.constant 0 : index
    %get3A_11 = arith.constant 0 : index
    %get3A_12 = arith.constant 0 : index
    %get3A_13 = vector.load %arg0[%get3A_10, %get3A_11, %get3A_12] : memref<2x10240x128xf32, #tpu.memory_space<vmem>>, vector<1x10240x128xf32>
    %get3A_14 = vector.shape_cast %get3A_13 : vector<1x10240x128xf32> to vector<10240x128xf32>
    %get3A_15 = arith.constant 1 : index
    %get3A_16 = arith.constant 0 : index
    %get3A_17 = arith.constant 0 : index
    %get3A_18 = vector.load %arg0[%get3A_15, %get3A_16, %get3A_17] : memref<2x10240x128xf32, #tpu.memory_space<vmem>>, vector<1x10240x128xf32>
    %get3A_19 = vector.shape_cast %get3A_18 : vector<1x10240x128xf32> to vector<10240x128xf32>
    %add3A_20 = arith.addf %get3A_14, %get3A_19 : vector<10240x128xf32>
    %mul3A = vector.broadcast %broadcast_in_dim3A : vector<10240x1xf32> to vector<10240x128xf32>
    %mul3A_21 = arith.mulf %mul3A, %add3A_20 : vector<10240x128xf32>
    %mul3A_22 = arith.mulf %broadcast_in_dim3A, %broadcast_in_dim3A : vector<10240x1xf32>
    %get3A_23 = arith.constant 0 : index
    %get3A_24 = arith.constant 0 : index
    %get3A_25 = vector.load %arg1[%get3A_23, %get3A_24] : memref<10240x128xf32, #tpu.memory_space<vmem>>, vector<10240x128xf32>
    %mul3A_26 = vector.broadcast %mul3A_22 : vector<10240x1xf32> to vector<10240x128xf32>
    %mul3A_27 = arith.mulf %mul3A_26, %get3A_25 : vector<10240x128xf32>
    %add3A_28 = arith.addf %mul3A_21, %mul3A_27 : vector<10240x128xf32>
    %get3A_29 = arith.constant 0 : index
    %get3A_30 = arith.constant 0 : index
    %get3A_31 = vector.load %arg2[%get3A_29, %get3A_30] : memref<1x128xf32, #tpu.memory_space<vmem>>, vector<1x128xf32>
    %add3A_32 = vector.broadcast %get3A_31 : vector<1x128xf32> to vector<10240x128xf32>
    %add3A_33 = arith.addf %add3A_28, %add3A_32 : vector<10240x128xf32>
    %max3A = arith.constant 0.000000e+00 : f32
    %max3A_34 = vector.broadcast %max3A : f32 to vector<10240x128xf32>
    %max3A_35 = arith.maximumf %add3A_33, %max3A_34 : vector<10240x128xf32>
    %get3A_36 = arith.constant 0 : index
    %get3A_37 = arith.constant 0 : index
    %get3A_38 = vector.load %arg3[%get3A_36, %get3A_37] : memref<128x128xf32, #tpu.memory_space<vmem>>, vector<128x128xf32>
    %dot_general3A = arith.constant dense<0.000000e+00> : vector<10240x128xf32>
    %dot_general3A_39 = tpu.matmul %max3A_35, %get3A_38, %dot_general3A {dimension_numbers = #tpu.dot_dimension_numbers<[1], [0], [0], [1], [0, 0, 1, 1], [], []>, transpose_lhs_hint = false} : vector<10240x128xf32>, vector<128x128xf32>, vector<10240x128xf32> -> vector<10240x128xf32>
    %get3A_40 = arith.constant 0 : index
    %get3A_41 = arith.constant 0 : index
    %get3A_42 = vector.load %arg5[%get3A_40, %get3A_41] : memref<1x128xf32, #tpu.memory_space<vmem>>, vector<1x128xf32>
    %add3A_43 = vector.broadcast %get3A_42 : vector<1x128xf32> to vector<10240x128xf32>
    %add3A_44 = arith.addf %dot_general3A_39, %add3A_43 : vector<10240x128xf32>
    %swap3A = arith.constant 0 : index
    %swap3A_45 = arith.constant 0 : index
    %swap3A_46 = vector.load %arg7[%swap3A, %swap3A_45] : memref<10240x128xf32, #tpu.memory_space<vmem>>, vector<10240x128xf32>
    tpu.vector_store %arg7[%swap3A, %swap3A_45], %add3A_44 {strides = array<i32>} : memref<10240x128xf32, #tpu.memory_space<vmem>>, vector<10240x128xf32>,
    %get3A_47 = arith.constant 0 : index
    %get3A_48 = arith.constant 0 : index
    %get3A_49 = vector.load %arg4[%get3A_47, %get3A_48] : memref<128x128xf32, #tpu.memory_space<vmem>>, vector<128x128xf32>
    %dot_general3A_50 = arith.constant dense<0.000000e+00> : vector<10240x128xf32>
    %dot_general3A_51 = tpu.matmul %max3A_35, %get3A_49, %dot_general3A_50 {dimension_numbers = #tpu.dot_dimension_numbers<[1], [0], [0], [1], [0, 0, 1, 1], [], []>, transpose_lhs_hint = false} : vector<10240x128xf32>, vector<128x128xf32>, vector<10240x128xf32> -> vector<10240x128xf32>
    %swap3A_52 = arith.constant 0 : index
    %swap3A_53 = arith.constant 0 : index
    %swap3A_54 = vector.load %arg8[%swap3A_52, %swap3A_53] : memref<10240x128xf32, #tpu.memory_space<vmem>>, vector<10240x128xf32>
    tpu.vector_store %arg8[%swap3A_52, %swap3A_53], %dot_general3A_51 {strides = array<i32>} : memref<10240x128xf32, #tpu.memory_space<vmem>>, vector<10240x128xf32>,
    return
  }
}

module attributes {stable_mosaic.version = 14 : i64} {
  func.func @_s4_body(%arg0: i32, %arg1: memref<4096x128xf32, #tpu.memory_space<vmem>>, %arg2: memref<128x2xf32, #tpu.memory_space<vmem>>, %arg3: memref<1x2xf32, #tpu.memory_space<vmem>>, %arg4: memref<4096x2xf32, #tpu.memory_space<vmem>>) attributes {dimension_semantics = [#tpu.dimension_semantics<arbitrary>], iteration_bounds = array<i64: 160>, scalar_prefetch = 0 : i64, scratch_operands = 0 : i64, tpu.core_type = #tpu.core_type<tc>, window_params = [{transform_indices = @transform_0, window_bounds = array<i64: 4096, 128>}, {pipeline_mode = #tpu.pipeline_mode<synchronous>, transform_indices = @transform_1, window_bounds = array<i64: 128, 2>}, {pipeline_mode = #tpu.pipeline_mode<synchronous>, transform_indices = @transform_2, window_bounds = array<i64: 1, 2>}, {transform_indices = @transform_3, window_bounds = array<i64: 4096, 2>}]} {
    %get3A = arith.constant 0 : index
    %get3A_0 = arith.constant 0 : index
    %get3A_1 = vector.load %arg1[%get3A, %get3A_0] : memref<4096x128xf32, #tpu.memory_space<vmem>>, vector<4096x128xf32>
    %get3A_2 = arith.constant 0 : index
    %get3A_3 = arith.constant 0 : index
    %get3A_4 = vector.load %arg2[%get3A_2, %get3A_3] : memref<128x2xf32, #tpu.memory_space<vmem>>, vector<128x2xf32>
    %dot_general3A = arith.constant dense<0.000000e+00> : vector<4096x2xf32>
    %dot_general3A_5 = tpu.matmul %get3A_1, %get3A_4, %dot_general3A {dimension_numbers = #tpu.dot_dimension_numbers<[1], [0], [0], [1], [0, 0, 1, 1], [], []>, transpose_lhs_hint = false} : vector<4096x128xf32>, vector<128x2xf32>, vector<4096x2xf32> -> vector<4096x2xf32>
    %get3A_6 = arith.constant 0 : index
    %get3A_7 = arith.constant 0 : index
    %get3A_8 = vector.load %arg3[%get3A_6, %get3A_7] : memref<1x2xf32, #tpu.memory_space<vmem>>, vector<1x2xf32>
    %add3A = vector.broadcast %get3A_8 : vector<1x2xf32> to vector<4096x2xf32>
    %add3A_9 = arith.addf %dot_general3A_5, %add3A : vector<4096x2xf32>
    %reduce_max3A = arith.constant dense<0xFF800000> : vector<4096xf32>
    %reduce_max3A_10 = vector.multi_reduction <maximumf>, %add3A_9, %reduce_max3A [1] : vector<4096x2xf32> to vector<4096xf32>
    %broadcast_in_dim3A = vector.shape_cast %reduce_max3A_10 : vector<4096xf32> to vector<4096x1xf32>
    %sub3A = vector.broadcast %broadcast_in_dim3A : vector<4096x1xf32> to vector<4096x2xf32>
    %sub3A_11 = arith.subf %add3A_9, %sub3A : vector<4096x2xf32>
    %sub3A_12 = vector.broadcast %broadcast_in_dim3A : vector<4096x1xf32> to vector<4096x2xf32>
    %sub3A_13 = arith.subf %add3A_9, %sub3A_12 : vector<4096x2xf32>
    %exp3A = math.exp %sub3A_13 : vector<4096x2xf32>
    %reduce_sum3A = arith.constant dense<0.000000e+00> : vector<4096xf32>
    %reduce_sum3A_14 = vector.multi_reduction <add>, %exp3A, %reduce_sum3A [1] : vector<4096x2xf32> to vector<4096xf32>
    %broadcast_in_dim3A_15 = vector.shape_cast %reduce_sum3A_14 : vector<4096xf32> to vector<4096x1xf32>
    %log3A = math.log %broadcast_in_dim3A_15 : vector<4096x1xf32>
    %sub3A_16 = vector.broadcast %log3A : vector<4096x1xf32> to vector<4096x2xf32>
    %sub3A_17 = arith.subf %sub3A_11, %sub3A_16 : vector<4096x2xf32>
    %swap3A = arith.constant 0 : index
    %swap3A_18 = arith.constant 0 : index
    %swap3A_19 = vector.load %arg4[%swap3A, %swap3A_18] : memref<4096x2xf32, #tpu.memory_space<vmem>>, vector<4096x2xf32>
    tpu.vector_store %arg4[%swap3A, %swap3A_18], %sub3A_17 {strides = array<i32>} : memref<4096x2xf32, #tpu.memory_space<vmem>>, vector<4096x2xf32>,
    return
  }
  func.func @transform_0(%arg0: i32) -> (i32, i32) {
    %c0_i32 = arith.constant 0 : i32
    %c0_i32_0 = arith.constant 0 : i32
    return %arg0, %c0_i32 : i32, i32
  }
  func.func @transform_1(%arg0: i32) -> (i32, i32) {
    %c0_i32 = arith.constant 0 : i32
    %c0_i32_0 = arith.constant 0 : i32
    %c0_i32_1 = arith.constant 0 : i32
    return %c0_i32, %c0_i32_0 : i32, i32
  }
  func.func @transform_2(%arg0: i32) -> (i32, i32) {
    %c0_i32 = arith.constant 0 : i32
    %c0_i32_0 = arith.constant 0 : i32
    %c0_i32_1 = arith.constant 0 : i32
    return %c0_i32, %c0_i32_0 : i32, i32
  }
  func.func @transform_3(%arg0: i32) -> (i32, i32) {
    %c0_i32 = arith.constant 0 : i32
    %c0_i32_0 = arith.constant 0 : i32
    return %arg0, %c0_i32 : i32, i32
  }
}

</mosaic_0001>

<sc_bundles>
// kernel: kernel.10.cloned.1.call-start
scs
__scs_entry_jumppad:
0x0: {  	(pc) =	sbr.rel $0x88, $3  }
0x1: {  	(tag) =	ssettag $0x0;
	lr =	simm.s32 $0x1  }
0x2: {  	[smem:$0x3F97] =	sst lr;
	_ =	strace $0xD0000000  }
0x3: {  	_ = 	snop  }
0x4: {  	_ = 	snop  }
0x5: {  	_ = 	snop  }
0x6: {  	_ = 	snop  }
0x7: {  	_ = 	snop  }
__scs_overlays_trampoline_lowered:
0x8: {  	[smem:$0x3FA6] =	sst s0  }
0x9: {  	[smem:$0x3FA7] =	sst s1  }
0xa: {  	[smem:$0x3FA8] =	sst s2  }
0xb: {  	[smem:$0x3FA9] =	sst s3  }
0xc: {  	[smem:$0x3FAA] =	sst s4  }
0xd: {  	[smem:$0x3FAB] =	sst s5  }
0xe: {  	[smem:$0x3FAC] =	sst s6  }
0xf: {  	[smem:$0x3FAD] =	sst s7  }
0x10: {  	[smem:$0x3FAE] =	sst s8  }
0x11: {  	[smem:$0x3FAF] =	sst s9;
	s0 =	simm.s32 @!p0 $0x0  }
0x12: {  	s1 =	sld [smem:$0x3F95];
	s0 =	simm.s32 @p0 $0x1  }
0x13: {  	[smem:$0x3FB0] =	sst s0;
	s0 =	simm.s32 @!p1 $0x0  }
0x14: {  	s2 =	sld [smem:$0x3F94];
	s0 =	simm.s32 @p1 $0x1  }
0x15: {  	[smem:$0x3FB1] =	sst s0;
	s0 =	simm.s32 @!p2 $0x0  }
0x16: {  	s3 =	sld [smem:$0x3FDB];
	s0 =	simm.s32 @p2 $0x1  }
0x17: {  	s4 =	simm.s32 $0x1BF5;
	[smem:$0x3FB3] =	sst s0  }
0x18: {  	s0 =	sld [smem:$0x3F96];
	_ =	swait.ge [sflag:s4], $0x0  }
0x19: {  	s7 =	sld [smem:$0x3F97]  }
0x1a: {  	s8 =	sadd.s32 $0xFFFFE003, lr  }
0x1b: {  	s9 =	sadd.s32 $0xFFFFFEF7, lr;
	s5 =	simm.s32 $0xFFFFFFFF;
	p2 =	slt.u32 s8, $0xFFFFF086  }
0x1c: {  	p1 =	slt.u32 s9, $0xF7A;
	s5 =	simm.s32 @!p2 $0x0  }
0x1d: {  	s5 =	simm.s32 @p1 $0x1;
	p0 =	seq.s32 s7, s2  }
0x1e: {  	s7 =	smul.u32 @!p0 $0xF7A, s2;
	p2 =	seq.s32 @!p0 s5, $0x0  }
0x1f: {  	s9 =	smul.u32 $0xF7A, s1;
	s8 =	simm.s32 @!p0 $0x1BF5;
	p2 =	por !p2, p0  }
0x20: {  	[sflag:s8] =	ssyncset.s32 @!p0 $0xFFFFF086;
	s6 =	sadd.s32 @!p0 s3, s7;
	s7 =	simm.s32 @!p0 $0x108  }
0x21: {  	s3 =	sadd.s32 s3, s9;
	s6 =	sadd.s32 @!p0 $0x88, s6;
	s7 =	simm.s32 @p2 $0x1082  }
0x22: {  	[simem:s7], [sflag:s8] =	dma.local @!p0 [hbm:s6], $0xF7A  }
0x23: {  	s9 =	sor.u32 $0xD0000000, s2;
	s6 =	simm.s32 $0x108;
	_ =	swait.ge @!p0 [sflag:s8], $0x0  }
0x24: {  	s3 =	sadd.s32 $0x88, s3;
	s6 =	simm.s32 @!p1 $0x1082;
	[sflag:s4] =	ssyncset.s32 $0xFFFFF086  }
0x25: {  	[simem:s6], [sflag:s4] =	dma.local [hbm:s3], $0xF7A  }
0x26: {  	[smem:$0x3F97] =	sst s1;
	(tag) =	ssettag s2;
	_ =	strace s9  }
0x27: {  	s1 =	sld [smem:$0x3FA7]  }
0x28: {  	s2 =	sld [smem:$0x3FA8]  }
0x29: {  	s4 =	sld [smem:$0x3FAA]  }
0x2a: {  	p0 =	seq.s32 s5, $0x0;
	s5 =	sld [smem:$0x3FAB]  }
0x2b: {  	s6 =	sld [smem:$0x3FAC]  }
0x2c: {  	s7 =	sld [smem:$0x3FAD]  }
0x2d: {  	s3 =	simm.s32 $0x108;
	s8 =	sld [smem:$0x3FAE]  }
0x2e: {  	s3 =	simm.s32 @!p0 $0x1082;
	s9 =	sld [smem:$0x3FAF]  }
0x2f: {  	lr =	sadd.s32 s0, s3;
	s0 =	sld [smem:$0x3FA6]  }
0x30: {  	s3 =	sld [smem:$0x3FA9]  }
0x31: {  	[smem:$0x3FB2] =	sst s10  }
0x32: {  	s10 =	sld [smem:$0x3FB0];
	_ =	sdelay $0x3  }
0x33: {  	p0 =	seq.s32 s10, $0x1;
	s10 =	sld [smem:$0x3FB2];
	_ =	sdelay $0x3  }
0x34: {  	[smem:$0x3FB2] =	sst s10  }
0x35: {  	s10 =	sld [smem:$0x3FB1];
	_ =	sdelay $0x3  }
0x36: {  	p1 =	seq.s32 s10, $0x1;
	s10 =	sld [smem:$0x3FB2];
	_ =	sdelay $0x3  }
0x37: {  	[smem:$0x3FB2] =	sst s10  }
0x38: {  	s10 =	sld [smem:$0x3FB3]  }
0x39: {  	_ = 	snop;
	(pc) =	sbr.ind lr, $3  }
0x3a: {  	_ = 	snop  }
0x3b: {  	_ = 	snop  }
0x3c: {  	p2 =	seq.s32 s10, $0x1;
	s10 =	sld [smem:$0x3FB2]  }
0x3d: {  	_ =	shalt  }
0x3e: {  	_ =	shalt  }
0x3f: {  	_ =	shalt  }
0x40: {  	_ =	shalt  }
0x41: {  	_ =	shalt  }
0x42: {  	_ =	shalt  }
0x43: {  	_ =	shalt  }
0x44: {  	_ =	shalt  }
0x45: {  	_ =	shalt  }
0x46: {  	_ =	shalt  }
0x47: {  	_ =	shalt  }
0x48: {  	_ =	shalt  }
0x49: {  	_ =	shalt  }
0x4a: {  	_ =	shalt  }
0x4b: {  	_ =	shalt  }
0x4c: {  	_ =	shalt  }
0x4d: {  	_ =	shalt  }
0x4e: {  	_ =	shalt  }
0x4f: {  	_ =	shalt  }
0x50: {  	_ =	shalt  }
0x51: {  	_ =	shalt  }
0x52: {  	_ =	shalt  }
0x53: {  	_ =	shalt  }
0x54: {  	_ =	shalt  }
0x55: {  	_ =	shalt  }
0x56: {  	_ =	shalt  }
0x57: {  	_ =	shalt  }
0x58: {  	_ =	shalt  }
0x59: {  	_ =	shalt  }
0x5a: {  	_ =	shalt  }
0x5b: {  	_ =	shalt  }
0x5c: {  	_ =	shalt  }
0x5d: {  	_ =	shalt  }
0x5e: {  	_ =	shalt  }
0x5f: {  	_ =	shalt  }
0x60: {  	_ =	shalt  }
0x61: {  	_ =	shalt  }
0x62: {  	_ =	shalt  }
0x63: {  	_ =	shalt  }
0x64: {  	_ =	shalt  }
0x65: {  	_ =	shalt  }
0x66: {  	_ =	shalt  }
0x67: {  	_ =	shalt  }
0x68: {  	_ =	shalt  }
0x69: {  	_ =	shalt  }
0x6a: {  	_ =	shalt  }
0x6b: {  	_ =	shalt  }
0x6c: {  	_ =	shalt  }
0x6d: {  	_ =	shalt  }
0x6e: {  	_ =	shalt  }
0x6f: {  	_ =	shalt  }
0x70: {  	_ =	shalt  }
0x71: {  	_ =	shalt  }
0x72: {  	_ =	shalt  }
0x73: {  	_ =	shalt  }
0x74: {  	_ =	shalt  }
0x75: {  	_ =	shalt  }
0x76: {  	_ =	shalt  }
0x77: {  	_ =	shalt  }
0x78: {  	_ =	shalt  }
0x79: {  	_ =	shalt  }
0x7a: {  	_ =	shalt  }
0x7b: {  	_ =	shalt  }
0x7c: {  	_ =	shalt  }
0x7d: {  	_ =	shalt  }
0x7e: {  	_ =	shalt  }
0x7f: {  	_ =	shalt  }
0x80: {  	_ =	shalt  }
0x81: {  	_ =	shalt  }
0x82: {  	_ =	shalt  }
0x83: {  	_ =	shalt  }
0x84: {  	_ =	shalt  }
0x85: {  	_ =	shalt  }
0x86: {  	_ =	shalt  }
0x87: {  	_ =	shalt  }
.Lfunc_end0:
.L_simem_size_0:
called_computation_lowered:
.L_overlay_start_0:
0x88: {  	s2 =	sld [smem:$0x3FD9]  }
0x89: {  	s3 =	sld [smem:$0x3FFE];
	_ =	sdelay $0x1  }
0x8a: {  	s1 =	srdreg.scid  }
0x8b: {  	s0 =	sand.u32 $0x1, s1  }
0x8c: {  	s16 =	sshll.u32 s0, $0xA;
	s2 =	sadd.s32 s3, s2  }
0x8d: {  	s2 =	sadd.s32 s2, s16  }
0x8e: {  	[smem:$0x3FBE] =	sst s2  }
0x8f: {  	_ = 	snop  }
0x90: {  	(tm) =	ssettm $0x1  }
0x91: {  	s17 =	sld [smem:$0x3FFB];
	_ =	sdelay $0x3  }
0x92: {  	_ =	strace s17  }
0x93: {  	s2 =	sld [smem:$0x3FFC];
	_ =	sdelay $0x3  }
0x94: {  	_ =	strace s2  }
0x95: {  	s2 =	sld [smem:$0x3FFD];
	_ =	sdelay $0x3  }
0x96: {  	_ =	strace s2  }
0x97: {  	_ =	strace $0x8FFFFFFF  }
0x98: {  	s18 =	sld [smem:$0x3FDB];
	_ =	sdelay $0x1  }
0x99: {  	s19 =	simm.s32 $_scs_section_size  }
0x9a: {  	s4 =	simm.s32 $_size__tile_overlayer_lowered;
	s5 =	simm.s32 $_tile_overlayer_lowered  }
0x9b: {  	s22 =	simm.s32 $0x1BFF;
	s21 =	sshll.u32 s5, $0x1;
	s2 =	sadd.s32 s19, s18  }
0x9c: {  	s6 =	simm.s32 $0x0;
	s20 =	sshll.u32 s4, $0x1;
	s4 =	sadd.s32 s21, s2  }
0x9d: {  	[timem:s6], [sflag:s22] =	dma.local [hbm:s4], s20  }
0x9e: {  	_ =	swait.ge [sflag:s22], s20  }
0x9f: {  	s3 =	ssub.s32 $0x0, s20;
	[sflag:s22] =	ssyncset.done $0x0  }
0xa0: {  	[sflag:s22] =	ssyncadd.s32 s3;
	_ =	sdelay $0x1  }
0xa1: {  	s23 =	simm.s32 $0x1B8B  }
0xa2: {  	_ =	swait.ge [sflag:s23], $0x1  }
0xa3: {  	[sflag:s23] =	ssyncset.done $0x0  }
0xa4: {  	s25 =	simm.s32 $0x1B8E;
	s24 =	sld [smem:$0x3FFE];
	[sflag:s23] =	ssyncadd.s32 $0xFFFFFFFF  }
0xa5: {  	s26 =	simm.s32 $execute0_lowered;
	[smem:$0x3FD2] =	sst s25  }
0xa6: {  	s4 =	sshll.u32 s26, $0x1;
	_ =	strace $0x80000046;
	[dreg:$0x1] =	wrdreg $0xFFFFFFFF  }
0xa7: {  	s28 =	simm.s32 $_size_execute0_lowered;
	s2 =	sadd.s32 s2, s4;
	[dreg:$0x0] =	wrdreg $0x0  }
0xa8: {  	s4 =	sshll.u32 s28, $0x1;
	[dreg:$0x2] =	wrdreg s2  }
0xa9: {  	[dreg:$0x3] =	wrdreg s4  }
0xaa: {  	[dreg:$0x4] =	wrdreg $0xC0  }
0xab: {  	_ =	task [dreg:s6], $0x5FFFF  }
0xac: {  	[dreg:$0x1] =	wrdreg $0xFFFFFFFF  }
0xad: {  	[dreg:$0x0] =	wrdreg $0x60  }
0xae: {  	[dreg:$0x2] =	wrdreg s24  }
0xaf: {  	[dreg:$0x3] =	wrdreg $0xA0000  }
0xb0: {  	[dreg:$0x4] =	wrdreg $0x9  }
0xb1: {  	_ =	task.clear_ibuf [dreg:s6], $0x5FFFF;
	_ =	strace $0x90000046  }
0xb2: {  	s29 =	simm.s32 $0x9;
	_ =	strace $0x80000048  }
0xb3: {  	_ =	swait.ge [sflag:s29], $0x1  }
0xb4: {  	[sflag:s29] =	ssyncadd.s32 $0xFFFFFFFF  }
0xb5: {  	_ =	strace $0x90000048  }
0xb6: {  	_ =	sfence  }
0xb7: {  	s30 =	sld [smem:$0x0];
	_ =	sdelay $0x2  }
0xb8: {  	s31 =	sshll.u32 s1, $0xD;
	s1 =	sshrl.u32 s1, $0x2  }
0xb9: {  	s3 =	sand.u32 $0x4000, s31;
	s1 =	sadd.s32 s1, s30  }
0xba: {  	s0 =	sor.u32 s3, s0;
	s1 =	sshll.u32 s1, $0x11  }
0xbb: {  	s0 =	sor.u32 s1, s0  }
0xbc: {  	s0 =	sadd.s32 $0x8F2B, s0  }
0xbd: {  	[sflag:s0] =	ssyncadd.remote.s32 $0x1  }
0xbe: {  	_ =	sfence.sel $0xFFFF  }
0xbf: {  	[dreg:$0x0] =	wrdreg $0xFFFFFFFF;
	(pc) =	sbr.abs _section_cstart, $3  }
0xc0: {  	[dreg:$0x1] =	wrdreg $0xFFFFFFFF  }
0xc1: {  	_ =	task.clear_ibuf [dreg:s6], $0x2FFFF;
	_ =	strace $0x9FFFFFFF  }
0xc2: {  	(tm) =	ssettm $0x7FFFFFFF  }
0xc3: {  	_ =	shalt  }
tec
execute0_lowered:
.L_overlay_start_1:
0x0: {  	(tag) =	ssettag $0x1  }
0x1: {  	s0 =	srdreg.scid  }
0x2: {  	s7 =	stileid.u32;
	s1 =	rddreg [dreg:$0x0]  }
0x3: {  	s3 =	rddreg [dreg:$0x1];
	s4 =	simm.s32 $0x0;
	s0 =	sand.u32 $0x1, s0  }
0x4: {  	s2 =	sshll.u32 s7, $0x1;
	[smem:$0x7FF] =	sst s4;
	s11 =	smul.u32 $0x500, s7  }
0x5: {  	s12 =	sshrl.u32 s7, $0x3;
	s6 =	smul.u32 $0x5000, s7;
	s14 =	sshll.u32 s7, $0x7  }
0x6: {  	s2 =	sor.u32 s0, s2;
	_ =	strace $0x80000047;
	s5 =	sshll.u32 s0, $0x7  }
0x7: {  	s0 =	ssub.s32 $0x2, s0;
	s2 =	smul.u32 $0xA00, s2;
	s4 =	sor.u32 s5, s11  }
0x8: {  	s5 =	smul.u32 $0x50000, s12;
	s13 =	sshrl.u32 s0, $0x1;
	s6 =	sshrl.u32 s6, $0x2  }
0x9: {  	s4 =	sshrl.u32 s4, $0x3;
	s0 =	ssub.s32 s0, s13;
	s2 =	sadd.s32 s2, s1  }
0xa: {  	s1 =	sadd.s32 s4, s1;
	s5 =	sshrl.u32 s5, $0x2;
	s0 =	smax.u32 s0, $0x1  }
0xb: {  	s4 =	sand.u32 $0x380, s14;
	s2 =	sadd.s32 $0x3600, s2;
	[dreg:$0x15] =	wrdreg s0  }
0xc: {  	s5 =	sadd.s32 s5, s3;
	s1 =	sadd.s32 $0x17600, s1;
	[dreg:$0x3] =	wrdreg s2  }
0xd: {  	s15 =	sadd.s32 s4, s5;
	s5 =	sadd.s32 s6, s3;
	[dreg:$0x14] =	wrdreg s1  }
0xe: {  	[dreg:$0x4] =	wrdreg s15;
	s16 =	sadd.s32 $0x80, s5  }
0xf: {  	s17 =	sadd.s32 $0x100, s5;
	[dreg:$0x5] =	wrdreg s16  }
0x10: {  	s18 =	sadd.s32 $0x180, s5;
	[dreg:$0x6] =	wrdreg s17  }
0x11: {  	s19 =	sadd.s32 $0x200, s5;
	[dreg:$0x7] =	wrdreg s18  }
0x12: {  	s20 =	sadd.s32 $0x280, s5;
	[dreg:$0x8] =	wrdreg s19  }
0x13: {  	s21 =	sadd.s32 $0x300, s5;
	[dreg:$0x9] =	wrdreg s20  }
0x14: {  	s22 =	sadd.s32 $0x380, s5;
	[dreg:$0xa] =	wrdreg s21  }
0x15: {  	s23 =	sadd.s32 $0x14000, s5;
	[dreg:$0xb] =	wrdreg s22  }
0x16: {  	s24 =	sadd.s32 $0x14080, s5;
	[dreg:$0xc] =	wrdreg s23  }
0x17: {  	s25 =	sadd.s32 $0x14100, s5;
	[dreg:$0xd] =	wrdreg s24  }
0x18: {  	s26 =	sadd.s32 $0x14180, s5;
	[dreg:$0xe] =	wrdreg s25  }
0x19: {  	s3 =	sadd.s32 $0x14200, s5;
	[dreg:$0xf] =	wrdreg s26  }
0x1a: {  	s4 =	sadd.s32 $0x14280, s5;
	[dreg:$0x10] =	wrdreg s3  }
0x1b: {  	s6 =	sadd.s32 $0x14300, s5;
	[dreg:$0x11] =	wrdreg s4  }
0x1c: {  	s7 =	sadd.s32 $0x14380, s5;
	[dreg:$0x12] =	wrdreg s6  }
0x1d: {  	s8 =	sadd.s32 $0x400, s5;
	[dreg:$0x13] =	wrdreg s7  }
0x1e: {  	s9 =	sadd.s32 $0x800, s5;
	[dreg:$0x16] =	wrdreg s8  }
0x1f: {  	s10 =	sadd.s32 $0xC00, s5;
	[dreg:$0x17] =	wrdreg s9  }
0x20: {  	s11 =	sadd.s32 $0x1000, s5;
	[dreg:$0x18] =	wrdreg s10  }
0x21: {  	s12 =	sadd.s32 $0x480, s5;
	[dreg:$0x19] =	wrdreg s11  }
0x22: {  	s13 =	sadd.s32 $0x880, s5;
	[dreg:$0x1a] =	wrdreg s12  }
0x23: {  	s14 =	sadd.s32 $0xC80, s5;
	[dreg:$0x1b] =	wrdreg s13  }
0x24: {  	s15 =	sadd.s32 $0x1080, s5;
	[dreg:$0x1c] =	wrdreg s14  }
0x25: {  	s1 =	sadd.s32 $0x1200, s5;
	[dreg:$0x1d] =	wrdreg s15  }
0x26: {  	s2 =	sadd.s32 $0x680, s5;
	[smem:$0x7E5] =	sst s1  }
0x27: {  	s16 =	sadd.s32 $0x500, s5;
	[smem:$0x7E6] =	sst s2  }
0x28: {  	s17 =	sadd.s32 $0x900, s5;
	[dreg:$0x1e] =	wrdreg s16  }
0x29: {  	s18 =	sadd.s32 $0xD00, s5;
	[dreg:$0x1f] =	wrdreg s17  }
0x2a: {  	s19 =	sadd.s32 $0x1100, s5;
	[smem:$0x7DC] =	sst s18  }
0x2b: {  	s20 =	sadd.s32 $0x580, s5;
	[smem:$0x7DD] =	sst s19  }
0x2c: {  	s21 =	sadd.s32 $0x980, s5;
	[smem:$0x7DE] =	sst s20  }
0x2d: {  	s22 =	sadd.s32 $0xD80, s5;
	[smem:$0x7DF] =	sst s21  }
0x2e: {  	s23 =	sadd.s32 $0x1180, s5;
	[smem:$0x7E0] =	sst s22  }
0x2f: {  	s24 =	sadd.s32 $0x600, s5;
	[smem:$0x7E1] =	sst s23  }
0x30: {  	s25 =	sadd.s32 $0xA00, s5;
	[smem:$0x7E2] =	sst s24  }
0x31: {  	s26 =	sadd.s32 $0xE00, s5;
	[smem:$0x7E3] =	sst s25  }
0x32: {  	s3 =	sadd.s32 $0xA80, s5;
	[smem:$0x7E4] =	sst s26  }
0x33: {  	s4 =	sadd.s32 $0xE80, s5;
	[smem:$0x7E7] =	sst s3  }
0x34: {  	s6 =	sadd.s32 $0x1280, s5;
	[smem:$0x7E8] =	sst s4  }
0x35: {  	s7 =	sadd.s32 $0x700, s5;
	[smem:$0x7E9] =	sst s6  }
0x36: {  	s8 =	sadd.s32 $0xB00, s5;
	[smem:$0x7EA] =	sst s7  }
0x37: {  	s9 =	sadd.s32 $0xF00, s5;
	[smem:$0x7EB] =	sst s8  }
0x38: {  	s10 =	sadd.s32 $0x1300, s5;
	[smem:$0x7EC] =	sst s9  }
0x39: {  	s11 =	sadd.s32 $0x780, s5;
	[smem:$0x7ED] =	sst s10  }
0x3a: {  	s12 =	sadd.s32 $0xB80, s5;
	[smem:$0x7EE] =	sst s11  }
0x3b: {  	s28 =	simm.s32 $0x1;
	s13 =	sadd.s32 $0xF80, s5;
	[smem:$0x7EF] =	sst s12  }
0x3c: {  	s29 =	simm.s32 $0x5000;
	s14 =	sadd.s32 $0x1380, s5;
	[smem:$0x7F0] =	sst s13  }
0x3d: {  	s30 =	simm.s32 $0x80;
	s15 =	sadd.s32 $0x14400, s5;
	[smem:$0x7F1] =	sst s14  }
0x3e: {  	s31 =	simm.s32 $0x2;
	[smem:$0x7F2] =	sst s15;
	s16 =	sadd.s32 $0x14800, s5  }
0x3f: {  	s1 =	simm.s32 $0x0;
	s17 =	sadd.s32 $0x14C00, s5;
	[smem:$0x7F3] =	sst s16  }
0x40: {  	s18 =	sadd.s32 $0x15000, s5;
	s19 =	sadd.s32 $0x14480, s5;
	[smem:$0x7F4] =	sst s17  }
0x41: {  	s20 =	sadd.s32 $0x14880, s5;
	s21 =	sadd.s32 $0x14C80, s5;
	[smem:$0x7F5] =	sst s18  }
0x42: {  	s22 =	sadd.s32 $0x15080, s5;
	s23 =	sadd.s32 $0x14500, s5;
	[smem:$0x7F6] =	sst s19  }
0x43: {  	s24 =	sadd.s32 $0x14900, s5;
	s25 =	sadd.s32 $0x14D00, s5;
	[smem:$0x7F7] =	sst s20  }
0x44: {  	s26 =	sadd.s32 $0x15100, s5;
	s7 =	sadd.s32 $0x14580, s5;
	[smem:$0x7F8] =	sst s21  }
0x45: {  	s8 =	sadd.s32 $0x14980, s5;
	s9 =	sadd.s32 $0x14D80, s5;
	[smem:$0x7F9] =	sst s22  }
0x46: {  	s10 =	sadd.s32 $0x15180, s5;
	s11 =	sadd.s32 $0x14600, s5;
	[smem:$0x7FA] =	sst s23  }
0x47: {  	s12 =	sadd.s32 $0x14A00, s5;
	s13 =	sadd.s32 $0x14E00, s5;
	[smem:$0x7FB] =	sst s24  }
0x48: {  	s14 =	sadd.s32 $0x15200, s5;
	s15 =	sadd.s32 $0x14680, s5;
	[smem:$0x7FC] =	sst s25  }
0x49: {  	[smem:$0x7FD] =	sst s26;
	s16 =	sadd.s32 $0x14A80, s5;
	s17 =	sadd.s32 $0x14E80, s5  }
0x4a: {  	s18 =	sadd.s32 $0x15280, s5;
	s19 =	sadd.s32 $0x14700, s5;
	s20 =	sadd.s32 $0x14B00, s5  }
0x4b: {  	s21 =	sadd.s32 $0x14F00, s5;
	s22 =	sadd.s32 $0x15300, s5;
	s23 =	sadd.s32 $0x14780, s5  }
0x4c: {  	v0 =	vimm.f32 $0.0e+00;
	v1 =	vimm.f32 $1.000000000e+00;
	s24 =	sadd.s32 $0x14B80, s5;
	s25 =	sadd.s32 $0x14F80, s5;
	s26 =	sadd.s32 $0x15380, s5  }
.LBB2_1:
0x4d: {  	s0 =	simm.s32 $0x0;
	s2 =	rddreg [dreg:$0x3]  }
0x4e: {  	[tilespmem:s0], [sflag:$0x1] =	stream.linear.gather [hbm4b:s2+s0], $0x5000, $0x38;
	[tilespmem:$0xC800] =	vst v63  }
0x4f: {  	s0 =	simm.s32 $0x40;
	s2 =	simm.s32 $0x0  }
.LBB2_2:
0x50: {  	p0 =	sne.s32 s0, $0x9FC0;
	[tilespmem:s2+$0x5000] =	vst v0;
	s2 =	smov.u32 s0;
	s0 =	sadd.s32 $0x40, s0  }
.Ltmp0:
0x51: {  	(pc) =	sbr.rel @p0 .LBB2_2-.Ltmp0, $2  }
0x52: {  	_ =	sdelay $0x2  }
0x53: {  	s2 =	sshra.s32 s2, $0x2  }
0x54: {  	[tilespmem:s2+$0x5000] =	vst v0  }
0x55: {  	_ =	swait.ge [sflag:s28], $0x5000  }
0x56: {  	[sflag:s28] =	ssyncset.done $0x0  }
0x57: {  	s0 =	simm.s32 $0x0;
	[sflag:s28] =	ssyncadd.s32 $0xFFFFB000  }
.LBB2_4:
0x58: {  	s2 =	sshra.s32 s0, $0x2  }
0x59: {  	v2 =	vld [tilespmem:s2+$0x0];
	_ =	sdelay $0x7  }
0x5a: {  	[tilespmem:v2+s29+$0x0] =	vst.idx.add.f32.msk $0xffff, v1  }
0x5b: {  	v2 =	vld [tilespmem:s2+$0x10];
	_ =	sdelay $0x7  }
0x5c: {  	[tilespmem:v2+s29+$0x0] =	vst.idx.add.f32.msk $0xffff, v1  }
0x5d: {  	v2 =	vld [tilespmem:s2+$0x20];
	_ =	sdelay $0x7  }
0x5e: {  	[tilespmem:v2+s29+$0x0] =	vst.idx.add.f32.msk $0xffff, v1  }
0x5f: {  	v2 =	vld [tilespmem:s2+$0x30];
	_ =	sdelay $0x7  }
0x60: {  	[tilespmem:v2+s29+$0x0] =	vst.idx.add.f32.msk $0xffff, v1  }
0x61: {  	v2 =	vld [tilespmem:s2+$0x40];
	_ =	sdelay $0x7  }
0x62: {  	[tilespmem:v2+s29+$0x0] =	vst.idx.add.f32.msk $0xffff, v1  }
0x63: {  	v2 =	vld [tilespmem:s2+$0x50];
	_ =	sdelay $0x7  }
0x64: {  	[tilespmem:v2+s29+$0x0] =	vst.idx.add.f32.msk $0xffff, v1  }
0x65: {  	v2 =	vld [tilespmem:s2+$0x60];
	_ =	sdelay $0x7  }
0x66: {  	[tilespmem:v2+s29+$0x0] =	vst.idx.add.f32.msk $0xffff, v1  }
0x67: {  	v2 =	vld [tilespmem:s2+$0x70];
	_ =	sdelay $0x2  }
0x68: {  	p0 =	sne.s32 s0, $0x13E00  }
.Ltmp1:
0x69: {  	_ = 	snop;
	(pc) =	sbr.rel @p0 .LBB2_4-.Ltmp1, $2  }
0x6a: {  	_ =	sdelay $0x2  }
0x6b: {  	s0 =	sadd.s32 $0x200, s0;
	[tilespmem:v2+s29+$0x0] =	vst.idx.add.f32.msk $0xffff, v1  }
0x6c: {  	s0 =	simm.s32 $0x5000;
	s2 =	rddreg [dreg:$0x4];
	s3 =	simm.s32 $0x400  }
0x6d: {  	[spmem:s2] =	stream.strided.scatter [tilespmem:s0], [sflag:$0x2], $0x2800, s3, s30, $0x38;
	[tilespmem:$0xC800] =	vst v63  }
0x6e: {  	_ =	swait.ge [sflag:s31], $0x2800  }
0x6f: {  	[sflag:s31] =	ssyncset.done $0x0  }
0x70: {  	[sflag:s31] =	ssyncadd.s32 $0xFFFFD800  }
0x71: {  	s3 =	simm.s32 $0x7800;
	[bflag:$0x0] =	sbarrier.arrive $0xFFFF  }
0x72: {  	[tilespmem:s3], [sflag:$0x2] =	stream.linear.gather [spmem:s5], $0x80, $0x38;
	[tilespmem:$0xC800] =	vst v63  }
0x73: {  	s6 =	simm.s32 $0x7C00;
	s4 =	rddreg [dreg:$0x16]  }
0x74: {  	[tilespmem:s6], [sflag:$0x2] =	stream.linear.gather [spmem:s4], $0x80, $0x38;
	[tilespmem:$0xC800] =	vst v63  }
0x75: {  	s4 =	rddreg [dreg:$0x17];
	s6 =	simm.s32 $0x8000  }
0x76: {  	[tilespmem:s6], [sflag:$0x2] =	stream.linear.gather [spmem:s4], $0x80, $0x38;
	[tilespmem:$0xC800] =	vst v63  }
0x77: {  	s4 =	rddreg [dreg:$0x18];
	s6 =	simm.s32 $0x8400  }
0x78: {  	[tilespmem:s6], [sflag:$0x2] =	stream.linear.gather [spmem:s4], $0x80, $0x38;
	[tilespmem:$0xC800] =	vst v63  }
0x79: {  	s4 =	rddreg [dreg:$0x19];
	s6 =	simm.s32 $0x8800  }
0x7a: {  	[tilespmem:s6], [sflag:$0x2] =	stream.linear.gather [spmem:s4], $0x80, $0x38;
	[tilespmem:$0xC800] =	vst v63  }
0x7b: {  	_ =	swait.ge [sflag:s31], $0x280  }
0x7c: {  	[sflag:s31] =	ssyncset.done $0x0  }
0x7d: {  	s6 =	simm.s32 $0x7880;
	s4 =	rddreg [dreg:$0x5];
	[sflag:s31] =	ssyncadd.s32 $0xFFFFFD80  }
0x7e: {  	[tilespmem:s6], [sflag:$0x2] =	stream.linear.gather [spmem:s4], $0x80, $0x38;
	[tilespmem:$0xC800] =	vst v63  }
0x7f: {  	s4 =	rddreg [dreg:$0x1a];
	s6 =	simm.s32 $0x7C80  }
0x80: {  	[tilespmem:s6], [sflag:$0x2] =	stream.linear.gather [spmem:s4], $0x80, $0x38;
	[tilespmem:$0xC800] =	vst v63  }
0x81: {  	s4 =	rddreg [dreg:$0x1b];
	s6 =	simm.s32 $0x8080  }
0x82: {  	[tilespmem:s6], [sflag:$0x2] =	stream.linear.gather [spmem:s4], $0x80, $0x38;
	[tilespmem:$0xC800] =	vst v63  }
0x83: {  	s4 =	rddreg [dreg:$0x1c];
	s6 =	simm.s32 $0x8480  }
0x84: {  	[tilespmem:s6], [sflag:$0x2] =	stream.linear.gather [spmem:s4], $0x80, $0x38;
	[tilespmem:$0xC800] =	vst v63  }
0x85: {  	s4 =	rddreg [dreg:$0x1d];
	s6 =	simm.s32 $0x8880  }
0x86: {  	[tilespmem:s6], [sflag:$0x2] =	stream.linear.gather [spmem:s4], $0x80, $0x38;
	[tilespmem:$0xC800] =	vst v63  }
0x87: {  	_ =	swait.ge [sflag:s31], $0x280  }
0x88: {  	[sflag:s31] =	ssyncset.done $0x0  }
0x89: {  	s6 =	simm.s32 $0x7900;
	s4 =	rddreg [dreg:$0x6];
	[sflag:s31] =	ssyncadd.s32 $0xFFFFFD80  }
0x8a: {  	[tilespmem:s6], [sflag:$0x2] =	stream.linear.gather [spmem:s4], $0x80, $0x38;
	[tilespmem:$0xC800] =	vst v63  }
0x8b: {  	s4 =	rddreg [dreg:$0x1e];
	s6 =	simm.s32 $0x7D00  }
0x8c: {  	[tilespmem:s6], [sflag:$0x2] =	stream.linear.gather [spmem:s4], $0x80, $0x38;
	[tilespmem:$0xC800] =	vst v63  }
0x8d: {  	s4 =	rddreg [dreg:$0x1f];
	s6 =	simm.s32 $0x8100  }
0x8e: {  	[tilespmem:s6], [sflag:$0x2] =	stream.linear.gather [spmem:s4], $0x80, $0x38;
	[tilespmem:$0xC800] =	vst v63  }
0x8f: {  	s4 =	sld [smem:$0x7DC];
	_ =	sdelay $0x1  }
0x90: {  	s6 =	simm.s32 $0x8500  }
0x91: {  	[tilespmem:s6], [sflag:$0x2] =	stream.linear.gather [spmem:s4], $0x80, $0x38;
	[tilespmem:$0xC800] =	vst v63  }
0x92: {  	s4 =	sld [smem:$0x7DD];
	_ =	sdelay $0x1  }
0x93: {  	s6 =	simm.s32 $0x8900  }
0x94: {  	[tilespmem:s6], [sflag:$0x2] =	stream.linear.gather [spmem:s4], $0x80, $0x38;
	[tilespmem:$0xC800] =	vst v63  }
0x95: {  	_ =	swait.ge [sflag:s31], $0x280  }
0x96: {  	[sflag:s31] =	ssyncset.done $0x0  }
0x97: {  	s6 =	simm.s32 $0x7980;
	s4 =	rddreg [dreg:$0x7];
	[sflag:s31] =	ssyncadd.s32 $0xFFFFFD80  }
0x98: {  	[tilespmem:s6], [sflag:$0x2] =	stream.linear.gather [spmem:s4], $0x80, $0x38;
	[tilespmem:$0xC800] =	vst v63  }
0x99: {  	s4 =	sld [smem:$0x7DE];
	_ =	sdelay $0x1  }
0x9a: {  	s6 =	simm.s32 $0x7D80  }
0x9b: {  	[tilespmem:s6], [sflag:$0x2] =	stream.linear.gather [spmem:s4], $0x80, $0x38;
	[tilespmem:$0xC800] =	vst v63  }
0x9c: {  	s4 =	sld [smem:$0x7DF];
	_ =	sdelay $0x1  }
0x9d: {  	s6 =	simm.s32 $0x8180  }
0x9e: {  	[tilespmem:s6], [sflag:$0x2] =	stream.linear.gather [spmem:s4], $0x80, $0x38;
	[tilespmem:$0xC800] =	vst v63  }
0x9f: {  	s4 =	sld [smem:$0x7E0];
	_ =	sdelay $0x1  }
0xa0: {  	s6 =	simm.s32 $0x8580  }
0xa1: {  	[tilespmem:s6], [sflag:$0x2] =	stream.linear.gather [spmem:s4], $0x80, $0x38;
	[tilespmem:$0xC800] =	vst v63  }
0xa2: {  	s4 =	sld [smem:$0x7E1];
	_ =	sdelay $0x1  }
0xa3: {  	s6 =	simm.s32 $0x8980  }
0xa4: {  	[tilespmem:s6], [sflag:$0x2] =	stream.linear.gather [spmem:s4], $0x80, $0x38;
	[tilespmem:$0xC800] =	vst v63  }
0xa5: {  	_ =	swait.ge [sflag:s31], $0x280  }
0xa6: {  	[sflag:s31] =	ssyncset.done $0x0  }
0xa7: {  	s6 =	simm.s32 $0x7A00;
	s4 =	rddreg [dreg:$0x8];
	[sflag:s31] =	ssyncadd.s32 $0xFFFFFD80  }
0xa8: {  	[tilespmem:s6], [sflag:$0x2] =	stream.linear.gather [spmem:s4], $0x80, $0x38;
	[tilespmem:$0xC800] =	vst v63  }
0xa9: {  	s4 =	sld [smem:$0x7E2];
	_ =	sdelay $0x1  }
0xaa: {  	s6 =	simm.s32 $0x7E00  }
0xab: {  	[tilespmem:s6], [sflag:$0x2] =	stream.linear.gather [spmem:s4], $0x80, $0x38;
	[tilespmem:$0xC800] =	vst v63  }
0xac: {  	s4 =	sld [smem:$0x7E3];
	_ =	sdelay $0x1  }
0xad: {  	s6 =	simm.s32 $0x8200  }
0xae: {  	[tilespmem:s6], [sflag:$0x2] =	stream.linear.gather [spmem:s4], $0x80, $0x38;
	[tilespmem:$0xC800] =	vst v63  }
0xaf: {  	s4 =	sld [smem:$0x7E4];
	_ =	sdelay $0x1  }
0xb0: {  	s6 =	simm.s32 $0x8600  }
0xb1: {  	[tilespmem:s6], [sflag:$0x2] =	stream.linear.gather [spmem:s4], $0x80, $0x38;
	[tilespmem:$0xC800] =	vst v63  }
0xb2: {  	s4 =	sld [smem:$0x7E5];
	_ =	sdelay $0x1  }
0xb3: {  	s6 =	simm.s32 $0x8A00  }
0xb4: {  	[tilespmem:s6], [sflag:$0x2] =	stream.linear.gather [spmem:s4], $0x80, $0x38;
	[tilespmem:$0xC800] =	vst v63  }
0xb5: {  	_ =	swait.ge [sflag:s31], $0x280  }
0xb6: {  	[sflag:s31] =	ssyncset.done $0x0  }
0xb7: {  	s6 =	simm.s32 $0x7A80;
	s4 =	rddreg [dreg:$0x9];
	[sflag:s31] =	ssyncadd.s32 $0xFFFFFD80  }
0xb8: {  	[tilespmem:s6], [sflag:$0x2] =	stream.linear.gather [spmem:s4], $0x80, $0x38;
	[tilespmem:$0xC800] =	vst v63  }
0xb9: {  	s4 =	sld [smem:$0x7E6];
	_ =	sdelay $0x1  }
0xba: {  	s6 =	simm.s32 $0x7E80  }
0xbb: {  	[tilespmem:s6], [sflag:$0x2] =	stream.linear.gather [spmem:s4], $0x80, $0x38;
	[tilespmem:$0xC800] =	vst v63  }
0xbc: {  	s4 =	sld [smem:$0x7E7];
	_ =	sdelay $0x1  }
0xbd: {  	s6 =	simm.s32 $0x8280  }
0xbe: {  	[tilespmem:s6], [sflag:$0x2] =	stream.linear.gather [spmem:s4], $0x80, $0x38;
	[tilespmem:$0xC800] =	vst v63  }
0xbf: {  	s4 =	sld [smem:$0x7E8];
	_ =	sdelay $0x1  }
0xc0: {  	s6 =	simm.s32 $0x8680  }
0xc1: {  	[tilespmem:s6], [sflag:$0x2] =	stream.linear.gather [spmem:s4], $0x80, $0x38;
	[tilespmem:$0xC800] =	vst v63  }
0xc2: {  	s4 =	sld [smem:$0x7E9];
	_ =	sdelay $0x1  }
0xc3: {  	s6 =	simm.s32 $0x8A80  }
0xc4: {  	[tilespmem:s6], [sflag:$0x2] =	stream.linear.gather [spmem:s4], $0x80, $0x38;
	[tilespmem:$0xC800] =	vst v63  }
0xc5: {  	_ =	swait.ge [sflag:s31], $0x280  }
0xc6: {  	[sflag:s31] =	ssyncset.done $0x0  }
0xc7: {  	s6 =	simm.s32 $0x7B00;
	s4 =	rddreg [dreg:$0xa];
	[sflag:s31] =	ssyncadd.s32 $0xFFFFFD80  }
0xc8: {  	[tilespmem:s6], [sflag:$0x2] =	stream.linear.gather [spmem:s4], $0x80, $0x38;
	[tilespmem:$0xC800] =	vst v63  }
0xc9: {  	s4 =	sld [smem:$0x7EA];
	_ =	sdelay $0x1  }
0xca: {  	s6 =	simm.s32 $0x7F00  }
0xcb: {  	[tilespmem:s6], [sflag:$0x2] =	stream.linear.gather [spmem:s4], $0x80, $0x38;
	[tilespmem:$0xC800] =	vst v63  }
0xcc: {  	s4 =	sld [smem:$0x7EB];
	_ =	sdelay $0x1  }
0xcd: {  	s6 =	simm.s32 $0x8300  }
0xce: {  	[tilespmem:s6], [sflag:$0x2] =	stream.linear.gather [spmem:s4], $0x80, $0x38;
	[tilespmem:$0xC800] =	vst v63  }
0xcf: {  	s4 =	sld [smem:$0x7EC];
	_ =	sdelay $0x1  }
0xd0: {  	s6 =	simm.s32 $0x8700  }
0xd1: {  	[tilespmem:s6], [sflag:$0x2] =	stream.linear.gather [spmem:s4], $0x80, $0x38;
	[tilespmem:$0xC800] =	vst v63  }
0xd2: {  	s4 =	sld [smem:$0x7ED];
	_ =	sdelay $0x1  }
0xd3: {  	s6 =	simm.s32 $0x8B00  }
0xd4: {  	[tilespmem:s6], [sflag:$0x2] =	stream.linear.gather [spmem:s4], $0x80, $0x38;
	[tilespmem:$0xC800] =	vst v63  }
0xd5: {  	_ =	swait.ge [sflag:s31], $0x280  }
0xd6: {  	[sflag:s31] =	ssyncset.done $0x0  }
0xd7: {  	s6 =	simm.s32 $0x7B80;
	s4 =	rddreg [dreg:$0xb];
	[sflag:s31] =	ssyncadd.s32 $0xFFFFFD80  }
0xd8: {  	[tilespmem:s6], [sflag:$0x2] =	stream.linear.gather [spmem:s4], $0x80, $0x38;
	[tilespmem:$0xC800] =	vst v63  }
0xd9: {  	s4 =	sld [smem:$0x7EE];
	_ =	sdelay $0x1  }
0xda: {  	s6 =	simm.s32 $0x7F80  }
0xdb: {  	[tilespmem:s6], [sflag:$0x2] =	stream.linear.gather [spmem:s4], $0x80, $0x38;
	[tilespmem:$0xC800] =	vst v63  }
0xdc: {  	s4 =	sld [smem:$0x7EF];
	_ =	sdelay $0x1  }
0xdd: {  	s6 =	simm.s32 $0x8380  }
0xde: {  	[tilespmem:s6], [sflag:$0x2] =	stream.linear.gather [spmem:s4], $0x80, $0x38;
	[tilespmem:$0xC800] =	vst v63  }
0xdf: {  	s4 =	sld [smem:$0x7F0];
	_ =	sdelay $0x1  }
0xe0: {  	s6 =	simm.s32 $0x8780  }
0xe1: {  	[tilespmem:s6], [sflag:$0x2] =	stream.linear.gather [spmem:s4], $0x80, $0x38;
	[tilespmem:$0xC800] =	vst v63  }
0xe2: {  	s4 =	sld [smem:$0x7F1];
	_ =	sdelay $0x1  }
0xe3: {  	s6 =	simm.s32 $0x8B80  }
0xe4: {  	[tilespmem:s6], [sflag:$0x2] =	stream.linear.gather [spmem:s4], $0x80, $0x38;
	[tilespmem:$0xC800] =	vst v63  }
0xe5: {  	_ =	swait.ge [sflag:s31], $0x280  }
0xe6: {  	[sflag:s31] =	ssyncset.done $0x0  }
0xe7: {  	s6 =	simm.s32 $0x8C00;
	s4 =	rddreg [dreg:$0xc];
	[sflag:s31] =	ssyncadd.s32 $0xFFFFFD80  }
0xe8: {  	[tilespmem:s6], [sflag:$0x2] =	stream.linear.gather [spmem:s4], $0x80, $0x38;
	[tilespmem:$0xC800] =	vst v63  }
0xe9: {  	s4 =	sld [smem:$0x7F2];
	_ =	sdelay $0x1  }
0xea: {  	s6 =	simm.s32 $0x9000  }
0xeb: {  	[tilespmem:s6], [sflag:$0x2] =	stream.linear.gather [spmem:s4], $0x80, $0x38;
	[tilespmem:$0xC800] =	vst v63  }
0xec: {  	s4 =	sld [smem:$0x7F3];
	_ =	sdelay $0x1  }
0xed: {  	s6 =	simm.s32 $0x9400  }
0xee: {  	[tilespmem:s6], [sflag:$0x2] =	stream.linear.gather [spmem:s4], $0x80, $0x38;
	[tilespmem:$0xC800] =	vst v63  }
0xef: {  	s4 =	sld [smem:$0x7F4];
	_ =	sdelay $0x1  }
0xf0: {  	s6 =	simm.s32 $0x9800  }
0xf1: {  	[tilespmem:s6], [sflag:$0x2] =	stream.linear.gather [spmem:s4], $0x80, $0x38;
	[tilespmem:$0xC800] =	vst v63  }
0xf2: {  	s4 =	sld [smem:$0x7F5];
	_ =	sdelay $0x1  }
0xf3: {  	s6 =	simm.s32 $0x9C00  }
0xf4: {  	[tilespmem:s6], [sflag:$0x2] =	stream.linear.gather [spmem:s4], $0x80, $0x38;
	[tilespmem:$0xC800] =	vst v63  }
0xf5: {  	_ =	swait.ge [sflag:s31], $0x280  }
0xf6: {  	[sflag:s31] =	ssyncset.done $0x0  }
0xf7: {  	s6 =	simm.s32 $0x8C80;
	s4 =	rddreg [dreg:$0xd];
	[sflag:s31] =	ssyncadd.s32 $0xFFFFFD80  }
0xf8: {  	[tilespmem:s6], [sflag:$0x2] =	stream.linear.gather [spmem:s4], $0x80, $0x38;
	[tilespmem:$0xC800] =	vst v63  }
0xf9: {  	s4 =	sld [smem:$0x7F6];
	_ =	sdelay $0x1  }
0xfa: {  	s6 =	simm.s32 $0x9080  }
0xfb: {  	[tilespmem:s6], [sflag:$0x2] =	stream.linear.gather [spmem:s4], $0x80, $0x38;
	[tilespmem:$0xC800] =	vst v63  }
0xfc: {  	s4 =	sld [smem:$0x7F7];
	_ =	sdelay $0x1  }
0xfd: {  	s6 =	simm.s32 $0x9480  }
0xfe: {  	[tilespmem:s6], [sflag:$0x2] =	stream.linear.gather [spmem:s4], $0x80, $0x38;
	[tilespmem:$0xC800] =	vst v63  }
0xff: {  	s4 =	sld [smem:$0x7F8];
	_ =	sdelay $0x1  }
0x100: {  	s6 =	simm.s32 $0x9880  }
0x101: {  	[tilespmem:s6], [sflag:$0x2] =	stream.linear.gather [spmem:s4], $0x80, $0x38;
	[tilespmem:$0xC800] =	vst v63  }
0x102: {  	s4 =	sld [smem:$0x7F9];
	_ =	sdelay $0x1  }
0x103: {  	s6 =	simm.s32 $0x9C80  }
0x104: {  	[tilespmem:s6], [sflag:$0x2] =	stream.linear.gather [spmem:s4], $0x80, $0x38;
	[tilespmem:$0xC800] =	vst v63  }
0x105: {  	_ =	swait.ge [sflag:s31], $0x280  }
0x106: {  	[sflag:s31] =	ssyncset.done $0x0  }
0x107: {  	s6 =	simm.s32 $0x8D00;
	s4 =	rddreg [dreg:$0xe];
	[sflag:s31] =	ssyncadd.s32 $0xFFFFFD80  }
0x108: {  	[tilespmem:s6], [sflag:$0x2] =	stream.linear.gather [spmem:s4], $0x80, $0x38;
	[tilespmem:$0xC800] =	vst v63  }
0x109: {  	s4 =	sld [smem:$0x7FA];
	_ =	sdelay $0x1  }
0x10a: {  	s6 =	simm.s32 $0x9100  }
0x10b: {  	[tilespmem:s6], [sflag:$0x2] =	stream.linear.gather [spmem:s4], $0x80, $0x38;
	[tilespmem:$0xC800] =	vst v63  }
0x10c: {  	s4 =	sld [smem:$0x7FB];
	_ =	sdelay $0x1  }
0x10d: {  	s6 =	simm.s32 $0x9500  }
0x10e: {  	[tilespmem:s6], [sflag:$0x2] =	stream.linear.gather [spmem:s4], $0x80, $0x38;
	[tilespmem:$0xC800] =	vst v63  }
0x10f: {  	s4 =	sld [smem:$0x7FC];
	_ =	sdelay $0x1  }
0x110: {  	s6 =	simm.s32 $0x9900  }
0x111: {  	[tilespmem:s6], [sflag:$0x2] =	stream.linear.gather [spmem:s4], $0x80, $0x38;
	[tilespmem:$0xC800] =	vst v63  }
0x112: {  	s4 =	sld [smem:$0x7FD];
	_ =	sdelay $0x1  }
0x113: {  	s6 =	simm.s32 $0x9D00  }
0x114: {  	[tilespmem:s6], [sflag:$0x2] =	stream.linear.gather [spmem:s4], $0x80, $0x38;
	[tilespmem:$0xC800] =	vst v63  }
0x115: {  	_ =	swait.ge [sflag:s31], $0x280  }
0x116: {  	[sflag:s31] =	ssyncset.done $0x0  }
0x117: {  	s4 =	simm.s32 $0x8D80;
	s3 =	rddreg [dreg:$0xf];
	[sflag:s31] =	ssyncadd.s32 $0xFFFFFD80  }
0x118: {  	[tilespmem:s4], [sflag:$0x2] =	stream.linear.gather [spmem:s3], $0x80, $0x38;
	[tilespmem:$0xC800] =	vst v63  }
0x119: {  	s6 =	simm.s32 $0x9180  }
0x11a: {  	[tilespmem:s6], [sflag:$0x2] =	stream.linear.gather [spmem:s7], $0x80, $0x38;
	[tilespmem:$0xC800] =	vst v63  }
0x11b: {  	s3 =	simm.s32 $0x9580  }
0x11c: {  	[tilespmem:s3], [sflag:$0x2] =	stream.linear.gather [spmem:s8], $0x80, $0x38;
	[tilespmem:$0xC800] =	vst v63  }
0x11d: {  	s4 =	simm.s32 $0x9980  }
0x11e: {  	[tilespmem:s4], [sflag:$0x2] =	stream.linear.gather [spmem:s9], $0x80, $0x38;
	[tilespmem:$0xC800] =	vst v63  }
0x11f: {  	s6 =	simm.s32 $0x9D80  }
0x120: {  	[tilespmem:s6], [sflag:$0x2] =	stream.linear.gather [spmem:s10], $0x80, $0x38;
	[tilespmem:$0xC800] =	vst v63  }
0x121: {  	_ =	swait.ge [sflag:s31], $0x280  }
0x122: {  	[sflag:s31] =	ssyncset.done $0x0  }
0x123: {  	s4 =	simm.s32 $0x8E00;
	s3 =	rddreg [dreg:$0x10];
	[sflag:s31] =	ssyncadd.s32 $0xFFFFFD80  }
0x124: {  	[tilespmem:s4], [sflag:$0x2] =	stream.linear.gather [spmem:s3], $0x80, $0x38;
	[tilespmem:$0xC800] =	vst v63  }
0x125: {  	s6 =	simm.s32 $0x9200  }
0x126: {  	[tilespmem:s6], [sflag:$0x2] =	stream.linear.gather [spmem:s11], $0x80, $0x38;
	[tilespmem:$0xC800] =	vst v63  }
0x127: {  	s3 =	simm.s32 $0x9600  }
0x128: {  	[tilespmem:s3], [sflag:$0x2] =	stream.linear.gather [spmem:s12], $0x80, $0x38;
	[tilespmem:$0xC800] =	vst v63  }
0x129: {  	s4 =	simm.s32 $0x9A00  }
0x12a: {  	[tilespmem:s4], [sflag:$0x2] =	stream.linear.gather [spmem:s13], $0x80, $0x38;
	[tilespmem:$0xC800] =	vst v63  }
0x12b: {  	s6 =	simm.s32 $0x9E00  }
0x12c: {  	[tilespmem:s6], [sflag:$0x2] =	stream.linear.gather [spmem:s14], $0x80, $0x38;
	[tilespmem:$0xC800] =	vst v63  }
0x12d: {  	_ =	swait.ge [sflag:s31], $0x280  }
0x12e: {  	[sflag:s31] =	ssyncset.done $0x0  }
0x12f: {  	s4 =	simm.s32 $0x8E80;
	s3 =	rddreg [dreg:$0x11];
	[sflag:s31] =	ssyncadd.s32 $0xFFFFFD80  }
0x130: {  	[tilespmem:s4], [sflag:$0x2] =	stream.linear.gather [spmem:s3], $0x80, $0x38;
	[tilespmem:$0xC800] =	vst v63  }
0x131: {  	s6 =	simm.s32 $0x9280  }
0x132: {  	[tilespmem:s6], [sflag:$0x2] =	stream.linear.gather [spmem:s15], $0x80, $0x38;
	[tilespmem:$0xC800] =	vst v63  }
0x133: {  	s3 =	simm.s32 $0x9680  }
0x134: {  	[tilespmem:s3], [sflag:$0x2] =	stream.linear.gather [spmem:s16], $0x80, $0x38;
	[tilespmem:$0xC800] =	vst v63  }
0x135: {  	s4 =	simm.s32 $0x9A80  }
0x136: {  	[tilespmem:s4], [sflag:$0x2] =	stream.linear.gather [spmem:s17], $0x80, $0x38;
	[tilespmem:$0xC800] =	vst v63  }
0x137: {  	s6 =	simm.s32 $0x9E80  }
0x138: {  	[tilespmem:s6], [sflag:$0x2] =	stream.linear.gather [spmem:s18], $0x80, $0x38;
	[tilespmem:$0xC800] =	vst v63  }
0x139: {  	_ =	swait.ge [sflag:s31], $0x280  }
0x13a: {  	[sflag:s31] =	ssyncset.done $0x0  }
0x13b: {  	s4 =	simm.s32 $0x8F00;
	s3 =	rddreg [dreg:$0x12];
	[sflag:s31] =	ssyncadd.s32 $0xFFFFFD80  }
0x13c: {  	[tilespmem:s4], [sflag:$0x2] =	stream.linear.gather [spmem:s3], $0x80, $0x38;
	[tilespmem:$0xC800] =	vst v63  }
0x13d: {  	s6 =	simm.s32 $0x9300  }
0x13e: {  	[tilespmem:s6], [sflag:$0x2] =	stream.linear.gather [spmem:s19], $0x80, $0x38;
	[tilespmem:$0xC800] =	vst v63  }
0x13f: {  	s3 =	simm.s32 $0x9700  }
0x140: {  	[tilespmem:s3], [sflag:$0x2] =	stream.linear.gather [spmem:s20], $0x80, $0x38;
	[tilespmem:$0xC800] =	vst v63  }
0x141: {  	s4 =	simm.s32 $0x9B00  }
0x142: {  	[tilespmem:s4], [sflag:$0x2] =	stream.linear.gather [spmem:s21], $0x80, $0x38;
	[tilespmem:$0xC800] =	vst v63  }
0x143: {  	s6 =	simm.s32 $0x9F00  }
0x144: {  	[tilespmem:s6], [sflag:$0x2] =	stream.linear.gather [spmem:s22], $0x80, $0x38;
	[tilespmem:$0xC800] =	vst v63  }
0x145: {  	_ =	swait.ge [sflag:s31], $0x280  }
0x146: {  	[sflag:s31] =	ssyncset.done $0x0  }
0x147: {  	s4 =	simm.s32 $0x8F80;
	s3 =	rddreg [dreg:$0x13];
	[sflag:s31] =	ssyncadd.s32 $0xFFFFFD80  }
0x148: {  	[tilespmem:s4], [sflag:$0x2] =	stream.linear.gather [spmem:s3], $0x80, $0x38;
	[tilespmem:$0xC800] =	vst v63  }
0x149: {  	s6 =	simm.s32 $0x9380  }
0x14a: {  	[tilespmem:s6], [sflag:$0x2] =	stream.linear.gather [spmem:s23], $0x80, $0x38;
	[tilespmem:$0xC800] =	vst v63  }
0x14b: {  	s3 =	simm.s32 $0x9780  }
0x14c: {  	[tilespmem:s3], [sflag:$0x2] =	stream.linear.gather [spmem:s24], $0x80, $0x38;
	[tilespmem:$0xC800] =	vst v63  }
0x14d: {  	s4 =	simm.s32 $0x9B80  }
0x14e: {  	[tilespmem:s4], [sflag:$0x2] =	stream.linear.gather [spmem:s25], $0x80, $0x38;
	[tilespmem:$0xC800] =	vst v63  }
0x14f: {  	s6 =	simm.s32 $0x9F80  }
0x150: {  	[tilespmem:s6], [sflag:$0x2] =	stream.linear.gather [spmem:s26], $0x80, $0x38;
	[tilespmem:$0xC800] =	vst v63  }
0x151: {  	s3 =	simm.s32 $0x0;
	_ =	swait.ge [sflag:s31], $0x280  }
0x152: {  	s2 =	sand.u32 $0x1C00, s3;
	s4 =	sand.u32 $0x70, s3;
	[sflag:s31] =	ssyncset.done $0x0  }
0x153: {  	s2 =	sor.u32 s4, s2;
	[sflag:s31] =	ssyncadd.s32 $0xFFFFFD80  }
0x154: {  	v2 =	vld [tilespmem:s2+$0x7800];
	_ =	sdelay $0x1  }
0x155: {  	v3 =	vld [tilespmem:s2+$0x7880];
	_ =	sdelay $0x1  }
0x156: {  	v4 =	vld [tilespmem:s2+$0x7900]  }
0x157: {  	v2 =	vadd.f32 $0.0e+00, v2  }
0x158: {  	v5 =	vld [tilespmem:s2+$0x7980]  }
0x159: {  	v2 =	vadd.f32 v3, v2  }
0x15a: {  	v3 =	vld [tilespmem:s2+$0x7A00]  }
0x15b: {  	v2 =	vadd.f32 v4, v2  }
0x15c: {  	v56 =	vld [tilespmem:s2+$0x7A80]  }
0x15d: {  	v2 =	vadd.f32 v5, v2  }
0x15e: {  	v57 =	vld [tilespmem:s2+$0x7B00]  }
0x15f: {  	v2 =	vadd.f32 v3, v2  }
0x160: {  	v3 =	vld [tilespmem:s2+$0x7B80]  }
0x161: {  	v2 =	vadd.f32 v56, v2  }
0x162: {  	v58 =	vld [tilespmem:s2+$0x8C00]  }
0x163: {  	v2 =	vadd.f32 v57, v2  }
0x164: {  	v59 =	vld [tilespmem:s2+$0x8C80]  }
0x165: {  	v2 =	vadd.f32 v3, v2  }
0x166: {  	v3 =	vld [tilespmem:s2+$0x8D00]  }
0x167: {  	v2 =	vadd.f32 v58, v2  }
0x168: {  	v60 =	vld [tilespmem:s2+$0x8D80]  }
0x169: {  	v2 =	vadd.f32 v59, v2  }
0x16a: {  	v61 =	vld [tilespmem:s2+$0x8E00]  }
0x16b: {  	v2 =	vadd.f32 v3, v2  }
0x16c: {  	v3 =	vld [tilespmem:s2+$0x8E80]  }
0x16d: {  	v2 =	vadd.f32 v60, v2  }
0x16e: {  	v62 =	vld [tilespmem:s2+$0x8F00]  }
0x16f: {  	v2 =	vadd.f32 v61, v2  }
0x170: {  	v63 =	vld [tilespmem:s2+$0x8F80]  }
0x171: {  	v2 =	vadd.f32 v3, v2;
	_ =	sdelay $0x1  }
0x172: {  	v2 =	vadd.f32 v62, v2;
	_ =	sdelay $0x1  }
0x173: {  	s6 =	simm.s32 $0x10;
	s2 =	simm.s32 $0x80;
	v2 =	vadd.f32 v63, v2  }
0x174: {  	s3 =	simm.s32 $0x20;
	s4 =	sand.u32 $0x70, s6;
	s6 =	sand.u32 $0x1C00, s2  }
.LBB2_6:
0x175: {  	p0 =	sne.s32 s3, $0x270;
	s4 =	sor.u32 s4, s6;
	[tilespmem:s0+$0x0] =	vst v2  }
0x176: {  	v2 =	vld [tilespmem:s4+$0x7800];
	_ =	sdelay $0x1  }
0x177: {  	v3 =	vld [tilespmem:s4+$0x7880];
	_ =	sdelay $0x1  }
0x178: {  	v4 =	vld [tilespmem:s4+$0x7900]  }
0x179: {  	v2 =	vadd.f32 $0.0e+00, v2  }
0x17a: {  	v5 =	vld [tilespmem:s4+$0x7980]  }
0x17b: {  	v2 =	vadd.f32 v3, v2  }
0x17c: {  	v3 =	vld [tilespmem:s4+$0x7A00]  }
0x17d: {  	v2 =	vadd.f32 v4, v2  }
0x17e: {  	v4 =	vld [tilespmem:s4+$0x7A80]  }
0x17f: {  	v2 =	vadd.f32 v5, v2  }
0x180: {  	v5 =	vld [tilespmem:s4+$0x7B00]  }
0x181: {  	v2 =	vadd.f32 v3, v2  }
0x182: {  	v3 =	vld [tilespmem:s4+$0x7B80]  }
0x183: {  	v2 =	vadd.f32 v4, v2  }
0x184: {  	v4 =	vld [tilespmem:s4+$0x8C00]  }
0x185: {  	v2 =	vadd.f32 v5, v2  }
0x186: {  	v5 =	vld [tilespmem:s4+$0x8C80]  }
0x187: {  	v2 =	vadd.f32 v3, v2  }
0x188: {  	v3 =	vld [tilespmem:s4+$0x8D00]  }
0x189: {  	v2 =	vadd.f32 v4, v2  }
0x18a: {  	v4 =	vld [tilespmem:s4+$0x8D80]  }
0x18b: {  	v2 =	vadd.f32 v5, v2  }
0x18c: {  	v5 =	vld [tilespmem:s4+$0x8E00]  }
0x18d: {  	v2 =	vadd.f32 v3, v2  }
0x18e: {  	v3 =	vld [tilespmem:s4+$0x8E80]  }
0x18f: {  	v2 =	vadd.f32 v4, v2  }
0x190: {  	v4 =	vld [tilespmem:s4+$0x8F00]  }
0x191: {  	v2 =	vadd.f32 v5, v2  }
0x192: {  	v5 =	vld [tilespmem:s4+$0x8F80]  }
0x193: {  	v2 =	vadd.f32 v3, v2  }
.Ltmp2:
0x194: {  	(pc) =	sbr.rel @p0 .LBB2_6-.Ltmp2, $3  }
0x195: {  	v2 =	vadd.f32 v4, v2;
	_ =	sdelay $0x1  }
0x196: {  	s2 =	sadd.s32 $0x80, s2;
	s0 =	sadd.s32 $0x10, s0;
	v2 =	vadd.f32 v5, v2  }
0x197: {  	s6 =	sand.u32 $0x1C00, s2;
	s4 =	sand.u32 $0x70, s3;
	s3 =	sadd.s32 $0x10, s3  }
0x198: {  	s2 =	sor.u32 s4, s6;
	[tilespmem:s0+$0x0] =	vst v2  }
0x199: {  	v2 =	vld [tilespmem:s2+$0x7800];
	_ =	sdelay $0x1  }
0x19a: {  	v3 =	vld [tilespmem:s2+$0x7880];
	_ =	sdelay $0x1  }
0x19b: {  	v4 =	vld [tilespmem:s2+$0x7900]  }
0x19c: {  	v2 =	vadd.f32 $0.0e+00, v2  }
0x19d: {  	v5 =	vld [tilespmem:s2+$0x7980]  }
0x19e: {  	v2 =	vadd.f32 v3, v2  }
0x19f: {  	v3 =	vld [tilespmem:s2+$0x7A00]  }
0x1a0: {  	v2 =	vadd.f32 v4, v2  }
0x1a1: {  	v56 =	vld [tilespmem:s2+$0x7A80]  }
0x1a2: {  	v2 =	vadd.f32 v5, v2  }
0x1a3: {  	v57 =	vld [tilespmem:s2+$0x7B00]  }
0x1a4: {  	v2 =	vadd.f32 v3, v2  }
0x1a5: {  	v3 =	vld [tilespmem:s2+$0x7B80]  }
0x1a6: {  	v2 =	vadd.f32 v56, v2  }
0x1a7: {  	v58 =	vld [tilespmem:s2+$0x8C00]  }
0x1a8: {  	v2 =	vadd.f32 v57, v2  }
0x1a9: {  	v59 =	vld [tilespmem:s2+$0x8C80]  }
0x1aa: {  	v2 =	vadd.f32 v3, v2  }
0x1ab: {  	v3 =	vld [tilespmem:s2+$0x8D00]  }
0x1ac: {  	v2 =	vadd.f32 v58, v2  }
0x1ad: {  	v60 =	vld [tilespmem:s2+$0x8D80]  }
0x1ae: {  	v2 =	vadd.f32 v59, v2  }
0x1af: {  	v61 =	vld [tilespmem:s2+$0x8E00]  }
0x1b0: {  	v2 =	vadd.f32 v3, v2  }
0x1b1: {  	v3 =	vld [tilespmem:s2+$0x8E80]  }
0x1b2: {  	v2 =	vadd.f32 v60, v2  }
0x1b3: {  	v62 =	vld [tilespmem:s2+$0x8F00]  }
0x1b4: {  	v2 =	vadd.f32 v61, v2  }
0x1b5: {  	v63 =	vld [tilespmem:s2+$0x8F80]  }
0x1b6: {  	v2 =	vadd.f32 v3, v2;
	_ =	sdelay $0x1  }
0x1b7: {  	v2 =	vadd.f32 v62, v2;
	_ =	sdelay $0x1  }
0x1b8: {  	v2 =	vadd.f32 v63, v2  }
0x1b9: {  	s2 =	sadd.s32 $0x10, s0  }
0x1ba: {  	s3 =	rddreg [dreg:$0x14];
	s4 =	simm.s32 $0x100;
	[tilespmem:s2+$0x0] =	vst v2  }
0x1bb: {  	[hbm4b:s3+s30] =	stream.strided.scatter [tilespmem:s29], [sflag:$0x2], $0x280, s4, s30, $0x38;
	[tilespmem:$0xC800] =	vst v63  }
0x1bc: {  	_ =	swait.ge [sflag:s31], $0x280  }
0x1bd: {  	s1 =	sadd.s32 $0x1, s1;
	s6 =	rddreg [dreg:$0x15]  }
0x1be: {  	p0 =	sne.s32 s1, s6  }
.Ltmp3:
0x1bf: {  	_ = 	snop;
	(pc) =	sbr.rel @p0 .LBB2_1-.Ltmp3, $3  }
0x1c0: {  	_ =	sdelay $0x1  }
0x1c1: {  	[sflag:s31] =	ssyncset.done $0x0  }
0x1c2: {  	[sflag:s31] =	ssyncadd.s32 $0xFFFFFD80  }
0x1c3: {  	_ =	sfence.sel $0x180000  }
0x1c4: {  	[bflag:$0x0] =	sbarrier.arrive $0xFFFF  }
0x1c5: {  	_ =	strace $0x90000047  }
0x1c6: {  	s0 =	stileid.u32;
	[bflag:$0x2] =	sbarrier.arrive $0xFFFF  }
0x1c7: {  	p0 =	sne.s32 s0, $0x0;
	s0 =	rddreg [dreg:$0x2]  }
0x1c8: {  	s0 =	sadd.s32 @!p0 $0x100000, s0  }
0x1c9: {  	[sflag:s0] =	ssyncadd.tile.s32 @!p0 $0x1;
	_ =	shalt  }
.Lfunc_end2:
_tile_overlayer_lowered:
.L_overlay_start_2:
0x1ca: {  	(tag) =	ssettag $0x2  }
0x1cb: {  	s0 =	rddreg [dreg:$0x0];
	s2 =	stileid.u32  }
0x1cc: {  	s1 =	rddreg [dreg:$0x1];
	p0 =	sne.s32 s2, $0x0  }
0x1cd: {  	s3 =	rddreg [dreg:$0x2];
	[bflag:$0x3] =	sbarrier.arrive $0xFFFF;
	s2 =	simm.s32 @!p0 $0x1C02  }
0x1ce: {  	[timem:s3], [sflag:s2] =	dma.local @!p0 [hbm:s0], s1  }
0x1cf: {  	s0 =	simm.s32 @!p0 $0x2  }
0x1d0: {  	_ =	swait.ge @!p0 [sflag:s0], s1  }
0x1d1: {  	s1 =	ssub.s32 @!p0 $0x0, s1;
	[sflag:s0] =	ssyncset.done @!p0 $0x0  }
0x1d2: {  	[sflag:s0] =	ssyncadd.s32 @!p0 s1  }
0x1d3: {  	[bflag:$0x3] =	sbarrier.arrive $0xFFFF  }
0x1d4: {  	_ =	shalt  }

// kernel: kernel.13.cloned.1.call-start
scs
__scs_entry_jumppad:
0x0: {  	(pc) =	sbr.rel $0x88, $3  }
0x1: {  	(tag) =	ssettag $0x0;
	lr =	simm.s32 $0x1  }
0x2: {  	[smem:$0x3F97] =	sst lr;
	_ =	strace $0xD0000000  }
0x3: {  	_ = 	snop  }
0x4: {  	_ = 	snop  }
0x5: {  	_ = 	snop  }
0x6: {  	_ = 	snop  }
0x7: {  	_ = 	snop  }
__scs_overlays_trampoline_lowered:
0x8: {  	[smem:$0x3FA6] =	sst s0  }
0x9: {  	[smem:$0x3FA7] =	sst s1  }
0xa: {  	[smem:$0x3FA8] =	sst s2  }
0xb: {  	[smem:$0x3FA9] =	sst s3  }
0xc: {  	[smem:$0x3FAA] =	sst s4  }
0xd: {  	[smem:$0x3FAB] =	sst s5  }
0xe: {  	[smem:$0x3FAC] =	sst s6  }
0xf: {  	[smem:$0x3FAD] =	sst s7  }
0x10: {  	[smem:$0x3FAE] =	sst s8  }
0x11: {  	[smem:$0x3FAF] =	sst s9;
	s0 =	simm.s32 @!p0 $0x0  }
0x12: {  	s1 =	sld [smem:$0x3F95];
	s0 =	simm.s32 @p0 $0x1  }
0x13: {  	[smem:$0x3FB0] =	sst s0;
	s0 =	simm.s32 @!p1 $0x0  }
0x14: {  	s2 =	sld [smem:$0x3F94];
	s0 =	simm.s32 @p1 $0x1  }
0x15: {  	[smem:$0x3FB1] =	sst s0;
	s0 =	simm.s32 @!p2 $0x0  }
0x16: {  	s3 =	sld [smem:$0x3FDB];
	s0 =	simm.s32 @p2 $0x1  }
0x17: {  	s4 =	simm.s32 $0x1BF5;
	[smem:$0x3FB3] =	sst s0  }
0x18: {  	s0 =	sld [smem:$0x3F96];
	_ =	swait.ge [sflag:s4], $0x0  }
0x19: {  	s7 =	sld [smem:$0x3F97]  }
0x1a: {  	s8 =	sadd.s32 $0xFFFFE003, lr  }
0x1b: {  	s9 =	sadd.s32 $0xFFFFFEF7, lr;
	s5 =	simm.s32 $0xFFFFFFFF;
	p2 =	slt.u32 s8, $0xFFFFF086  }
0x1c: {  	p1 =	slt.u32 s9, $0xF7A;
	s5 =	simm.s32 @!p2 $0x0  }
0x1d: {  	s5 =	simm.s32 @p1 $0x1;
	p0 =	seq.s32 s7, s2  }
0x1e: {  	s7 =	smul.u32 @!p0 $0xF7A, s2;
	p2 =	seq.s32 @!p0 s5, $0x0  }
0x1f: {  	s9 =	smul.u32 $0xF7A, s1;
	s8 =	simm.s32 @!p0 $0x1BF5;
	p2 =	por !p2, p0  }
0x20: {  	[sflag:s8] =	ssyncset.s32 @!p0 $0xFFFFF086;
	s6 =	sadd.s32 @!p0 s3, s7;
	s7 =	simm.s32 @!p0 $0x108  }
0x21: {  	s3 =	sadd.s32 s3, s9;
	s6 =	sadd.s32 @!p0 $0x88, s6;
	s7 =	simm.s32 @p2 $0x1082  }
0x22: {  	[simem:s7], [sflag:s8] =	dma.local @!p0 [hbm:s6], $0xF7A  }
0x23: {  	s9 =	sor.u32 $0xD0000000, s2;
	s6 =	simm.s32 $0x108;
	_ =	swait.ge @!p0 [sflag:s8], $0x0  }
0x24: {  	s3 =	sadd.s32 $0x88, s3;
	s6 =	simm.s32 @!p1 $0x1082;
	[sflag:s4] =	ssyncset.s32 $0xFFFFF086  }
0x25: {  	[simem:s6], [sflag:s4] =	dma.local [hbm:s3], $0xF7A  }
0x26: {  	[smem:$0x3F97] =	sst s1;
	(tag) =	ssettag s2;
	_ =	strace s9  }
0x27: {  	s1 =	sld [smem:$0x3FA7]  }
0x28: {  	s2 =	sld [smem:$0x3FA8]  }
0x29: {  	s4 =	sld [smem:$0x3FAA]  }
0x2a: {  	p0 =	seq.s32 s5, $0x0;
	s5 =	sld [smem:$0x3FAB]  }
0x2b: {  	s6 =	sld [smem:$0x3FAC]  }
0x2c: {  	s7 =	sld [smem:$0x3FAD]  }
0x2d: {  	s3 =	simm.s32 $0x108;
	s8 =	sld [smem:$0x3FAE]  }
0x2e: {  	s3 =	simm.s32 @!p0 $0x1082;
	s9 =	sld [smem:$0x3FAF]  }
0x2f: {  	lr =	sadd.s32 s0, s3;
	s0 =	sld [smem:$0x3FA6]  }
0x30: {  	s3 =	sld [smem:$0x3FA9]  }
0x31: {  	[smem:$0x3FB2] =	sst s10  }
0x32: {  	s10 =	sld [smem:$0x3FB0];
	_ =	sdelay $0x3  }
0x33: {  	p0 =	seq.s32 s10, $0x1;
	s10 =	sld [smem:$0x3FB2];
	_ =	sdelay $0x3  }
0x34: {  	[smem:$0x3FB2] =	sst s10  }
0x35: {  	s10 =	sld [smem:$0x3FB1];
	_ =	sdelay $0x3  }
0x36: {  	p1 =	seq.s32 s10, $0x1;
	s10 =	sld [smem:$0x3FB2];
	_ =	sdelay $0x3  }
0x37: {  	[smem:$0x3FB2] =	sst s10  }
0x38: {  	s10 =	sld [smem:$0x3FB3]  }
0x39: {  	_ = 	snop;
	(pc) =	sbr.ind lr, $3  }
0x3a: {  	_ = 	snop  }
0x3b: {  	_ = 	snop  }
0x3c: {  	p2 =	seq.s32 s10, $0x1;
	s10 =	sld [smem:$0x3FB2]  }
0x3d: {  	_ =	shalt  }
0x3e: {  	_ =	shalt  }
0x3f: {  	_ =	shalt  }
0x40: {  	_ =	shalt  }
0x41: {  	_ =	shalt  }
0x42: {  	_ =	shalt  }
0x43: {  	_ =	shalt  }
0x44: {  	_ =	shalt  }
0x45: {  	_ =	shalt  }
0x46: {  	_ =	shalt  }
0x47: {  	_ =	shalt  }
0x48: {  	_ =	shalt  }
0x49: {  	_ =	shalt  }
0x4a: {  	_ =	shalt  }
0x4b: {  	_ =	shalt  }
0x4c: {  	_ =	shalt  }
0x4d: {  	_ =	shalt  }
0x4e: {  	_ =	shalt  }
0x4f: {  	_ =	shalt  }
0x50: {  	_ =	shalt  }
0x51: {  	_ =	shalt  }
0x52: {  	_ =	shalt  }
0x53: {  	_ =	shalt  }
0x54: {  	_ =	shalt  }
0x55: {  	_ =	shalt  }
0x56: {  	_ =	shalt  }
0x57: {  	_ =	shalt  }
0x58: {  	_ =	shalt  }
0x59: {  	_ =	shalt  }
0x5a: {  	_ =	shalt  }
0x5b: {  	_ =	shalt  }
0x5c: {  	_ =	shalt  }
0x5d: {  	_ =	shalt  }
0x5e: {  	_ =	shalt  }
0x5f: {  	_ =	shalt  }
0x60: {  	_ =	shalt  }
0x61: {  	_ =	shalt  }
0x62: {  	_ =	shalt  }
0x63: {  	_ =	shalt  }
0x64: {  	_ =	shalt  }
0x65: {  	_ =	shalt  }
0x66: {  	_ =	shalt  }
0x67: {  	_ =	shalt  }
0x68: {  	_ =	shalt  }
0x69: {  	_ =	shalt  }
0x6a: {  	_ =	shalt  }
0x6b: {  	_ =	shalt  }
0x6c: {  	_ =	shalt  }
0x6d: {  	_ =	shalt  }
0x6e: {  	_ =	shalt  }
0x6f: {  	_ =	shalt  }
0x70: {  	_ =	shalt  }
0x71: {  	_ =	shalt  }
0x72: {  	_ =	shalt  }
0x73: {  	_ =	shalt  }
0x74: {  	_ =	shalt  }
0x75: {  	_ =	shalt  }
0x76: {  	_ =	shalt  }
0x77: {  	_ =	shalt  }
0x78: {  	_ =	shalt  }
0x79: {  	_ =	shalt  }
0x7a: {  	_ =	shalt  }
0x7b: {  	_ =	shalt  }
0x7c: {  	_ =	shalt  }
0x7d: {  	_ =	shalt  }
0x7e: {  	_ =	shalt  }
0x7f: {  	_ =	shalt  }
0x80: {  	_ =	shalt  }
0x81: {  	_ =	shalt  }
0x82: {  	_ =	shalt  }
0x83: {  	_ =	shalt  }
0x84: {  	_ =	shalt  }
0x85: {  	_ =	shalt  }
0x86: {  	_ =	shalt  }
0x87: {  	_ =	shalt  }
.Lfunc_end0:
.L_simem_size_0:
called_computation.1_lowered:
.L_overlay_start_0:
0x88: {  	s2 =	sld [smem:$0x3FD9]  }
0x89: {  	s3 =	sld [smem:$0x3FFE];
	_ =	sdelay $0x1  }
0x8a: {  	s1 =	srdreg.scid  }
0x8b: {  	s0 =	sand.u32 $0x1, s1  }
0x8c: {  	s17 =	sshll.u32 s0, $0xA;
	s2 =	sadd.s32 s3, s2  }
0x8d: {  	s2 =	sadd.s32 s2, s17  }
0x8e: {  	[smem:$0x3FBE] =	sst s2  }
0x8f: {  	_ = 	snop  }
0x90: {  	s2 =	sld [smem:$0x3FD0];
	(tm) =	ssettm $0x1  }
0x91: {  	s18 =	sld [smem:$0x3FFB];
	_ =	sdelay $0x3  }
0x92: {  	_ =	strace s18  }
0x93: {  	s3 =	sld [smem:$0x3FFC];
	_ =	sdelay $0x3  }
0x94: {  	_ =	strace s3  }
0x95: {  	s3 =	sld [smem:$0x3FFD];
	_ =	sdelay $0x3  }
0x96: {  	_ =	strace s3  }
0x97: {  	_ =	strace $0x8FFFFFFF  }
0x98: {  	s19 =	sld [smem:$0x3FDB];
	_ =	sdelay $0x1  }
0x99: {  	s4 =	simm.s32 $_scs_section_size  }
0x9a: {  	s5 =	simm.s32 $_size__tile_overlayer_lowered;
	s6 =	simm.s32 $_tile_overlayer_lowered  }
0x9b: {  	s22 =	simm.s32 $0x1BFF;
	s21 =	sshll.u32 s6, $0x1;
	s3 =	sadd.s32 s4, s19  }
0x9c: {  	s7 =	simm.s32 $0x0;
	s20 =	sshll.u32 s5, $0x1;
	s5 =	sadd.s32 s21, s3  }
0x9d: {  	[timem:s7], [sflag:s22] =	dma.local [hbm:s5], s20  }
0x9e: {  	_ =	swait.ge [sflag:s22], s20  }
0x9f: {  	s4 =	ssub.s32 $0x0, s20;
	[sflag:s22] =	ssyncset.done $0x0  }
0xa0: {  	[sflag:s22] =	ssyncadd.s32 s4;
	_ =	sdelay $0x1  }
0xa1: {  	s23 =	simm.s32 $0x1B8B  }
0xa2: {  	_ =	swait.ge [sflag:s23], $0x1  }
0xa3: {  	[sflag:s23] =	ssyncset.done $0x0  }
0xa4: {  	s25 =	simm.s32 $0x1B8E;
	s24 =	sld [smem:$0x3FFE];
	[sflag:s23] =	ssyncadd.s32 $0xFFFFFFFF  }
0xa5: {  	s26 =	simm.s32 $execute0_lowered;
	[smem:$0x3FD2] =	sst s25  }
0xa6: {  	s5 =	sshll.u32 s26, $0x1;
	_ =	strace $0x80000049;
	[dreg:$0x1] =	wrdreg $0xFFFFFFFF  }
0xa7: {  	s28 =	simm.s32 $_size_execute0_lowered;
	s3 =	sadd.s32 s3, s5;
	[dreg:$0x0] =	wrdreg $0x0  }
0xa8: {  	s5 =	sshll.u32 s28, $0x1;
	[dreg:$0x2] =	wrdreg s3  }
0xa9: {  	[dreg:$0x3] =	wrdreg s5  }
0xaa: {  	[dreg:$0x4] =	wrdreg $0xC0  }
0xab: {  	_ =	task [dreg:s7], $0x5FFFF  }
0xac: {  	[dreg:$0x1] =	wrdreg $0xFFFFFFFF  }
0xad: {  	[dreg:$0x0] =	wrdreg $0x60  }
0xae: {  	[dreg:$0x2] =	wrdreg s24  }
0xaf: {  	[dreg:$0x3] =	wrdreg s2  }
0xb0: {  	[dreg:$0x4] =	wrdreg $0xA0000  }
0xb1: {  	[dreg:$0x5] =	wrdreg $0x9  }
0xb2: {  	_ =	task.clear_ibuf [dreg:s7], $0x6FFFF;
	_ =	strace $0x90000049  }
0xb3: {  	s29 =	simm.s32 $0x9;
	_ =	strace $0x8000004B  }
0xb4: {  	_ =	swait.ge [sflag:s29], $0x1  }
0xb5: {  	[sflag:s29] =	ssyncadd.s32 $0xFFFFFFFF  }
0xb6: {  	_ =	strace $0x9000004B  }
0xb7: {  	_ =	sfence  }
0xb8: {  	s30 =	sld [smem:$0x0];
	_ =	sdelay $0x2  }
0xb9: {  	s31 =	sshll.u32 s1, $0xD;
	s1 =	sshrl.u32 s1, $0x2  }
0xba: {  	s3 =	sand.u32 $0x4000, s31;
	s1 =	sadd.s32 s1, s30  }
0xbb: {  	s0 =	sor.u32 s3, s0;
	s1 =	sshll.u32 s1, $0x11  }
0xbc: {  	s0 =	sor.u32 s1, s0  }
0xbd: {  	s0 =	sadd.s32 $0x8F2B, s0  }
0xbe: {  	[sflag:s0] =	ssyncadd.remote.s32 $0x1  }
0xbf: {  	_ =	sfence.sel $0xFFFF  }
0xc0: {  	[dreg:$0x0] =	wrdreg $0xFFFFFFFF;
	(pc) =	sbr.abs _section_cstart, $3  }
0xc1: {  	[dreg:$0x1] =	wrdreg $0xFFFFFFFF  }
0xc2: {  	_ =	task.clear_ibuf [dreg:s7], $0x2FFFF;
	_ =	strace $0x9FFFFFFF  }
0xc3: {  	(tm) =	ssettm $0x7FFFFFFF  }
tec
execute0_lowered:
.L_overlay_start_1:
0x0: {  	(tag) =	ssettag $0x1  }
0x1: {  	s0 =	rddreg [dreg:$0x0]  }
0x2: {  	s1 =	rddreg [dreg:$0x1];
	s3 =	srdreg.scid  }
0x3: {  	s9 =	stileid.u32;
	s2 =	rddreg [dreg:$0x2]  }
0x4: {  	s23 =	simm.s32 $0x100;
	s25 =	simm.s32 $0x880;
	s4 =	smul.u32 $0xA000, s9  }
0x5: {  	s5 =	sand.u32 $0x1, s3;
	s3 =	simm.s32 $0x0;
	s8 =	smul.u32 $0x14000, s9  }
0x6: {  	s11 =	simm.s32 $0x980;
	s9 =	smul.u32 $0x50000, s9;
	[smem:$0x7FF] =	sst s3  }
0x7: {  	s6 =	smul.u32 $0x5000, s5;
	_ =	strace $0x8000004A;
	[dreg:$0x6] =	wrdreg s23  }
0x8: {  	s7 =	smul.u32 $0x140000, s5;
	s5 =	ssub.s32 $0x2, s5;
	[dreg:$0x7] =	wrdreg s25  }
0x9: {  	s13 =	simm.s32 $0x280;
	s14 =	sshrl.u32 s5, $0x1;
	[dreg:$0xb] =	wrdreg s11  }
0xa: {  	s9 =	sshrl.u32 s9, $0x2;
	[dreg:$0xc] =	wrdreg s13;
	s23 =	simm.s32 $0xB00  }
0xb: {  	s28 =	sadd.s32 s9, s2;
	s9 =	simm.s32 $0x200;
	[dreg:$0x11] =	wrdreg s23  }
0xc: {  	s5 =	ssub.s32 s5, s14;
	[dreg:$0xa] =	wrdreg s9  }
0xd: {  	s15 =	smax.u32 s5, $0x1;
	[dreg:$0x12] =	wrdreg s28  }
0xe: {  	s16 =	sadd.s32 $0x1000, s28;
	[dreg:$0x14] =	wrdreg s15  }
0xf: {  	s29 =	simm.s32 $0x3;
	s17 =	sadd.s32 $0x2000, s28;
	[dreg:$0x15] =	wrdreg s16  }
0x10: {  	s30 =	simm.s32 $0x800;
	s18 =	sadd.s32 $0x3000, s28;
	[dreg:$0x16] =	wrdreg s17  }
0x11: {  	s31 =	simm.s32 $0x80;
	s20 =	sadd.s32 $0x4000, s28;
	[dreg:$0x17] =	wrdreg s18  }
0x12: {  	s11 =	simm.s32 $0xC00;
	s22 =	sadd.s32 $0x5000, s28;
	[dreg:$0x18] =	wrdreg s20  }
0x13: {  	s13 =	simm.s32 $0xC80;
	s24 =	sadd.s32 $0x6000, s28;
	[dreg:$0x19] =	wrdreg s22  }
0x14: {  	s6 =	sadd.s32 s6, s4;
	s26 =	sadd.s32 $0x7000, s28;
	[dreg:$0x1a] =	wrdreg s24  }
0x15: {  	s4 =	sadd.s32 $0x17600, s0;
	s5 =	simm.s32 $0x180;
	[dreg:$0x1b] =	wrdreg s26  }
0x16: {  	s7 =	sadd.s32 s8, s7;
	s8 =	sadd.s32 $0x9000, s28;
	[dreg:$0x8] =	wrdreg s5  }
0x17: {  	s23 =	simm.s32 $0xF00;
	s12 =	sadd.s32 $0xB000, s28;
	[dreg:$0x1d] =	wrdreg s8  }
0x18: {  	s6 =	sshrl.u32 s6, $0x3;
	s14 =	sadd.s32 $0xC000, s28;
	[dreg:$0x1f] =	wrdreg s12  }
0x19: {  	s7 =	sshrl.u32 s7, $0x3;
	s25 =	sadd.s32 $0x12000, s28;
	[smem:$0x7F6] =	sst s14  }
0x1a: {  	s9 =	simm.s32 $0xB80;
	s21 =	sadd.s32 s6, s1;
	[smem:$0x7FC] =	sst s25  }
0x1b: {  	s10 =	sadd.s32 s6, s0;
	s6 =	sadd.s32 $0x8000, s28;
	[dreg:$0x5] =	wrdreg s21  }
0x1c: {  	s0 =	sadd.s32 s7, s0;
	s7 =	simm.s32 $0x900;
	[dreg:$0x1c] =	wrdreg s6  }
0x1d: {  	s15 =	simm.s32 $0xA00;
	s16 =	sadd.s32 $0xD000, s28;
	[dreg:$0x9] =	wrdreg s7  }
0x1e: {  	s17 =	simm.s32 $0x300;
	s18 =	sadd.s32 $0xE000, s28;
	[smem:$0x7F7] =	sst s16  }
0x1f: {  	s20 =	sadd.s32 $0xF000, s28;
	s22 =	sadd.s32 $0x10000, s28;
	[dreg:$0xd] =	wrdreg s15  }
0x20: {  	s24 =	sadd.s32 $0x11000, s28;
	s26 =	sadd.s32 $0x13000, s28;
	[smem:$0x7F8] =	sst s18  }
0x21: {  	s1 =	simm.s32 $0x1000;
	s8 =	simm.s32 $0x400;
	[dreg:$0xe] =	wrdreg s17  }
0x22: {  	s12 =	simm.s32 $0x500;
	s14 =	simm.s32 $0x580;
	[smem:$0x7F9] =	sst s20  }
0x23: {  	s25 =	simm.s32 $0x0;
	s0 =	sadd.s32 $0x3F600, s0;
	[smem:$0x7FA] =	sst s22  }
0x24: {  	s19 =	sadd.s32 $0x3600, s10;
	s10 =	sadd.s32 $0xA000, s28;
	[smem:$0x7FB] =	sst s24  }
0x25: {  	s21 =	simm.s32 $0x380;
	[smem:$0x7FD] =	sst s26;
	s6 =	simm.s32 $0x1  }
0x26: {  	s7 =	simm.s32 $0x2;
	s15 =	simm.s32 $0xD00;
	s16 =	simm.s32 $0x600  }
0x27: {  	s17 =	simm.s32 $0xD80;
	s18 =	simm.s32 $0x680;
	[dreg:$0x13] =	wrdreg s0  }
0x28: {  	s20 =	simm.s32 $0x700;
	s22 =	simm.s32 $0x780;
	[dreg:$0x4] =	wrdreg s19  }
0x29: {  	s24 =	simm.s32 $0xF80;
	[dreg:$0x1e] =	wrdreg s10;
	s19 =	simm.s32 $0xA80  }
0x2a: {  	[dreg:$0x10] =	wrdreg s21;
	s0 =	simm.s32 $0x5000;
	s10 =	simm.s32 $0x480  }
0x2b: {  	v0 =	vimm.f32 $0.0e+00;
	s21 =	simm.s32 $0xE80;
	[dreg:$0xf] =	wrdreg s19;
	s19 =	simm.s32 $0xE00  }
.LBB2_1:
0x2c: {  	[smem:$0x7F5] =	sst s25;
	s5 =	simm.s32 $0x0;
	s26 =	simm.s32 $0x200  }
.LBB2_2:
0x2d: {  	p0 =	sne.s32 s26, $0x3E00;
	[tilespmem:s5+$0x9070] =	vst v0  }
0x2e: {  	[tilespmem:s5+$0x9000] =	vst v0  }
0x2f: {  	[tilespmem:s5+$0x9010] =	vst v0  }
.Ltmp0:
0x30: {  	[tilespmem:s5+$0x9020] =	vst v0;
	(pc) =	sbr.rel @p0 .LBB2_2-.Ltmp0, $4  }
0x31: {  	[tilespmem:s5+$0x9030] =	vst v0  }
0x32: {  	[tilespmem:s5+$0x9040] =	vst v0  }
0x33: {  	[tilespmem:s5+$0x9050] =	vst v0  }
0x34: {  	[tilespmem:s5+$0x9060] =	vst v0;
	s5 =	sshra.s32 s26, $0x2;
	s26 =	sadd.s32 $0x200, s26  }
0x35: {  	[tilespmem:s5+$0x9070] =	vst v0  }
0x36: {  	[tilespmem:s5+$0x9000] =	vst v0  }
0x37: {  	[tilespmem:s5+$0x9010] =	vst v0  }
0x38: {  	[tilespmem:s5+$0x9020] =	vst v0  }
0x39: {  	[tilespmem:s5+$0x9030] =	vst v0  }
0x3a: {  	[tilespmem:s5+$0x9040] =	vst v0  }
0x3b: {  	[tilespmem:s5+$0x9050] =	vst v0  }
0x3c: {  	[tilespmem:s5+$0x9060] =	vst v0;
	s25 =	simm.s32 $0x9000  }
0x3d: {  	[spmem:s28] =	stream.linear.scatter [tilespmem:s25], [sflag:$0x3], $0x1000, $0x38;
	[tilespmem:$0x1E000] =	vst v63  }
0x3e: {  	_ =	swait.ge [sflag:s29], $0x1000  }
0x3f: {  	[sflag:s29] =	ssyncset.done $0x0  }
0x40: {  	s28 =	rddreg [dreg:$0x15];
	[sflag:s29] =	ssyncadd.s32 $0xFFFFF000  }
0x41: {  	[spmem:s28] =	stream.linear.scatter [tilespmem:s25], [sflag:$0x3], $0x1000, $0x38;
	[tilespmem:$0x1E000] =	vst v63  }
0x42: {  	_ =	swait.ge [sflag:s29], $0x1000  }
0x43: {  	[sflag:s29] =	ssyncset.done $0x0  }
0x44: {  	s26 =	rddreg [dreg:$0x16];
	[sflag:s29] =	ssyncadd.s32 $0xFFFFF000  }
0x45: {  	[spmem:s26] =	stream.linear.scatter [tilespmem:s25], [sflag:$0x3], $0x1000, $0x38;
	[tilespmem:$0x1E000] =	vst v63  }
0x46: {  	_ =	swait.ge [sflag:s29], $0x1000  }
0x47: {  	[sflag:s29] =	ssyncset.done $0x0  }
0x48: {  	s28 =	rddreg [dreg:$0x17];
	[sflag:s29] =	ssyncadd.s32 $0xFFFFF000  }
0x49: {  	[spmem:s28] =	stream.linear.scatter [tilespmem:s25], [sflag:$0x3], $0x1000, $0x38;
	[tilespmem:$0x1E000] =	vst v63  }
0x4a: {  	_ =	swait.ge [sflag:s29], $0x1000  }
0x4b: {  	[sflag:s29] =	ssyncset.done $0x0  }
0x4c: {  	s26 =	rddreg [dreg:$0x18];
	[sflag:s29] =	ssyncadd.s32 $0xFFFFF000  }
0x4d: {  	[spmem:s26] =	stream.linear.scatter [tilespmem:s25], [sflag:$0x3], $0x1000, $0x38;
	[tilespmem:$0x1E000] =	vst v63  }
0x4e: {  	_ =	swait.ge [sflag:s29], $0x1000  }
0x4f: {  	[sflag:s29] =	ssyncset.done $0x0  }
0x50: {  	s28 =	rddreg [dreg:$0x19];
	[sflag:s29] =	ssyncadd.s32 $0xFFFFF000  }
0x51: {  	[spmem:s28] =	stream.linear.scatter [tilespmem:s25], [sflag:$0x3], $0x1000, $0x38;
	[tilespmem:$0x1E000] =	vst v63  }
0x52: {  	_ =	swait.ge [sflag:s29], $0x1000  }
0x53: {  	[sflag:s29] =	ssyncset.done $0x0  }
0x54: {  	s26 =	rddreg [dreg:$0x1a];
	[sflag:s29] =	ssyncadd.s32 $0xFFFFF000  }
0x55: {  	[spmem:s26] =	stream.linear.scatter [tilespmem:s25], [sflag:$0x3], $0x1000, $0x38;
	[tilespmem:$0x1E000] =	vst v63  }
0x56: {  	_ =	swait.ge [sflag:s29], $0x1000  }
0x57: {  	[sflag:s29] =	ssyncset.done $0x0  }
0x58: {  	s28 =	rddreg [dreg:$0x1b];
	[sflag:s29] =	ssyncadd.s32 $0xFFFFF000  }
0x59: {  	[spmem:s28] =	stream.linear.scatter [tilespmem:s25], [sflag:$0x3], $0x1000, $0x38;
	[tilespmem:$0x1E000] =	vst v63  }
0x5a: {  	_ =	swait.ge [sflag:s29], $0x1000  }
0x5b: {  	[sflag:s29] =	ssyncset.done $0x0  }
0x5c: {  	s26 =	rddreg [dreg:$0x1c];
	[sflag:s29] =	ssyncadd.s32 $0xFFFFF000  }
0x5d: {  	[spmem:s26] =	stream.linear.scatter [tilespmem:s25], [sflag:$0x3], $0x1000, $0x38;
	[tilespmem:$0x1E000] =	vst v63  }
0x5e: {  	_ =	swait.ge [sflag:s29], $0x1000  }
0x5f: {  	[sflag:s29] =	ssyncset.done $0x0  }
0x60: {  	s28 =	rddreg [dreg:$0x1d];
	[sflag:s29] =	ssyncadd.s32 $0xFFFFF000  }
0x61: {  	[spmem:s28] =	stream.linear.scatter [tilespmem:s25], [sflag:$0x3], $0x1000, $0x38;
	[tilespmem:$0x1E000] =	vst v63  }
0x62: {  	_ =	swait.ge [sflag:s29], $0x1000  }
0x63: {  	[sflag:s29] =	ssyncset.done $0x0  }
0x64: {  	s26 =	rddreg [dreg:$0x1e];
	[sflag:s29] =	ssyncadd.s32 $0xFFFFF000  }
0x65: {  	[spmem:s26] =	stream.linear.scatter [tilespmem:s25], [sflag:$0x3], $0x1000, $0x38;
	[tilespmem:$0x1E000] =	vst v63  }
0x66: {  	_ =	swait.ge [sflag:s29], $0x1000  }
0x67: {  	[sflag:s29] =	ssyncset.done $0x0  }
0x68: {  	s28 =	rddreg [dreg:$0x1f];
	[sflag:s29] =	ssyncadd.s32 $0xFFFFF000  }
0x69: {  	[spmem:s28] =	stream.linear.scatter [tilespmem:s25], [sflag:$0x3], $0x1000, $0x38;
	[tilespmem:$0x1E000] =	vst v63  }
0x6a: {  	_ =	swait.ge [sflag:s29], $0x1000  }
0x6b: {  	s26 =	sld [smem:$0x7F6]  }
0x6c: {  	[sflag:s29] =	ssyncset.done $0x0  }
0x6d: {  	[sflag:s29] =	ssyncadd.s32 $0xFFFFF000  }
0x6e: {  	[spmem:s26] =	stream.linear.scatter [tilespmem:s25], [sflag:$0x3], $0x1000, $0x38;
	[tilespmem:$0x1E000] =	vst v63  }
0x6f: {  	_ =	swait.ge [sflag:s29], $0x1000  }
0x70: {  	s28 =	sld [smem:$0x7F7]  }
0x71: {  	[sflag:s29] =	ssyncset.done $0x0  }
0x72: {  	[sflag:s29] =	ssyncadd.s32 $0xFFFFF000  }
0x73: {  	[spmem:s28] =	stream.linear.scatter [tilespmem:s25], [sflag:$0x3], $0x1000, $0x38;
	[tilespmem:$0x1E000] =	vst v63  }
0x74: {  	_ =	swait.ge [sflag:s29], $0x1000  }
0x75: {  	s26 =	sld [smem:$0x7F8]  }
0x76: {  	[sflag:s29] =	ssyncset.done $0x0  }
0x77: {  	[sflag:s29] =	ssyncadd.s32 $0xFFFFF000  }
0x78: {  	[spmem:s26] =	stream.linear.scatter [tilespmem:s25], [sflag:$0x3], $0x1000, $0x38;
	[tilespmem:$0x1E000] =	vst v63  }
0x79: {  	_ =	swait.ge [sflag:s29], $0x1000  }
0x7a: {  	s28 =	sld [smem:$0x7F9]  }
0x7b: {  	[sflag:s29] =	ssyncset.done $0x0  }
0x7c: {  	[sflag:s29] =	ssyncadd.s32 $0xFFFFF000  }
0x7d: {  	[spmem:s28] =	stream.linear.scatter [tilespmem:s25], [sflag:$0x3], $0x1000, $0x38;
	[tilespmem:$0x1E000] =	vst v63  }
0x7e: {  	_ =	swait.ge [sflag:s29], $0x1000  }
0x7f: {  	s26 =	sld [smem:$0x7FA]  }
0x80: {  	[sflag:s29] =	ssyncset.done $0x0  }
0x81: {  	[sflag:s29] =	ssyncadd.s32 $0xFFFFF000  }
0x82: {  	[spmem:s26] =	stream.linear.scatter [tilespmem:s25], [sflag:$0x3], $0x1000, $0x38;
	[tilespmem:$0x1E000] =	vst v63  }
0x83: {  	_ =	swait.ge [sflag:s29], $0x1000  }
0x84: {  	s28 =	sld [smem:$0x7FB]  }
0x85: {  	[sflag:s29] =	ssyncset.done $0x0  }
0x86: {  	[sflag:s29] =	ssyncadd.s32 $0xFFFFF000  }
0x87: {  	[spmem:s28] =	stream.linear.scatter [tilespmem:s25], [sflag:$0x3], $0x1000, $0x38;
	[tilespmem:$0x1E000] =	vst v63  }
0x88: {  	_ =	swait.ge [sflag:s29], $0x1000  }
0x89: {  	s26 =	sld [smem:$0x7FC]  }
0x8a: {  	[sflag:s29] =	ssyncset.done $0x0  }
0x8b: {  	[sflag:s29] =	ssyncadd.s32 $0xFFFFF000  }
0x8c: {  	[spmem:s26] =	stream.linear.scatter [tilespmem:s25], [sflag:$0x3], $0x1000, $0x38;
	[tilespmem:$0x1E000] =	vst v63  }
0x8d: {  	_ =	swait.ge [sflag:s29], $0x1000  }
0x8e: {  	s28 =	sld [smem:$0x7FD]  }
0x8f: {  	[sflag:s29] =	ssyncset.done $0x0  }
0x90: {  	[sflag:s29] =	ssyncadd.s32 $0xFFFFF000  }
0x91: {  	[spmem:s28] =	stream.linear.scatter [tilespmem:s25], [sflag:$0x3], $0x1000, $0x38;
	[tilespmem:$0x1E000] =	vst v63  }
0x92: {  	_ =	swait.ge [sflag:s29], $0x1000  }
0x93: {  	[sflag:s29] =	ssyncset.done $0x0  }
0x94: {  	[sflag:s29] =	ssyncadd.s32 $0xFFFFF000  }
0x95: {  	[bflag:$0x0] =	sbarrier.arrive $0xFFFF  }
0x96: {  	s26 =	rddreg [dreg:$0x5]  }
0x97: {  	s5 =	sadd.s32 $0x0, s26  }
0x98: {  	[tilespmem:s3], [sflag:$0x3] =	stream.linear.gather [hbm4b:s5+s3], $0x800, $0x38;
	[tilespmem:$0x1E000] =	vst v63  }
0x99: {  	_ =	swait.ge [sflag:s29], $0x800  }
0x9a: {  	s28 =	rddreg [dreg:$0x4];
	[sflag:s29] =	ssyncset.done $0x0  }
0x9b: {  	[sflag:s29] =	ssyncadd.s32 $0xFFFFF800;
	s5 =	sadd.s32 $0x0, s28  }
0x9c: {  	[tilespmem:s30], [sflag:$0x3] =	stream.linear.gather [hbm4b:s5+s3], $0x800, $0x38;
	[tilespmem:$0x1E000] =	vst v63  }
0x9d: {  	_ =	swait.ge [sflag:s29], $0x800  }
0x9e: {  	[sflag:s29] =	ssyncset.done $0x0  }
0x9f: {  	[sflag:s29] =	ssyncadd.s32 $0xFFFFF800  }
0xa0: {  	[tilespmem:s1], [sflag:$0x1] =	stream.indirect.gather [hbm4b:s4+s31], $0x80, s3, s31, $0xb8;
	[tilespmem:$0x1E000] =	vst v63  }
0xa1: {  	_ = 	snop  }
0xa2: {  	[tilespmem:s0], [sflag:$0x2] =	stream.indirect.gather [hbm4b:s4+s31], $0x80, s31, s31, $0xb8;
	[tilespmem:$0x1E000] =	vst v63  }
0xa3: {  	_ =	swait.ge [sflag:s6], $0x4000  }
0xa4: {  	[sflag:s6] =	ssyncset.done $0x0  }
0xa5: {  	[sflag:s6] =	ssyncadd.s32 $0xFFFFC000  }
0xa6: {  	[spmem:s2] =	stream.indirect.scatter.add.f32 [tilespmem:s1], [sflag:$0x3], $0x80, s30, s31, $0xb8;
	[tilespmem:$0x1E000] =	vst v63  }
0xa7: {  	_ =	swait.ge [sflag:s29], $0x4000  }
0xa8: {  	[sflag:s29] =	ssyncset.done $0x0  }
0xa9: {  	s25 =	rddreg [dreg:$0x6];
	[sflag:s29] =	ssyncadd.s32 $0xFFFFC000  }
0xaa: {  	[tilespmem:s1], [sflag:$0x1] =	stream.indirect.gather [hbm4b:s4+s31], $0x80, s25, s31, $0xb8;
	[tilespmem:$0x1E000] =	vst v63  }
0xab: {  	_ =	swait.ge [sflag:s7], $0x4000  }
0xac: {  	[sflag:s7] =	ssyncset.done $0x0  }
0xad: {  	s26 =	rddreg [dreg:$0x7];
	[sflag:s7] =	ssyncadd.s32 $0xFFFFC000  }
0xae: {  	[spmem:s2] =	stream.indirect.scatter.add.f32 [tilespmem:s0], [sflag:$0x3], $0x80, s26, s31, $0xb8;
	[tilespmem:$0x1E000] =	vst v63  }
0xaf: {  	_ =	swait.ge [sflag:s29], $0x4000  }
0xb0: {  	[sflag:s29] =	ssyncset.done $0x0  }
0xb1: {  	s28 =	rddreg [dreg:$0x8];
	[sflag:s29] =	ssyncadd.s32 $0xFFFFC000  }
0xb2: {  	[tilespmem:s0], [sflag:$0x2] =	stream.indirect.gather [hbm4b:s4+s31], $0x80, s28, s31, $0xb8;
	[tilespmem:$0x1E000] =	vst v63  }
0xb3: {  	_ =	swait.ge [sflag:s6], $0x4000  }
0xb4: {  	[sflag:s6] =	ssyncset.done $0x0  }
0xb5: {  	s25 =	rddreg [dreg:$0x9];
	[sflag:s6] =	ssyncadd.s32 $0xFFFFC000  }
0xb6: {  	[spmem:s2] =	stream.indirect.scatter.add.f32 [tilespmem:s1], [sflag:$0x3], $0x80, s25, s31, $0xb8;
	[tilespmem:$0x1E000] =	vst v63  }
0xb7: {  	_ =	swait.ge [sflag:s29], $0x4000  }
0xb8: {  	[sflag:s29] =	ssyncset.done $0x0  }
0xb9: {  	s26 =	rddreg [dreg:$0xa];
	[sflag:s29] =	ssyncadd.s32 $0xFFFFC000  }
0xba: {  	[tilespmem:s1], [sflag:$0x1] =	stream.indirect.gather [hbm4b:s4+s31], $0x80, s26, s31, $0xb8;
	[tilespmem:$0x1E000] =	vst v63  }
0xbb: {  	_ =	swait.ge [sflag:s7], $0x4000  }
0xbc: {  	[sflag:s7] =	ssyncset.done $0x0  }
0xbd: {  	s28 =	rddreg [dreg:$0xb];
	[sflag:s7] =	ssyncadd.s32 $0xFFFFC000  }
0xbe: {  	[spmem:s2] =	stream.indirect.scatter.add.f32 [tilespmem:s0], [sflag:$0x3], $0x80, s28, s31, $0xb8;
	[tilespmem:$0x1E000] =	vst v63  }
0xbf: {  	_ =	swait.ge [sflag:s29], $0x4000  }
0xc0: {  	[sflag:s29] =	ssyncset.done $0x0  }
0xc1: {  	s25 =	rddreg [dreg:$0xc];
	[sflag:s29] =	ssyncadd.s32 $0xFFFFC000  }
0xc2: {  	[tilespmem:s0], [sflag:$0x2] =	stream.indirect.gather [hbm4b:s4+s31], $0x80, s25, s31, $0xb8;
	[tilespmem:$0x1E000] =	vst v63  }
0xc3: {  	_ =	swait.ge [sflag:s6], $0x4000  }
0xc4: {  	[sflag:s6] =	ssyncset.done $0x0  }
0xc5: {  	s26 =	rddreg [dreg:$0xd];
	[sflag:s6] =	ssyncadd.s32 $0xFFFFC000  }
0xc6: {  	[spmem:s2] =	stream.indirect.scatter.add.f32 [tilespmem:s1], [sflag:$0x3], $0x80, s26, s31, $0xb8;
	[tilespmem:$0x1E000] =	vst v63  }
0xc7: {  	_ =	swait.ge [sflag:s29], $0x4000  }
0xc8: {  	[sflag:s29] =	ssyncset.done $0x0  }
0xc9: {  	s28 =	rddreg [dreg:$0xe];
	[sflag:s29] =	ssyncadd.s32 $0xFFFFC000  }
0xca: {  	[tilespmem:s1], [sflag:$0x1] =	stream.indirect.gather [hbm4b:s4+s31], $0x80, s28, s31, $0xb8;
	[tilespmem:$0x1E000] =	vst v63  }
0xcb: {  	_ =	swait.ge [sflag:s7], $0x4000  }
0xcc: {  	[sflag:s7] =	ssyncset.done $0x0  }
0xcd: {  	s25 =	rddreg [dreg:$0xf];
	[sflag:s7] =	ssyncadd.s32 $0xFFFFC000  }
0xce: {  	[spmem:s2] =	stream.indirect.scatter.add.f32 [tilespmem:s0], [sflag:$0x3], $0x80, s25, s31, $0xb8;
	[tilespmem:$0x1E000] =	vst v63  }
0xcf: {  	_ =	swait.ge [sflag:s29], $0x4000  }
0xd0: {  	[sflag:s29] =	ssyncset.done $0x0  }
0xd1: {  	s26 =	rddreg [dreg:$0x10];
	[sflag:s29] =	ssyncadd.s32 $0xFFFFC000  }
0xd2: {  	[tilespmem:s0], [sflag:$0x2] =	stream.indirect.gather [hbm4b:s4+s31], $0x80, s26, s31, $0xb8;
	[tilespmem:$0x1E000] =	vst v63  }
0xd3: {  	_ =	swait.ge [sflag:s6], $0x4000  }
0xd4: {  	[sflag:s6] =	ssyncset.done $0x0  }
0xd5: {  	s28 =	rddreg [dreg:$0x11];
	[sflag:s6] =	ssyncadd.s32 $0xFFFFC000  }
0xd6: {  	[spmem:s2] =	stream.indirect.scatter.add.f32 [tilespmem:s1], [sflag:$0x3], $0x80, s28, s31, $0xb8;
	[tilespmem:$0x1E000] =	vst v63  }
0xd7: {  	_ =	swait.ge [sflag:s29], $0x4000  }
0xd8: {  	[sflag:s29] =	ssyncset.done $0x0  }
0xd9: {  	[sflag:s29] =	ssyncadd.s32 $0xFFFFC000  }
0xda: {  	[tilespmem:s1], [sflag:$0x1] =	stream.indirect.gather [hbm4b:s4+s31], $0x80, s8, s31, $0xb8;
	[tilespmem:$0x1E000] =	vst v63  }
0xdb: {  	_ =	swait.ge [sflag:s7], $0x4000  }
0xdc: {  	[sflag:s7] =	ssyncset.done $0x0  }
0xdd: {  	[sflag:s7] =	ssyncadd.s32 $0xFFFFC000  }
0xde: {  	[spmem:s2] =	stream.indirect.scatter.add.f32 [tilespmem:s0], [sflag:$0x3], $0x80, s9, s31, $0xb8;
	[tilespmem:$0x1E000] =	vst v63  }
0xdf: {  	_ =	swait.ge [sflag:s29], $0x4000  }
0xe0: {  	[sflag:s29] =	ssyncset.done $0x0  }
0xe1: {  	[sflag:s29] =	ssyncadd.s32 $0xFFFFC000  }
0xe2: {  	[tilespmem:s0], [sflag:$0x2] =	stream.indirect.gather [hbm4b:s4+s31], $0x80, s10, s31, $0xb8;
	[tilespmem:$0x1E000] =	vst v63  }
0xe3: {  	_ =	swait.ge [sflag:s6], $0x4000  }
0xe4: {  	[sflag:s6] =	ssyncset.done $0x0  }
0xe5: {  	[sflag:s6] =	ssyncadd.s32 $0xFFFFC000  }
0xe6: {  	[spmem:s2] =	stream.indirect.scatter.add.f32 [tilespmem:s1], [sflag:$0x3], $0x80, s11, s31, $0xb8;
	[tilespmem:$0x1E000] =	vst v63  }
0xe7: {  	_ =	swait.ge [sflag:s29], $0x4000  }
0xe8: {  	[sflag:s29] =	ssyncset.done $0x0  }
0xe9: {  	[sflag:s29] =	ssyncadd.s32 $0xFFFFC000  }
0xea: {  	[tilespmem:s1], [sflag:$0x1] =	stream.indirect.gather [hbm4b:s4+s31], $0x80, s12, s31, $0xb8;
	[tilespmem:$0x1E000] =	vst v63  }
0xeb: {  	_ =	swait.ge [sflag:s7], $0x4000  }
0xec: {  	[sflag:s7] =	ssyncset.done $0x0  }
0xed: {  	[sflag:s7] =	ssyncadd.s32 $0xFFFFC000  }
0xee: {  	[spmem:s2] =	stream.indirect.scatter.add.f32 [tilespmem:s0], [sflag:$0x3], $0x80, s13, s31, $0xb8;
	[tilespmem:$0x1E000] =	vst v63  }
0xef: {  	_ =	swait.ge [sflag:s29], $0x4000  }
0xf0: {  	[sflag:s29] =	ssyncset.done $0x0  }
0xf1: {  	[sflag:s29] =	ssyncadd.s32 $0xFFFFC000  }
0xf2: {  	[tilespmem:s0], [sflag:$0x2] =	stream.indirect.gather [hbm4b:s4+s31], $0x80, s14, s31, $0xb8;
	[tilespmem:$0x1E000] =	vst v63  }
0xf3: {  	_ =	swait.ge [sflag:s6], $0x4000  }
0xf4: {  	[sflag:s6] =	ssyncset.done $0x0  }
0xf5: {  	[sflag:s6] =	ssyncadd.s32 $0xFFFFC000  }
0xf6: {  	[spmem:s2] =	stream.indirect.scatter.add.f32 [tilespmem:s1], [sflag:$0x3], $0x80, s15, s31, $0xb8;
	[tilespmem:$0x1E000] =	vst v63  }
0xf7: {  	_ =	swait.ge [sflag:s29], $0x4000  }
0xf8: {  	[sflag:s29] =	ssyncset.done $0x0  }
0xf9: {  	[sflag:s29] =	ssyncadd.s32 $0xFFFFC000  }
0xfa: {  	[tilespmem:s1], [sflag:$0x1] =	stream.indirect.gather [hbm4b:s4+s31], $0x80, s16, s31, $0xb8;
	[tilespmem:$0x1E000] =	vst v63  }
0xfb: {  	_ =	swait.ge [sflag:s7], $0x4000  }
0xfc: {  	[sflag:s7] =	ssyncset.done $0x0  }
0xfd: {  	[sflag:s7] =	ssyncadd.s32 $0xFFFFC000  }
0xfe: {  	[spmem:s2] =	stream.indirect.scatter.add.f32 [tilespmem:s0], [sflag:$0x3], $0x80, s17, s31, $0xb8;
	[tilespmem:$0x1E000] =	vst v63  }
0xff: {  	_ =	swait.ge [sflag:s29], $0x4000  }
0x100: {  	[sflag:s29] =	ssyncset.done $0x0  }
0x101: {  	[sflag:s29] =	ssyncadd.s32 $0xFFFFC000  }
0x102: {  	[tilespmem:s0], [sflag:$0x2] =	stream.indirect.gather [hbm4b:s4+s31], $0x80, s18, s31, $0xb8;
	[tilespmem:$0x1E000] =	vst v63  }
0x103: {  	_ =	swait.ge [sflag:s6], $0x4000  }
0x104: {  	[sflag:s6] =	ssyncset.done $0x0  }
0x105: {  	[sflag:s6] =	ssyncadd.s32 $0xFFFFC000  }
0x106: {  	[spmem:s2] =	stream.indirect.scatter.add.f32 [tilespmem:s1], [sflag:$0x3], $0x80, s19, s31, $0xb8;
	[tilespmem:$0x1E000] =	vst v63  }
0x107: {  	_ =	swait.ge [sflag:s29], $0x4000  }
0x108: {  	[sflag:s29] =	ssyncset.done $0x0  }
0x109: {  	[sflag:s29] =	ssyncadd.s32 $0xFFFFC000  }
0x10a: {  	[tilespmem:s1], [sflag:$0x1] =	stream.indirect.gather [hbm4b:s4+s31], $0x80, s20, s31, $0xb8;
	[tilespmem:$0x1E000] =	vst v63  }
0x10b: {  	_ =	swait.ge [sflag:s7], $0x4000  }
0x10c: {  	[sflag:s7] =	ssyncset.done $0x0  }
0x10d: {  	[sflag:s7] =	ssyncadd.s32 $0xFFFFC000  }
0x10e: {  	[spmem:s2] =	stream.indirect.scatter.add.f32 [tilespmem:s0], [sflag:$0x3], $0x80, s21, s31, $0xb8;
	[tilespmem:$0x1E000] =	vst v63  }
0x10f: {  	_ =	swait.ge [sflag:s29], $0x4000  }
0x110: {  	[sflag:s29] =	ssyncset.done $0x0  }
0x111: {  	[sflag:s29] =	ssyncadd.s32 $0xFFFFC000  }
0x112: {  	[tilespmem:s0], [sflag:$0x2] =	stream.indirect.gather [hbm4b:s4+s31], $0x80, s22, s31, $0xb8;
	[tilespmem:$0x1E000] =	vst v63  }
0x113: {  	_ =	swait.ge [sflag:s6], $0x4000  }
0x114: {  	[sflag:s6] =	ssyncset.done $0x0  }
0x115: {  	[sflag:s6] =	ssyncadd.s32 $0xFFFFC000  }
0x116: {  	[spmem:s2] =	stream.indirect.scatter.add.f32 [tilespmem:s1], [sflag:$0x3], $0x80, s23, s31, $0xb8;
	[tilespmem:$0x1E000] =	vst v63  }
0x117: {  	_ =	swait.ge [sflag:s29], $0x4000  }
0x118: {  	[sflag:s29] =	ssyncset.done $0x0  }
0x119: {  	[sflag:s29] =	ssyncadd.s32 $0xFFFFC000  }
0x11a: {  	_ =	swait.ge [sflag:s7], $0x4000  }
0x11b: {  	[sflag:s7] =	ssyncset.done $0x0  }
0x11c: {  	[sflag:s7] =	ssyncadd.s32 $0xFFFFC000  }
0x11d: {  	[spmem:s2] =	stream.indirect.scatter.add.f32 [tilespmem:s0], [sflag:$0x3], $0x80, s24, s31, $0xb8;
	[tilespmem:$0x1E000] =	vst v63  }
0x11e: {  	s5 =	simm.s32 $0x200;
	_ =	swait.ge [sflag:s29], $0x4000  }
0x11f: {  	s26 =	simm.s32 $0x100;
	s25 =	rddreg [dreg:$0x5];
	[sflag:s29] =	ssyncset.done $0x0  }
.LBB2_4:
0x120: {  	[sflag:s29] =	ssyncadd.s32 $0xFFFFC000;
	s25 =	sadd.s32 s26, s25  }
0x121: {  	[tilespmem:s3], [sflag:$0x3] =	stream.linear.gather [hbm4b:s25+s3], $0x800, $0x38;
	[tilespmem:$0x1E000] =	vst v63  }
0x122: {  	_ =	swait.ge [sflag:s29], $0x800  }
0x123: {  	s25 =	rddreg [dreg:$0x4];
	[sflag:s29] =	ssyncset.done $0x0  }
0x124: {  	[sflag:s29] =	ssyncadd.s32 $0xFFFFF800;
	s25 =	sadd.s32 s26, s25  }
0x125: {  	[tilespmem:s30], [sflag:$0x3] =	stream.linear.gather [hbm4b:s25+s3], $0x800, $0x38;
	[tilespmem:$0x1E000] =	vst v63  }
0x126: {  	_ =	swait.ge [sflag:s29], $0x800  }
0x127: {  	[sflag:s29] =	ssyncset.done $0x0  }
0x128: {  	[sflag:s29] =	ssyncadd.s32 $0xFFFFF800  }
0x129: {  	[tilespmem:s1], [sflag:$0x1] =	stream.indirect.gather [hbm4b:s4+s31], $0x80, s3, s31, $0xb8;
	[tilespmem:$0x1E000] =	vst v63  }
0x12a: {  	_ = 	snop  }
0x12b: {  	[tilespmem:s0], [sflag:$0x2] =	stream.indirect.gather [hbm4b:s4+s31], $0x80, s31, s31, $0xb8;
	[tilespmem:$0x1E000] =	vst v63  }
0x12c: {  	_ =	swait.ge [sflag:s6], $0x4000  }
0x12d: {  	[sflag:s6] =	ssyncset.done $0x0  }
0x12e: {  	[sflag:s6] =	ssyncadd.s32 $0xFFFFC000  }
0x12f: {  	[spmem:s2] =	stream.indirect.scatter.add.f32 [tilespmem:s1], [sflag:$0x3], $0x80, s30, s31, $0xb8;
	[tilespmem:$0x1E000] =	vst v63  }
0x130: {  	_ =	swait.ge [sflag:s29], $0x4000  }
0x131: {  	s28 =	smov.u32 s5;
	[sflag:s29] =	ssyncset.done $0x0  }
0x132: {  	s26 =	smov.u32 s28;
	s28 =	rddreg [dreg:$0x6];
	[sflag:s29] =	ssyncadd.s32 $0xFFFFC000  }
0x133: {  	[tilespmem:s1], [sflag:$0x1] =	stream.indirect.gather [hbm4b:s4+s31], $0x80, s28, s31, $0xb8;
	[tilespmem:$0x1E000] =	vst v63  }
0x134: {  	_ =	swait.ge [sflag:s7], $0x4000  }
0x135: {  	[sflag:s7] =	ssyncset.done $0x0  }
0x136: {  	s28 =	rddreg [dreg:$0x7];
	[sflag:s7] =	ssyncadd.s32 $0xFFFFC000  }
0x137: {  	[spmem:s2] =	stream.indirect.scatter.add.f32 [tilespmem:s0], [sflag:$0x3], $0x80, s28, s31, $0xb8;
	[tilespmem:$0x1E000] =	vst v63  }
0x138: {  	_ =	swait.ge [sflag:s29], $0x4000  }
0x139: {  	[sflag:s29] =	ssyncset.done $0x0  }
0x13a: {  	s28 =	rddreg [dreg:$0x8];
	[sflag:s29] =	ssyncadd.s32 $0xFFFFC000  }
0x13b: {  	[tilespmem:s0], [sflag:$0x2] =	stream.indirect.gather [hbm4b:s4+s31], $0x80, s28, s31, $0xb8;
	[tilespmem:$0x1E000] =	vst v63  }
0x13c: {  	_ =	swait.ge [sflag:s6], $0x4000  }
0x13d: {  	[sflag:s6] =	ssyncset.done $0x0  }
0x13e: {  	s28 =	rddreg [dreg:$0x9];
	[sflag:s6] =	ssyncadd.s32 $0xFFFFC000  }
0x13f: {  	[spmem:s2] =	stream.indirect.scatter.add.f32 [tilespmem:s1], [sflag:$0x3], $0x80, s28, s31, $0xb8;
	[tilespmem:$0x1E000] =	vst v63  }
0x140: {  	_ =	swait.ge [sflag:s29], $0x4000  }
0x141: {  	[sflag:s29] =	ssyncset.done $0x0  }
0x142: {  	s28 =	rddreg [dreg:$0xa];
	[sflag:s29] =	ssyncadd.s32 $0xFFFFC000  }
0x143: {  	[tilespmem:s1], [sflag:$0x1] =	stream.indirect.gather [hbm4b:s4+s31], $0x80, s28, s31, $0xb8;
	[tilespmem:$0x1E000] =	vst v63  }
0x144: {  	_ =	swait.ge [sflag:s7], $0x4000  }
0x145: {  	[sflag:s7] =	ssyncset.done $0x0  }
0x146: {  	s28 =	rddreg [dreg:$0xb];
	[sflag:s7] =	ssyncadd.s32 $0xFFFFC000  }
0x147: {  	[spmem:s2] =	stream.indirect.scatter.add.f32 [tilespmem:s0], [sflag:$0x3], $0x80, s28, s31, $0xb8;
	[tilespmem:$0x1E000] =	vst v63  }
0x148: {  	_ =	swait.ge [sflag:s29], $0x4000  }
0x149: {  	[sflag:s29] =	ssyncset.done $0x0  }
0x14a: {  	s28 =	rddreg [dreg:$0xc];
	[sflag:s29] =	ssyncadd.s32 $0xFFFFC000  }
0x14b: {  	[tilespmem:s0], [sflag:$0x2] =	stream.indirect.gather [hbm4b:s4+s31], $0x80, s28, s31, $0xb8;
	[tilespmem:$0x1E000] =	vst v63  }
0x14c: {  	_ =	swait.ge [sflag:s6], $0x4000  }
0x14d: {  	[sflag:s6] =	ssyncset.done $0x0  }
0x14e: {  	s28 =	rddreg [dreg:$0xd];
	[sflag:s6] =	ssyncadd.s32 $0xFFFFC000  }
0x14f: {  	[spmem:s2] =	stream.indirect.scatter.add.f32 [tilespmem:s1], [sflag:$0x3], $0x80, s28, s31, $0xb8;
	[tilespmem:$0x1E000] =	vst v63  }
0x150: {  	_ =	swait.ge [sflag:s29], $0x4000  }
0x151: {  	[sflag:s29] =	ssyncset.done $0x0  }
0x152: {  	s28 =	rddreg [dreg:$0xe];
	[sflag:s29] =	ssyncadd.s32 $0xFFFFC000  }
0x153: {  	[tilespmem:s1], [sflag:$0x1] =	stream.indirect.gather [hbm4b:s4+s31], $0x80, s28, s31, $0xb8;
	[tilespmem:$0x1E000] =	vst v63  }
0x154: {  	_ =	swait.ge [sflag:s7], $0x4000  }
0x155: {  	[sflag:s7] =	ssyncset.done $0x0  }
0x156: {  	s28 =	rddreg [dreg:$0xf];
	[sflag:s7] =	ssyncadd.s32 $0xFFFFC000  }
0x157: {  	[spmem:s2] =	stream.indirect.scatter.add.f32 [tilespmem:s0], [sflag:$0x3], $0x80, s28, s31, $0xb8;
	[tilespmem:$0x1E000] =	vst v63  }
0x158: {  	_ =	swait.ge [sflag:s29], $0x4000  }
0x159: {  	[sflag:s29] =	ssyncset.done $0x0  }
0x15a: {  	s28 =	rddreg [dreg:$0x10];
	[sflag:s29] =	ssyncadd.s32 $0xFFFFC000  }
0x15b: {  	[tilespmem:s0], [sflag:$0x2] =	stream.indirect.gather [hbm4b:s4+s31], $0x80, s28, s31, $0xb8;
	[tilespmem:$0x1E000] =	vst v63  }
0x15c: {  	_ =	swait.ge [sflag:s6], $0x4000  }
0x15d: {  	[sflag:s6] =	ssyncset.done $0x0  }
0x15e: {  	s28 =	rddreg [dreg:$0x11];
	[sflag:s6] =	ssyncadd.s32 $0xFFFFC000  }
0x15f: {  	[spmem:s2] =	stream.indirect.scatter.add.f32 [tilespmem:s1], [sflag:$0x3], $0x80, s28, s31, $0xb8;
	[tilespmem:$0x1E000] =	vst v63  }
0x160: {  	_ =	swait.ge [sflag:s29], $0x4000  }
0x161: {  	[sflag:s29] =	ssyncset.done $0x0  }
0x162: {  	[sflag:s29] =	ssyncadd.s32 $0xFFFFC000  }
0x163: {  	[tilespmem:s1], [sflag:$0x1] =	stream.indirect.gather [hbm4b:s4+s31], $0x80, s8, s31, $0xb8;
	[tilespmem:$0x1E000] =	vst v63  }
0x164: {  	_ =	swait.ge [sflag:s7], $0x4000  }
0x165: {  	[sflag:s7] =	ssyncset.done $0x0  }
0x166: {  	[sflag:s7] =	ssyncadd.s32 $0xFFFFC000  }
0x167: {  	[spmem:s2] =	stream.indirect.scatter.add.f32 [tilespmem:s0], [sflag:$0x3], $0x80, s9, s31, $0xb8;
	[tilespmem:$0x1E000] =	vst v63  }
0x168: {  	_ =	swait.ge [sflag:s29], $0x4000  }
0x169: {  	[sflag:s29] =	ssyncset.done $0x0  }
0x16a: {  	[sflag:s29] =	ssyncadd.s32 $0xFFFFC000  }
0x16b: {  	[tilespmem:s0], [sflag:$0x2] =	stream.indirect.gather [hbm4b:s4+s31], $0x80, s10, s31, $0xb8;
	[tilespmem:$0x1E000] =	vst v63  }
0x16c: {  	_ =	swait.ge [sflag:s6], $0x4000  }
0x16d: {  	[sflag:s6] =	ssyncset.done $0x0  }
0x16e: {  	[sflag:s6] =	ssyncadd.s32 $0xFFFFC000  }
0x16f: {  	[spmem:s2] =	stream.indirect.scatter.add.f32 [tilespmem:s1], [sflag:$0x3], $0x80, s11, s31, $0xb8;
	[tilespmem:$0x1E000] =	vst v63  }
0x170: {  	_ =	swait.ge [sflag:s29], $0x4000  }
0x171: {  	[sflag:s29] =	ssyncset.done $0x0  }
0x172: {  	[sflag:s29] =	ssyncadd.s32 $0xFFFFC000  }
0x173: {  	[tilespmem:s1], [sflag:$0x1] =	stream.indirect.gather [hbm4b:s4+s31], $0x80, s12, s31, $0xb8;
	[tilespmem:$0x1E000] =	vst v63  }
0x174: {  	_ =	swait.ge [sflag:s7], $0x4000  }
0x175: {  	[sflag:s7] =	ssyncset.done $0x0  }
0x176: {  	[sflag:s7] =	ssyncadd.s32 $0xFFFFC000  }
0x177: {  	[spmem:s2] =	stream.indirect.scatter.add.f32 [tilespmem:s0], [sflag:$0x3], $0x80, s13, s31, $0xb8;
	[tilespmem:$0x1E000] =	vst v63  }
0x178: {  	_ =	swait.ge [sflag:s29], $0x4000  }
0x179: {  	[sflag:s29] =	ssyncset.done $0x0  }
0x17a: {  	[sflag:s29] =	ssyncadd.s32 $0xFFFFC000  }
0x17b: {  	[tilespmem:s0], [sflag:$0x2] =	stream.indirect.gather [hbm4b:s4+s31], $0x80, s14, s31, $0xb8;
	[tilespmem:$0x1E000] =	vst v63  }
0x17c: {  	_ =	swait.ge [sflag:s6], $0x4000  }
0x17d: {  	[sflag:s6] =	ssyncset.done $0x0  }
0x17e: {  	[sflag:s6] =	ssyncadd.s32 $0xFFFFC000  }
0x17f: {  	[spmem:s2] =	stream.indirect.scatter.add.f32 [tilespmem:s1], [sflag:$0x3], $0x80, s15, s31, $0xb8;
	[tilespmem:$0x1E000] =	vst v63  }
0x180: {  	_ =	swait.ge [sflag:s29], $0x4000  }
0x181: {  	[sflag:s29] =	ssyncset.done $0x0  }
0x182: {  	[sflag:s29] =	ssyncadd.s32 $0xFFFFC000  }
0x183: {  	[tilespmem:s1], [sflag:$0x1] =	stream.indirect.gather [hbm4b:s4+s31], $0x80, s16, s31, $0xb8;
	[tilespmem:$0x1E000] =	vst v63  }
0x184: {  	_ =	swait.ge [sflag:s7], $0x4000  }
0x185: {  	[sflag:s7] =	ssyncset.done $0x0  }
0x186: {  	[sflag:s7] =	ssyncadd.s32 $0xFFFFC000  }
0x187: {  	[spmem:s2] =	stream.indirect.scatter.add.f32 [tilespmem:s0], [sflag:$0x3], $0x80, s17, s31, $0xb8;
	[tilespmem:$0x1E000] =	vst v63  }
0x188: {  	_ =	swait.ge [sflag:s29], $0x4000  }
0x189: {  	[sflag:s29] =	ssyncset.done $0x0  }
0x18a: {  	[sflag:s29] =	ssyncadd.s32 $0xFFFFC000  }
0x18b: {  	[tilespmem:s0], [sflag:$0x2] =	stream.indirect.gather [hbm4b:s4+s31], $0x80, s18, s31, $0xb8;
	[tilespmem:$0x1E000] =	vst v63  }
0x18c: {  	_ =	swait.ge [sflag:s6], $0x4000  }
0x18d: {  	[sflag:s6] =	ssyncset.done $0x0  }
0x18e: {  	[sflag:s6] =	ssyncadd.s32 $0xFFFFC000  }
0x18f: {  	[spmem:s2] =	stream.indirect.scatter.add.f32 [tilespmem:s1], [sflag:$0x3], $0x80, s19, s31, $0xb8;
	[tilespmem:$0x1E000] =	vst v63  }
0x190: {  	_ =	swait.ge [sflag:s29], $0x4000  }
0x191: {  	[sflag:s29] =	ssyncset.done $0x0  }
0x192: {  	[sflag:s29] =	ssyncadd.s32 $0xFFFFC000  }
0x193: {  	[tilespmem:s1], [sflag:$0x1] =	stream.indirect.gather [hbm4b:s4+s31], $0x80, s20, s31, $0xb8;
	[tilespmem:$0x1E000] =	vst v63  }
0x194: {  	_ =	swait.ge [sflag:s7], $0x4000  }
0x195: {  	[sflag:s7] =	ssyncset.done $0x0  }
0x196: {  	[sflag:s7] =	ssyncadd.s32 $0xFFFFC000  }
0x197: {  	[spmem:s2] =	stream.indirect.scatter.add.f32 [tilespmem:s0], [sflag:$0x3], $0x80, s21, s31, $0xb8;
	[tilespmem:$0x1E000] =	vst v63  }
0x198: {  	_ =	swait.ge [sflag:s29], $0x4000  }
0x199: {  	[sflag:s29] =	ssyncset.done $0x0  }
0x19a: {  	[sflag:s29] =	ssyncadd.s32 $0xFFFFC000  }
0x19b: {  	[tilespmem:s0], [sflag:$0x2] =	stream.indirect.gather [hbm4b:s4+s31], $0x80, s22, s31, $0xb8;
	[tilespmem:$0x1E000] =	vst v63  }
0x19c: {  	_ =	swait.ge [sflag:s6], $0x4000  }
0x19d: {  	[sflag:s6] =	ssyncset.done $0x0  }
0x19e: {  	[sflag:s6] =	ssyncadd.s32 $0xFFFFC000  }
0x19f: {  	[spmem:s2] =	stream.indirect.scatter.add.f32 [tilespmem:s1], [sflag:$0x3], $0x80, s23, s31, $0xb8;
	[tilespmem:$0x1E000] =	vst v63  }
0x1a0: {  	_ =	swait.ge [sflag:s29], $0x4000  }
0x1a1: {  	[sflag:s29] =	ssyncset.done $0x0  }
0x1a2: {  	[sflag:s29] =	ssyncadd.s32 $0xFFFFC000  }
0x1a3: {  	p0 =	sne.s32 s5, $0x900;
	_ =	swait.ge [sflag:s7], $0x4000  }
.Ltmp1:
0x1a4: {  	[sflag:s7] =	ssyncset.done $0x0;
	(pc) =	sbr.rel @p0 .LBB2_4-.Ltmp1, $4  }
0x1a5: {  	[sflag:s7] =	ssyncadd.s32 $0xFFFFC000  }
0x1a6: {  	[spmem:s2] =	stream.indirect.scatter.add.f32 [tilespmem:s0], [sflag:$0x3], $0x80, s24, s31, $0xb8;
	[tilespmem:$0x1E000] =	vst v63  }
0x1a7: {  	_ =	swait.ge [sflag:s29], $0x4000  }
0x1a8: {  	s5 =	sadd.s32 $0x100, s5;
	s25 =	rddreg [dreg:$0x5];
	[sflag:s29] =	ssyncset.done $0x0  }
0x1a9: {  	[sflag:s29] =	ssyncadd.s32 $0xFFFFC000;
	s5 =	sadd.s32 s26, s25  }
0x1aa: {  	[tilespmem:s3], [sflag:$0x3] =	stream.linear.gather [hbm4b:s5+s3], $0x800, $0x38;
	[tilespmem:$0x1E000] =	vst v63  }
0x1ab: {  	_ =	swait.ge [sflag:s29], $0x800  }
0x1ac: {  	s25 =	rddreg [dreg:$0x4];
	[sflag:s29] =	ssyncset.done $0x0  }
0x1ad: {  	[sflag:s29] =	ssyncadd.s32 $0xFFFFF800;
	s5 =	sadd.s32 s26, s25  }
0x1ae: {  	[tilespmem:s30], [sflag:$0x3] =	stream.linear.gather [hbm4b:s5+s3], $0x800, $0x38;
	[tilespmem:$0x1E000] =	vst v63  }
0x1af: {  	_ =	swait.ge [sflag:s29], $0x800  }
0x1b0: {  	[sflag:s29] =	ssyncset.done $0x0  }
0x1b1: {  	[sflag:s29] =	ssyncadd.s32 $0xFFFFF800  }
0x1b2: {  	[tilespmem:s1], [sflag:$0x1] =	stream.indirect.gather [hbm4b:s4+s31], $0x80, s3, s31, $0xb8;
	[tilespmem:$0x1E000] =	vst v63  }
0x1b3: {  	_ = 	snop  }
0x1b4: {  	[tilespmem:s0], [sflag:$0x2] =	stream.indirect.gather [hbm4b:s4+s31], $0x80, s31, s31, $0xb8;
	[tilespmem:$0x1E000] =	vst v63  }
0x1b5: {  	_ =	swait.ge [sflag:s6], $0x4000  }
0x1b6: {  	[sflag:s6] =	ssyncset.done $0x0  }
0x1b7: {  	[sflag:s6] =	ssyncadd.s32 $0xFFFFC000  }
0x1b8: {  	[spmem:s2] =	stream.indirect.scatter.add.f32 [tilespmem:s1], [sflag:$0x3], $0x80, s30, s31, $0xb8;
	[tilespmem:$0x1E000] =	vst v63  }
0x1b9: {  	_ =	swait.ge [sflag:s29], $0x4000  }
0x1ba: {  	[sflag:s29] =	ssyncset.done $0x0  }
0x1bb: {  	s26 =	rddreg [dreg:$0x6];
	[sflag:s29] =	ssyncadd.s32 $0xFFFFC000  }
0x1bc: {  	[tilespmem:s1], [sflag:$0x1] =	stream.indirect.gather [hbm4b:s4+s31], $0x80, s26, s31, $0xb8;
	[tilespmem:$0x1E000] =	vst v63  }
0x1bd: {  	_ =	swait.ge [sflag:s7], $0x4000  }
0x1be: {  	[sflag:s7] =	ssyncset.done $0x0  }
0x1bf: {  	s25 =	rddreg [dreg:$0x7];
	[sflag:s7] =	ssyncadd.s32 $0xFFFFC000  }
0x1c0: {  	[spmem:s2] =	stream.indirect.scatter.add.f32 [tilespmem:s0], [sflag:$0x3], $0x80, s25, s31, $0xb8;
	[tilespmem:$0x1E000] =	vst v63  }
0x1c1: {  	_ =	swait.ge [sflag:s29], $0x4000  }
0x1c2: {  	[sflag:s29] =	ssyncset.done $0x0  }
0x1c3: {  	s26 =	rddreg [dreg:$0x8];
	[sflag:s29] =	ssyncadd.s32 $0xFFFFC000  }
0x1c4: {  	[tilespmem:s0], [sflag:$0x2] =	stream.indirect.gather [hbm4b:s4+s31], $0x80, s26, s31, $0xb8;
	[tilespmem:$0x1E000] =	vst v63  }
0x1c5: {  	_ =	swait.ge [sflag:s6], $0x4000  }
0x1c6: {  	[sflag:s6] =	ssyncset.done $0x0  }
0x1c7: {  	s25 =	rddreg [dreg:$0x9];
	[sflag:s6] =	ssyncadd.s32 $0xFFFFC000  }
0x1c8: {  	[spmem:s2] =	stream.indirect.scatter.add.f32 [tilespmem:s1], [sflag:$0x3], $0x80, s25, s31, $0xb8;
	[tilespmem:$0x1E000] =	vst v63  }
0x1c9: {  	_ =	swait.ge [sflag:s29], $0x4000  }
0x1ca: {  	[sflag:s29] =	ssyncset.done $0x0  }
0x1cb: {  	s26 =	rddreg [dreg:$0xa];
	[sflag:s29] =	ssyncadd.s32 $0xFFFFC000  }
0x1cc: {  	[tilespmem:s1], [sflag:$0x1] =	stream.indirect.gather [hbm4b:s4+s31], $0x80, s26, s31, $0xb8;
	[tilespmem:$0x1E000] =	vst v63  }
0x1cd: {  	_ =	swait.ge [sflag:s7], $0x4000  }
0x1ce: {  	[sflag:s7] =	ssyncset.done $0x0  }
0x1cf: {  	s25 =	rddreg [dreg:$0xb];
	[sflag:s7] =	ssyncadd.s32 $0xFFFFC000  }
0x1d0: {  	[spmem:s2] =	stream.indirect.scatter.add.f32 [tilespmem:s0], [sflag:$0x3], $0x80, s25, s31, $0xb8;
	[tilespmem:$0x1E000] =	vst v63  }
0x1d1: {  	_ =	swait.ge [sflag:s29], $0x4000  }
0x1d2: {  	[sflag:s29] =	ssyncset.done $0x0  }
0x1d3: {  	s26 =	rddreg [dreg:$0xc];
	[sflag:s29] =	ssyncadd.s32 $0xFFFFC000  }
0x1d4: {  	[tilespmem:s0], [sflag:$0x2] =	stream.indirect.gather [hbm4b:s4+s31], $0x80, s26, s31, $0xb8;
	[tilespmem:$0x1E000] =	vst v63  }
0x1d5: {  	_ =	swait.ge [sflag:s6], $0x4000  }
0x1d6: {  	[sflag:s6] =	ssyncset.done $0x0  }
0x1d7: {  	s25 =	rddreg [dreg:$0xd];
	[sflag:s6] =	ssyncadd.s32 $0xFFFFC000  }
0x1d8: {  	[spmem:s2] =	stream.indirect.scatter.add.f32 [tilespmem:s1], [sflag:$0x3], $0x80, s25, s31, $0xb8;
	[tilespmem:$0x1E000] =	vst v63  }
0x1d9: {  	_ =	swait.ge [sflag:s29], $0x4000  }
0x1da: {  	[sflag:s29] =	ssyncset.done $0x0  }
0x1db: {  	s26 =	rddreg [dreg:$0xe];
	[sflag:s29] =	ssyncadd.s32 $0xFFFFC000  }
0x1dc: {  	[tilespmem:s1], [sflag:$0x1] =	stream.indirect.gather [hbm4b:s4+s31], $0x80, s26, s31, $0xb8;
	[tilespmem:$0x1E000] =	vst v63  }
0x1dd: {  	_ =	swait.ge [sflag:s7], $0x4000  }
0x1de: {  	[sflag:s7] =	ssyncset.done $0x0  }
0x1df: {  	s25 =	rddreg [dreg:$0xf];
	[sflag:s7] =	ssyncadd.s32 $0xFFFFC000  }
0x1e0: {  	[spmem:s2] =	stream.indirect.scatter.add.f32 [tilespmem:s0], [sflag:$0x3], $0x80, s25, s31, $0xb8;
	[tilespmem:$0x1E000] =	vst v63  }
0x1e1: {  	_ =	swait.ge [sflag:s29], $0x4000  }
0x1e2: {  	[sflag:s29] =	ssyncset.done $0x0  }
0x1e3: {  	s26 =	rddreg [dreg:$0x10];
	[sflag:s29] =	ssyncadd.s32 $0xFFFFC000  }
0x1e4: {  	[tilespmem:s0], [sflag:$0x2] =	stream.indirect.gather [hbm4b:s4+s31], $0x80, s26, s31, $0xb8;
	[tilespmem:$0x1E000] =	vst v63  }
0x1e5: {  	_ =	swait.ge [sflag:s6], $0x4000  }
0x1e6: {  	[sflag:s6] =	ssyncset.done $0x0  }
0x1e7: {  	s25 =	rddreg [dreg:$0x11];
	[sflag:s6] =	ssyncadd.s32 $0xFFFFC000  }
0x1e8: {  	[spmem:s2] =	stream.indirect.scatter.add.f32 [tilespmem:s1], [sflag:$0x3], $0x80, s25, s31, $0xb8;
	[tilespmem:$0x1E000] =	vst v63  }
0x1e9: {  	_ =	swait.ge [sflag:s29], $0x4000  }
0x1ea: {  	[sflag:s29] =	ssyncset.done $0x0  }
0x1eb: {  	[sflag:s29] =	ssyncadd.s32 $0xFFFFC000  }
0x1ec: {  	[tilespmem:s1], [sflag:$0x1] =	stream.indirect.gather [hbm4b:s4+s31], $0x80, s8, s31, $0xb8;
	[tilespmem:$0x1E000] =	vst v63  }
0x1ed: {  	_ =	swait.ge [sflag:s7], $0x4000  }
0x1ee: {  	[sflag:s7] =	ssyncset.done $0x0  }
0x1ef: {  	[sflag:s7] =	ssyncadd.s32 $0xFFFFC000  }
0x1f0: {  	[spmem:s2] =	stream.indirect.scatter.add.f32 [tilespmem:s0], [sflag:$0x3], $0x80, s9, s31, $0xb8;
	[tilespmem:$0x1E000] =	vst v63  }
0x1f1: {  	_ =	swait.ge [sflag:s29], $0x4000  }
0x1f2: {  	[sflag:s29] =	ssyncset.done $0x0  }
0x1f3: {  	[sflag:s29] =	ssyncadd.s32 $0xFFFFC000  }
0x1f4: {  	[tilespmem:s0], [sflag:$0x2] =	stream.indirect.gather [hbm4b:s4+s31], $0x80, s10, s31, $0xb8;
	[tilespmem:$0x1E000] =	vst v63  }
0x1f5: {  	_ =	swait.ge [sflag:s6], $0x4000  }
0x1f6: {  	[sflag:s6] =	ssyncset.done $0x0  }
0x1f7: {  	[sflag:s6] =	ssyncadd.s32 $0xFFFFC000  }
0x1f8: {  	[spmem:s2] =	stream.indirect.scatter.add.f32 [tilespmem:s1], [sflag:$0x3], $0x80, s11, s31, $0xb8;
	[tilespmem:$0x1E000] =	vst v63  }
0x1f9: {  	_ =	swait.ge [sflag:s29], $0x4000  }
0x1fa: {  	[sflag:s29] =	ssyncset.done $0x0  }
0x1fb: {  	[sflag:s29] =	ssyncadd.s32 $0xFFFFC000  }
0x1fc: {  	[tilespmem:s1], [sflag:$0x1] =	stream.indirect.gather [hbm4b:s4+s31], $0x80, s12, s31, $0xb8;
	[tilespmem:$0x1E000] =	vst v63  }
0x1fd: {  	_ =	swait.ge [sflag:s7], $0x4000  }
0x1fe: {  	[sflag:s7] =	ssyncset.done $0x0  }
0x1ff: {  	[sflag:s7] =	ssyncadd.s32 $0xFFFFC000  }
0x200: {  	[spmem:s2] =	stream.indirect.scatter.add.f32 [tilespmem:s0], [sflag:$0x3], $0x80, s13, s31, $0xb8;
	[tilespmem:$0x1E000] =	vst v63  }
0x201: {  	_ =	swait.ge [sflag:s29], $0x4000  }
0x202: {  	[sflag:s29] =	ssyncset.done $0x0  }
0x203: {  	[sflag:s29] =	ssyncadd.s32 $0xFFFFC000  }
0x204: {  	[tilespmem:s0], [sflag:$0x2] =	stream.indirect.gather [hbm4b:s4+s31], $0x80, s14, s31, $0xb8;
	[tilespmem:$0x1E000] =	vst v63  }
0x205: {  	_ =	swait.ge [sflag:s6], $0x4000  }
0x206: {  	[sflag:s6] =	ssyncset.done $0x0  }
0x207: {  	[sflag:s6] =	ssyncadd.s32 $0xFFFFC000  }
0x208: {  	[spmem:s2] =	stream.indirect.scatter.add.f32 [tilespmem:s1], [sflag:$0x3], $0x80, s15, s31, $0xb8;
	[tilespmem:$0x1E000] =	vst v63  }
0x209: {  	_ =	swait.ge [sflag:s29], $0x4000  }
0x20a: {  	[sflag:s29] =	ssyncset.done $0x0  }
0x20b: {  	[sflag:s29] =	ssyncadd.s32 $0xFFFFC000  }
0x20c: {  	[tilespmem:s1], [sflag:$0x1] =	stream.indirect.gather [hbm4b:s4+s31], $0x80, s16, s31, $0xb8;
	[tilespmem:$0x1E000] =	vst v63  }
0x20d: {  	_ =	swait.ge [sflag:s7], $0x4000  }
0x20e: {  	[sflag:s7] =	ssyncset.done $0x0  }
0x20f: {  	[sflag:s7] =	ssyncadd.s32 $0xFFFFC000  }
0x210: {  	[spmem:s2] =	stream.indirect.scatter.add.f32 [tilespmem:s0], [sflag:$0x3], $0x80, s17, s31, $0xb8;
	[tilespmem:$0x1E000] =	vst v63  }
0x211: {  	_ =	swait.ge [sflag:s29], $0x4000  }
0x212: {  	[sflag:s29] =	ssyncset.done $0x0  }
0x213: {  	[sflag:s29] =	ssyncadd.s32 $0xFFFFC000  }
0x214: {  	[tilespmem:s0], [sflag:$0x2] =	stream.indirect.gather [hbm4b:s4+s31], $0x80, s18, s31, $0xb8;
	[tilespmem:$0x1E000] =	vst v63  }
0x215: {  	_ =	swait.ge [sflag:s6], $0x4000  }
0x216: {  	[sflag:s6] =	ssyncset.done $0x0  }
0x217: {  	[sflag:s6] =	ssyncadd.s32 $0xFFFFC000  }
0x218: {  	[spmem:s2] =	stream.indirect.scatter.add.f32 [tilespmem:s1], [sflag:$0x3], $0x80, s19, s31, $0xb8;
	[tilespmem:$0x1E000] =	vst v63  }
0x219: {  	_ =	swait.ge [sflag:s29], $0x4000  }
0x21a: {  	[sflag:s29] =	ssyncset.done $0x0  }
0x21b: {  	[sflag:s29] =	ssyncadd.s32 $0xFFFFC000  }
0x21c: {  	[tilespmem:s1], [sflag:$0x1] =	stream.indirect.gather [hbm4b:s4+s31], $0x80, s20, s31, $0xb8;
	[tilespmem:$0x1E000] =	vst v63  }
0x21d: {  	_ =	swait.ge [sflag:s7], $0x4000  }
0x21e: {  	[sflag:s7] =	ssyncset.done $0x0  }
0x21f: {  	[sflag:s7] =	ssyncadd.s32 $0xFFFFC000  }
0x220: {  	[spmem:s2] =	stream.indirect.scatter.add.f32 [tilespmem:s0], [sflag:$0x3], $0x80, s21, s31, $0xb8;
	[tilespmem:$0x1E000] =	vst v63  }
0x221: {  	_ =	swait.ge [sflag:s29], $0x4000  }
0x222: {  	[sflag:s29] =	ssyncset.done $0x0  }
0x223: {  	[sflag:s29] =	ssyncadd.s32 $0xFFFFC000  }
0x224: {  	[tilespmem:s0], [sflag:$0x2] =	stream.indirect.gather [hbm4b:s4+s31], $0x80, s22, s31, $0xb8;
	[tilespmem:$0x1E000] =	vst v63  }
0x225: {  	_ =	swait.ge [sflag:s6], $0x4000  }
0x226: {  	[sflag:s6] =	ssyncset.done $0x0  }
0x227: {  	[sflag:s6] =	ssyncadd.s32 $0xFFFFC000  }
0x228: {  	[spmem:s2] =	stream.indirect.scatter.add.f32 [tilespmem:s1], [sflag:$0x3], $0x80, s23, s31, $0xb8;
	[tilespmem:$0x1E000] =	vst v63  }
0x229: {  	_ =	swait.ge [sflag:s29], $0x4000  }
0x22a: {  	[sflag:s29] =	ssyncset.done $0x0  }
0x22b: {  	[sflag:s29] =	ssyncadd.s32 $0xFFFFC000  }
0x22c: {  	_ =	swait.ge [sflag:s7], $0x4000  }
0x22d: {  	[sflag:s7] =	ssyncset.done $0x0  }
0x22e: {  	[sflag:s7] =	ssyncadd.s32 $0xFFFFC000  }
0x22f: {  	[spmem:s2] =	stream.indirect.scatter.add.f32 [tilespmem:s0], [sflag:$0x3], $0x80, s24, s31, $0xb8;
	[tilespmem:$0x1E000] =	vst v63  }
0x230: {  	_ =	swait.ge [sflag:s29], $0x4000  }
0x231: {  	[sflag:s29] =	ssyncset.done $0x0  }
0x232: {  	[sflag:s29] =	ssyncadd.s32 $0xFFFFC000  }
0x233: {  	s26 =	stileid.u32;
	[bflag:$0x0] =	sbarrier.arrive $0xFFFF  }
0x234: {  	s5 =	sshll.u32 s26, $0x6;
	s28 =	rddreg [dreg:$0x12]  }
0x235: {  	s5 =	sor.u32 $0x1C03, s5;
	s26 =	rddreg [dreg:$0x13];
	s25 =	sshrl.u32 s28, $0x3  }
0x236: {  	[hbm:s26], [sflag:s5] =	dma.local [spmem:s25], $0x2800  }
0x237: {  	_ =	swait.ge [sflag:s29], $0x2800  }
0x238: {  	s5 =	sld [smem:$0x7F5];
	_ =	sdelay $0x2  }
0x239: {  	s26 =	rddreg [dreg:$0x14];
	s25 =	sadd.s32 $0x1, s5  }
0x23a: {  	p0 =	sne.s32 s25, s26  }
.Ltmp2:
0x23b: {  	_ = 	snop;
	(pc) =	sbr.rel @p0 .LBB2_1-.Ltmp2, $3  }
0x23c: {  	_ =	sdelay $0x1  }
0x23d: {  	[sflag:s29] =	ssyncset.done $0x0  }
0x23e: {  	[sflag:s29] =	ssyncadd.s32 $0xFFFFD800  }
0x23f: {  	_ =	sfence.sel $0x180000  }
0x240: {  	[bflag:$0x0] =	sbarrier.arrive $0xFFFF  }
0x241: {  	_ =	strace $0x9000004A  }
0x242: {  	s0 =	stileid.u32;
	[bflag:$0x2] =	sbarrier.arrive $0xFFFF  }
0x243: {  	p0 =	sne.s32 s0, $0x0;
	s0 =	rddreg [dreg:$0x3]  }
0x244: {  	s0 =	sadd.s32 @!p0 $0x100000, s0  }
0x245: {  	[sflag:s0] =	ssyncadd.tile.s32 @!p0 $0x1;
	_ =	shalt  }
.Lfunc_end2:
_tile_overlayer_lowered:
.L_overlay_start_2:
0x246: {  	(tag) =	ssettag $0x2  }
0x247: {  	s0 =	rddreg [dreg:$0x0];
	s2 =	stileid.u32  }
0x248: {  	s1 =	rddreg [dreg:$0x1];
	p0 =	sne.s32 s2, $0x0  }
0x249: {  	s3 =	rddreg [dreg:$0x2];
	[bflag:$0x3] =	sbarrier.arrive $0xFFFF;
	s2 =	simm.s32 @!p0 $0x1C03  }
0x24a: {  	[timem:s3], [sflag:s2] =	dma.local @!p0 [hbm:s0], s1  }
0x24b: {  	s0 =	simm.s32 @!p0 $0x3  }
0x24c: {  	_ =	swait.ge @!p0 [sflag:s0], s1  }
0x24d: {  	s1 =	ssub.s32 @!p0 $0x0, s1;
	[sflag:s0] =	ssyncset.done @!p0 $0x0  }
0x24e: {  	[sflag:s0] =	ssyncadd.s32 @!p0 s1  }
0x24f: {  	[bflag:$0x3] =	sbarrier.arrive $0xFFFF  }
0x250: {  	_ =	shalt  }

// kernel: kernel.16.cloned.1.call-start
scs
__scs_entry_jumppad:
0x0: {  	(pc) =	sbr.rel $0x88, $3  }
0x1: {  	(tag) =	ssettag $0x0;
	lr =	simm.s32 $0x1  }
0x2: {  	[smem:$0x3F97] =	sst lr;
	_ =	strace $0xD0000000  }
0x3: {  	_ = 	snop  }
0x4: {  	_ = 	snop  }
0x5: {  	_ = 	snop  }
0x6: {  	_ = 	snop  }
0x7: {  	_ = 	snop  }
__scs_overlays_trampoline_lowered:
0x8: {  	[smem:$0x3FA6] =	sst s0  }
0x9: {  	[smem:$0x3FA7] =	sst s1  }
0xa: {  	[smem:$0x3FA8] =	sst s2  }
0xb: {  	[smem:$0x3FA9] =	sst s3  }
0xc: {  	[smem:$0x3FAA] =	sst s4  }
0xd: {  	[smem:$0x3FAB] =	sst s5  }
0xe: {  	[smem:$0x3FAC] =	sst s6  }
0xf: {  	[smem:$0x3FAD] =	sst s7  }
0x10: {  	[smem:$0x3FAE] =	sst s8  }
0x11: {  	[smem:$0x3FAF] =	sst s9;
	s0 =	simm.s32 @!p0 $0x0  }
0x12: {  	s1 =	sld [smem:$0x3F95];
	s0 =	simm.s32 @p0 $0x1  }
0x13: {  	[smem:$0x3FB0] =	sst s0;
	s0 =	simm.s32 @!p1 $0x0  }
0x14: {  	s2 =	sld [smem:$0x3F94];
	s0 =	simm.s32 @p1 $0x1  }
0x15: {  	[smem:$0x3FB1] =	sst s0;
	s0 =	simm.s32 @!p2 $0x0  }
0x16: {  	s3 =	sld [smem:$0x3FDB];
	s0 =	simm.s32 @p2 $0x1  }
0x17: {  	s4 =	simm.s32 $0x1BF5;
	[smem:$0x3FB3] =	sst s0  }
0x18: {  	s0 =	sld [smem:$0x3F96];
	_ =	swait.ge [sflag:s4], $0x0  }
0x19: {  	s7 =	sld [smem:$0x3F97]  }
0x1a: {  	s8 =	sadd.s32 $0xFFFFE003, lr  }
0x1b: {  	s9 =	sadd.s32 $0xFFFFFEF7, lr;
	s5 =	simm.s32 $0xFFFFFFFF;
	p2 =	slt.u32 s8, $0xFFFFF086  }
0x1c: {  	p1 =	slt.u32 s9, $0xF7A;
	s5 =	simm.s32 @!p2 $0x0  }
0x1d: {  	s5 =	simm.s32 @p1 $0x1;
	p0 =	seq.s32 s7, s2  }
0x1e: {  	s7 =	smul.u32 @!p0 $0xF7A, s2;
	p2 =	seq.s32 @!p0 s5, $0x0  }
0x1f: {  	s9 =	smul.u32 $0xF7A, s1;
	s8 =	simm.s32 @!p0 $0x1BF5;
	p2 =	por !p2, p0  }
0x20: {  	[sflag:s8] =	ssyncset.s32 @!p0 $0xFFFFF086;
	s6 =	sadd.s32 @!p0 s3, s7;
	s7 =	simm.s32 @!p0 $0x108  }
0x21: {  	s3 =	sadd.s32 s3, s9;
	s6 =	sadd.s32 @!p0 $0x88, s6;
	s7 =	simm.s32 @p2 $0x1082  }
0x22: {  	[simem:s7], [sflag:s8] =	dma.local @!p0 [hbm:s6], $0xF7A  }
0x23: {  	s9 =	sor.u32 $0xD0000000, s2;
	s6 =	simm.s32 $0x108;
	_ =	swait.ge @!p0 [sflag:s8], $0x0  }
0x24: {  	s3 =	sadd.s32 $0x88, s3;
	s6 =	simm.s32 @!p1 $0x1082;
	[sflag:s4] =	ssyncset.s32 $0xFFFFF086  }
0x25: {  	[simem:s6], [sflag:s4] =	dma.local [hbm:s3], $0xF7A  }
0x26: {  	[smem:$0x3F97] =	sst s1;
	(tag) =	ssettag s2;
	_ =	strace s9  }
0x27: {  	s1 =	sld [smem:$0x3FA7]  }
0x28: {  	s2 =	sld [smem:$0x3FA8]  }
0x29: {  	s4 =	sld [smem:$0x3FAA]  }
0x2a: {  	p0 =	seq.s32 s5, $0x0;
	s5 =	sld [smem:$0x3FAB]  }
0x2b: {  	s6 =	sld [smem:$0x3FAC]  }
0x2c: {  	s7 =	sld [smem:$0x3FAD]  }
0x2d: {  	s3 =	simm.s32 $0x108;
	s8 =	sld [smem:$0x3FAE]  }
0x2e: {  	s3 =	simm.s32 @!p0 $0x1082;
	s9 =	sld [smem:$0x3FAF]  }
0x2f: {  	lr =	sadd.s32 s0, s3;
	s0 =	sld [smem:$0x3FA6]  }
0x30: {  	s3 =	sld [smem:$0x3FA9]  }
0x31: {  	[smem:$0x3FB2] =	sst s10  }
0x32: {  	s10 =	sld [smem:$0x3FB0];
	_ =	sdelay $0x3  }
0x33: {  	p0 =	seq.s32 s10, $0x1;
	s10 =	sld [smem:$0x3FB2];
	_ =	sdelay $0x3  }
0x34: {  	[smem:$0x3FB2] =	sst s10  }
0x35: {  	s10 =	sld [smem:$0x3FB1];
	_ =	sdelay $0x3  }
0x36: {  	p1 =	seq.s32 s10, $0x1;
	s10 =	sld [smem:$0x3FB2];
	_ =	sdelay $0x3  }
0x37: {  	[smem:$0x3FB2] =	sst s10  }
0x38: {  	s10 =	sld [smem:$0x3FB3]  }
0x39: {  	_ = 	snop;
	(pc) =	sbr.ind lr, $3  }
0x3a: {  	_ = 	snop  }
0x3b: {  	_ = 	snop  }
0x3c: {  	p2 =	seq.s32 s10, $0x1;
	s10 =	sld [smem:$0x3FB2]  }
0x3d: {  	_ =	shalt  }
0x3e: {  	_ =	shalt  }
0x3f: {  	_ =	shalt  }
0x40: {  	_ =	shalt  }
0x41: {  	_ =	shalt  }
0x42: {  	_ =	shalt  }
0x43: {  	_ =	shalt  }
0x44: {  	_ =	shalt  }
0x45: {  	_ =	shalt  }
0x46: {  	_ =	shalt  }
0x47: {  	_ =	shalt  }
0x48: {  	_ =	shalt  }
0x49: {  	_ =	shalt  }
0x4a: {  	_ =	shalt  }
0x4b: {  	_ =	shalt  }
0x4c: {  	_ =	shalt  }
0x4d: {  	_ =	shalt  }
0x4e: {  	_ =	shalt  }
0x4f: {  	_ =	shalt  }
0x50: {  	_ =	shalt  }
0x51: {  	_ =	shalt  }
0x52: {  	_ =	shalt  }
0x53: {  	_ =	shalt  }
0x54: {  	_ =	shalt  }
0x55: {  	_ =	shalt  }
0x56: {  	_ =	shalt  }
0x57: {  	_ =	shalt  }
0x58: {  	_ =	shalt  }
0x59: {  	_ =	shalt  }
0x5a: {  	_ =	shalt  }
0x5b: {  	_ =	shalt  }
0x5c: {  	_ =	shalt  }
0x5d: {  	_ =	shalt  }
0x5e: {  	_ =	shalt  }
0x5f: {  	_ =	shalt  }
0x60: {  	_ =	shalt  }
0x61: {  	_ =	shalt  }
0x62: {  	_ =	shalt  }
0x63: {  	_ =	shalt  }
0x64: {  	_ =	shalt  }
0x65: {  	_ =	shalt  }
0x66: {  	_ =	shalt  }
0x67: {  	_ =	shalt  }
0x68: {  	_ =	shalt  }
0x69: {  	_ =	shalt  }
0x6a: {  	_ =	shalt  }
0x6b: {  	_ =	shalt  }
0x6c: {  	_ =	shalt  }
0x6d: {  	_ =	shalt  }
0x6e: {  	_ =	shalt  }
0x6f: {  	_ =	shalt  }
0x70: {  	_ =	shalt  }
0x71: {  	_ =	shalt  }
0x72: {  	_ =	shalt  }
0x73: {  	_ =	shalt  }
0x74: {  	_ =	shalt  }
0x75: {  	_ =	shalt  }
0x76: {  	_ =	shalt  }
0x77: {  	_ =	shalt  }
0x78: {  	_ =	shalt  }
0x79: {  	_ =	shalt  }
0x7a: {  	_ =	shalt  }
0x7b: {  	_ =	shalt  }
0x7c: {  	_ =	shalt  }
0x7d: {  	_ =	shalt  }
0x7e: {  	_ =	shalt  }
0x7f: {  	_ =	shalt  }
0x80: {  	_ =	shalt  }
0x81: {  	_ =	shalt  }
0x82: {  	_ =	shalt  }
0x83: {  	_ =	shalt  }
0x84: {  	_ =	shalt  }
0x85: {  	_ =	shalt  }
0x86: {  	_ =	shalt  }
0x87: {  	_ =	shalt  }
.Lfunc_end0:
.L_simem_size_0:
called_computation.2_lowered:
.L_overlay_start_0:
0x88: {  	s2 =	sld [smem:$0x3FD9]  }
0x89: {  	s3 =	sld [smem:$0x3FFE];
	_ =	sdelay $0x1  }
0x8a: {  	s1 =	srdreg.scid  }
0x8b: {  	s0 =	sand.u32 $0x1, s1  }
0x8c: {  	s17 =	sshll.u32 s0, $0xA;
	s2 =	sadd.s32 s3, s2  }
0x8d: {  	s2 =	sadd.s32 s2, s17  }
0x8e: {  	[smem:$0x3FBE] =	sst s2  }
0x8f: {  	_ = 	snop  }
0x90: {  	s2 =	sld [smem:$0x3FD0];
	(tm) =	ssettm $0x1  }
0x91: {  	s18 =	sld [smem:$0x3FFB];
	_ =	sdelay $0x3  }
0x92: {  	_ =	strace s18  }
0x93: {  	s3 =	sld [smem:$0x3FFC];
	_ =	sdelay $0x3  }
0x94: {  	_ =	strace s3  }
0x95: {  	s3 =	sld [smem:$0x3FFD];
	_ =	sdelay $0x3  }
0x96: {  	_ =	strace s3  }
0x97: {  	_ =	strace $0x8FFFFFFF  }
0x98: {  	s19 =	sld [smem:$0x3FDB];
	_ =	sdelay $0x1  }
0x99: {  	s4 =	simm.s32 $_scs_section_size  }
0x9a: {  	s5 =	simm.s32 $_size__tile_overlayer_lowered;
	s6 =	simm.s32 $_tile_overlayer_lowered  }
0x9b: {  	s22 =	simm.s32 $0x1BFF;
	s21 =	sshll.u32 s6, $0x1;
	s3 =	sadd.s32 s4, s19  }
0x9c: {  	s7 =	simm.s32 $0x0;
	s20 =	sshll.u32 s5, $0x1;
	s5 =	sadd.s32 s21, s3  }
0x9d: {  	[timem:s7], [sflag:s22] =	dma.local [hbm:s5], s20  }
0x9e: {  	_ =	swait.ge [sflag:s22], s20  }
0x9f: {  	s4 =	ssub.s32 $0x0, s20;
	[sflag:s22] =	ssyncset.done $0x0  }
0xa0: {  	[sflag:s22] =	ssyncadd.s32 s4;
	_ =	sdelay $0x1  }
0xa1: {  	s23 =	simm.s32 $0x1B8B  }
0xa2: {  	_ =	swait.ge [sflag:s23], $0x1  }
0xa3: {  	[sflag:s23] =	ssyncset.done $0x0  }
0xa4: {  	s25 =	simm.s32 $0x1B8E;
	s24 =	sld [smem:$0x3FFE];
	[sflag:s23] =	ssyncadd.s32 $0xFFFFFFFF  }
0xa5: {  	s26 =	simm.s32 $execute0_lowered;
	[smem:$0x3FD2] =	sst s25  }
0xa6: {  	s5 =	sshll.u32 s26, $0x1;
	_ =	strace $0x8000004C;
	[dreg:$0x1] =	wrdreg $0xFFFFFFFF  }
0xa7: {  	s28 =	simm.s32 $_size_execute0_lowered;
	s3 =	sadd.s32 s3, s5;
	[dreg:$0x0] =	wrdreg $0x0  }
0xa8: {  	s5 =	sshll.u32 s28, $0x1;
	[dreg:$0x2] =	wrdreg s3  }
0xa9: {  	[dreg:$0x3] =	wrdreg s5  }
0xaa: {  	[dreg:$0x4] =	wrdreg $0xC0  }
0xab: {  	_ =	task [dreg:s7], $0x5FFFF  }
0xac: {  	[dreg:$0x1] =	wrdreg $0xFFFFFFFF  }
0xad: {  	[dreg:$0x0] =	wrdreg $0x60  }
0xae: {  	[dreg:$0x2] =	wrdreg s24  }
0xaf: {  	[dreg:$0x3] =	wrdreg s2  }
0xb0: {  	[dreg:$0x4] =	wrdreg $0xA0000  }
0xb1: {  	[dreg:$0x5] =	wrdreg $0x9  }
0xb2: {  	_ =	task.clear_ibuf [dreg:s7], $0x6FFFF;
	_ =	strace $0x9000004C  }
0xb3: {  	s29 =	simm.s32 $0x9;
	_ =	strace $0x8000004E  }
0xb4: {  	_ =	swait.ge [sflag:s29], $0x1  }
0xb5: {  	[sflag:s29] =	ssyncadd.s32 $0xFFFFFFFF  }
0xb6: {  	_ =	strace $0x9000004E  }
0xb7: {  	_ =	sfence  }
0xb8: {  	s30 =	sld [smem:$0x0];
	_ =	sdelay $0x2  }
0xb9: {  	s31 =	sshll.u32 s1, $0xD;
	s1 =	sshrl.u32 s1, $0x2  }
0xba: {  	s3 =	sand.u32 $0x4000, s31;
	s1 =	sadd.s32 s1, s30  }
0xbb: {  	s0 =	sor.u32 s3, s0;
	s1 =	sshll.u32 s1, $0x11  }
0xbc: {  	s0 =	sor.u32 s1, s0  }
0xbd: {  	s0 =	sadd.s32 $0x8F2B, s0  }
0xbe: {  	[sflag:s0] =	ssyncadd.remote.s32 $0x1  }
0xbf: {  	_ =	sfence.sel $0xFFFF  }
0xc0: {  	[dreg:$0x0] =	wrdreg $0xFFFFFFFF;
	(pc) =	sbr.abs _section_cstart, $3  }
0xc1: {  	[dreg:$0x1] =	wrdreg $0xFFFFFFFF  }
0xc2: {  	_ =	task.clear_ibuf [dreg:s7], $0x2FFFF;
	_ =	strace $0x9FFFFFFF  }
0xc3: {  	(tm) =	ssettm $0x7FFFFFFF  }
tec
execute0_lowered:
.L_overlay_start_1:
0x0: {  	(tag) =	ssettag $0x1  }
0x1: {  	s0 =	rddreg [dreg:$0x0]  }
0x2: {  	s1 =	rddreg [dreg:$0x1];
	s3 =	srdreg.scid  }
0x3: {  	s9 =	stileid.u32;
	s2 =	rddreg [dreg:$0x2]  }
0x4: {  	s23 =	simm.s32 $0x100;
	s25 =	simm.s32 $0x880;
	s4 =	smul.u32 $0xA000, s9  }
0x5: {  	s5 =	sand.u32 $0x1, s3;
	s3 =	simm.s32 $0x0;
	s8 =	smul.u32 $0x14000, s9  }
0x6: {  	s11 =	simm.s32 $0x980;
	s9 =	smul.u32 $0x50000, s9;
	[smem:$0x7FF] =	sst s3  }
0x7: {  	s6 =	smul.u32 $0x5000, s5;
	_ =	strace $0x8000004D;
	[dreg:$0x6] =	wrdreg s23  }
0x8: {  	s7 =	smul.u32 $0x140000, s5;
	s5 =	ssub.s32 $0x2, s5;
	[dreg:$0x7] =	wrdreg s25  }
0x9: {  	s13 =	simm.s32 $0x280;
	s14 =	sshrl.u32 s5, $0x1;
	[dreg:$0xb] =	wrdreg s11  }
0xa: {  	s9 =	sshrl.u32 s9, $0x2;
	[dreg:$0xc] =	wrdreg s13;
	s23 =	simm.s32 $0xB00  }
0xb: {  	s28 =	sadd.s32 s9, s2;
	s9 =	simm.s32 $0x200;
	[dreg:$0x11] =	wrdreg s23  }
0xc: {  	s5 =	ssub.s32 s5, s14;
	[dreg:$0xa] =	wrdreg s9  }
0xd: {  	s15 =	smax.u32 s5, $0x1;
	[dreg:$0x12] =	wrdreg s28  }
0xe: {  	s16 =	sadd.s32 $0x1000, s28;
	[dreg:$0x14] =	wrdreg s15  }
0xf: {  	s29 =	simm.s32 $0x3;
	s17 =	sadd.s32 $0x2000, s28;
	[dreg:$0x15] =	wrdreg s16  }
0x10: {  	s30 =	simm.s32 $0x800;
	s18 =	sadd.s32 $0x3000, s28;
	[dreg:$0x16] =	wrdreg s17  }
0x11: {  	s31 =	simm.s32 $0x80;
	s20 =	sadd.s32 $0x4000, s28;
	[dreg:$0x17] =	wrdreg s18  }
0x12: {  	s11 =	simm.s32 $0xC00;
	s22 =	sadd.s32 $0x5000, s28;
	[dreg:$0x18] =	wrdreg s20  }
0x13: {  	s13 =	simm.s32 $0xC80;
	s24 =	sadd.s32 $0x6000, s28;
	[dreg:$0x19] =	wrdreg s22  }
0x14: {  	s6 =	sadd.s32 s6, s4;
	s26 =	sadd.s32 $0x7000, s28;
	[dreg:$0x1a] =	wrdreg s24  }
0x15: {  	s4 =	sadd.s32 $0x17600, s0;
	s5 =	simm.s32 $0x180;
	[dreg:$0x1b] =	wrdreg s26  }
0x16: {  	s7 =	sadd.s32 s8, s7;
	s8 =	sadd.s32 $0x9000, s28;
	[dreg:$0x8] =	wrdreg s5  }
0x17: {  	s23 =	simm.s32 $0xF00;
	s12 =	sadd.s32 $0xB000, s28;
	[dreg:$0x1d] =	wrdreg s8  }
0x18: {  	s6 =	sshrl.u32 s6, $0x3;
	s14 =	sadd.s32 $0xC000, s28;
	[dreg:$0x1f] =	wrdreg s12  }
0x19: {  	s7 =	sshrl.u32 s7, $0x3;
	s25 =	sadd.s32 $0x12000, s28;
	[smem:$0x7F6] =	sst s14  }
0x1a: {  	s9 =	simm.s32 $0xB80;
	s21 =	sadd.s32 s6, s1;
	[smem:$0x7FC] =	sst s25  }
0x1b: {  	s10 =	sadd.s32 s6, s0;
	s6 =	sadd.s32 $0x8000, s28;
	[dreg:$0x5] =	wrdreg s21  }
0x1c: {  	s0 =	sadd.s32 s7, s0;
	s7 =	simm.s32 $0x900;
	[dreg:$0x1c] =	wrdreg s6  }
0x1d: {  	s15 =	simm.s32 $0xA00;
	s16 =	sadd.s32 $0xD000, s28;
	[dreg:$0x9] =	wrdreg s7  }
0x1e: {  	s17 =	simm.s32 $0x300;
	s18 =	sadd.s32 $0xE000, s28;
	[smem:$0x7F7] =	sst s16  }
0x1f: {  	s20 =	sadd.s32 $0xF000, s28;
	s22 =	sadd.s32 $0x10000, s28;
	[dreg:$0xd] =	wrdreg s15  }
0x20: {  	s24 =	sadd.s32 $0x11000, s28;
	s26 =	sadd.s32 $0x13000, s28;
	[smem:$0x7F8] =	sst s18  }
0x21: {  	s1 =	simm.s32 $0x1000;
	s8 =	simm.s32 $0x400;
	[dreg:$0xe] =	wrdreg s17  }
0x22: {  	s12 =	simm.s32 $0x500;
	s14 =	simm.s32 $0x580;
	[smem:$0x7F9] =	sst s20  }
0x23: {  	s25 =	simm.s32 $0x0;
	s0 =	sadd.s32 $0x3F600, s0;
	[smem:$0x7FA] =	sst s22  }
0x24: {  	s19 =	sadd.s32 $0x3600, s10;
	s10 =	sadd.s32 $0xA000, s28;
	[smem:$0x7FB] =	sst s24  }
0x25: {  	s21 =	simm.s32 $0x380;
	[smem:$0x7FD] =	sst s26;
	s6 =	simm.s32 $0x1  }
0x26: {  	s7 =	simm.s32 $0x2;
	s15 =	simm.s32 $0xD00;
	s16 =	simm.s32 $0x600  }
0x27: {  	s17 =	simm.s32 $0xD80;
	s18 =	simm.s32 $0x680;
	[dreg:$0x13] =	wrdreg s0  }
0x28: {  	s20 =	simm.s32 $0x700;
	s22 =	simm.s32 $0x780;
	[dreg:$0x4] =	wrdreg s19  }
0x29: {  	s24 =	simm.s32 $0xF80;
	[dreg:$0x1e] =	wrdreg s10;
	s19 =	simm.s32 $0xA80  }
0x2a: {  	[dreg:$0x10] =	wrdreg s21;
	s0 =	simm.s32 $0x5000;
	s10 =	simm.s32 $0x480  }
0x2b: {  	v0 =	vimm.f32 $0.0e+00;
	s21 =	simm.s32 $0xE80;
	[dreg:$0xf] =	wrdreg s19;
	s19 =	simm.s32 $0xE00  }
.LBB2_1:
0x2c: {  	[smem:$0x7F5] =	sst s25;
	s5 =	simm.s32 $0x0;
	s26 =	simm.s32 $0x200  }
.LBB2_2:
0x2d: {  	p0 =	sne.s32 s26, $0x3E00;
	[tilespmem:s5+$0x9070] =	vst v0  }
0x2e: {  	[tilespmem:s5+$0x9000] =	vst v0  }
0x2f: {  	[tilespmem:s5+$0x9010] =	vst v0  }
.Ltmp0:
0x30: {  	[tilespmem:s5+$0x9020] =	vst v0;
	(pc) =	sbr.rel @p0 .LBB2_2-.Ltmp0, $4  }
0x31: {  	[tilespmem:s5+$0x9030] =	vst v0  }
0x32: {  	[tilespmem:s5+$0x9040] =	vst v0  }
0x33: {  	[tilespmem:s5+$0x9050] =	vst v0  }
0x34: {  	[tilespmem:s5+$0x9060] =	vst v0;
	s5 =	sshra.s32 s26, $0x2;
	s26 =	sadd.s32 $0x200, s26  }
0x35: {  	[tilespmem:s5+$0x9070] =	vst v0  }
0x36: {  	[tilespmem:s5+$0x9000] =	vst v0  }
0x37: {  	[tilespmem:s5+$0x9010] =	vst v0  }
0x38: {  	[tilespmem:s5+$0x9020] =	vst v0  }
0x39: {  	[tilespmem:s5+$0x9030] =	vst v0  }
0x3a: {  	[tilespmem:s5+$0x9040] =	vst v0  }
0x3b: {  	[tilespmem:s5+$0x9050] =	vst v0  }
0x3c: {  	[tilespmem:s5+$0x9060] =	vst v0;
	s25 =	simm.s32 $0x9000  }
0x3d: {  	[spmem:s28] =	stream.linear.scatter [tilespmem:s25], [sflag:$0x3], $0x1000, $0x38;
	[tilespmem:$0x1E000] =	vst v63  }
0x3e: {  	_ =	swait.ge [sflag:s29], $0x1000  }
0x3f: {  	[sflag:s29] =	ssyncset.done $0x0  }
0x40: {  	s28 =	rddreg [dreg:$0x15];
	[sflag:s29] =	ssyncadd.s32 $0xFFFFF000  }
0x41: {  	[spmem:s28] =	stream.linear.scatter [tilespmem:s25], [sflag:$0x3], $0x1000, $0x38;
	[tilespmem:$0x1E000] =	vst v63  }
0x42: {  	_ =	swait.ge [sflag:s29], $0x1000  }
0x43: {  	[sflag:s29] =	ssyncset.done $0x0  }
0x44: {  	s26 =	rddreg [dreg:$0x16];
	[sflag:s29] =	ssyncadd.s32 $0xFFFFF000  }
0x45: {  	[spmem:s26] =	stream.linear.scatter [tilespmem:s25], [sflag:$0x3], $0x1000, $0x38;
	[tilespmem:$0x1E000] =	vst v63  }
0x46: {  	_ =	swait.ge [sflag:s29], $0x1000  }
0x47: {  	[sflag:s29] =	ssyncset.done $0x0  }
0x48: {  	s28 =	rddreg [dreg:$0x17];
	[sflag:s29] =	ssyncadd.s32 $0xFFFFF000  }
0x49: {  	[spmem:s28] =	stream.linear.scatter [tilespmem:s25], [sflag:$0x3], $0x1000, $0x38;
	[tilespmem:$0x1E000] =	vst v63  }
0x4a: {  	_ =	swait.ge [sflag:s29], $0x1000  }
0x4b: {  	[sflag:s29] =	ssyncset.done $0x0  }
0x4c: {  	s26 =	rddreg [dreg:$0x18];
	[sflag:s29] =	ssyncadd.s32 $0xFFFFF000  }
0x4d: {  	[spmem:s26] =	stream.linear.scatter [tilespmem:s25], [sflag:$0x3], $0x1000, $0x38;
	[tilespmem:$0x1E000] =	vst v63  }
0x4e: {  	_ =	swait.ge [sflag:s29], $0x1000  }
0x4f: {  	[sflag:s29] =	ssyncset.done $0x0  }
0x50: {  	s28 =	rddreg [dreg:$0x19];
	[sflag:s29] =	ssyncadd.s32 $0xFFFFF000  }
0x51: {  	[spmem:s28] =	stream.linear.scatter [tilespmem:s25], [sflag:$0x3], $0x1000, $0x38;
	[tilespmem:$0x1E000] =	vst v63  }
0x52: {  	_ =	swait.ge [sflag:s29], $0x1000  }
0x53: {  	[sflag:s29] =	ssyncset.done $0x0  }
0x54: {  	s26 =	rddreg [dreg:$0x1a];
	[sflag:s29] =	ssyncadd.s32 $0xFFFFF000  }
0x55: {  	[spmem:s26] =	stream.linear.scatter [tilespmem:s25], [sflag:$0x3], $0x1000, $0x38;
	[tilespmem:$0x1E000] =	vst v63  }
0x56: {  	_ =	swait.ge [sflag:s29], $0x1000  }
0x57: {  	[sflag:s29] =	ssyncset.done $0x0  }
0x58: {  	s28 =	rddreg [dreg:$0x1b];
	[sflag:s29] =	ssyncadd.s32 $0xFFFFF000  }
0x59: {  	[spmem:s28] =	stream.linear.scatter [tilespmem:s25], [sflag:$0x3], $0x1000, $0x38;
	[tilespmem:$0x1E000] =	vst v63  }
0x5a: {  	_ =	swait.ge [sflag:s29], $0x1000  }
0x5b: {  	[sflag:s29] =	ssyncset.done $0x0  }
0x5c: {  	s26 =	rddreg [dreg:$0x1c];
	[sflag:s29] =	ssyncadd.s32 $0xFFFFF000  }
0x5d: {  	[spmem:s26] =	stream.linear.scatter [tilespmem:s25], [sflag:$0x3], $0x1000, $0x38;
	[tilespmem:$0x1E000] =	vst v63  }
0x5e: {  	_ =	swait.ge [sflag:s29], $0x1000  }
0x5f: {  	[sflag:s29] =	ssyncset.done $0x0  }
0x60: {  	s28 =	rddreg [dreg:$0x1d];
	[sflag:s29] =	ssyncadd.s32 $0xFFFFF000  }
0x61: {  	[spmem:s28] =	stream.linear.scatter [tilespmem:s25], [sflag:$0x3], $0x1000, $0x38;
	[tilespmem:$0x1E000] =	vst v63  }
0x62: {  	_ =	swait.ge [sflag:s29], $0x1000  }
0x63: {  	[sflag:s29] =	ssyncset.done $0x0  }
0x64: {  	s26 =	rddreg [dreg:$0x1e];
	[sflag:s29] =	ssyncadd.s32 $0xFFFFF000  }
0x65: {  	[spmem:s26] =	stream.linear.scatter [tilespmem:s25], [sflag:$0x3], $0x1000, $0x38;
	[tilespmem:$0x1E000] =	vst v63  }
0x66: {  	_ =	swait.ge [sflag:s29], $0x1000  }
0x67: {  	[sflag:s29] =	ssyncset.done $0x0  }
0x68: {  	s28 =	rddreg [dreg:$0x1f];
	[sflag:s29] =	ssyncadd.s32 $0xFFFFF000  }
0x69: {  	[spmem:s28] =	stream.linear.scatter [tilespmem:s25], [sflag:$0x3], $0x1000, $0x38;
	[tilespmem:$0x1E000] =	vst v63  }
0x6a: {  	_ =	swait.ge [sflag:s29], $0x1000  }
0x6b: {  	s26 =	sld [smem:$0x7F6]  }
0x6c: {  	[sflag:s29] =	ssyncset.done $0x0  }
0x6d: {  	[sflag:s29] =	ssyncadd.s32 $0xFFFFF000  }
0x6e: {  	[spmem:s26] =	stream.linear.scatter [tilespmem:s25], [sflag:$0x3], $0x1000, $0x38;
	[tilespmem:$0x1E000] =	vst v63  }
0x6f: {  	_ =	swait.ge [sflag:s29], $0x1000  }
0x70: {  	s28 =	sld [smem:$0x7F7]  }
0x71: {  	[sflag:s29] =	ssyncset.done $0x0  }
0x72: {  	[sflag:s29] =	ssyncadd.s32 $0xFFFFF000  }
0x73: {  	[spmem:s28] =	stream.linear.scatter [tilespmem:s25], [sflag:$0x3], $0x1000, $0x38;
	[tilespmem:$0x1E000] =	vst v63  }
0x74: {  	_ =	swait.ge [sflag:s29], $0x1000  }
0x75: {  	s26 =	sld [smem:$0x7F8]  }
0x76: {  	[sflag:s29] =	ssyncset.done $0x0  }
0x77: {  	[sflag:s29] =	ssyncadd.s32 $0xFFFFF000  }
0x78: {  	[spmem:s26] =	stream.linear.scatter [tilespmem:s25], [sflag:$0x3], $0x1000, $0x38;
	[tilespmem:$0x1E000] =	vst v63  }
0x79: {  	_ =	swait.ge [sflag:s29], $0x1000  }
0x7a: {  	s28 =	sld [smem:$0x7F9]  }
0x7b: {  	[sflag:s29] =	ssyncset.done $0x0  }
0x7c: {  	[sflag:s29] =	ssyncadd.s32 $0xFFFFF000  }
0x7d: {  	[spmem:s28] =	stream.linear.scatter [tilespmem:s25], [sflag:$0x3], $0x1000, $0x38;
	[tilespmem:$0x1E000] =	vst v63  }
0x7e: {  	_ =	swait.ge [sflag:s29], $0x1000  }
0x7f: {  	s26 =	sld [smem:$0x7FA]  }
0x80: {  	[sflag:s29] =	ssyncset.done $0x0  }
0x81: {  	[sflag:s29] =	ssyncadd.s32 $0xFFFFF000  }
0x82: {  	[spmem:s26] =	stream.linear.scatter [tilespmem:s25], [sflag:$0x3], $0x1000, $0x38;
	[tilespmem:$0x1E000] =	vst v63  }
0x83: {  	_ =	swait.ge [sflag:s29], $0x1000  }
0x84: {  	s28 =	sld [smem:$0x7FB]  }
0x85: {  	[sflag:s29] =	ssyncset.done $0x0  }
0x86: {  	[sflag:s29] =	ssyncadd.s32 $0xFFFFF000  }
0x87: {  	[spmem:s28] =	stream.linear.scatter [tilespmem:s25], [sflag:$0x3], $0x1000, $0x38;
	[tilespmem:$0x1E000] =	vst v63  }
0x88: {  	_ =	swait.ge [sflag:s29], $0x1000  }
0x89: {  	s26 =	sld [smem:$0x7FC]  }
0x8a: {  	[sflag:s29] =	ssyncset.done $0x0  }
0x8b: {  	[sflag:s29] =	ssyncadd.s32 $0xFFFFF000  }
0x8c: {  	[spmem:s26] =	stream.linear.scatter [tilespmem:s25], [sflag:$0x3], $0x1000, $0x38;
	[tilespmem:$0x1E000] =	vst v63  }
0x8d: {  	_ =	swait.ge [sflag:s29], $0x1000  }
0x8e: {  	s28 =	sld [smem:$0x7FD]  }
0x8f: {  	[sflag:s29] =	ssyncset.done $0x0  }
0x90: {  	[sflag:s29] =	ssyncadd.s32 $0xFFFFF000  }
0x91: {  	[spmem:s28] =	stream.linear.scatter [tilespmem:s25], [sflag:$0x3], $0x1000, $0x38;
	[tilespmem:$0x1E000] =	vst v63  }
0x92: {  	_ =	swait.ge [sflag:s29], $0x1000  }
0x93: {  	[sflag:s29] =	ssyncset.done $0x0  }
0x94: {  	[sflag:s29] =	ssyncadd.s32 $0xFFFFF000  }
0x95: {  	[bflag:$0x0] =	sbarrier.arrive $0xFFFF  }
0x96: {  	s26 =	rddreg [dreg:$0x5]  }
0x97: {  	s5 =	sadd.s32 $0x0, s26  }
0x98: {  	[tilespmem:s3], [sflag:$0x3] =	stream.linear.gather [hbm4b:s5+s3], $0x800, $0x38;
	[tilespmem:$0x1E000] =	vst v63  }
0x99: {  	_ =	swait.ge [sflag:s29], $0x800  }
0x9a: {  	s28 =	rddreg [dreg:$0x4];
	[sflag:s29] =	ssyncset.done $0x0  }
0x9b: {  	[sflag:s29] =	ssyncadd.s32 $0xFFFFF800;
	s5 =	sadd.s32 $0x0, s28  }
0x9c: {  	[tilespmem:s30], [sflag:$0x3] =	stream.linear.gather [hbm4b:s5+s3], $0x800, $0x38;
	[tilespmem:$0x1E000] =	vst v63  }
0x9d: {  	_ =	swait.ge [sflag:s29], $0x800  }
0x9e: {  	[sflag:s29] =	ssyncset.done $0x0  }
0x9f: {  	[sflag:s29] =	ssyncadd.s32 $0xFFFFF800  }
0xa0: {  	[tilespmem:s1], [sflag:$0x1] =	stream.indirect.gather [hbm4b:s4+s31], $0x80, s3, s31, $0xb8;
	[tilespmem:$0x1E000] =	vst v63  }
0xa1: {  	_ = 	snop  }
0xa2: {  	[tilespmem:s0], [sflag:$0x2] =	stream.indirect.gather [hbm4b:s4+s31], $0x80, s31, s31, $0xb8;
	[tilespmem:$0x1E000] =	vst v63  }
0xa3: {  	_ =	swait.ge [sflag:s6], $0x4000  }
0xa4: {  	[sflag:s6] =	ssyncset.done $0x0  }
0xa5: {  	[sflag:s6] =	ssyncadd.s32 $0xFFFFC000  }
0xa6: {  	[spmem:s2] =	stream.indirect.scatter.add.f32 [tilespmem:s1], [sflag:$0x3], $0x80, s30, s31, $0xb8;
	[tilespmem:$0x1E000] =	vst v63  }
0xa7: {  	_ =	swait.ge [sflag:s29], $0x4000  }
0xa8: {  	[sflag:s29] =	ssyncset.done $0x0  }
0xa9: {  	s25 =	rddreg [dreg:$0x6];
	[sflag:s29] =	ssyncadd.s32 $0xFFFFC000  }
0xaa: {  	[tilespmem:s1], [sflag:$0x1] =	stream.indirect.gather [hbm4b:s4+s31], $0x80, s25, s31, $0xb8;
	[tilespmem:$0x1E000] =	vst v63  }
0xab: {  	_ =	swait.ge [sflag:s7], $0x4000  }
0xac: {  	[sflag:s7] =	ssyncset.done $0x0  }
0xad: {  	s26 =	rddreg [dreg:$0x7];
	[sflag:s7] =	ssyncadd.s32 $0xFFFFC000  }
0xae: {  	[spmem:s2] =	stream.indirect.scatter.add.f32 [tilespmem:s0], [sflag:$0x3], $0x80, s26, s31, $0xb8;
	[tilespmem:$0x1E000] =	vst v63  }
0xaf: {  	_ =	swait.ge [sflag:s29], $0x4000  }
0xb0: {  	[sflag:s29] =	ssyncset.done $0x0  }
0xb1: {  	s28 =	rddreg [dreg:$0x8];
	[sflag:s29] =	ssyncadd.s32 $0xFFFFC000  }
0xb2: {  	[tilespmem:s0], [sflag:$0x2] =	stream.indirect.gather [hbm4b:s4+s31], $0x80, s28, s31, $0xb8;
	[tilespmem:$0x1E000] =	vst v63  }
0xb3: {  	_ =	swait.ge [sflag:s6], $0x4000  }
0xb4: {  	[sflag:s6] =	ssyncset.done $0x0  }
0xb5: {  	s25 =	rddreg [dreg:$0x9];
	[sflag:s6] =	ssyncadd.s32 $0xFFFFC000  }
0xb6: {  	[spmem:s2] =	stream.indirect.scatter.add.f32 [tilespmem:s1], [sflag:$0x3], $0x80, s25, s31, $0xb8;
	[tilespmem:$0x1E000] =	vst v63  }
0xb7: {  	_ =	swait.ge [sflag:s29], $0x4000  }
0xb8: {  	[sflag:s29] =	ssyncset.done $0x0  }
0xb9: {  	s26 =	rddreg [dreg:$0xa];
	[sflag:s29] =	ssyncadd.s32 $0xFFFFC000  }
0xba: {  	[tilespmem:s1], [sflag:$0x1] =	stream.indirect.gather [hbm4b:s4+s31], $0x80, s26, s31, $0xb8;
	[tilespmem:$0x1E000] =	vst v63  }
0xbb: {  	_ =	swait.ge [sflag:s7], $0x4000  }
0xbc: {  	[sflag:s7] =	ssyncset.done $0x0  }
0xbd: {  	s28 =	rddreg [dreg:$0xb];
	[sflag:s7] =	ssyncadd.s32 $0xFFFFC000  }
0xbe: {  	[spmem:s2] =	stream.indirect.scatter.add.f32 [tilespmem:s0], [sflag:$0x3], $0x80, s28, s31, $0xb8;
	[tilespmem:$0x1E000] =	vst v63  }
0xbf: {  	_ =	swait.ge [sflag:s29], $0x4000  }
0xc0: {  	[sflag:s29] =	ssyncset.done $0x0  }
0xc1: {  	s25 =	rddreg [dreg:$0xc];
	[sflag:s29] =	ssyncadd.s32 $0xFFFFC000  }
0xc2: {  	[tilespmem:s0], [sflag:$0x2] =	stream.indirect.gather [hbm4b:s4+s31], $0x80, s25, s31, $0xb8;
	[tilespmem:$0x1E000] =	vst v63  }
0xc3: {  	_ =	swait.ge [sflag:s6], $0x4000  }
0xc4: {  	[sflag:s6] =	ssyncset.done $0x0  }
0xc5: {  	s26 =	rddreg [dreg:$0xd];
	[sflag:s6] =	ssyncadd.s32 $0xFFFFC000  }
0xc6: {  	[spmem:s2] =	stream.indirect.scatter.add.f32 [tilespmem:s1], [sflag:$0x3], $0x80, s26, s31, $0xb8;
	[tilespmem:$0x1E000] =	vst v63  }
0xc7: {  	_ =	swait.ge [sflag:s29], $0x4000  }
0xc8: {  	[sflag:s29] =	ssyncset.done $0x0  }
0xc9: {  	s28 =	rddreg [dreg:$0xe];
	[sflag:s29] =	ssyncadd.s32 $0xFFFFC000  }
0xca: {  	[tilespmem:s1], [sflag:$0x1] =	stream.indirect.gather [hbm4b:s4+s31], $0x80, s28, s31, $0xb8;
	[tilespmem:$0x1E000] =	vst v63  }
0xcb: {  	_ =	swait.ge [sflag:s7], $0x4000  }
0xcc: {  	[sflag:s7] =	ssyncset.done $0x0  }
0xcd: {  	s25 =	rddreg [dreg:$0xf];
	[sflag:s7] =	ssyncadd.s32 $0xFFFFC000  }
0xce: {  	[spmem:s2] =	stream.indirect.scatter.add.f32 [tilespmem:s0], [sflag:$0x3], $0x80, s25, s31, $0xb8;
	[tilespmem:$0x1E000] =	vst v63  }
0xcf: {  	_ =	swait.ge [sflag:s29], $0x4000  }
0xd0: {  	[sflag:s29] =	ssyncset.done $0x0  }
0xd1: {  	s26 =	rddreg [dreg:$0x10];
	[sflag:s29] =	ssyncadd.s32 $0xFFFFC000  }
0xd2: {  	[tilespmem:s0], [sflag:$0x2] =	stream.indirect.gather [hbm4b:s4+s31], $0x80, s26, s31, $0xb8;
	[tilespmem:$0x1E000] =	vst v63  }
0xd3: {  	_ =	swait.ge [sflag:s6], $0x4000  }
0xd4: {  	[sflag:s6] =	ssyncset.done $0x0  }
0xd5: {  	s28 =	rddreg [dreg:$0x11];
	[sflag:s6] =	ssyncadd.s32 $0xFFFFC000  }
0xd6: {  	[spmem:s2] =	stream.indirect.scatter.add.f32 [tilespmem:s1], [sflag:$0x3], $0x80, s28, s31, $0xb8;
	[tilespmem:$0x1E000] =	vst v63  }
0xd7: {  	_ =	swait.ge [sflag:s29], $0x4000  }
0xd8: {  	[sflag:s29] =	ssyncset.done $0x0  }
0xd9: {  	[sflag:s29] =	ssyncadd.s32 $0xFFFFC000  }
0xda: {  	[tilespmem:s1], [sflag:$0x1] =	stream.indirect.gather [hbm4b:s4+s31], $0x80, s8, s31, $0xb8;
	[tilespmem:$0x1E000] =	vst v63  }
0xdb: {  	_ =	swait.ge [sflag:s7], $0x4000  }
0xdc: {  	[sflag:s7] =	ssyncset.done $0x0  }
0xdd: {  	[sflag:s7] =	ssyncadd.s32 $0xFFFFC000  }
0xde: {  	[spmem:s2] =	stream.indirect.scatter.add.f32 [tilespmem:s0], [sflag:$0x3], $0x80, s9, s31, $0xb8;
	[tilespmem:$0x1E000] =	vst v63  }
0xdf: {  	_ =	swait.ge [sflag:s29], $0x4000  }
0xe0: {  	[sflag:s29] =	ssyncset.done $0x0  }
0xe1: {  	[sflag:s29] =	ssyncadd.s32 $0xFFFFC000  }
0xe2: {  	[tilespmem:s0], [sflag:$0x2] =	stream.indirect.gather [hbm4b:s4+s31], $0x80, s10, s31, $0xb8;
	[tilespmem:$0x1E000] =	vst v63  }
0xe3: {  	_ =	swait.ge [sflag:s6], $0x4000  }
0xe4: {  	[sflag:s6] =	ssyncset.done $0x0  }
0xe5: {  	[sflag:s6] =	ssyncadd.s32 $0xFFFFC000  }
0xe6: {  	[spmem:s2] =	stream.indirect.scatter.add.f32 [tilespmem:s1], [sflag:$0x3], $0x80, s11, s31, $0xb8;
	[tilespmem:$0x1E000] =	vst v63  }
0xe7: {  	_ =	swait.ge [sflag:s29], $0x4000  }
0xe8: {  	[sflag:s29] =	ssyncset.done $0x0  }
0xe9: {  	[sflag:s29] =	ssyncadd.s32 $0xFFFFC000  }
0xea: {  	[tilespmem:s1], [sflag:$0x1] =	stream.indirect.gather [hbm4b:s4+s31], $0x80, s12, s31, $0xb8;
	[tilespmem:$0x1E000] =	vst v63  }
0xeb: {  	_ =	swait.ge [sflag:s7], $0x4000  }
0xec: {  	[sflag:s7] =	ssyncset.done $0x0  }
0xed: {  	[sflag:s7] =	ssyncadd.s32 $0xFFFFC000  }
0xee: {  	[spmem:s2] =	stream.indirect.scatter.add.f32 [tilespmem:s0], [sflag:$0x3], $0x80, s13, s31, $0xb8;
	[tilespmem:$0x1E000] =	vst v63  }
0xef: {  	_ =	swait.ge [sflag:s29], $0x4000  }
0xf0: {  	[sflag:s29] =	ssyncset.done $0x0  }
0xf1: {  	[sflag:s29] =	ssyncadd.s32 $0xFFFFC000  }
0xf2: {  	[tilespmem:s0], [sflag:$0x2] =	stream.indirect.gather [hbm4b:s4+s31], $0x80, s14, s31, $0xb8;
	[tilespmem:$0x1E000] =	vst v63  }
0xf3: {  	_ =	swait.ge [sflag:s6], $0x4000  }
0xf4: {  	[sflag:s6] =	ssyncset.done $0x0  }
0xf5: {  	[sflag:s6] =	ssyncadd.s32 $0xFFFFC000  }
0xf6: {  	[spmem:s2] =	stream.indirect.scatter.add.f32 [tilespmem:s1], [sflag:$0x3], $0x80, s15, s31, $0xb8;
	[tilespmem:$0x1E000] =	vst v63  }
0xf7: {  	_ =	swait.ge [sflag:s29], $0x4000  }
0xf8: {  	[sflag:s29] =	ssyncset.done $0x0  }
0xf9: {  	[sflag:s29] =	ssyncadd.s32 $0xFFFFC000  }
0xfa: {  	[tilespmem:s1], [sflag:$0x1] =	stream.indirect.gather [hbm4b:s4+s31], $0x80, s16, s31, $0xb8;
	[tilespmem:$0x1E000] =	vst v63  }
0xfb: {  	_ =	swait.ge [sflag:s7], $0x4000  }
0xfc: {  	[sflag:s7] =	ssyncset.done $0x0  }
0xfd: {  	[sflag:s7] =	ssyncadd.s32 $0xFFFFC000  }
0xfe: {  	[spmem:s2] =	stream.indirect.scatter.add.f32 [tilespmem:s0], [sflag:$0x3], $0x80, s17, s31, $0xb8;
	[tilespmem:$0x1E000] =	vst v63  }
0xff: {  	_ =	swait.ge [sflag:s29], $0x4000  }
0x100: {  	[sflag:s29] =	ssyncset.done $0x0  }
0x101: {  	[sflag:s29] =	ssyncadd.s32 $0xFFFFC000  }
0x102: {  	[tilespmem:s0], [sflag:$0x2] =	stream.indirect.gather [hbm4b:s4+s31], $0x80, s18, s31, $0xb8;
	[tilespmem:$0x1E000] =	vst v63  }
0x103: {  	_ =	swait.ge [sflag:s6], $0x4000  }
0x104: {  	[sflag:s6] =	ssyncset.done $0x0  }
0x105: {  	[sflag:s6] =	ssyncadd.s32 $0xFFFFC000  }
0x106: {  	[spmem:s2] =	stream.indirect.scatter.add.f32 [tilespmem:s1], [sflag:$0x3], $0x80, s19, s31, $0xb8;
	[tilespmem:$0x1E000] =	vst v63  }
0x107: {  	_ =	swait.ge [sflag:s29], $0x4000  }
0x108: {  	[sflag:s29] =	ssyncset.done $0x0  }
0x109: {  	[sflag:s29] =	ssyncadd.s32 $0xFFFFC000  }
0x10a: {  	[tilespmem:s1], [sflag:$0x1] =	stream.indirect.gather [hbm4b:s4+s31], $0x80, s20, s31, $0xb8;
	[tilespmem:$0x1E000] =	vst v63  }
0x10b: {  	_ =	swait.ge [sflag:s7], $0x4000  }
0x10c: {  	[sflag:s7] =	ssyncset.done $0x0  }
0x10d: {  	[sflag:s7] =	ssyncadd.s32 $0xFFFFC000  }
0x10e: {  	[spmem:s2] =	stream.indirect.scatter.add.f32 [tilespmem:s0], [sflag:$0x3], $0x80, s21, s31, $0xb8;
	[tilespmem:$0x1E000] =	vst v63  }
0x10f: {  	_ =	swait.ge [sflag:s29], $0x4000  }
0x110: {  	[sflag:s29] =	ssyncset.done $0x0  }
0x111: {  	[sflag:s29] =	ssyncadd.s32 $0xFFFFC000  }
0x112: {  	[tilespmem:s0], [sflag:$0x2] =	stream.indirect.gather [hbm4b:s4+s31], $0x80, s22, s31, $0xb8;
	[tilespmem:$0x1E000] =	vst v63  }
0x113: {  	_ =	swait.ge [sflag:s6], $0x4000  }
0x114: {  	[sflag:s6] =	ssyncset.done $0x0  }
0x115: {  	[sflag:s6] =	ssyncadd.s32 $0xFFFFC000  }
0x116: {  	[spmem:s2] =	stream.indirect.scatter.add.f32 [tilespmem:s1], [sflag:$0x3], $0x80, s23, s31, $0xb8;
	[tilespmem:$0x1E000] =	vst v63  }
0x117: {  	_ =	swait.ge [sflag:s29], $0x4000  }
0x118: {  	[sflag:s29] =	ssyncset.done $0x0  }
0x119: {  	[sflag:s29] =	ssyncadd.s32 $0xFFFFC000  }
0x11a: {  	_ =	swait.ge [sflag:s7], $0x4000  }
0x11b: {  	[sflag:s7] =	ssyncset.done $0x0  }
0x11c: {  	[sflag:s7] =	ssyncadd.s32 $0xFFFFC000  }
0x11d: {  	[spmem:s2] =	stream.indirect.scatter.add.f32 [tilespmem:s0], [sflag:$0x3], $0x80, s24, s31, $0xb8;
	[tilespmem:$0x1E000] =	vst v63  }
0x11e: {  	s5 =	simm.s32 $0x200;
	_ =	swait.ge [sflag:s29], $0x4000  }
0x11f: {  	s26 =	simm.s32 $0x100;
	s25 =	rddreg [dreg:$0x5];
	[sflag:s29] =	ssyncset.done $0x0  }
.LBB2_4:
0x120: {  	[sflag:s29] =	ssyncadd.s32 $0xFFFFC000;
	s25 =	sadd.s32 s26, s25  }
0x121: {  	[tilespmem:s3], [sflag:$0x3] =	stream.linear.gather [hbm4b:s25+s3], $0x800, $0x38;
	[tilespmem:$0x1E000] =	vst v63  }
0x122: {  	_ =	swait.ge [sflag:s29], $0x800  }
0x123: {  	s25 =	rddreg [dreg:$0x4];
	[sflag:s29] =	ssyncset.done $0x0  }
0x124: {  	[sflag:s29] =	ssyncadd.s32 $0xFFFFF800;
	s25 =	sadd.s32 s26, s25  }
0x125: {  	[tilespmem:s30], [sflag:$0x3] =	stream.linear.gather [hbm4b:s25+s3], $0x800, $0x38;
	[tilespmem:$0x1E000] =	vst v63  }
0x126: {  	_ =	swait.ge [sflag:s29], $0x800  }
0x127: {  	[sflag:s29] =	ssyncset.done $0x0  }
0x128: {  	[sflag:s29] =	ssyncadd.s32 $0xFFFFF800  }
0x129: {  	[tilespmem:s1], [sflag:$0x1] =	stream.indirect.gather [hbm4b:s4+s31], $0x80, s3, s31, $0xb8;
	[tilespmem:$0x1E000] =	vst v63  }
0x12a: {  	_ = 	snop  }
0x12b: {  	[tilespmem:s0], [sflag:$0x2] =	stream.indirect.gather [hbm4b:s4+s31], $0x80, s31, s31, $0xb8;
	[tilespmem:$0x1E000] =	vst v63  }
0x12c: {  	_ =	swait.ge [sflag:s6], $0x4000  }
0x12d: {  	[sflag:s6] =	ssyncset.done $0x0  }
0x12e: {  	[sflag:s6] =	ssyncadd.s32 $0xFFFFC000  }
0x12f: {  	[spmem:s2] =	stream.indirect.scatter.add.f32 [tilespmem:s1], [sflag:$0x3], $0x80, s30, s31, $0xb8;
	[tilespmem:$0x1E000] =	vst v63  }
0x130: {  	_ =	swait.ge [sflag:s29], $0x4000  }
0x131: {  	s28 =	smov.u32 s5;
	[sflag:s29] =	ssyncset.done $0x0  }
0x132: {  	s26 =	smov.u32 s28;
	s28 =	rddreg [dreg:$0x6];
	[sflag:s29] =	ssyncadd.s32 $0xFFFFC000  }
0x133: {  	[tilespmem:s1], [sflag:$0x1] =	stream.indirect.gather [hbm4b:s4+s31], $0x80, s28, s31, $0xb8;
	[tilespmem:$0x1E000] =	vst v63  }
0x134: {  	_ =	swait.ge [sflag:s7], $0x4000  }
0x135: {  	[sflag:s7] =	ssyncset.done $0x0  }
0x136: {  	s28 =	rddreg [dreg:$0x7];
	[sflag:s7] =	ssyncadd.s32 $0xFFFFC000  }
0x137: {  	[spmem:s2] =	stream.indirect.scatter.add.f32 [tilespmem:s0], [sflag:$0x3], $0x80, s28, s31, $0xb8;
	[tilespmem:$0x1E000] =	vst v63  }
0x138: {  	_ =	swait.ge [sflag:s29], $0x4000  }
0x139: {  	[sflag:s29] =	ssyncset.done $0x0  }
0x13a: {  	s28 =	rddreg [dreg:$0x8];
	[sflag:s29] =	ssyncadd.s32 $0xFFFFC000  }
0x13b: {  	[tilespmem:s0], [sflag:$0x2] =	stream.indirect.gather [hbm4b:s4+s31], $0x80, s28, s31, $0xb8;
	[tilespmem:$0x1E000] =	vst v63  }
0x13c: {  	_ =	swait.ge [sflag:s6], $0x4000  }
0x13d: {  	[sflag:s6] =	ssyncset.done $0x0  }
0x13e: {  	s28 =	rddreg [dreg:$0x9];
	[sflag:s6] =	ssyncadd.s32 $0xFFFFC000  }
0x13f: {  	[spmem:s2] =	stream.indirect.scatter.add.f32 [tilespmem:s1], [sflag:$0x3], $0x80, s28, s31, $0xb8;
	[tilespmem:$0x1E000] =	vst v63  }
0x140: {  	_ =	swait.ge [sflag:s29], $0x4000  }
0x141: {  	[sflag:s29] =	ssyncset.done $0x0  }
0x142: {  	s28 =	rddreg [dreg:$0xa];
	[sflag:s29] =	ssyncadd.s32 $0xFFFFC000  }
0x143: {  	[tilespmem:s1], [sflag:$0x1] =	stream.indirect.gather [hbm4b:s4+s31], $0x80, s28, s31, $0xb8;
	[tilespmem:$0x1E000] =	vst v63  }
0x144: {  	_ =	swait.ge [sflag:s7], $0x4000  }
0x145: {  	[sflag:s7] =	ssyncset.done $0x0  }
0x146: {  	s28 =	rddreg [dreg:$0xb];
	[sflag:s7] =	ssyncadd.s32 $0xFFFFC000  }
0x147: {  	[spmem:s2] =	stream.indirect.scatter.add.f32 [tilespmem:s0], [sflag:$0x3], $0x80, s28, s31, $0xb8;
	[tilespmem:$0x1E000] =	vst v63  }
0x148: {  	_ =	swait.ge [sflag:s29], $0x4000  }
0x149: {  	[sflag:s29] =	ssyncset.done $0x0  }
0x14a: {  	s28 =	rddreg [dreg:$0xc];
	[sflag:s29] =	ssyncadd.s32 $0xFFFFC000  }
0x14b: {  	[tilespmem:s0], [sflag:$0x2] =	stream.indirect.gather [hbm4b:s4+s31], $0x80, s28, s31, $0xb8;
	[tilespmem:$0x1E000] =	vst v63  }
0x14c: {  	_ =	swait.ge [sflag:s6], $0x4000  }
0x14d: {  	[sflag:s6] =	ssyncset.done $0x0  }
0x14e: {  	s28 =	rddreg [dreg:$0xd];
	[sflag:s6] =	ssyncadd.s32 $0xFFFFC000  }
0x14f: {  	[spmem:s2] =	stream.indirect.scatter.add.f32 [tilespmem:s1], [sflag:$0x3], $0x80, s28, s31, $0xb8;
	[tilespmem:$0x1E000] =	vst v63  }
0x150: {  	_ =	swait.ge [sflag:s29], $0x4000  }
0x151: {  	[sflag:s29] =	ssyncset.done $0x0  }
0x152: {  	s28 =	rddreg [dreg:$0xe];
	[sflag:s29] =	ssyncadd.s32 $0xFFFFC000  }
0x153: {  	[tilespmem:s1], [sflag:$0x1] =	stream.indirect.gather [hbm4b:s4+s31], $0x80, s28, s31, $0xb8;
	[tilespmem:$0x1E000] =	vst v63  }
0x154: {  	_ =	swait.ge [sflag:s7], $0x4000  }
0x155: {  	[sflag:s7] =	ssyncset.done $0x0  }
0x156: {  	s28 =	rddreg [dreg:$0xf];
	[sflag:s7] =	ssyncadd.s32 $0xFFFFC000  }
0x157: {  	[spmem:s2] =	stream.indirect.scatter.add.f32 [tilespmem:s0], [sflag:$0x3], $0x80, s28, s31, $0xb8;
	[tilespmem:$0x1E000] =	vst v63  }
0x158: {  	_ =	swait.ge [sflag:s29], $0x4000  }
0x159: {  	[sflag:s29] =	ssyncset.done $0x0  }
0x15a: {  	s28 =	rddreg [dreg:$0x10];
	[sflag:s29] =	ssyncadd.s32 $0xFFFFC000  }
0x15b: {  	[tilespmem:s0], [sflag:$0x2] =	stream.indirect.gather [hbm4b:s4+s31], $0x80, s28, s31, $0xb8;
	[tilespmem:$0x1E000] =	vst v63  }
0x15c: {  	_ =	swait.ge [sflag:s6], $0x4000  }
0x15d: {  	[sflag:s6] =	ssyncset.done $0x0  }
0x15e: {  	s28 =	rddreg [dreg:$0x11];
	[sflag:s6] =	ssyncadd.s32 $0xFFFFC000  }
0x15f: {  	[spmem:s2] =	stream.indirect.scatter.add.f32 [tilespmem:s1], [sflag:$0x3], $0x80, s28, s31, $0xb8;
	[tilespmem:$0x1E000] =	vst v63  }
0x160: {  	_ =	swait.ge [sflag:s29], $0x4000  }
0x161: {  	[sflag:s29] =	ssyncset.done $0x0  }
0x162: {  	[sflag:s29] =	ssyncadd.s32 $0xFFFFC000  }
0x163: {  	[tilespmem:s1], [sflag:$0x1] =	stream.indirect.gather [hbm4b:s4+s31], $0x80, s8, s31, $0xb8;
	[tilespmem:$0x1E000] =	vst v63  }
0x164: {  	_ =	swait.ge [sflag:s7], $0x4000  }
0x165: {  	[sflag:s7] =	ssyncset.done $0x0  }
0x166: {  	[sflag:s7] =	ssyncadd.s32 $0xFFFFC000  }
0x167: {  	[spmem:s2] =	stream.indirect.scatter.add.f32 [tilespmem:s0], [sflag:$0x3], $0x80, s9, s31, $0xb8;
	[tilespmem:$0x1E000] =	vst v63  }
0x168: {  	_ =	swait.ge [sflag:s29], $0x4000  }
0x169: {  	[sflag:s29] =	ssyncset.done $0x0  }
0x16a: {  	[sflag:s29] =	ssyncadd.s32 $0xFFFFC000  }
0x16b: {  	[tilespmem:s0], [sflag:$0x2] =	stream.indirect.gather [hbm4b:s4+s31], $0x80, s10, s31, $0xb8;
	[tilespmem:$0x1E000] =	vst v63  }
0x16c: {  	_ =	swait.ge [sflag:s6], $0x4000  }
0x16d: {  	[sflag:s6] =	ssyncset.done $0x0  }
0x16e: {  	[sflag:s6] =	ssyncadd.s32 $0xFFFFC000  }
0x16f: {  	[spmem:s2] =	stream.indirect.scatter.add.f32 [tilespmem:s1], [sflag:$0x3], $0x80, s11, s31, $0xb8;
	[tilespmem:$0x1E000] =	vst v63  }
0x170: {  	_ =	swait.ge [sflag:s29], $0x4000  }
0x171: {  	[sflag:s29] =	ssyncset.done $0x0  }
0x172: {  	[sflag:s29] =	ssyncadd.s32 $0xFFFFC000  }
0x173: {  	[tilespmem:s1], [sflag:$0x1] =	stream.indirect.gather [hbm4b:s4+s31], $0x80, s12, s31, $0xb8;
	[tilespmem:$0x1E000] =	vst v63  }
0x174: {  	_ =	swait.ge [sflag:s7], $0x4000  }
0x175: {  	[sflag:s7] =	ssyncset.done $0x0  }
0x176: {  	[sflag:s7] =	ssyncadd.s32 $0xFFFFC000  }
0x177: {  	[spmem:s2] =	stream.indirect.scatter.add.f32 [tilespmem:s0], [sflag:$0x3], $0x80, s13, s31, $0xb8;
	[tilespmem:$0x1E000] =	vst v63  }
0x178: {  	_ =	swait.ge [sflag:s29], $0x4000  }
0x179: {  	[sflag:s29] =	ssyncset.done $0x0  }
0x17a: {  	[sflag:s29] =	ssyncadd.s32 $0xFFFFC000  }
0x17b: {  	[tilespmem:s0], [sflag:$0x2] =	stream.indirect.gather [hbm4b:s4+s31], $0x80, s14, s31, $0xb8;
	[tilespmem:$0x1E000] =	vst v63  }
0x17c: {  	_ =	swait.ge [sflag:s6], $0x4000  }
0x17d: {  	[sflag:s6] =	ssyncset.done $0x0  }
0x17e: {  	[sflag:s6] =	ssyncadd.s32 $0xFFFFC000  }
0x17f: {  	[spmem:s2] =	stream.indirect.scatter.add.f32 [tilespmem:s1], [sflag:$0x3], $0x80, s15, s31, $0xb8;
	[tilespmem:$0x1E000] =	vst v63  }
0x180: {  	_ =	swait.ge [sflag:s29], $0x4000  }
0x181: {  	[sflag:s29] =	ssyncset.done $0x0  }
0x182: {  	[sflag:s29] =	ssyncadd.s32 $0xFFFFC000  }
0x183: {  	[tilespmem:s1], [sflag:$0x1] =	stream.indirect.gather [hbm4b:s4+s31], $0x80, s16, s31, $0xb8;
	[tilespmem:$0x1E000] =	vst v63  }
0x184: {  	_ =	swait.ge [sflag:s7], $0x4000  }
0x185: {  	[sflag:s7] =	ssyncset.done $0x0  }
0x186: {  	[sflag:s7] =	ssyncadd.s32 $0xFFFFC000  }
0x187: {  	[spmem:s2] =	stream.indirect.scatter.add.f32 [tilespmem:s0], [sflag:$0x3], $0x80, s17, s31, $0xb8;
	[tilespmem:$0x1E000] =	vst v63  }
0x188: {  	_ =	swait.ge [sflag:s29], $0x4000  }
0x189: {  	[sflag:s29] =	ssyncset.done $0x0  }
0x18a: {  	[sflag:s29] =	ssyncadd.s32 $0xFFFFC000  }
0x18b: {  	[tilespmem:s0], [sflag:$0x2] =	stream.indirect.gather [hbm4b:s4+s31], $0x80, s18, s31, $0xb8;
	[tilespmem:$0x1E000] =	vst v63  }
0x18c: {  	_ =	swait.ge [sflag:s6], $0x4000  }
0x18d: {  	[sflag:s6] =	ssyncset.done $0x0  }
0x18e: {  	[sflag:s6] =	ssyncadd.s32 $0xFFFFC000  }
0x18f: {  	[spmem:s2] =	stream.indirect.scatter.add.f32 [tilespmem:s1], [sflag:$0x3], $0x80, s19, s31, $0xb8;
	[tilespmem:$0x1E000] =	vst v63  }
0x190: {  	_ =	swait.ge [sflag:s29], $0x4000  }
0x191: {  	[sflag:s29] =	ssyncset.done $0x0  }
0x192: {  	[sflag:s29] =	ssyncadd.s32 $0xFFFFC000  }
0x193: {  	[tilespmem:s1], [sflag:$0x1] =	stream.indirect.gather [hbm4b:s4+s31], $0x80, s20, s31, $0xb8;
	[tilespmem:$0x1E000] =	vst v63  }
0x194: {  	_ =	swait.ge [sflag:s7], $0x4000  }
0x195: {  	[sflag:s7] =	ssyncset.done $0x0  }
0x196: {  	[sflag:s7] =	ssyncadd.s32 $0xFFFFC000  }
0x197: {  	[spmem:s2] =	stream.indirect.scatter.add.f32 [tilespmem:s0], [sflag:$0x3], $0x80, s21, s31, $0xb8;
	[tilespmem:$0x1E000] =	vst v63  }
0x198: {  	_ =	swait.ge [sflag:s29], $0x4000  }
0x199: {  	[sflag:s29] =	ssyncset.done $0x0  }
0x19a: {  	[sflag:s29] =	ssyncadd.s32 $0xFFFFC000  }
0x19b: {  	[tilespmem:s0], [sflag:$0x2] =	stream.indirect.gather [hbm4b:s4+s31], $0x80, s22, s31, $0xb8;
	[tilespmem:$0x1E000] =	vst v63  }
0x19c: {  	_ =	swait.ge [sflag:s6], $0x4000  }
0x19d: {  	[sflag:s6] =	ssyncset.done $0x0  }
0x19e: {  	[sflag:s6] =	ssyncadd.s32 $0xFFFFC000  }
0x19f: {  	[spmem:s2] =	stream.indirect.scatter.add.f32 [tilespmem:s1], [sflag:$0x3], $0x80, s23, s31, $0xb8;
	[tilespmem:$0x1E000] =	vst v63  }
0x1a0: {  	_ =	swait.ge [sflag:s29], $0x4000  }
0x1a1: {  	[sflag:s29] =	ssyncset.done $0x0  }
0x1a2: {  	[sflag:s29] =	ssyncadd.s32 $0xFFFFC000  }
0x1a3: {  	p0 =	sne.s32 s5, $0x900;
	_ =	swait.ge [sflag:s7], $0x4000  }
.Ltmp1:
0x1a4: {  	[sflag:s7] =	ssyncset.done $0x0;
	(pc) =	sbr.rel @p0 .LBB2_4-.Ltmp1, $4  }
0x1a5: {  	[sflag:s7] =	ssyncadd.s32 $0xFFFFC000  }
0x1a6: {  	[spmem:s2] =	stream.indirect.scatter.add.f32 [tilespmem:s0], [sflag:$0x3], $0x80, s24, s31, $0xb8;
	[tilespmem:$0x1E000] =	vst v63  }
0x1a7: {  	_ =	swait.ge [sflag:s29], $0x4000  }
0x1a8: {  	s5 =	sadd.s32 $0x100, s5;
	s25 =	rddreg [dreg:$0x5];
	[sflag:s29] =	ssyncset.done $0x0  }
0x1a9: {  	[sflag:s29] =	ssyncadd.s32 $0xFFFFC000;
	s5 =	sadd.s32 s26, s25  }
0x1aa: {  	[tilespmem:s3], [sflag:$0x3] =	stream.linear.gather [hbm4b:s5+s3], $0x800, $0x38;
	[tilespmem:$0x1E000] =	vst v63  }
0x1ab: {  	_ =	swait.ge [sflag:s29], $0x800  }
0x1ac: {  	s25 =	rddreg [dreg:$0x4];
	[sflag:s29] =	ssyncset.done $0x0  }
0x1ad: {  	[sflag:s29] =	ssyncadd.s32 $0xFFFFF800;
	s5 =	sadd.s32 s26, s25  }
0x1ae: {  	[tilespmem:s30], [sflag:$0x3] =	stream.linear.gather [hbm4b:s5+s3], $0x800, $0x38;
	[tilespmem:$0x1E000] =	vst v63  }
0x1af: {  	_ =	swait.ge [sflag:s29], $0x800  }
0x1b0: {  	[sflag:s29] =	ssyncset.done $0x0  }
0x1b1: {  	[sflag:s29] =	ssyncadd.s32 $0xFFFFF800  }
0x1b2: {  	[tilespmem:s1], [sflag:$0x1] =	stream.indirect.gather [hbm4b:s4+s31], $0x80, s3, s31, $0xb8;
	[tilespmem:$0x1E000] =	vst v63  }
0x1b3: {  	_ = 	snop  }
0x1b4: {  	[tilespmem:s0], [sflag:$0x2] =	stream.indirect.gather [hbm4b:s4+s31], $0x80, s31, s31, $0xb8;
	[tilespmem:$0x1E000] =	vst v63  }
0x1b5: {  	_ =	swait.ge [sflag:s6], $0x4000  }
0x1b6: {  	[sflag:s6] =	ssyncset.done $0x0  }
0x1b7: {  	[sflag:s6] =	ssyncadd.s32 $0xFFFFC000  }
0x1b8: {  	[spmem:s2] =	stream.indirect.scatter.add.f32 [tilespmem:s1], [sflag:$0x3], $0x80, s30, s31, $0xb8;
	[tilespmem:$0x1E000] =	vst v63  }
0x1b9: {  	_ =	swait.ge [sflag:s29], $0x4000  }
0x1ba: {  	[sflag:s29] =	ssyncset.done $0x0  }
0x1bb: {  	s26 =	rddreg [dreg:$0x6];
	[sflag:s29] =	ssyncadd.s32 $0xFFFFC000  }
0x1bc: {  	[tilespmem:s1], [sflag:$0x1] =	stream.indirect.gather [hbm4b:s4+s31], $0x80, s26, s31, $0xb8;
	[tilespmem:$0x1E000] =	vst v63  }
0x1bd: {  	_ =	swait.ge [sflag:s7], $0x4000  }
0x1be: {  	[sflag:s7] =	ssyncset.done $0x0  }
0x1bf: {  	s25 =	rddreg [dreg:$0x7];
	[sflag:s7] =	ssyncadd.s32 $0xFFFFC000  }
0x1c0: {  	[spmem:s2] =	stream.indirect.scatter.add.f32 [tilespmem:s0], [sflag:$0x3], $0x80, s25, s31, $0xb8;
	[tilespmem:$0x1E000] =	vst v63  }
0x1c1: {  	_ =	swait.ge [sflag:s29], $0x4000  }
0x1c2: {  	[sflag:s29] =	ssyncset.done $0x0  }
0x1c3: {  	s26 =	rddreg [dreg:$0x8];
	[sflag:s29] =	ssyncadd.s32 $0xFFFFC000  }
0x1c4: {  	[tilespmem:s0], [sflag:$0x2] =	stream.indirect.gather [hbm4b:s4+s31], $0x80, s26, s31, $0xb8;
	[tilespmem:$0x1E000] =	vst v63  }
0x1c5: {  	_ =	swait.ge [sflag:s6], $0x4000  }
0x1c6: {  	[sflag:s6] =	ssyncset.done $0x0  }
0x1c7: {  	s25 =	rddreg [dreg:$0x9];
	[sflag:s6] =	ssyncadd.s32 $0xFFFFC000  }
0x1c8: {  	[spmem:s2] =	stream.indirect.scatter.add.f32 [tilespmem:s1], [sflag:$0x3], $0x80, s25, s31, $0xb8;
	[tilespmem:$0x1E000] =	vst v63  }
0x1c9: {  	_ =	swait.ge [sflag:s29], $0x4000  }
0x1ca: {  	[sflag:s29] =	ssyncset.done $0x0  }
0x1cb: {  	s26 =	rddreg [dreg:$0xa];
	[sflag:s29] =	ssyncadd.s32 $0xFFFFC000  }
0x1cc: {  	[tilespmem:s1], [sflag:$0x1] =	stream.indirect.gather [hbm4b:s4+s31], $0x80, s26, s31, $0xb8;
	[tilespmem:$0x1E000] =	vst v63  }
0x1cd: {  	_ =	swait.ge [sflag:s7], $0x4000  }
0x1ce: {  	[sflag:s7] =	ssyncset.done $0x0  }
0x1cf: {  	s25 =	rddreg [dreg:$0xb];
	[sflag:s7] =	ssyncadd.s32 $0xFFFFC000  }
0x1d0: {  	[spmem:s2] =	stream.indirect.scatter.add.f32 [tilespmem:s0], [sflag:$0x3], $0x80, s25, s31, $0xb8;
	[tilespmem:$0x1E000] =	vst v63  }
0x1d1: {  	_ =	swait.ge [sflag:s29], $0x4000  }
0x1d2: {  	[sflag:s29] =	ssyncset.done $0x0  }
0x1d3: {  	s26 =	rddreg [dreg:$0xc];
	[sflag:s29] =	ssyncadd.s32 $0xFFFFC000  }
0x1d4: {  	[tilespmem:s0], [sflag:$0x2] =	stream.indirect.gather [hbm4b:s4+s31], $0x80, s26, s31, $0xb8;
	[tilespmem:$0x1E000] =	vst v63  }
0x1d5: {  	_ =	swait.ge [sflag:s6], $0x4000  }
0x1d6: {  	[sflag:s6] =	ssyncset.done $0x0  }
0x1d7: {  	s25 =	rddreg [dreg:$0xd];
	[sflag:s6] =	ssyncadd.s32 $0xFFFFC000  }
0x1d8: {  	[spmem:s2] =	stream.indirect.scatter.add.f32 [tilespmem:s1], [sflag:$0x3], $0x80, s25, s31, $0xb8;
	[tilespmem:$0x1E000] =	vst v63  }
0x1d9: {  	_ =	swait.ge [sflag:s29], $0x4000  }
0x1da: {  	[sflag:s29] =	ssyncset.done $0x0  }
0x1db: {  	s26 =	rddreg [dreg:$0xe];
	[sflag:s29] =	ssyncadd.s32 $0xFFFFC000  }
0x1dc: {  	[tilespmem:s1], [sflag:$0x1] =	stream.indirect.gather [hbm4b:s4+s31], $0x80, s26, s31, $0xb8;
	[tilespmem:$0x1E000] =	vst v63  }
0x1dd: {  	_ =	swait.ge [sflag:s7], $0x4000  }
0x1de: {  	[sflag:s7] =	ssyncset.done $0x0  }
0x1df: {  	s25 =	rddreg [dreg:$0xf];
	[sflag:s7] =	ssyncadd.s32 $0xFFFFC000  }
0x1e0: {  	[spmem:s2] =	stream.indirect.scatter.add.f32 [tilespmem:s0], [sflag:$0x3], $0x80, s25, s31, $0xb8;
	[tilespmem:$0x1E000] =	vst v63  }
0x1e1: {  	_ =	swait.ge [sflag:s29], $0x4000  }
0x1e2: {  	[sflag:s29] =	ssyncset.done $0x0  }
0x1e3: {  	s26 =	rddreg [dreg:$0x10];
	[sflag:s29] =	ssyncadd.s32 $0xFFFFC000  }
0x1e4: {  	[tilespmem:s0], [sflag:$0x2] =	stream.indirect.gather [hbm4b:s4+s31], $0x80, s26, s31, $0xb8;
	[tilespmem:$0x1E000] =	vst v63  }
0x1e5: {  	_ =	swait.ge [sflag:s6], $0x4000  }
0x1e6: {  	[sflag:s6] =	ssyncset.done $0x0  }
0x1e7: {  	s25 =	rddreg [dreg:$0x11];
	[sflag:s6] =	ssyncadd.s32 $0xFFFFC000  }
0x1e8: {  	[spmem:s2] =	stream.indirect.scatter.add.f32 [tilespmem:s1], [sflag:$0x3], $0x80, s25, s31, $0xb8;
	[tilespmem:$0x1E000] =	vst v63  }
0x1e9: {  	_ =	swait.ge [sflag:s29], $0x4000  }
0x1ea: {  	[sflag:s29] =	ssyncset.done $0x0  }
0x1eb: {  	[sflag:s29] =	ssyncadd.s32 $0xFFFFC000  }
0x1ec: {  	[tilespmem:s1], [sflag:$0x1] =	stream.indirect.gather [hbm4b:s4+s31], $0x80, s8, s31, $0xb8;
	[tilespmem:$0x1E000] =	vst v63  }
0x1ed: {  	_ =	swait.ge [sflag:s7], $0x4000  }
0x1ee: {  	[sflag:s7] =	ssyncset.done $0x0  }
0x1ef: {  	[sflag:s7] =	ssyncadd.s32 $0xFFFFC000  }
0x1f0: {  	[spmem:s2] =	stream.indirect.scatter.add.f32 [tilespmem:s0], [sflag:$0x3], $0x80, s9, s31, $0xb8;
	[tilespmem:$0x1E000] =	vst v63  }
0x1f1: {  	_ =	swait.ge [sflag:s29], $0x4000  }
0x1f2: {  	[sflag:s29] =	ssyncset.done $0x0  }
0x1f3: {  	[sflag:s29] =	ssyncadd.s32 $0xFFFFC000  }
0x1f4: {  	[tilespmem:s0], [sflag:$0x2] =	stream.indirect.gather [hbm4b:s4+s31], $0x80, s10, s31, $0xb8;
	[tilespmem:$0x1E000] =	vst v63  }
0x1f5: {  	_ =	swait.ge [sflag:s6], $0x4000  }
0x1f6: {  	[sflag:s6] =	ssyncset.done $0x0  }
0x1f7: {  	[sflag:s6] =	ssyncadd.s32 $0xFFFFC000  }
0x1f8: {  	[spmem:s2] =	stream.indirect.scatter.add.f32 [tilespmem:s1], [sflag:$0x3], $0x80, s11, s31, $0xb8;
	[tilespmem:$0x1E000] =	vst v63  }
0x1f9: {  	_ =	swait.ge [sflag:s29], $0x4000  }
0x1fa: {  	[sflag:s29] =	ssyncset.done $0x0  }
0x1fb: {  	[sflag:s29] =	ssyncadd.s32 $0xFFFFC000  }
0x1fc: {  	[tilespmem:s1], [sflag:$0x1] =	stream.indirect.gather [hbm4b:s4+s31], $0x80, s12, s31, $0xb8;
	[tilespmem:$0x1E000] =	vst v63  }
0x1fd: {  	_ =	swait.ge [sflag:s7], $0x4000  }
0x1fe: {  	[sflag:s7] =	ssyncset.done $0x0  }
0x1ff: {  	[sflag:s7] =	ssyncadd.s32 $0xFFFFC000  }
0x200: {  	[spmem:s2] =	stream.indirect.scatter.add.f32 [tilespmem:s0], [sflag:$0x3], $0x80, s13, s31, $0xb8;
	[tilespmem:$0x1E000] =	vst v63  }
0x201: {  	_ =	swait.ge [sflag:s29], $0x4000  }
0x202: {  	[sflag:s29] =	ssyncset.done $0x0  }
0x203: {  	[sflag:s29] =	ssyncadd.s32 $0xFFFFC000  }
0x204: {  	[tilespmem:s0], [sflag:$0x2] =	stream.indirect.gather [hbm4b:s4+s31], $0x80, s14, s31, $0xb8;
	[tilespmem:$0x1E000] =	vst v63  }
0x205: {  	_ =	swait.ge [sflag:s6], $0x4000  }
0x206: {  	[sflag:s6] =	ssyncset.done $0x0  }
0x207: {  	[sflag:s6] =	ssyncadd.s32 $0xFFFFC000  }
0x208: {  	[spmem:s2] =	stream.indirect.scatter.add.f32 [tilespmem:s1], [sflag:$0x3], $0x80, s15, s31, $0xb8;
	[tilespmem:$0x1E000] =	vst v63  }
0x209: {  	_ =	swait.ge [sflag:s29], $0x4000  }
0x20a: {  	[sflag:s29] =	ssyncset.done $0x0  }
0x20b: {  	[sflag:s29] =	ssyncadd.s32 $0xFFFFC000  }
0x20c: {  	[tilespmem:s1], [sflag:$0x1] =	stream.indirect.gather [hbm4b:s4+s31], $0x80, s16, s31, $0xb8;
	[tilespmem:$0x1E000] =	vst v63  }
0x20d: {  	_ =	swait.ge [sflag:s7], $0x4000  }
0x20e: {  	[sflag:s7] =	ssyncset.done $0x0  }
0x20f: {  	[sflag:s7] =	ssyncadd.s32 $0xFFFFC000  }
0x210: {  	[spmem:s2] =	stream.indirect.scatter.add.f32 [tilespmem:s0], [sflag:$0x3], $0x80, s17, s31, $0xb8;
	[tilespmem:$0x1E000] =	vst v63  }
0x211: {  	_ =	swait.ge [sflag:s29], $0x4000  }
0x212: {  	[sflag:s29] =	ssyncset.done $0x0  }
0x213: {  	[sflag:s29] =	ssyncadd.s32 $0xFFFFC000  }
0x214: {  	[tilespmem:s0], [sflag:$0x2] =	stream.indirect.gather [hbm4b:s4+s31], $0x80, s18, s31, $0xb8;
	[tilespmem:$0x1E000] =	vst v63  }
0x215: {  	_ =	swait.ge [sflag:s6], $0x4000  }
0x216: {  	[sflag:s6] =	ssyncset.done $0x0  }
0x217: {  	[sflag:s6] =	ssyncadd.s32 $0xFFFFC000  }
0x218: {  	[spmem:s2] =	stream.indirect.scatter.add.f32 [tilespmem:s1], [sflag:$0x3], $0x80, s19, s31, $0xb8;
	[tilespmem:$0x1E000] =	vst v63  }
0x219: {  	_ =	swait.ge [sflag:s29], $0x4000  }
0x21a: {  	[sflag:s29] =	ssyncset.done $0x0  }
0x21b: {  	[sflag:s29] =	ssyncadd.s32 $0xFFFFC000  }
0x21c: {  	[tilespmem:s1], [sflag:$0x1] =	stream.indirect.gather [hbm4b:s4+s31], $0x80, s20, s31, $0xb8;
	[tilespmem:$0x1E000] =	vst v63  }
0x21d: {  	_ =	swait.ge [sflag:s7], $0x4000  }
0x21e: {  	[sflag:s7] =	ssyncset.done $0x0  }
0x21f: {  	[sflag:s7] =	ssyncadd.s32 $0xFFFFC000  }
0x220: {  	[spmem:s2] =	stream.indirect.scatter.add.f32 [tilespmem:s0], [sflag:$0x3], $0x80, s21, s31, $0xb8;
	[tilespmem:$0x1E000] =	vst v63  }
0x221: {  	_ =	swait.ge [sflag:s29], $0x4000  }
0x222: {  	[sflag:s29] =	ssyncset.done $0x0  }
0x223: {  	[sflag:s29] =	ssyncadd.s32 $0xFFFFC000  }
0x224: {  	[tilespmem:s0], [sflag:$0x2] =	stream.indirect.gather [hbm4b:s4+s31], $0x80, s22, s31, $0xb8;
	[tilespmem:$0x1E000] =	vst v63  }
0x225: {  	_ =	swait.ge [sflag:s6], $0x4000  }
0x226: {  	[sflag:s6] =	ssyncset.done $0x0  }
0x227: {  	[sflag:s6] =	ssyncadd.s32 $0xFFFFC000  }
0x228: {  	[spmem:s2] =	stream.indirect.scatter.add.f32 [tilespmem:s1], [sflag:$0x3], $0x80, s23, s31, $0xb8;
	[tilespmem:$0x1E000] =	vst v63  }
0x229: {  	_ =	swait.ge [sflag:s29], $0x4000  }
0x22a: {  	[sflag:s29] =	ssyncset.done $0x0  }
0x22b: {  	[sflag:s29] =	ssyncadd.s32 $0xFFFFC000  }
0x22c: {  	_ =	swait.ge [sflag:s7], $0x4000  }
0x22d: {  	[sflag:s7] =	ssyncset.done $0x0  }
0x22e: {  	[sflag:s7] =	ssyncadd.s32 $0xFFFFC000  }
0x22f: {  	[spmem:s2] =	stream.indirect.scatter.add.f32 [tilespmem:s0], [sflag:$0x3], $0x80, s24, s31, $0xb8;
	[tilespmem:$0x1E000] =	vst v63  }
0x230: {  	_ =	swait.ge [sflag:s29], $0x4000  }
0x231: {  	[sflag:s29] =	ssyncset.done $0x0  }
0x232: {  	[sflag:s29] =	ssyncadd.s32 $0xFFFFC000  }
0x233: {  	s26 =	stileid.u32;
	[bflag:$0x0] =	sbarrier.arrive $0xFFFF  }
0x234: {  	s5 =	sshll.u32 s26, $0x6;
	s28 =	rddreg [dreg:$0x12]  }
0x235: {  	s5 =	sor.u32 $0x1C03, s5;
	s26 =	rddreg [dreg:$0x13];
	s25 =	sshrl.u32 s28, $0x3  }
0x236: {  	[hbm:s26], [sflag:s5] =	dma.local [spmem:s25], $0x2800  }
0x237: {  	_ =	swait.ge [sflag:s29], $0x2800  }
0x238: {  	s5 =	sld [smem:$0x7F5];
	_ =	sdelay $0x2  }
0x239: {  	s26 =	rddreg [dreg:$0x14];
	s25 =	sadd.s32 $0x1, s5  }
0x23a: {  	p0 =	sne.s32 s25, s26  }
.Ltmp2:
0x23b: {  	_ = 	snop;
	(pc) =	sbr.rel @p0 .LBB2_1-.Ltmp2, $3  }
0x23c: {  	_ =	sdelay $0x1  }
0x23d: {  	[sflag:s29] =	ssyncset.done $0x0  }
0x23e: {  	[sflag:s29] =	ssyncadd.s32 $0xFFFFD800  }
0x23f: {  	_ =	sfence.sel $0x180000  }
0x240: {  	[bflag:$0x0] =	sbarrier.arrive $0xFFFF  }
0x241: {  	_ =	strace $0x9000004D  }
0x242: {  	s0 =	stileid.u32;
	[bflag:$0x2] =	sbarrier.arrive $0xFFFF  }
0x243: {  	p0 =	sne.s32 s0, $0x0;
	s0 =	rddreg [dreg:$0x3]  }
0x244: {  	s0 =	sadd.s32 @!p0 $0x100000, s0  }
0x245: {  	[sflag:s0] =	ssyncadd.tile.s32 @!p0 $0x1;
	_ =	shalt  }
.Lfunc_end2:
_tile_overlayer_lowered:
.L_overlay_start_2:
0x246: {  	(tag) =	ssettag $0x2  }
0x247: {  	s0 =	rddreg [dreg:$0x0];
	s2 =	stileid.u32  }
0x248: {  	s1 =	rddreg [dreg:$0x1];
	p0 =	sne.s32 s2, $0x0  }
0x249: {  	s3 =	rddreg [dreg:$0x2];
	[bflag:$0x3] =	sbarrier.arrive $0xFFFF;
	s2 =	simm.s32 @!p0 $0x1C03  }
0x24a: {  	[timem:s3], [sflag:s2] =	dma.local @!p0 [hbm:s0], s1  }
0x24b: {  	s0 =	simm.s32 @!p0 $0x3  }
0x24c: {  	_ =	swait.ge @!p0 [sflag:s0], s1  }
0x24d: {  	s1 =	ssub.s32 @!p0 $0x0, s1;
	[sflag:s0] =	ssyncset.done @!p0 $0x0  }
0x24e: {  	[sflag:s0] =	ssyncadd.s32 @!p0 s1  }
0x24f: {  	[bflag:$0x3] =	sbarrier.arrive $0xFFFF  }
0x250: {  	_ =	shalt  }

// kernel: kernel.19.cloned.1.call-start
scs
__scs_entry_jumppad:
0x0: {  	(pc) =	sbr.rel $0x88, $3  }
0x1: {  	(tag) =	ssettag $0x0;
	lr =	simm.s32 $0x1  }
0x2: {  	[smem:$0x3F97] =	sst lr;
	_ =	strace $0xD0000000  }
0x3: {  	_ = 	snop  }
0x4: {  	_ = 	snop  }
0x5: {  	_ = 	snop  }
0x6: {  	_ = 	snop  }
0x7: {  	_ = 	snop  }
__scs_overlays_trampoline_lowered:
0x8: {  	[smem:$0x3FA6] =	sst s0  }
0x9: {  	[smem:$0x3FA7] =	sst s1  }
0xa: {  	[smem:$0x3FA8] =	sst s2  }
0xb: {  	[smem:$0x3FA9] =	sst s3  }
0xc: {  	[smem:$0x3FAA] =	sst s4  }
0xd: {  	[smem:$0x3FAB] =	sst s5  }
0xe: {  	[smem:$0x3FAC] =	sst s6  }
0xf: {  	[smem:$0x3FAD] =	sst s7  }
0x10: {  	[smem:$0x3FAE] =	sst s8  }
0x11: {  	[smem:$0x3FAF] =	sst s9;
	s0 =	simm.s32 @!p0 $0x0  }
0x12: {  	s1 =	sld [smem:$0x3F95];
	s0 =	simm.s32 @p0 $0x1  }
0x13: {  	[smem:$0x3FB0] =	sst s0;
	s0 =	simm.s32 @!p1 $0x0  }
0x14: {  	s2 =	sld [smem:$0x3F94];
	s0 =	simm.s32 @p1 $0x1  }
0x15: {  	[smem:$0x3FB1] =	sst s0;
	s0 =	simm.s32 @!p2 $0x0  }
0x16: {  	s3 =	sld [smem:$0x3FDB];
	s0 =	simm.s32 @p2 $0x1  }
0x17: {  	s4 =	simm.s32 $0x1BF5;
	[smem:$0x3FB3] =	sst s0  }
0x18: {  	s0 =	sld [smem:$0x3F96];
	_ =	swait.ge [sflag:s4], $0x0  }
0x19: {  	s7 =	sld [smem:$0x3F97]  }
0x1a: {  	s8 =	sadd.s32 $0xFFFFE003, lr  }
0x1b: {  	s9 =	sadd.s32 $0xFFFFFEF7, lr;
	s5 =	simm.s32 $0xFFFFFFFF;
	p2 =	slt.u32 s8, $0xFFFFF086  }
0x1c: {  	p1 =	slt.u32 s9, $0xF7A;
	s5 =	simm.s32 @!p2 $0x0  }
0x1d: {  	s5 =	simm.s32 @p1 $0x1;
	p0 =	seq.s32 s7, s2  }
0x1e: {  	s7 =	smul.u32 @!p0 $0xF7A, s2;
	p2 =	seq.s32 @!p0 s5, $0x0  }
0x1f: {  	s9 =	smul.u32 $0xF7A, s1;
	s8 =	simm.s32 @!p0 $0x1BF5;
	p2 =	por !p2, p0  }
0x20: {  	[sflag:s8] =	ssyncset.s32 @!p0 $0xFFFFF086;
	s6 =	sadd.s32 @!p0 s3, s7;
	s7 =	simm.s32 @!p0 $0x108  }
0x21: {  	s3 =	sadd.s32 s3, s9;
	s6 =	sadd.s32 @!p0 $0x88, s6;
	s7 =	simm.s32 @p2 $0x1082  }
0x22: {  	[simem:s7], [sflag:s8] =	dma.local @!p0 [hbm:s6], $0xF7A  }
0x23: {  	s9 =	sor.u32 $0xD0000000, s2;
	s6 =	simm.s32 $0x108;
	_ =	swait.ge @!p0 [sflag:s8], $0x0  }
0x24: {  	s3 =	sadd.s32 $0x88, s3;
	s6 =	simm.s32 @!p1 $0x1082;
	[sflag:s4] =	ssyncset.s32 $0xFFFFF086  }
0x25: {  	[simem:s6], [sflag:s4] =	dma.local [hbm:s3], $0xF7A  }
0x26: {  	[smem:$0x3F97] =	sst s1;
	(tag) =	ssettag s2;
	_ =	strace s9  }
0x27: {  	s1 =	sld [smem:$0x3FA7]  }
0x28: {  	s2 =	sld [smem:$0x3FA8]  }
0x29: {  	s4 =	sld [smem:$0x3FAA]  }
0x2a: {  	p0 =	seq.s32 s5, $0x0;
	s5 =	sld [smem:$0x3FAB]  }
0x2b: {  	s6 =	sld [smem:$0x3FAC]  }
0x2c: {  	s7 =	sld [smem:$0x3FAD]  }
0x2d: {  	s3 =	simm.s32 $0x108;
	s8 =	sld [smem:$0x3FAE]  }
0x2e: {  	s3 =	simm.s32 @!p0 $0x1082;
	s9 =	sld [smem:$0x3FAF]  }
0x2f: {  	lr =	sadd.s32 s0, s3;
	s0 =	sld [smem:$0x3FA6]  }
0x30: {  	s3 =	sld [smem:$0x3FA9]  }
0x31: {  	[smem:$0x3FB2] =	sst s10  }
0x32: {  	s10 =	sld [smem:$0x3FB0];
	_ =	sdelay $0x3  }
0x33: {  	p0 =	seq.s32 s10, $0x1;
	s10 =	sld [smem:$0x3FB2];
	_ =	sdelay $0x3  }
0x34: {  	[smem:$0x3FB2] =	sst s10  }
0x35: {  	s10 =	sld [smem:$0x3FB1];
	_ =	sdelay $0x3  }
0x36: {  	p1 =	seq.s32 s10, $0x1;
	s10 =	sld [smem:$0x3FB2];
	_ =	sdelay $0x3  }
0x37: {  	[smem:$0x3FB2] =	sst s10  }
0x38: {  	s10 =	sld [smem:$0x3FB3]  }
0x39: {  	_ = 	snop;
	(pc) =	sbr.ind lr, $3  }
0x3a: {  	_ = 	snop  }
0x3b: {  	_ = 	snop  }
0x3c: {  	p2 =	seq.s32 s10, $0x1;
	s10 =	sld [smem:$0x3FB2]  }
0x3d: {  	_ =	shalt  }
0x3e: {  	_ =	shalt  }
0x3f: {  	_ =	shalt  }
0x40: {  	_ =	shalt  }
0x41: {  	_ =	shalt  }
0x42: {  	_ =	shalt  }
0x43: {  	_ =	shalt  }
0x44: {  	_ =	shalt  }
0x45: {  	_ =	shalt  }
0x46: {  	_ =	shalt  }
0x47: {  	_ =	shalt  }
0x48: {  	_ =	shalt  }
0x49: {  	_ =	shalt  }
0x4a: {  	_ =	shalt  }
0x4b: {  	_ =	shalt  }
0x4c: {  	_ =	shalt  }
0x4d: {  	_ =	shalt  }
0x4e: {  	_ =	shalt  }
0x4f: {  	_ =	shalt  }
0x50: {  	_ =	shalt  }
0x51: {  	_ =	shalt  }
0x52: {  	_ =	shalt  }
0x53: {  	_ =	shalt  }
0x54: {  	_ =	shalt  }
0x55: {  	_ =	shalt  }
0x56: {  	_ =	shalt  }
0x57: {  	_ =	shalt  }
0x58: {  	_ =	shalt  }
0x59: {  	_ =	shalt  }
0x5a: {  	_ =	shalt  }
0x5b: {  	_ =	shalt  }
0x5c: {  	_ =	shalt  }
0x5d: {  	_ =	shalt  }
0x5e: {  	_ =	shalt  }
0x5f: {  	_ =	shalt  }
0x60: {  	_ =	shalt  }
0x61: {  	_ =	shalt  }
0x62: {  	_ =	shalt  }
0x63: {  	_ =	shalt  }
0x64: {  	_ =	shalt  }
0x65: {  	_ =	shalt  }
0x66: {  	_ =	shalt  }
0x67: {  	_ =	shalt  }
0x68: {  	_ =	shalt  }
0x69: {  	_ =	shalt  }
0x6a: {  	_ =	shalt  }
0x6b: {  	_ =	shalt  }
0x6c: {  	_ =	shalt  }
0x6d: {  	_ =	shalt  }
0x6e: {  	_ =	shalt  }
0x6f: {  	_ =	shalt  }
0x70: {  	_ =	shalt  }
0x71: {  	_ =	shalt  }
0x72: {  	_ =	shalt  }
0x73: {  	_ =	shalt  }
0x74: {  	_ =	shalt  }
0x75: {  	_ =	shalt  }
0x76: {  	_ =	shalt  }
0x77: {  	_ =	shalt  }
0x78: {  	_ =	shalt  }
0x79: {  	_ =	shalt  }
0x7a: {  	_ =	shalt  }
0x7b: {  	_ =	shalt  }
0x7c: {  	_ =	shalt  }
0x7d: {  	_ =	shalt  }
0x7e: {  	_ =	shalt  }
0x7f: {  	_ =	shalt  }
0x80: {  	_ =	shalt  }
0x81: {  	_ =	shalt  }
0x82: {  	_ =	shalt  }
0x83: {  	_ =	shalt  }
0x84: {  	_ =	shalt  }
0x85: {  	_ =	shalt  }
0x86: {  	_ =	shalt  }
0x87: {  	_ =	shalt  }
.Lfunc_end0:
.L_simem_size_0:
called_computation.3_lowered:
.L_overlay_start_0:
0x88: {  	s2 =	sld [smem:$0x3FD9]  }
0x89: {  	s3 =	sld [smem:$0x3FFE];
	_ =	sdelay $0x1  }
0x8a: {  	s1 =	srdreg.scid  }
0x8b: {  	s0 =	sand.u32 $0x1, s1  }
0x8c: {  	s17 =	sshll.u32 s0, $0xA;
	s2 =	sadd.s32 s3, s2  }
0x8d: {  	s2 =	sadd.s32 s2, s17  }
0x8e: {  	[smem:$0x3FBE] =	sst s2  }
0x8f: {  	_ = 	snop  }
0x90: {  	s2 =	sld [smem:$0x3FD0];
	(tm) =	ssettm $0x1  }
0x91: {  	s18 =	sld [smem:$0x3FFB];
	_ =	sdelay $0x3  }
0x92: {  	_ =	strace s18  }
0x93: {  	s3 =	sld [smem:$0x3FFC];
	_ =	sdelay $0x3  }
0x94: {  	_ =	strace s3  }
0x95: {  	s3 =	sld [smem:$0x3FFD];
	_ =	sdelay $0x3  }
0x96: {  	_ =	strace s3  }
0x97: {  	_ =	strace $0x8FFFFFFF  }
0x98: {  	s19 =	sld [smem:$0x3FDB];
	_ =	sdelay $0x1  }
0x99: {  	s4 =	simm.s32 $_scs_section_size  }
0x9a: {  	s5 =	simm.s32 $_size__tile_overlayer_lowered;
	s6 =	simm.s32 $_tile_overlayer_lowered  }
0x9b: {  	s22 =	simm.s32 $0x1BFF;
	s21 =	sshll.u32 s6, $0x1;
	s3 =	sadd.s32 s4, s19  }
0x9c: {  	s7 =	simm.s32 $0x0;
	s20 =	sshll.u32 s5, $0x1;
	s5 =	sadd.s32 s21, s3  }
0x9d: {  	[timem:s7], [sflag:s22] =	dma.local [hbm:s5], s20  }
0x9e: {  	_ =	swait.ge [sflag:s22], s20  }
0x9f: {  	s4 =	ssub.s32 $0x0, s20;
	[sflag:s22] =	ssyncset.done $0x0  }
0xa0: {  	[sflag:s22] =	ssyncadd.s32 s4;
	_ =	sdelay $0x1  }
0xa1: {  	s23 =	simm.s32 $0x1B8B  }
0xa2: {  	_ =	swait.ge [sflag:s23], $0x1  }
0xa3: {  	[sflag:s23] =	ssyncset.done $0x0  }
0xa4: {  	s25 =	simm.s32 $0x1B8E;
	s24 =	sld [smem:$0x3FFE];
	[sflag:s23] =	ssyncadd.s32 $0xFFFFFFFF  }
0xa5: {  	s26 =	simm.s32 $execute0_lowered;
	[smem:$0x3FD2] =	sst s25  }
0xa6: {  	s5 =	sshll.u32 s26, $0x1;
	_ =	strace $0x8000004F;
	[dreg:$0x1] =	wrdreg $0xFFFFFFFF  }
0xa7: {  	s28 =	simm.s32 $_size_execute0_lowered;
	s3 =	sadd.s32 s3, s5;
	[dreg:$0x0] =	wrdreg $0x0  }
0xa8: {  	s5 =	sshll.u32 s28, $0x1;
	[dreg:$0x2] =	wrdreg s3  }
0xa9: {  	[dreg:$0x3] =	wrdreg s5  }
0xaa: {  	[dreg:$0x4] =	wrdreg $0xC0  }
0xab: {  	_ =	task [dreg:s7], $0x5FFFF  }
0xac: {  	[dreg:$0x1] =	wrdreg $0xFFFFFFFF  }
0xad: {  	[dreg:$0x0] =	wrdreg $0x60  }
0xae: {  	[dreg:$0x2] =	wrdreg s24  }
0xaf: {  	[dreg:$0x3] =	wrdreg s2  }
0xb0: {  	[dreg:$0x4] =	wrdreg $0x9  }
0xb1: {  	_ =	task.clear_ibuf [dreg:s7], $0x5FFFF;
	_ =	strace $0x9000004F  }
0xb2: {  	s29 =	simm.s32 $0x9;
	_ =	strace $0x80000051  }
0xb3: {  	_ =	swait.ge [sflag:s29], $0x1  }
0xb4: {  	[sflag:s29] =	ssyncadd.s32 $0xFFFFFFFF  }
0xb5: {  	_ =	strace $0x90000051  }
0xb6: {  	_ =	sfence  }
0xb7: {  	s30 =	sld [smem:$0x0];
	_ =	sdelay $0x2  }
0xb8: {  	s31 =	sshll.u32 s1, $0xD;
	s1 =	sshrl.u32 s1, $0x2  }
0xb9: {  	s3 =	sand.u32 $0x4000, s31;
	s1 =	sadd.s32 s1, s30  }
0xba: {  	s0 =	sor.u32 s3, s0;
	s1 =	sshll.u32 s1, $0x11  }
0xbb: {  	s0 =	sor.u32 s1, s0  }
0xbc: {  	s0 =	sadd.s32 $0x8F2B, s0  }
0xbd: {  	[sflag:s0] =	ssyncadd.remote.s32 $0x1  }
0xbe: {  	_ =	sfence.sel $0xFFFF  }
0xbf: {  	[dreg:$0x0] =	wrdreg $0xFFFFFFFF;
	(pc) =	sbr.abs _section_cstart, $3  }
0xc0: {  	[dreg:$0x1] =	wrdreg $0xFFFFFFFF  }
0xc1: {  	_ =	task.clear_ibuf [dreg:s7], $0x2FFFF;
	_ =	strace $0x9FFFFFFF  }
0xc2: {  	(tm) =	ssettm $0x7FFFFFFF  }
0xc3: {  	_ =	shalt  }
tec
execute0_lowered:
.L_overlay_start_1:
0x0: {  	(tag) =	ssettag $0x1  }
0x1: {  	s0 =	rddreg [dreg:$0x0]  }
0x2: {  	s1 =	rddreg [dreg:$0x1];
	s3 =	simm.s32 $0x0;
	s2 =	srdreg.scid  }
0x3: {  	s5 =	stileid.u32;
	s11 =	simm.s32 $0x5;
	s12 =	simm.s32 $0x800  }
0x4: {  	s13 =	simm.s32 $0x80;
	s14 =	simm.s32 $0x1000;
	s15 =	simm.s32 $0x9000  }
0x5: {  	s16 =	simm.s32 $0x5000;
	s17 =	simm.s32 $0x880;
	s18 =	simm.s32 $0xD000  }
0x6: {  	s19 =	simm.s32 $0x1;
	s20 =	simm.s32 $0x11000;
	s21 =	simm.s32 $0x2  }
0x7: {  	s22 =	simm.s32 $0x15000;
	s23 =	simm.s32 $0x3;
	s24 =	simm.s32 $0x4  }
0x8: {  	s25 =	simm.s32 $0x0;
	[smem:$0x7FF] =	sst s3;
	s2 =	sand.u32 $0x1, s2  }
.Ltmp0:
0x9: {  	s4 =	sadd.s32 $0x17600, s0;
	s7 =	ssub.s32 $0x2, s2;
	(pc) =	sbr.rel .LBB2_1-.Ltmp0, $4  }
0xa: {  	s6 =	sshll.u32 s5, $0x1;
	s5 =	sadd.s32 $0x3F600, s0;
	s8 =	sshrl.u32 s7, $0x1  }
0xb: {  	_ =	strace $0x80000050;
	s2 =	sor.u32 s2, s6;
	s10 =	ssub.s32 s7, s8  }
0xc: {  	s6 =	sadd.s32 $0x3600, s0;
	s9 =	smul.u32 $0x280000, s2;
	s31 =	smax.u32 s10, $0x1  }
0xd: {  	s7 =	smul.u32 $0x5000, s2;
	s8 =	sadd.s32 $0x67600, s0;
	[dreg:$0x3] =	wrdreg s31  }
.LBB2_10:
0xe: {  	_ =	swait.ge [sflag:s23], $0x4000  }
0xf: {  	[sflag:s23] =	ssyncset.done $0x0  }
0x10: {  	[sflag:s23] =	ssyncadd.s32 $0xFFFFC000  }
0x11: {  	_ =	swait.ge [sflag:s24], $0x4000  }
0x12: {  	s25 =	sadd.s32 $0x1, s25;
	s0 =	rddreg [dreg:$0x3]  }
0x13: {  	p0 =	sne.s32 s25, s0  }
.Ltmp1:
0x14: {  	_ = 	snop;
	(pc) =	sbr.rel @!p0 .LBB2_11-.Ltmp1, $3  }
0x15: {  	_ =	sdelay $0x1  }
0x16: {  	[sflag:s24] =	ssyncset.done $0x0  }
0x17: {  	[sflag:s24] =	ssyncadd.s32 $0xFFFFC000  }
.LBB2_1:
.Ltmp2:
0x18: {  	(pc) =	sbr.rel .LBB2_2-.Ltmp2, $2  }
0x19: {  	_ =	sdelay $0x2  }
0x1a: {  	s26 =	simm.s32 $0x0  }
.LBB2_9:
0x1b: {  	s26 =	sadd.s32 $0x1, s26  }
0x1c: {  	p0 =	sne.s32 s26, $0xA  }
.Ltmp3:
0x1d: {  	_ = 	snop;
	(pc) =	sbr.rel @!p0 .LBB2_10-.Ltmp3, $1  }
0x1e: {  	_ =	sdelay $0x3  }
.LBB2_2:
0x1f: {  	s0 =	sshll.u32 s26, $0xB  }
0x20: {  	s0 =	sadd.s32 s7, s0  }
0x21: {  	s0 =	sshrl.u32 s0, $0x3  }
0x22: {  	s28 =	simm.s32 $0x0;
	s2 =	sadd.s32 s1, s0  }
0x23: {  	[tilespmem:s28], [sflag:$0x5] =	stream.linear.gather [hbm4b:s2+s28], $0x800, $0x38;
	[tilespmem:$0x19000] =	vst v63  }
0x24: {  	_ =	swait.ge [sflag:s11], $0x800  }
0x25: {  	[sflag:s11] =	ssyncset.done $0x0  }
0x26: {  	s0 =	sadd.s32 s6, s0;
	[sflag:s11] =	ssyncadd.s32 $0xFFFFF800  }
0x27: {  	[tilespmem:s12], [sflag:$0x5] =	stream.linear.gather [hbm4b:s0+s28], $0x800, $0x38;
	[tilespmem:$0x19000] =	vst v63  }
0x28: {  	_ =	swait.ge [sflag:s11], $0x800  }
0x29: {  	[sflag:s11] =	ssyncset.done $0x0  }
0x2a: {  	[sflag:s11] =	ssyncadd.s32 $0xFFFFF800  }
0x2b: {  	[tilespmem:s14], [sflag:$0x1] =	stream.indirect.gather [hbm4b:s4+s13], $0x80, s28, s13, $0xb8;
	[tilespmem:$0x19000] =	vst v63  }
0x2c: {  	_ = 	snop  }
0x2d: {  	[tilespmem:s15], [sflag:$0x1] =	stream.indirect.gather [hbm4b:s5+s13], $0x80, s12, s13, $0xb8;
	[tilespmem:$0x19000] =	vst v63  }
0x2e: {  	_ = 	snop  }
0x2f: {  	[tilespmem:s16], [sflag:$0x2] =	stream.indirect.gather [hbm4b:s4+s13], $0x80, s13, s13, $0xb8;
	[tilespmem:$0x19000] =	vst v63  }
0x30: {  	s29 =	sshll.u32 s26, $0x4  }
0x31: {  	[tilespmem:s18], [sflag:$0x2] =	stream.indirect.gather [hbm4b:s5+s13], $0x80, s17, s13, $0xb8;
	[tilespmem:$0x19000] =	vst v63  }
.LBB2_3:
0x32: {  	_ =	swait.ge [sflag:s19], $0x4000  }
0x33: {  	[sflag:s19] =	ssyncset.done $0x0  }
0x34: {  	[sflag:s19] =	ssyncadd.s32 $0xFFFFC000  }
0x35: {  	s0 =	sor.u32 s26, s28;
	_ =	swait.ge [sflag:s19], $0x4000  }
0x36: {  	p0 =	seq.s32 s0, $0x0;
	[sflag:s19] =	ssyncset.done $0x0  }
0x37: {  	s0 =	simm.s32 @!p0 $0x3;
	[sflag:s19] =	ssyncadd.s32 $0xFFFFC000  }
0x38: {  	_ =	swait.ge @!p0 [sflag:s0], $0x4000  }
0x39: {  	[sflag:s0] =	ssyncset.done @!p0 $0x0  }
0x3a: {  	s31 =	simm.s32 $0x0;
	[sflag:s0] =	ssyncadd.s32 @!p0 $0xFFFFC000  }
0x3b: {  	v0 =	vld [tilespmem:s31+$0x1070]  }
0x3c: {  	v1 =	vld [tilespmem:s31+$0x9070]  }
0x3d: {  	v2 =	vld [tilespmem:s31+$0x1000]  }
0x3e: {  	v3 =	vld [tilespmem:s31+$0x9000]  }
0x3f: {  	v4 =	vld [tilespmem:s31+$0x1010]  }
0x40: {  	v5 =	vld [tilespmem:s31+$0x9010]  }
0x41: {  	v6 =	vld [tilespmem:s31+$0x1020]  }
0x42: {  	v0 =	vadd.f32 v1, v0;
	v1 =	vld [tilespmem:s31+$0x9020]  }
0x43: {  	v7 =	vld [tilespmem:s31+$0x1030]  }
0x44: {  	v8 =	vld [tilespmem:s31+$0x9030];
	v2 =	vadd.f32 v3, v2  }
0x45: {  	v9 =	vld [tilespmem:s31+$0x1040];
	v0 =	vmax.f32 v0, $0.0e+00  }
0x46: {  	[tilespmem:s31+$0x11070] =	vst v0;
	v0 =	vmax.f32 v2, $0.0e+00;
	v2 =	vadd.f32 v5, v4;
	v5 =	vld [tilespmem:s31+$0x9040]  }
0x47: {  	v3 =	vld [tilespmem:s31+$0x9050];
	v1 =	vadd.f32 v1, v6  }
0x48: {  	[tilespmem:s31+$0x11000] =	vst v0;
	v0 =	vld [tilespmem:s31+$0x1050];
	v2 =	vmax.f32 v2, $0.0e+00  }
0x49: {  	v4 =	vld [tilespmem:s31+$0x9060];
	v6 =	vadd.f32 v8, v7;
	[tilespmem:s31+$0x11010] =	vst v2;
	v2 =	vmax.f32 v1, $0.0e+00  }
0x4a: {  	s0 =	simm.s32 $0x80;
	v1 =	vld [tilespmem:s31+$0x1060];
	[tilespmem:s31+$0x11020] =	vst v2  }
0x4b: {  	s30 =	sshll.u32 s28, $0x1;
	s2 =	simm.s32 $0x400;
	v6 =	vmax.f32 v6, $0.0e+00;
	v5 =	vadd.f32 v5, v9;
	v2 =	vld [tilespmem:s0+$0x1070]  }
.LBB2_4:
0x4c: {  	p1 =	sne.s32 s2, $0xFE00;
	v7 =	vld [tilespmem:s0+$0x9070];
	[tilespmem:s31+$0x11030] =	vst v6  }
0x4d: {  	v6 =	vld [tilespmem:s0+$0x1000];
	v5 =	vmax.f32 v5, $0.0e+00;
	v0 =	vadd.f32 v3, v0  }
0x4e: {  	v3 =	vld [tilespmem:s0+$0x9000];
	[tilespmem:s31+$0x11040] =	vst v5  }
0x4f: {  	v5 =	vld [tilespmem:s0+$0x1010];
	v0 =	vmax.f32 v0, $0.0e+00;
	v1 =	vadd.f32 v4, v1  }
0x50: {  	v4 =	vld [tilespmem:s0+$0x9010];
	[tilespmem:s31+$0x11050] =	vst v0  }
0x51: {  	v0 =	vld [tilespmem:s0+$0x1020];
	v2 =	vadd.f32 v7, v2;
	v1 =	vmax.f32 v1, $0.0e+00  }
0x52: {  	v7 =	vld [tilespmem:s0+$0x9020];
	[tilespmem:s31+$0x11060] =	vst v1;
	s31 =	smov.u32 s0  }
0x53: {  	v1 =	vadd.f32 v3, v6;
	v6 =	vld [tilespmem:s31+$0x1030];
	v2 =	vmax.f32 v2, $0.0e+00  }
0x54: {  	v8 =	vld [tilespmem:s31+$0x9030];
	[tilespmem:s31+$0x11070] =	vst v2  }
0x55: {  	v1 =	vmax.f32 v1, $0.0e+00;
	v2 =	vadd.f32 v4, v5;
	v5 =	vld [tilespmem:s31+$0x1040]  }
0x56: {  	[tilespmem:s31+$0x11000] =	vst v1;
	v9 =	vld [tilespmem:s31+$0x9040]  }
.Ltmp4:
0x57: {  	v1 =	vmax.f32 v2, $0.0e+00;
	v2 =	vadd.f32 v7, v0;
	v0 =	vld [tilespmem:s31+$0x1050];
	(pc) =	sbr.rel @p1 .LBB2_4-.Ltmp4, $4  }
0x58: {  	[tilespmem:s31+$0x11010] =	vst v1;
	v3 =	vld [tilespmem:s31+$0x9050]  }
0x59: {  	v2 =	vmax.f32 v2, $0.0e+00;
	v6 =	vadd.f32 v8, v6;
	v1 =	vld [tilespmem:s31+$0x1060]  }
0x5a: {  	s0 =	sshra.s32 s2, $0x2;
	[tilespmem:s31+$0x11020] =	vst v2;
	v4 =	vld [tilespmem:s31+$0x9060]  }
0x5b: {  	s2 =	sadd.s32 $0x200, s2;
	v2 =	vld [tilespmem:s0+$0x1070];
	v6 =	vmax.f32 v6, $0.0e+00;
	v5 =	vadd.f32 v9, v5  }
0x5c: {  	v7 =	vld [tilespmem:s0+$0x9070];
	[tilespmem:s31+$0x11030] =	vst v6  }
0x5d: {  	v6 =	vld [tilespmem:s0+$0x1000];
	v5 =	vmax.f32 v5, $0.0e+00;
	v0 =	vadd.f32 v3, v0  }
0x5e: {  	v8 =	vld [tilespmem:s0+$0x9000];
	[tilespmem:s31+$0x11040] =	vst v5  }
0x5f: {  	v3 =	vld [tilespmem:s0+$0x1010];
	v0 =	vmax.f32 v0, $0.0e+00;
	v1 =	vadd.f32 v4, v1  }
0x60: {  	v5 =	vld [tilespmem:s0+$0x9010];
	[tilespmem:s31+$0x11050] =	vst v0  }
0x61: {  	v0 =	vld [tilespmem:s0+$0x1020];
	v1 =	vmax.f32 v1, $0.0e+00  }
0x62: {  	v4 =	vld [tilespmem:s0+$0x9020];
	v2 =	vadd.f32 v7, v2;
	[tilespmem:s31+$0x11060] =	vst v1  }
0x63: {  	v6 =	vadd.f32 v8, v6;
	v1 =	vld [tilespmem:s0+$0x1030]  }
0x64: {  	v2 =	vmax.f32 v2, $0.0e+00;
	v7 =	vld [tilespmem:s0+$0x9030]  }
0x65: {  	[tilespmem:s0+$0x11070] =	vst v2;
	v2 =	vmax.f32 v6, $0.0e+00;
	v6 =	vld [tilespmem:s0+$0x1040]  }
0x66: {  	v3 =	vadd.f32 v5, v3;
	v5 =	vld [tilespmem:s0+$0x1050]  }
0x67: {  	[tilespmem:s0+$0x11000] =	vst v2;
	v2 =	vld [tilespmem:s0+$0x9040];
	v0 =	vadd.f32 v4, v0  }
0x68: {  	v3 =	vmax.f32 v3, $0.0e+00;
	v4 =	vld [tilespmem:s0+$0x1060]  }
0x69: {  	[tilespmem:s0+$0x11010] =	vst v3;
	v3 =	vld [tilespmem:s0+$0x9050];
	v0 =	vmax.f32 v0, $0.0e+00  }
0x6a: {  	[tilespmem:s0+$0x11020] =	vst v0;
	v0 =	vld [tilespmem:s0+$0x9060];
	_ =	sdelay $0x1  }
0x6b: {  	v1 =	vadd.f32 v7, v1  }
0x6c: {  	v2 =	vadd.f32 v2, v6  }
0x6d: {  	s2 =	sadd.s32 s29, s30;
	v1 =	vmax.f32 v1, $0.0e+00;
	v3 =	vadd.f32 v3, v5  }
0x6e: {  	s2 =	sshll.u32 s2, $0xE;
	[tilespmem:s0+$0x11030] =	vst v1;
	v1 =	vmax.f32 v2, $0.0e+00;
	v0 =	vadd.f32 v0, v4  }
0x6f: {  	s2 =	sadd.s32 s9, s2;
	[tilespmem:s0+$0x11040] =	vst v1;
	v1 =	vmax.f32 v3, $0.0e+00  }
0x70: {  	p1 =	seq.s32 s28, $0x7;
	s2 =	sshrl.u32 s2, $0x3;
	[tilespmem:s0+$0x11050] =	vst v1;
	v0 =	vmax.f32 v0, $0.0e+00  }
0x71: {  	s10 =	sadd.s32 s8, s2;
	[tilespmem:s0+$0x11060] =	vst v0;
	s0 =	sshll.u32 @!p1 s28, $0x8  }
0x72: {  	[hbm4b:s10+s3] =	stream.linear.scatter [tilespmem:s20], [sflag:$0x3], $0x4000, $0x38;
	[tilespmem:$0x19000] =	vst v63  }
0x73: {  	s31 =	simm.s32 @!p1 $0x80;
	s2 =	sadd.s32 @!p1 $0x100, s0;
	s10 =	simm.s32 @!p1 $0x1000  }
0x74: {  	[tilespmem:s10], [sflag:$0x1] =	stream.indirect.gather @!p1 [hbm4b:s4+s31], $0x80, s2, s31, $0xb8;
	[tilespmem:$0x19000] =	vst v63  }
0x75: {  	s0 =	sadd.s32 @!p1 $0x900, s0;
	s2 =	simm.s32 @!p1 $0x9000  }
0x76: {  	[tilespmem:s2], [sflag:$0x1] =	stream.indirect.gather @!p1 [hbm4b:s5+s31], $0x80, s0, s31, $0xb8;
	[tilespmem:$0x19000] =	vst v63  }
0x77: {  	_ =	swait.ge [sflag:s21], $0x4000  }
0x78: {  	[sflag:s21] =	ssyncset.done $0x0  }
0x79: {  	[sflag:s21] =	ssyncadd.s32 $0xFFFFC000  }
0x7a: {  	_ =	swait.ge [sflag:s21], $0x4000  }
0x7b: {  	[sflag:s21] =	ssyncset.done $0x0  }
0x7c: {  	s0 =	simm.s32 @!p0 $0x4;
	[sflag:s21] =	ssyncadd.s32 $0xFFFFC000  }
0x7d: {  	_ =	swait.ge @!p0 [sflag:s0], $0x4000  }
0x7e: {  	[sflag:s0] =	ssyncset.done @!p0 $0x0  }
0x7f: {  	s31 =	simm.s32 $0x0;
	[sflag:s0] =	ssyncadd.s32 @!p0 $0xFFFFC000  }
0x80: {  	v0 =	vld [tilespmem:s31+$0x5070]  }
0x81: {  	v1 =	vld [tilespmem:s31+$0xD070]  }
0x82: {  	v2 =	vld [tilespmem:s31+$0x5000]  }
0x83: {  	v3 =	vld [tilespmem:s31+$0xD000]  }
0x84: {  	v4 =	vld [tilespmem:s31+$0x5010]  }
0x85: {  	v5 =	vld [tilespmem:s31+$0xD010]  }
0x86: {  	v6 =	vld [tilespmem:s31+$0x5020]  }
0x87: {  	v0 =	vadd.f32 v1, v0;
	v1 =	vld [tilespmem:s31+$0xD020]  }
0x88: {  	v7 =	vld [tilespmem:s31+$0x5030]  }
0x89: {  	v8 =	vld [tilespmem:s31+$0xD030];
	v2 =	vadd.f32 v3, v2  }
0x8a: {  	v9 =	vld [tilespmem:s31+$0x5040];
	v0 =	vmax.f32 v0, $0.0e+00  }
0x8b: {  	[tilespmem:s31+$0x15070] =	vst v0;
	v0 =	vmax.f32 v2, $0.0e+00;
	v2 =	vadd.f32 v5, v4;
	v5 =	vld [tilespmem:s31+$0xD040]  }
0x8c: {  	v3 =	vld [tilespmem:s31+$0xD050];
	v1 =	vadd.f32 v1, v6  }
0x8d: {  	[tilespmem:s31+$0x15000] =	vst v0;
	v0 =	vld [tilespmem:s31+$0x5050];
	v2 =	vmax.f32 v2, $0.0e+00  }
0x8e: {  	v4 =	vld [tilespmem:s31+$0xD060];
	v6 =	vadd.f32 v8, v7;
	[tilespmem:s31+$0x15010] =	vst v2;
	v2 =	vmax.f32 v1, $0.0e+00  }
0x8f: {  	s0 =	simm.s32 $0x80;
	v1 =	vld [tilespmem:s31+$0x5060];
	[tilespmem:s31+$0x15020] =	vst v2  }
0x90: {  	s30 =	sor.u32 $0x1, s30;
	s2 =	simm.s32 $0x400;
	v6 =	vmax.f32 v6, $0.0e+00;
	v5 =	vadd.f32 v5, v9;
	v2 =	vld [tilespmem:s0+$0x5070]  }
.LBB2_6:
0x91: {  	p0 =	sne.s32 s2, $0xFE00;
	v7 =	vld [tilespmem:s0+$0xD070];
	[tilespmem:s31+$0x15030] =	vst v6  }
0x92: {  	v6 =	vld [tilespmem:s0+$0x5000];
	v5 =	vmax.f32 v5, $0.0e+00;
	v0 =	vadd.f32 v3, v0  }
0x93: {  	v3 =	vld [tilespmem:s0+$0xD000];
	[tilespmem:s31+$0x15040] =	vst v5  }
0x94: {  	v5 =	vld [tilespmem:s0+$0x5010];
	v0 =	vmax.f32 v0, $0.0e+00;
	v1 =	vadd.f32 v4, v1  }
0x95: {  	v4 =	vld [tilespmem:s0+$0xD010];
	[tilespmem:s31+$0x15050] =	vst v0  }
0x96: {  	v0 =	vld [tilespmem:s0+$0x5020];
	v2 =	vadd.f32 v7, v2;
	v1 =	vmax.f32 v1, $0.0e+00  }
0x97: {  	v7 =	vld [tilespmem:s0+$0xD020];
	[tilespmem:s31+$0x15060] =	vst v1;
	s31 =	smov.u32 s0  }
0x98: {  	v1 =	vadd.f32 v3, v6;
	v6 =	vld [tilespmem:s31+$0x5030];
	v2 =	vmax.f32 v2, $0.0e+00  }
0x99: {  	v8 =	vld [tilespmem:s31+$0xD030];
	[tilespmem:s31+$0x15070] =	vst v2  }
0x9a: {  	v1 =	vmax.f32 v1, $0.0e+00;
	v2 =	vadd.f32 v4, v5;
	v5 =	vld [tilespmem:s31+$0x5040]  }
0x9b: {  	[tilespmem:s31+$0x15000] =	vst v1;
	v9 =	vld [tilespmem:s31+$0xD040]  }
.Ltmp5:
0x9c: {  	v1 =	vmax.f32 v2, $0.0e+00;
	v2 =	vadd.f32 v7, v0;
	v0 =	vld [tilespmem:s31+$0x5050];
	(pc) =	sbr.rel @p0 .LBB2_6-.Ltmp5, $4  }
0x9d: {  	[tilespmem:s31+$0x15010] =	vst v1;
	v3 =	vld [tilespmem:s31+$0xD050]  }
0x9e: {  	v2 =	vmax.f32 v2, $0.0e+00;
	v6 =	vadd.f32 v8, v6;
	v1 =	vld [tilespmem:s31+$0x5060]  }
0x9f: {  	s0 =	sshra.s32 s2, $0x2;
	[tilespmem:s31+$0x15020] =	vst v2;
	v4 =	vld [tilespmem:s31+$0xD060]  }
0xa0: {  	s2 =	sadd.s32 $0x200, s2;
	v2 =	vld [tilespmem:s0+$0x5070];
	v6 =	vmax.f32 v6, $0.0e+00;
	v5 =	vadd.f32 v9, v5  }
0xa1: {  	v7 =	vld [tilespmem:s0+$0xD070];
	[tilespmem:s31+$0x15030] =	vst v6  }
0xa2: {  	v6 =	vld [tilespmem:s0+$0x5000];
	v5 =	vmax.f32 v5, $0.0e+00;
	v0 =	vadd.f32 v3, v0  }
0xa3: {  	v8 =	vld [tilespmem:s0+$0xD000];
	[tilespmem:s31+$0x15040] =	vst v5  }
0xa4: {  	v52 =	vld [tilespmem:s0+$0x5010];
	v0 =	vmax.f32 v0, $0.0e+00;
	v1 =	vadd.f32 v4, v1  }
0xa5: {  	v5 =	vld [tilespmem:s0+$0xD010];
	[tilespmem:s31+$0x15050] =	vst v0  }
0xa6: {  	v0 =	vld [tilespmem:s0+$0x5020];
	v1 =	vmax.f32 v1, $0.0e+00  }
0xa7: {  	v53 =	vld [tilespmem:s0+$0xD020];
	[tilespmem:s31+$0x15060] =	vst v1  }
0xa8: {  	v1 =	vld [tilespmem:s0+$0x5030]  }
0xa9: {  	v54 =	vld [tilespmem:s0+$0xD030]  }
0xaa: {  	v56 =	vld [tilespmem:s0+$0x5040]  }
0xab: {  	v57 =	vld [tilespmem:s0+$0xD040]  }
0xac: {  	v58 =	vld [tilespmem:s0+$0x5050]  }
0xad: {  	v2 =	vadd.f32 v7, v2;
	v59 =	vld [tilespmem:s0+$0xD050]  }
0xae: {  	v6 =	vadd.f32 v8, v6;
	v60 =	vld [tilespmem:s0+$0x5060]  }
0xaf: {  	v2 =	vmax.f32 v2, $0.0e+00;
	v61 =	vld [tilespmem:s0+$0xD060];
	v3 =	vadd.f32 v5, v52  }
0xb0: {  	[tilespmem:s0+$0x15070] =	vst v2;
	v55 =	vmax.f32 v6, $0.0e+00;
	v0 =	vadd.f32 v53, v0  }
0xb1: {  	[tilespmem:s0+$0x15000] =	vst v55;
	v3 =	vmax.f32 v3, $0.0e+00;
	v1 =	vadd.f32 v54, v1  }
0xb2: {  	[tilespmem:s0+$0x15010] =	vst v3;
	v0 =	vmax.f32 v0, $0.0e+00;
	v2 =	vadd.f32 v57, v56  }
0xb3: {  	s2 =	sadd.s32 s29, s30;
	v3 =	vadd.f32 v59, v58;
	[tilespmem:s0+$0x15020] =	vst v0;
	v1 =	vmax.f32 v1, $0.0e+00  }
.Ltmp6:
0xb4: {  	s2 =	sshll.u32 s2, $0xE;
	v0 =	vadd.f32 v61, v60;
	v62 =	vmax.f32 v2, $0.0e+00;
	[tilespmem:s0+$0x15030] =	vst v1;
	(pc) =	sbr.rel @p1 .LBB2_9-.Ltmp6, $4  }
0xb5: {  	s2 =	sadd.s32 s9, s2;
	v63 =	vmax.f32 v3, $0.0e+00;
	[tilespmem:s0+$0x15040] =	vst v62  }
0xb6: {  	s2 =	sshrl.u32 s2, $0x3;
	[tilespmem:s0+$0x15050] =	vst v63;
	v0 =	vmax.f32 v0, $0.0e+00  }
0xb7: {  	s31 =	sadd.s32 s8, s2;
	[tilespmem:s0+$0x15060] =	vst v0  }
0xb8: {  	[hbm4b:s31+s3] =	stream.linear.scatter [tilespmem:s22], [sflag:$0x4], $0x4000, $0x38;
	[tilespmem:$0x19000] =	vst v63  }
.Ltmp7:
0xb9: {  	s0 =	sshll.u32 s28, $0x8;
	(pc) =	sbr.rel .LBB2_3-.Ltmp7, $4  }
0xba: {  	s2 =	sadd.s32 $0x180, s0  }
0xbb: {  	[tilespmem:s16], [sflag:$0x2] =	stream.indirect.gather [hbm4b:s4+s13], $0x80, s2, s13, $0xb8;
	[tilespmem:$0x19000] =	vst v63  }
0xbc: {  	s28 =	sadd.s32 $0x1, s28;
	s0 =	sadd.s32 $0x980, s0  }
0xbd: {  	[tilespmem:s18], [sflag:$0x2] =	stream.indirect.gather [hbm4b:s5+s13], $0x80, s0, s13, $0xb8;
	[tilespmem:$0x19000] =	vst v63  }
.LBB2_11:
0xbe: {  	_ =	sfence.sel $0x180000  }
0xbf: {  	[bflag:$0x0] =	sbarrier.arrive $0xFFFF  }
0xc0: {  	_ =	strace $0x90000050  }
0xc1: {  	s0 =	stileid.u32;
	[bflag:$0x2] =	sbarrier.arrive $0xFFFF  }
0xc2: {  	p0 =	sne.s32 s0, $0x0;
	s0 =	rddreg [dreg:$0x2]  }
0xc3: {  	s0 =	sadd.s32 @!p0 $0x100000, s0  }
0xc4: {  	[sflag:s0] =	ssyncadd.tile.s32 @!p0 $0x1;
	_ =	shalt  }
.Lfunc_end2:
_tile_overlayer_lowered:
.L_overlay_start_2:
0xc5: {  	(tag) =	ssettag $0x2  }
0xc6: {  	s0 =	rddreg [dreg:$0x0];
	s2 =	stileid.u32  }
0xc7: {  	s1 =	rddreg [dreg:$0x1];
	p0 =	sne.s32 s2, $0x0  }
0xc8: {  	s3 =	rddreg [dreg:$0x2];
	[bflag:$0x3] =	sbarrier.arrive $0xFFFF;
	s2 =	simm.s32 @!p0 $0x1C05  }
0xc9: {  	[timem:s3], [sflag:s2] =	dma.local @!p0 [hbm:s0], s1  }
0xca: {  	s0 =	simm.s32 @!p0 $0x5  }
0xcb: {  	_ =	swait.ge @!p0 [sflag:s0], s1  }
0xcc: {  	s1 =	ssub.s32 @!p0 $0x0, s1;
	[sflag:s0] =	ssyncset.done @!p0 $0x0  }
0xcd: {  	[sflag:s0] =	ssyncadd.s32 @!p0 s1  }
0xce: {  	[bflag:$0x3] =	sbarrier.arrive $0xFFFF  }
0xcf: {  	_ =	shalt  }

</sc_bundles>
